<compile_context>
chip_gen: v7x
topology: tpu7x:2x2x1
jax: 0.10.2.dev20260603
libtpu: 0.0.44.dev20260713+nightly
codegen_flags: <defaults>
</compile_context>

<pallas_src>
import functools

import jax
import jax.numpy as jnp
from jax import lax
from jax.experimental import pallas as pl
from jax.experimental.pallas import tpu as pltpu
from jax.experimental.pallas import tpu_sc as plsc

_ROWS, _COLS = 128, 32768
_BLOCK_ROWS = 8
_NW = 32
_GROUPS = _ROWS // 8
_HALF = _COLS // 2
_CHUNK = 2048

_mesh = plsc.VectorSubcoreMesh(
    core_axis_name="c", subcore_axis_name="s", num_cores=2, num_subcores=16
)


def _argmax_body(x_ref, idx_ref):
    xb = x_ref[...]
    m = jnp.max(xb, axis=-1, keepdims=True)
    iota = lax.broadcasted_iota(jnp.int32, xb.shape, 1)
    big = jnp.int32(2**30)
    idx_ref[...] = jnp.min(jnp.where(xb == m, iota, big), axis=-1, keepdims=True)


def _argmax_call(x):
    return pl.pallas_call(
        _argmax_body,
        out_shape=jax.ShapeDtypeStruct((_ROWS, 1), jnp.int32),
        grid=(_ROWS // _BLOCK_ROWS,),
        in_specs=[pl.BlockSpec((_BLOCK_ROWS, _COLS), lambda i: (i, 0))],
        out_specs=pl.BlockSpec((_BLOCK_ROWS, 1), lambda i: (i, 0)),
    )(x)


@functools.partial(
    pl.kernel,
    out_type=jax.ShapeDtypeStruct((_ROWS, _COLS), jnp.float32),
    mesh=_mesh,
    scratch_types=[pltpu.VMEM((8, _CHUNK), jnp.float32)],
)
def _fill(out_hbm, zbuf):
    zero16 = jnp.zeros((16,), jnp.float32)
    for k in range(8):
        @pl.loop(0, _CHUNK // 16, unroll=8)
        def _zero(i, k=k):
            zbuf[k, pl.ds(i * 16, 16)] = zero16

    wid = lax.axis_index("s") * 2 + lax.axis_index("c")
    rowbase = pl.multiple_of((wid // 2) * 8, 8)
    colbase = pl.multiple_of((wid % 2) * _HALF, 128)

    @pl.loop(0, _HALF // _CHUNK)
    def _copy(j):
        col = pl.multiple_of(colbase + j * _CHUNK, 128)
        pltpu.sync_copy(zbuf, out_hbm.at[pl.ds(rowbase, 8), pl.ds(col, _CHUNK)])


@functools.partial(
    pl.kernel,
    out_type=(),
    mesh=_mesh,
    scratch_types=[
        pltpu.VMEM((_ROWS + 16,), jnp.int32),
        pltpu.VMEM((8, 128), jnp.float32),
    ],
)
def _scatter(idx_hbm, buf_ref, idx_v, tile_v):
    pltpu.sync_copy(idx_hbm, idx_v.at[pl.ds(0, _ROWS)])
    wid = lax.axis_index("s") * 2 + lax.axis_index("c")
    zero16 = jnp.zeros((16,), jnp.float32)

    for k in range(8):
        for m in range(8):
            tile_v[k, pl.ds(m * 16, 16)] = zero16

    @pl.when(wid < _GROUPS)
    def _():
        rowbase = pl.multiple_of(wid * 8, 8)
        lane = lax.iota(jnp.int32, 16)
        one_i = jnp.full((16,), 1, jnp.int32)
        vec = idx_v[pl.ds(rowbase, 16)]
        ct = [vec[k] >> 7 for k in range(8)]
        off = [vec[k] & jnp.int32(127) for k in range(8)]

        def onehot16(o):
            d = lane - jnp.full((16,), o, jnp.int32)
            return jnp.maximum(one_i - jnp.abs(d), 0).astype(jnp.float32)

        for j in range(8):
            fresh = jnp.bool_(True)
            for i in range(j):
                fresh = jnp.logical_and(fresh, ct[i] != ct[j])

            @pl.when(fresh)
            def _(j=j):
                for k in range(8):
                    @pl.when(ct[k] == ct[j])
                    def _(k=k):
                        w16 = off[k] & jnp.int32(-16)
                        tile_v[k, pl.ds(w16, 16)] = onehot16(off[k] & jnp.int32(15))

                colbase = pl.multiple_of(ct[j] * 128, 128)
                pltpu.sync_copy(
                    tile_v, buf_ref.at[pl.ds(rowbase, 8), pl.ds(colbase, 128)]
                )
                for k in range(8):
                    @pl.when(ct[k] == ct[j])
                    def _(k=k):
                        w16 = off[k] & jnp.int32(-16)
                        tile_v[k, pl.ds(w16, 16)] = zero16


def kernel(x):
    idx = _argmax_call(x).reshape(_ROWS)
    buf = jax.new_ref(_fill())
    _scatter(idx, buf)
    return buf[...]

# --- scband reference (transcript-rebuilt; emitter-appended) ---
"""Pipeline reference for scband-differentiable-argmax-47115791237361 (READ-ONLY COPY).

The authoritative reference and input builder live on the scoring server;
editing this copy changes nothing except your own understanding.
"""

import jax, jax.numpy as jnp
import numpy as np


def setup_inputs(seed: int = 0) -> dict:
    key = jax.random.key(seed)
    x = jax.random.normal(key, (128, 32768), dtype=jnp.float32)
    return {"x": x}


def reference(x):
    # Training-mode differentiable argmax (straight-through estimator)
    y_soft = jax.nn.softmax(x, axis=-1)
    index = jnp.argmax(y_soft, axis=-1)
    rows = jnp.arange(x.shape[0])
    y_hard = jnp.zeros_like(x).at[rows, index].set(1.0)
    out = jax.lax.stop_gradient(y_hard) + y_soft - jax.lax.stop_gradient(y_soft)
    return out

if __name__ == "__main__":
    import jax
    _d = setup_inputs()
    print(jax.jit(kernel)(*tuple(_d.values())))

</pallas_src>

<mosaic_0001>
#map = affine_map<(d0, d1) -> (0, 0)>
module attributes {stable_mosaic.version = 14 : i64} {
  func.func @_fill(%arg0: i32, %arg1: i32, %arg2: memref<128x32768xf32, #tpu.memory_space<hbm>>, %arg3: memref<8x2048xf32, #tpu.memory_space<vmem>>) attributes {dimension_semantics = [#tpu.dimension_semantics<core_parallel>, #tpu.dimension_semantics<subcore_parallel>], iteration_bounds = array<i64: 2, 16>, scalar_prefetch = 0 : i64, scratch_operands = 1 : i64, tpu.core_type = #tpu.core_type<sc_vector_subcore>, window_params = [{transform_indices = #map}]} {
    %broadcast_in_dim3A = arith.constant 0.000000e+00 : f32
    %broadcast_in_dim3A_0 = vector.broadcast %broadcast_in_dim3A : f32 to vector<16xf32>
    %scan3A = arith.constant 0 : i32
    %scan3A_1 = arith.constant 128 : i32
    %scan3A_2 = arith.addi %scan3A, %scan3A_1 : i32
    %scan3A_3 = arith.constant 8 : i32
    scf.for %scan3A_81 = %scan3A to %scan3A_2 step %scan3A_3  : i32 {
      %mul3A_82 = arith.constant 1 : i32
      %mul3A_83 = arith.muli %scan3A_81, %mul3A_82 : i32
      %add3A_84 = arith.constant 0 : i32
      %add3A_85 = arith.addi %add3A_84, %mul3A_83 : i32
      %mul3A_86 = arith.constant 16 : i32
      %mul3A_87 = arith.muli %add3A_85, %mul3A_86 : i32
      %swap3A = arith.constant 0 : i32
      %swap3A_88 = arith.index_cast %swap3A : i32 to index
      %swap3A_89 = arith.index_cast %mul3A_87 : i32 to index
      %swap3A_90 = tpu.vector_load %arg3[%swap3A_88, %swap3A_89] {strides = array<i32>} : memref<8x2048xf32, #tpu.memory_space<vmem>>, vector<1x16xf32>,
      %swap3A_91 = vector.shape_cast %swap3A_90 : vector<1x16xf32> to vector<16xf32>
      %swap3A_92 = vector.shape_cast %broadcast_in_dim3A_0 : vector<16xf32> to vector<1x16xf32>
      tpu.vector_store %arg3[%swap3A_88, %swap3A_89], %swap3A_92 {strides = array<i32>} : memref<8x2048xf32, #tpu.memory_space<vmem>>, vector<1x16xf32>,
      %scan3A_93 = arith.constant 1 : i32
      %scan3A_94 = arith.addi %scan3A_81, %scan3A_93 : i32
      %mul3A_95 = arith.constant 1 : i32
      %mul3A_96 = arith.muli %scan3A_94, %mul3A_95 : i32
      %add3A_97 = arith.constant 0 : i32
      %add3A_98 = arith.addi %add3A_97, %mul3A_96 : i32
      %mul3A_99 = arith.constant 16 : i32
      %mul3A_100 = arith.muli %add3A_98, %mul3A_99 : i32
      %swap3A_101 = arith.constant 0 : i32
      %swap3A_102 = arith.index_cast %swap3A_101 : i32 to index
      %swap3A_103 = arith.index_cast %mul3A_100 : i32 to index
      %swap3A_104 = tpu.vector_load %arg3[%swap3A_102, %swap3A_103] {strides = array<i32>} : memref<8x2048xf32, #tpu.memory_space<vmem>>, vector<1x16xf32>,
      %swap3A_105 = vector.shape_cast %swap3A_104 : vector<1x16xf32> to vector<16xf32>
      %swap3A_106 = vector.shape_cast %broadcast_in_dim3A_0 : vector<16xf32> to vector<1x16xf32>
      tpu.vector_store %arg3[%swap3A_102, %swap3A_103], %swap3A_106 {strides = array<i32>} : memref<8x2048xf32, #tpu.memory_space<vmem>>, vector<1x16xf32>,
      %scan3A_107 = arith.constant 2 : i32
      %scan3A_108 = arith.addi %scan3A_81, %scan3A_107 : i32
      %mul3A_109 = arith.constant 1 : i32
      %mul3A_110 = arith.muli %scan3A_108, %mul3A_109 : i32
      %add3A_111 = arith.constant 0 : i32
      %add3A_112 = arith.addi %add3A_111, %mul3A_110 : i32
      %mul3A_113 = arith.constant 16 : i32
      %mul3A_114 = arith.muli %add3A_112, %mul3A_113 : i32
      %swap3A_115 = arith.constant 0 : i32
      %swap3A_116 = arith.index_cast %swap3A_115 : i32 to index
      %swap3A_117 = arith.index_cast %mul3A_114 : i32 to index
      %swap3A_118 = tpu.vector_load %arg3[%swap3A_116, %swap3A_117] {strides = array<i32>} : memref<8x2048xf32, #tpu.memory_space<vmem>>, vector<1x16xf32>,
      %swap3A_119 = vector.shape_cast %swap3A_118 : vector<1x16xf32> to vector<16xf32>
      %swap3A_120 = vector.shape_cast %broadcast_in_dim3A_0 : vector<16xf32> to vector<1x16xf32>
      tpu.vector_store %arg3[%swap3A_116, %swap3A_117], %swap3A_120 {strides = array<i32>} : memref<8x2048xf32, #tpu.memory_space<vmem>>, vector<1x16xf32>,
      %scan3A_121 = arith.constant 3 : i32
      %scan3A_122 = arith.addi %scan3A_81, %scan3A_121 : i32
      %mul3A_123 = arith.constant 1 : i32
      %mul3A_124 = arith.muli %scan3A_122, %mul3A_123 : i32
      %add3A_125 = arith.constant 0 : i32
      %add3A_126 = arith.addi %add3A_125, %mul3A_124 : i32
      %mul3A_127 = arith.constant 16 : i32
      %mul3A_128 = arith.muli %add3A_126, %mul3A_127 : i32
      %swap3A_129 = arith.constant 0 : i32
      %swap3A_130 = arith.index_cast %swap3A_129 : i32 to index
      %swap3A_131 = arith.index_cast %mul3A_128 : i32 to index
      %swap3A_132 = tpu.vector_load %arg3[%swap3A_130, %swap3A_131] {strides = array<i32>} : memref<8x2048xf32, #tpu.memory_space<vmem>>, vector<1x16xf32>,
      %swap3A_133 = vector.shape_cast %swap3A_132 : vector<1x16xf32> to vector<16xf32>
      %swap3A_134 = vector.shape_cast %broadcast_in_dim3A_0 : vector<16xf32> to vector<1x16xf32>
      tpu.vector_store %arg3[%swap3A_130, %swap3A_131], %swap3A_134 {strides = array<i32>} : memref<8x2048xf32, #tpu.memory_space<vmem>>, vector<1x16xf32>,
      %scan3A_135 = arith.constant 4 : i32
      %scan3A_136 = arith.addi %scan3A_81, %scan3A_135 : i32
      %mul3A_137 = arith.constant 1 : i32
      %mul3A_138 = arith.muli %scan3A_136, %mul3A_137 : i32
      %add3A_139 = arith.constant 0 : i32
      %add3A_140 = arith.addi %add3A_139, %mul3A_138 : i32
      %mul3A_141 = arith.constant 16 : i32
      %mul3A_142 = arith.muli %add3A_140, %mul3A_141 : i32
      %swap3A_143 = arith.constant 0 : i32
      %swap3A_144 = arith.index_cast %swap3A_143 : i32 to index
      %swap3A_145 = arith.index_cast %mul3A_142 : i32 to index
      %swap3A_146 = tpu.vector_load %arg3[%swap3A_144, %swap3A_145] {strides = array<i32>} : memref<8x2048xf32, #tpu.memory_space<vmem>>, vector<1x16xf32>,
      %swap3A_147 = vector.shape_cast %swap3A_146 : vector<1x16xf32> to vector<16xf32>
      %swap3A_148 = vector.shape_cast %broadcast_in_dim3A_0 : vector<16xf32> to vector<1x16xf32>
      tpu.vector_store %arg3[%swap3A_144, %swap3A_145], %swap3A_148 {strides = array<i32>} : memref<8x2048xf32, #tpu.memory_space<vmem>>, vector<1x16xf32>,
      %scan3A_149 = arith.constant 5 : i32
      %scan3A_150 = arith.addi %scan3A_81, %scan3A_149 : i32
      %mul3A_151 = arith.constant 1 : i32
      %mul3A_152 = arith.muli %scan3A_150, %mul3A_151 : i32
      %add3A_153 = arith.constant 0 : i32
      %add3A_154 = arith.addi %add3A_153, %mul3A_152 : i32
      %mul3A_155 = arith.constant 16 : i32
      %mul3A_156 = arith.muli %add3A_154, %mul3A_155 : i32
      %swap3A_157 = arith.constant 0 : i32
      %swap3A_158 = arith.index_cast %swap3A_157 : i32 to index
      %swap3A_159 = arith.index_cast %mul3A_156 : i32 to index
      %swap3A_160 = tpu.vector_load %arg3[%swap3A_158, %swap3A_159] {strides = array<i32>} : memref<8x2048xf32, #tpu.memory_space<vmem>>, vector<1x16xf32>,
      %swap3A_161 = vector.shape_cast %swap3A_160 : vector<1x16xf32> to vector<16xf32>
      %swap3A_162 = vector.shape_cast %broadcast_in_dim3A_0 : vector<16xf32> to vector<1x16xf32>
      tpu.vector_store %arg3[%swap3A_158, %swap3A_159], %swap3A_162 {strides = array<i32>} : memref<8x2048xf32, #tpu.memory_space<vmem>>, vector<1x16xf32>,
      %scan3A_163 = arith.constant 6 : i32
      %scan3A_164 = arith.addi %scan3A_81, %scan3A_163 : i32
      %mul3A_165 = arith.constant 1 : i32
      %mul3A_166 = arith.muli %scan3A_164, %mul3A_165 : i32
      %add3A_167 = arith.constant 0 : i32
      %add3A_168 = arith.addi %add3A_167, %mul3A_166 : i32
      %mul3A_169 = arith.constant 16 : i32
      %mul3A_170 = arith.muli %add3A_168, %mul3A_169 : i32
      %swap3A_171 = arith.constant 0 : i32
      %swap3A_172 = arith.index_cast %swap3A_171 : i32 to index
      %swap3A_173 = arith.index_cast %mul3A_170 : i32 to index
      %swap3A_174 = tpu.vector_load %arg3[%swap3A_172, %swap3A_173] {strides = array<i32>} : memref<8x2048xf32, #tpu.memory_space<vmem>>, vector<1x16xf32>,
      %swap3A_175 = vector.shape_cast %swap3A_174 : vector<1x16xf32> to vector<16xf32>
      %swap3A_176 = vector.shape_cast %broadcast_in_dim3A_0 : vector<16xf32> to vector<1x16xf32>
      tpu.vector_store %arg3[%swap3A_172, %swap3A_173], %swap3A_176 {strides = array<i32>} : memref<8x2048xf32, #tpu.memory_space<vmem>>, vector<1x16xf32>,
      %scan3A_177 = arith.constant 7 : i32
      %scan3A_178 = arith.addi %scan3A_81, %scan3A_177 : i32
      %mul3A_179 = arith.constant 1 : i32
      %mul3A_180 = arith.muli %scan3A_178, %mul3A_179 : i32
      %add3A_181 = arith.constant 0 : i32
      %add3A_182 = arith.addi %add3A_181, %mul3A_180 : i32
      %mul3A_183 = arith.constant 16 : i32
      %mul3A_184 = arith.muli %add3A_182, %mul3A_183 : i32
      %swap3A_185 = arith.constant 0 : i32
      %swap3A_186 = arith.index_cast %swap3A_185 : i32 to index
      %swap3A_187 = arith.index_cast %mul3A_184 : i32 to index
      %swap3A_188 = tpu.vector_load %arg3[%swap3A_186, %swap3A_187] {strides = array<i32>} : memref<8x2048xf32, #tpu.memory_space<vmem>>, vector<1x16xf32>,
      %swap3A_189 = vector.shape_cast %swap3A_188 : vector<1x16xf32> to vector<16xf32>
      %swap3A_190 = vector.shape_cast %broadcast_in_dim3A_0 : vector<16xf32> to vector<1x16xf32>
      tpu.vector_store %arg3[%swap3A_186, %swap3A_187], %swap3A_190 {strides = array<i32>} : memref<8x2048xf32, #tpu.memory_space<vmem>>, vector<1x16xf32>,
    }
    %scan3A_4 = arith.constant 128 : i32
    %scan3A_5 = arith.constant 0 : i32
    %scan3A_6 = arith.constant 128 : i32
    %scan3A_7 = arith.addi %scan3A_5, %scan3A_6 : i32
    %scan3A_8 = arith.constant 8 : i32
    scf.for %scan3A_81 = %scan3A_5 to %scan3A_7 step %scan3A_8  : i32 {
      %mul3A_82 = arith.constant 1 : i32
      %mul3A_83 = arith.muli %scan3A_81, %mul3A_82 : i32
      %add3A_84 = arith.constant 0 : i32
      %add3A_85 = arith.addi %add3A_84, %mul3A_83 : i32
      %mul3A_86 = arith.constant 16 : i32
      %mul3A_87 = arith.muli %add3A_85, %mul3A_86 : i32
      %swap3A = arith.constant 1 : i32
      %swap3A_88 = arith.index_cast %swap3A : i32 to index
      %swap3A_89 = arith.index_cast %mul3A_87 : i32 to index
      %swap3A_90 = tpu.vector_load %arg3[%swap3A_88, %swap3A_89] {strides = array<i32>} : memref<8x2048xf32, #tpu.memory_space<vmem>>, vector<1x16xf32>,
      %swap3A_91 = vector.shape_cast %swap3A_90 : vector<1x16xf32> to vector<16xf32>
      %swap3A_92 = vector.shape_cast %broadcast_in_dim3A_0 : vector<16xf32> to vector<1x16xf32>
      tpu.vector_store %arg3[%swap3A_88, %swap3A_89], %swap3A_92 {strides = array<i32>} : memref<8x2048xf32, #tpu.memory_space<vmem>>, vector<1x16xf32>,
      %scan3A_93 = arith.constant 1 : i32
      %scan3A_94 = arith.addi %scan3A_81, %scan3A_93 : i32
      %mul3A_95 = arith.constant 1 : i32
      %mul3A_96 = arith.muli %scan3A_94, %mul3A_95 : i32
      %add3A_97 = arith.constant 0 : i32
      %add3A_98 = arith.addi %add3A_97, %mul3A_96 : i32
      %mul3A_99 = arith.constant 16 : i32
      %mul3A_100 = arith.muli %add3A_98, %mul3A_99 : i32
      %swap3A_101 = arith.constant 1 : i32
      %swap3A_102 = arith.index_cast %swap3A_101 : i32 to index
      %swap3A_103 = arith.index_cast %mul3A_100 : i32 to index
      %swap3A_104 = tpu.vector_load %arg3[%swap3A_102, %swap3A_103] {strides = array<i32>} : memref<8x2048xf32, #tpu.memory_space<vmem>>, vector<1x16xf32>,
      %swap3A_105 = vector.shape_cast %swap3A_104 : vector<1x16xf32> to vector<16xf32>
      %swap3A_106 = vector.shape_cast %broadcast_in_dim3A_0 : vector<16xf32> to vector<1x16xf32>
      tpu.vector_store %arg3[%swap3A_102, %swap3A_103], %swap3A_106 {strides = array<i32>} : memref<8x2048xf32, #tpu.memory_space<vmem>>, vector<1x16xf32>,
      %scan3A_107 = arith.constant 2 : i32
      %scan3A_108 = arith.addi %scan3A_81, %scan3A_107 : i32
      %mul3A_109 = arith.constant 1 : i32
      %mul3A_110 = arith.muli %scan3A_108, %mul3A_109 : i32
      %add3A_111 = arith.constant 0 : i32
      %add3A_112 = arith.addi %add3A_111, %mul3A_110 : i32
      %mul3A_113 = arith.constant 16 : i32
      %mul3A_114 = arith.muli %add3A_112, %mul3A_113 : i32
      %swap3A_115 = arith.constant 1 : i32
      %swap3A_116 = arith.index_cast %swap3A_115 : i32 to index
      %swap3A_117 = arith.index_cast %mul3A_114 : i32 to index
      %swap3A_118 = tpu.vector_load %arg3[%swap3A_116, %swap3A_117] {strides = array<i32>} : memref<8x2048xf32, #tpu.memory_space<vmem>>, vector<1x16xf32>,
      %swap3A_119 = vector.shape_cast %swap3A_118 : vector<1x16xf32> to vector<16xf32>
      %swap3A_120 = vector.shape_cast %broadcast_in_dim3A_0 : vector<16xf32> to vector<1x16xf32>
      tpu.vector_store %arg3[%swap3A_116, %swap3A_117], %swap3A_120 {strides = array<i32>} : memref<8x2048xf32, #tpu.memory_space<vmem>>, vector<1x16xf32>,
      %scan3A_121 = arith.constant 3 : i32
      %scan3A_122 = arith.addi %scan3A_81, %scan3A_121 : i32
      %mul3A_123 = arith.constant 1 : i32
      %mul3A_124 = arith.muli %scan3A_122, %mul3A_123 : i32
      %add3A_125 = arith.constant 0 : i32
      %add3A_126 = arith.addi %add3A_125, %mul3A_124 : i32
      %mul3A_127 = arith.constant 16 : i32
      %mul3A_128 = arith.muli %add3A_126, %mul3A_127 : i32
      %swap3A_129 = arith.constant 1 : i32
      %swap3A_130 = arith.index_cast %swap3A_129 : i32 to index
      %swap3A_131 = arith.index_cast %mul3A_128 : i32 to index
      %swap3A_132 = tpu.vector_load %arg3[%swap3A_130, %swap3A_131] {strides = array<i32>} : memref<8x2048xf32, #tpu.memory_space<vmem>>, vector<1x16xf32>,
      %swap3A_133 = vector.shape_cast %swap3A_132 : vector<1x16xf32> to vector<16xf32>
      %swap3A_134 = vector.shape_cast %broadcast_in_dim3A_0 : vector<16xf32> to vector<1x16xf32>
      tpu.vector_store %arg3[%swap3A_130, %swap3A_131], %swap3A_134 {strides = array<i32>} : memref<8x2048xf32, #tpu.memory_space<vmem>>, vector<1x16xf32>,
      %scan3A_135 = arith.constant 4 : i32
      %scan3A_136 = arith.addi %scan3A_81, %scan3A_135 : i32
      %mul3A_137 = arith.constant 1 : i32
      %mul3A_138 = arith.muli %scan3A_136, %mul3A_137 : i32
      %add3A_139 = arith.constant 0 : i32
      %add3A_140 = arith.addi %add3A_139, %mul3A_138 : i32
      %mul3A_141 = arith.constant 16 : i32
      %mul3A_142 = arith.muli %add3A_140, %mul3A_141 : i32
      %swap3A_143 = arith.constant 1 : i32
      %swap3A_144 = arith.index_cast %swap3A_143 : i32 to index
      %swap3A_145 = arith.index_cast %mul3A_142 : i32 to index
      %swap3A_146 = tpu.vector_load %arg3[%swap3A_144, %swap3A_145] {strides = array<i32>} : memref<8x2048xf32, #tpu.memory_space<vmem>>, vector<1x16xf32>,
      %swap3A_147 = vector.shape_cast %swap3A_146 : vector<1x16xf32> to vector<16xf32>
      %swap3A_148 = vector.shape_cast %broadcast_in_dim3A_0 : vector<16xf32> to vector<1x16xf32>
      tpu.vector_store %arg3[%swap3A_144, %swap3A_145], %swap3A_148 {strides = array<i32>} : memref<8x2048xf32, #tpu.memory_space<vmem>>, vector<1x16xf32>,
      %scan3A_149 = arith.constant 5 : i32
      %scan3A_150 = arith.addi %scan3A_81, %scan3A_149 : i32
      %mul3A_151 = arith.constant 1 : i32
      %mul3A_152 = arith.muli %scan3A_150, %mul3A_151 : i32
      %add3A_153 = arith.constant 0 : i32
      %add3A_154 = arith.addi %add3A_153, %mul3A_152 : i32
      %mul3A_155 = arith.constant 16 : i32
      %mul3A_156 = arith.muli %add3A_154, %mul3A_155 : i32
      %swap3A_157 = arith.constant 1 : i32
      %swap3A_158 = arith.index_cast %swap3A_157 : i32 to index
      %swap3A_159 = arith.index_cast %mul3A_156 : i32 to index
      %swap3A_160 = tpu.vector_load %arg3[%swap3A_158, %swap3A_159] {strides = array<i32>} : memref<8x2048xf32, #tpu.memory_space<vmem>>, vector<1x16xf32>,
      %swap3A_161 = vector.shape_cast %swap3A_160 : vector<1x16xf32> to vector<16xf32>
      %swap3A_162 = vector.shape_cast %broadcast_in_dim3A_0 : vector<16xf32> to vector<1x16xf32>
      tpu.vector_store %arg3[%swap3A_158, %swap3A_159], %swap3A_162 {strides = array<i32>} : memref<8x2048xf32, #tpu.memory_space<vmem>>, vector<1x16xf32>,
      %scan3A_163 = arith.constant 6 : i32
      %scan3A_164 = arith.addi %scan3A_81, %scan3A_163 : i32
      %mul3A_165 = arith.constant 1 : i32
      %mul3A_166 = arith.muli %scan3A_164, %mul3A_165 : i32
      %add3A_167 = arith.constant 0 : i32
      %add3A_168 = arith.addi %add3A_167, %mul3A_166 : i32
      %mul3A_169 = arith.constant 16 : i32
      %mul3A_170 = arith.muli %add3A_168, %mul3A_169 : i32
      %swap3A_171 = arith.constant 1 : i32
      %swap3A_172 = arith.index_cast %swap3A_171 : i32 to index
      %swap3A_173 = arith.index_cast %mul3A_170 : i32 to index
      %swap3A_174 = tpu.vector_load %arg3[%swap3A_172, %swap3A_173] {strides = array<i32>} : memref<8x2048xf32, #tpu.memory_space<vmem>>, vector<1x16xf32>,
      %swap3A_175 = vector.shape_cast %swap3A_174 : vector<1x16xf32> to vector<16xf32>
      %swap3A_176 = vector.shape_cast %broadcast_in_dim3A_0 : vector<16xf32> to vector<1x16xf32>
      tpu.vector_store %arg3[%swap3A_172, %swap3A_173], %swap3A_176 {strides = array<i32>} : memref<8x2048xf32, #tpu.memory_space<vmem>>, vector<1x16xf32>,
      %scan3A_177 = arith.constant 7 : i32
      %scan3A_178 = arith.addi %scan3A_81, %scan3A_177 : i32
      %mul3A_179 = arith.constant 1 : i32
      %mul3A_180 = arith.muli %scan3A_178, %mul3A_179 : i32
      %add3A_181 = arith.constant 0 : i32
      %add3A_182 = arith.addi %add3A_181, %mul3A_180 : i32
      %mul3A_183 = arith.constant 16 : i32
      %mul3A_184 = arith.muli %add3A_182, %mul3A_183 : i32
      %swap3A_185 = arith.constant 1 : i32
      %swap3A_186 = arith.index_cast %swap3A_185 : i32 to index
      %swap3A_187 = arith.index_cast %mul3A_184 : i32 to index
      %swap3A_188 = tpu.vector_load %arg3[%swap3A_186, %swap3A_187] {strides = array<i32>} : memref<8x2048xf32, #tpu.memory_space<vmem>>, vector<1x16xf32>,
      %swap3A_189 = vector.shape_cast %swap3A_188 : vector<1x16xf32> to vector<16xf32>
      %swap3A_190 = vector.shape_cast %broadcast_in_dim3A_0 : vector<16xf32> to vector<1x16xf32>
      tpu.vector_store %arg3[%swap3A_186, %swap3A_187], %swap3A_190 {strides = array<i32>} : memref<8x2048xf32, #tpu.memory_space<vmem>>, vector<1x16xf32>,
    }
    %scan3A_9 = arith.constant 128 : i32
    %scan3A_10 = arith.constant 0 : i32
    %scan3A_11 = arith.constant 128 : i32
    %scan3A_12 = arith.addi %scan3A_10, %scan3A_11 : i32
    %scan3A_13 = arith.constant 8 : i32
    scf.for %scan3A_81 = %scan3A_10 to %scan3A_12 step %scan3A_13  : i32 {
      %mul3A_82 = arith.constant 1 : i32
      %mul3A_83 = arith.muli %scan3A_81, %mul3A_82 : i32
      %add3A_84 = arith.constant 0 : i32
      %add3A_85 = arith.addi %add3A_84, %mul3A_83 : i32
      %mul3A_86 = arith.constant 16 : i32
      %mul3A_87 = arith.muli %add3A_85, %mul3A_86 : i32
      %swap3A = arith.constant 2 : i32
      %swap3A_88 = arith.index_cast %swap3A : i32 to index
      %swap3A_89 = arith.index_cast %mul3A_87 : i32 to index
      %swap3A_90 = tpu.vector_load %arg3[%swap3A_88, %swap3A_89] {strides = array<i32>} : memref<8x2048xf32, #tpu.memory_space<vmem>>, vector<1x16xf32>,
      %swap3A_91 = vector.shape_cast %swap3A_90 : vector<1x16xf32> to vector<16xf32>
      %swap3A_92 = vector.shape_cast %broadcast_in_dim3A_0 : vector<16xf32> to vector<1x16xf32>
      tpu.vector_store %arg3[%swap3A_88, %swap3A_89], %swap3A_92 {strides = array<i32>} : memref<8x2048xf32, #tpu.memory_space<vmem>>, vector<1x16xf32>,
      %scan3A_93 = arith.constant 1 : i32
      %scan3A_94 = arith.addi %scan3A_81, %scan3A_93 : i32
      %mul3A_95 = arith.constant 1 : i32
      %mul3A_96 = arith.muli %scan3A_94, %mul3A_95 : i32
      %add3A_97 = arith.constant 0 : i32
      %add3A_98 = arith.addi %add3A_97, %mul3A_96 : i32
      %mul3A_99 = arith.constant 16 : i32
      %mul3A_100 = arith.muli %add3A_98, %mul3A_99 : i32
      %swap3A_101 = arith.constant 2 : i32
      %swap3A_102 = arith.index_cast %swap3A_101 : i32 to index
      %swap3A_103 = arith.index_cast %mul3A_100 : i32 to index
      %swap3A_104 = tpu.vector_load %arg3[%swap3A_102, %swap3A_103] {strides = array<i32>} : memref<8x2048xf32, #tpu.memory_space<vmem>>, vector<1x16xf32>,
      %swap3A_105 = vector.shape_cast %swap3A_104 : vector<1x16xf32> to vector<16xf32>
      %swap3A_106 = vector.shape_cast %broadcast_in_dim3A_0 : vector<16xf32> to vector<1x16xf32>
      tpu.vector_store %arg3[%swap3A_102, %swap3A_103], %swap3A_106 {strides = array<i32>} : memref<8x2048xf32, #tpu.memory_space<vmem>>, vector<1x16xf32>,
      %scan3A_107 = arith.constant 2 : i32
      %scan3A_108 = arith.addi %scan3A_81, %scan3A_107 : i32
      %mul3A_109 = arith.constant 1 : i32
      %mul3A_110 = arith.muli %scan3A_108, %mul3A_109 : i32
      %add3A_111 = arith.constant 0 : i32
      %add3A_112 = arith.addi %add3A_111, %mul3A_110 : i32
      %mul3A_113 = arith.constant 16 : i32
      %mul3A_114 = arith.muli %add3A_112, %mul3A_113 : i32
      %swap3A_115 = arith.constant 2 : i32
      %swap3A_116 = arith.index_cast %swap3A_115 : i32 to index
      %swap3A_117 = arith.index_cast %mul3A_114 : i32 to index
      %swap3A_118 = tpu.vector_load %arg3[%swap3A_116, %swap3A_117] {strides = array<i32>} : memref<8x2048xf32, #tpu.memory_space<vmem>>, vector<1x16xf32>,
      %swap3A_119 = vector.shape_cast %swap3A_118 : vector<1x16xf32> to vector<16xf32>
      %swap3A_120 = vector.shape_cast %broadcast_in_dim3A_0 : vector<16xf32> to vector<1x16xf32>
      tpu.vector_store %arg3[%swap3A_116, %swap3A_117], %swap3A_120 {strides = array<i32>} : memref<8x2048xf32, #tpu.memory_space<vmem>>, vector<1x16xf32>,
      %scan3A_121 = arith.constant 3 : i32
      %scan3A_122 = arith.addi %scan3A_81, %scan3A_121 : i32
      %mul3A_123 = arith.constant 1 : i32
      %mul3A_124 = arith.muli %scan3A_122, %mul3A_123 : i32
      %add3A_125 = arith.constant 0 : i32
      %add3A_126 = arith.addi %add3A_125, %mul3A_124 : i32
      %mul3A_127 = arith.constant 16 : i32
      %mul3A_128 = arith.muli %add3A_126, %mul3A_127 : i32
      %swap3A_129 = arith.constant 2 : i32
      %swap3A_130 = arith.index_cast %swap3A_129 : i32 to index
      %swap3A_131 = arith.index_cast %mul3A_128 : i32 to index
      %swap3A_132 = tpu.vector_load %arg3[%swap3A_130, %swap3A_131] {strides = array<i32>} : memref<8x2048xf32, #tpu.memory_space<vmem>>, vector<1x16xf32>,
      %swap3A_133 = vector.shape_cast %swap3A_132 : vector<1x16xf32> to vector<16xf32>
      %swap3A_134 = vector.shape_cast %broadcast_in_dim3A_0 : vector<16xf32> to vector<1x16xf32>
      tpu.vector_store %arg3[%swap3A_130, %swap3A_131], %swap3A_134 {strides = array<i32>} : memref<8x2048xf32, #tpu.memory_space<vmem>>, vector<1x16xf32>,
      %scan3A_135 = arith.constant 4 : i32
      %scan3A_136 = arith.addi %scan3A_81, %scan3A_135 : i32
      %mul3A_137 = arith.constant 1 : i32
      %mul3A_138 = arith.muli %scan3A_136, %mul3A_137 : i32
      %add3A_139 = arith.constant 0 : i32
      %add3A_140 = arith.addi %add3A_139, %mul3A_138 : i32
      %mul3A_141 = arith.constant 16 : i32
      %mul3A_142 = arith.muli %add3A_140, %mul3A_141 : i32
      %swap3A_143 = arith.constant 2 : i32
      %swap3A_144 = arith.index_cast %swap3A_143 : i32 to index
      %swap3A_145 = arith.index_cast %mul3A_142 : i32 to index
      %swap3A_146 = tpu.vector_load %arg3[%swap3A_144, %swap3A_145] {strides = array<i32>} : memref<8x2048xf32, #tpu.memory_space<vmem>>, vector<1x16xf32>,
      %swap3A_147 = vector.shape_cast %swap3A_146 : vector<1x16xf32> to vector<16xf32>
      %swap3A_148 = vector.shape_cast %broadcast_in_dim3A_0 : vector<16xf32> to vector<1x16xf32>
      tpu.vector_store %arg3[%swap3A_144, %swap3A_145], %swap3A_148 {strides = array<i32>} : memref<8x2048xf32, #tpu.memory_space<vmem>>, vector<1x16xf32>,
      %scan3A_149 = arith.constant 5 : i32
      %scan3A_150 = arith.addi %scan3A_81, %scan3A_149 : i32
      %mul3A_151 = arith.constant 1 : i32
      %mul3A_152 = arith.muli %scan3A_150, %mul3A_151 : i32
      %add3A_153 = arith.constant 0 : i32
      %add3A_154 = arith.addi %add3A_153, %mul3A_152 : i32
      %mul3A_155 = arith.constant 16 : i32
      %mul3A_156 = arith.muli %add3A_154, %mul3A_155 : i32
      %swap3A_157 = arith.constant 2 : i32
      %swap3A_158 = arith.index_cast %swap3A_157 : i32 to index
      %swap3A_159 = arith.index_cast %mul3A_156 : i32 to index
      %swap3A_160 = tpu.vector_load %arg3[%swap3A_158, %swap3A_159] {strides = array<i32>} : memref<8x2048xf32, #tpu.memory_space<vmem>>, vector<1x16xf32>,
      %swap3A_161 = vector.shape_cast %swap3A_160 : vector<1x16xf32> to vector<16xf32>
      %swap3A_162 = vector.shape_cast %broadcast_in_dim3A_0 : vector<16xf32> to vector<1x16xf32>
      tpu.vector_store %arg3[%swap3A_158, %swap3A_159], %swap3A_162 {strides = array<i32>} : memref<8x2048xf32, #tpu.memory_space<vmem>>, vector<1x16xf32>,
      %scan3A_163 = arith.constant 6 : i32
      %scan3A_164 = arith.addi %scan3A_81, %scan3A_163 : i32
      %mul3A_165 = arith.constant 1 : i32
      %mul3A_166 = arith.muli %scan3A_164, %mul3A_165 : i32
      %add3A_167 = arith.constant 0 : i32
      %add3A_168 = arith.addi %add3A_167, %mul3A_166 : i32
      %mul3A_169 = arith.constant 16 : i32
      %mul3A_170 = arith.muli %add3A_168, %mul3A_169 : i32
      %swap3A_171 = arith.constant 2 : i32
      %swap3A_172 = arith.index_cast %swap3A_171 : i32 to index
      %swap3A_173 = arith.index_cast %mul3A_170 : i32 to index
      %swap3A_174 = tpu.vector_load %arg3[%swap3A_172, %swap3A_173] {strides = array<i32>} : memref<8x2048xf32, #tpu.memory_space<vmem>>, vector<1x16xf32>,
      %swap3A_175 = vector.shape_cast %swap3A_174 : vector<1x16xf32> to vector<16xf32>
      %swap3A_176 = vector.shape_cast %broadcast_in_dim3A_0 : vector<16xf32> to vector<1x16xf32>
      tpu.vector_store %arg3[%swap3A_172, %swap3A_173], %swap3A_176 {strides = array<i32>} : memref<8x2048xf32, #tpu.memory_space<vmem>>, vector<1x16xf32>,
      %scan3A_177 = arith.constant 7 : i32
      %scan3A_178 = arith.addi %scan3A_81, %scan3A_177 : i32
      %mul3A_179 = arith.constant 1 : i32
      %mul3A_180 = arith.muli %scan3A_178, %mul3A_179 : i32
      %add3A_181 = arith.constant 0 : i32
      %add3A_182 = arith.addi %add3A_181, %mul3A_180 : i32
      %mul3A_183 = arith.constant 16 : i32
      %mul3A_184 = arith.muli %add3A_182, %mul3A_183 : i32
      %swap3A_185 = arith.constant 2 : i32
      %swap3A_186 = arith.index_cast %swap3A_185 : i32 to index
      %swap3A_187 = arith.index_cast %mul3A_184 : i32 to index
      %swap3A_188 = tpu.vector_load %arg3[%swap3A_186, %swap3A_187] {strides = array<i32>} : memref<8x2048xf32, #tpu.memory_space<vmem>>, vector<1x16xf32>,
      %swap3A_189 = vector.shape_cast %swap3A_188 : vector<1x16xf32> to vector<16xf32>
      %swap3A_190 = vector.shape_cast %broadcast_in_dim3A_0 : vector<16xf32> to vector<1x16xf32>
      tpu.vector_store %arg3[%swap3A_186, %swap3A_187], %swap3A_190 {strides = array<i32>} : memref<8x2048xf32, #tpu.memory_space<vmem>>, vector<1x16xf32>,
    }
    %scan3A_14 = arith.constant 128 : i32
    %scan3A_15 = arith.constant 0 : i32
    %scan3A_16 = arith.constant 128 : i32
    %scan3A_17 = arith.addi %scan3A_15, %scan3A_16 : i32
    %scan3A_18 = arith.constant 8 : i32
    scf.for %scan3A_81 = %scan3A_15 to %scan3A_17 step %scan3A_18  : i32 {
      %mul3A_82 = arith.constant 1 : i32
      %mul3A_83 = arith.muli %scan3A_81, %mul3A_82 : i32
      %add3A_84 = arith.constant 0 : i32
      %add3A_85 = arith.addi %add3A_84, %mul3A_83 : i32
      %mul3A_86 = arith.constant 16 : i32
      %mul3A_87 = arith.muli %add3A_85, %mul3A_86 : i32
      %swap3A = arith.constant 3 : i32
      %swap3A_88 = arith.index_cast %swap3A : i32 to index
      %swap3A_89 = arith.index_cast %mul3A_87 : i32 to index
      %swap3A_90 = tpu.vector_load %arg3[%swap3A_88, %swap3A_89] {strides = array<i32>} : memref<8x2048xf32, #tpu.memory_space<vmem>>, vector<1x16xf32>,
      %swap3A_91 = vector.shape_cast %swap3A_90 : vector<1x16xf32> to vector<16xf32>
      %swap3A_92 = vector.shape_cast %broadcast_in_dim3A_0 : vector<16xf32> to vector<1x16xf32>
      tpu.vector_store %arg3[%swap3A_88, %swap3A_89], %swap3A_92 {strides = array<i32>} : memref<8x2048xf32, #tpu.memory_space<vmem>>, vector<1x16xf32>,
      %scan3A_93 = arith.constant 1 : i32
      %scan3A_94 = arith.addi %scan3A_81, %scan3A_93 : i32
      %mul3A_95 = arith.constant 1 : i32
      %mul3A_96 = arith.muli %scan3A_94, %mul3A_95 : i32
      %add3A_97 = arith.constant 0 : i32
      %add3A_98 = arith.addi %add3A_97, %mul3A_96 : i32
      %mul3A_99 = arith.constant 16 : i32
      %mul3A_100 = arith.muli %add3A_98, %mul3A_99 : i32
      %swap3A_101 = arith.constant 3 : i32
      %swap3A_102 = arith.index_cast %swap3A_101 : i32 to index
      %swap3A_103 = arith.index_cast %mul3A_100 : i32 to index
      %swap3A_104 = tpu.vector_load %arg3[%swap3A_102, %swap3A_103] {strides = array<i32>} : memref<8x2048xf32, #tpu.memory_space<vmem>>, vector<1x16xf32>,
      %swap3A_105 = vector.shape_cast %swap3A_104 : vector<1x16xf32> to vector<16xf32>
      %swap3A_106 = vector.shape_cast %broadcast_in_dim3A_0 : vector<16xf32> to vector<1x16xf32>
      tpu.vector_store %arg3[%swap3A_102, %swap3A_103], %swap3A_106 {strides = array<i32>} : memref<8x2048xf32, #tpu.memory_space<vmem>>, vector<1x16xf32>,
      %scan3A_107 = arith.constant 2 : i32
      %scan3A_108 = arith.addi %scan3A_81, %scan3A_107 : i32
      %mul3A_109 = arith.constant 1 : i32
      %mul3A_110 = arith.muli %scan3A_108, %mul3A_109 : i32
      %add3A_111 = arith.constant 0 : i32
      %add3A_112 = arith.addi %add3A_111, %mul3A_110 : i32
      %mul3A_113 = arith.constant 16 : i32
      %mul3A_114 = arith.muli %add3A_112, %mul3A_113 : i32
      %swap3A_115 = arith.constant 3 : i32
      %swap3A_116 = arith.index_cast %swap3A_115 : i32 to index
      %swap3A_117 = arith.index_cast %mul3A_114 : i32 to index
      %swap3A_118 = tpu.vector_load %arg3[%swap3A_116, %swap3A_117] {strides = array<i32>} : memref<8x2048xf32, #tpu.memory_space<vmem>>, vector<1x16xf32>,
      %swap3A_119 = vector.shape_cast %swap3A_118 : vector<1x16xf32> to vector<16xf32>
      %swap3A_120 = vector.shape_cast %broadcast_in_dim3A_0 : vector<16xf32> to vector<1x16xf32>
      tpu.vector_store %arg3[%swap3A_116, %swap3A_117], %swap3A_120 {strides = array<i32>} : memref<8x2048xf32, #tpu.memory_space<vmem>>, vector<1x16xf32>,
      %scan3A_121 = arith.constant 3 : i32
      %scan3A_122 = arith.addi %scan3A_81, %scan3A_121 : i32
      %mul3A_123 = arith.constant 1 : i32
      %mul3A_124 = arith.muli %scan3A_122, %mul3A_123 : i32
      %add3A_125 = arith.constant 0 : i32
      %add3A_126 = arith.addi %add3A_125, %mul3A_124 : i32
      %mul3A_127 = arith.constant 16 : i32
      %mul3A_128 = arith.muli %add3A_126, %mul3A_127 : i32
      %swap3A_129 = arith.constant 3 : i32
      %swap3A_130 = arith.index_cast %swap3A_129 : i32 to index
      %swap3A_131 = arith.index_cast %mul3A_128 : i32 to index
      %swap3A_132 = tpu.vector_load %arg3[%swap3A_130, %swap3A_131] {strides = array<i32>} : memref<8x2048xf32, #tpu.memory_space<vmem>>, vector<1x16xf32>,
      %swap3A_133 = vector.shape_cast %swap3A_132 : vector<1x16xf32> to vector<16xf32>
      %swap3A_134 = vector.shape_cast %broadcast_in_dim3A_0 : vector<16xf32> to vector<1x16xf32>
      tpu.vector_store %arg3[%swap3A_130, %swap3A_131], %swap3A_134 {strides = array<i32>} : memref<8x2048xf32, #tpu.memory_space<vmem>>, vector<1x16xf32>,
      %scan3A_135 = arith.constant 4 : i32
      %scan3A_136 = arith.addi %scan3A_81, %scan3A_135 : i32
      %mul3A_137 = arith.constant 1 : i32
      %mul3A_138 = arith.muli %scan3A_136, %mul3A_137 : i32
      %add3A_139 = arith.constant 0 : i32
      %add3A_140 = arith.addi %add3A_139, %mul3A_138 : i32
      %mul3A_141 = arith.constant 16 : i32
      %mul3A_142 = arith.muli %add3A_140, %mul3A_141 : i32
      %swap3A_143 = arith.constant 3 : i32
      %swap3A_144 = arith.index_cast %swap3A_143 : i32 to index
      %swap3A_145 = arith.index_cast %mul3A_142 : i32 to index
      %swap3A_146 = tpu.vector_load %arg3[%swap3A_144, %swap3A_145] {strides = array<i32>} : memref<8x2048xf32, #tpu.memory_space<vmem>>, vector<1x16xf32>,
      %swap3A_147 = vector.shape_cast %swap3A_146 : vector<1x16xf32> to vector<16xf32>
      %swap3A_148 = vector.shape_cast %broadcast_in_dim3A_0 : vector<16xf32> to vector<1x16xf32>
      tpu.vector_store %arg3[%swap3A_144, %swap3A_145], %swap3A_148 {strides = array<i32>} : memref<8x2048xf32, #tpu.memory_space<vmem>>, vector<1x16xf32>,
      %scan3A_149 = arith.constant 5 : i32
      %scan3A_150 = arith.addi %scan3A_81, %scan3A_149 : i32
      %mul3A_151 = arith.constant 1 : i32
      %mul3A_152 = arith.muli %scan3A_150, %mul3A_151 : i32
      %add3A_153 = arith.constant 0 : i32
      %add3A_154 = arith.addi %add3A_153, %mul3A_152 : i32
      %mul3A_155 = arith.constant 16 : i32
      %mul3A_156 = arith.muli %add3A_154, %mul3A_155 : i32
      %swap3A_157 = arith.constant 3 : i32
      %swap3A_158 = arith.index_cast %swap3A_157 : i32 to index
      %swap3A_159 = arith.index_cast %mul3A_156 : i32 to index
      %swap3A_160 = tpu.vector_load %arg3[%swap3A_158, %swap3A_159] {strides = array<i32>} : memref<8x2048xf32, #tpu.memory_space<vmem>>, vector<1x16xf32>,
      %swap3A_161 = vector.shape_cast %swap3A_160 : vector<1x16xf32> to vector<16xf32>
      %swap3A_162 = vector.shape_cast %broadcast_in_dim3A_0 : vector<16xf32> to vector<1x16xf32>
      tpu.vector_store %arg3[%swap3A_158, %swap3A_159], %swap3A_162 {strides = array<i32>} : memref<8x2048xf32, #tpu.memory_space<vmem>>, vector<1x16xf32>,
      %scan3A_163 = arith.constant 6 : i32
      %scan3A_164 = arith.addi %scan3A_81, %scan3A_163 : i32
      %mul3A_165 = arith.constant 1 : i32
      %mul3A_166 = arith.muli %scan3A_164, %mul3A_165 : i32
      %add3A_167 = arith.constant 0 : i32
      %add3A_168 = arith.addi %add3A_167, %mul3A_166 : i32
      %mul3A_169 = arith.constant 16 : i32
      %mul3A_170 = arith.muli %add3A_168, %mul3A_169 : i32
      %swap3A_171 = arith.constant 3 : i32
      %swap3A_172 = arith.index_cast %swap3A_171 : i32 to index
      %swap3A_173 = arith.index_cast %mul3A_170 : i32 to index
      %swap3A_174 = tpu.vector_load %arg3[%swap3A_172, %swap3A_173] {strides = array<i32>} : memref<8x2048xf32, #tpu.memory_space<vmem>>, vector<1x16xf32>,
      %swap3A_175 = vector.shape_cast %swap3A_174 : vector<1x16xf32> to vector<16xf32>
      %swap3A_176 = vector.shape_cast %broadcast_in_dim3A_0 : vector<16xf32> to vector<1x16xf32>
      tpu.vector_store %arg3[%swap3A_172, %swap3A_173], %swap3A_176 {strides = array<i32>} : memref<8x2048xf32, #tpu.memory_space<vmem>>, vector<1x16xf32>,
      %scan3A_177 = arith.constant 7 : i32
      %scan3A_178 = arith.addi %scan3A_81, %scan3A_177 : i32
      %mul3A_179 = arith.constant 1 : i32
      %mul3A_180 = arith.muli %scan3A_178, %mul3A_179 : i32
      %add3A_181 = arith.constant 0 : i32
      %add3A_182 = arith.addi %add3A_181, %mul3A_180 : i32
      %mul3A_183 = arith.constant 16 : i32
      %mul3A_184 = arith.muli %add3A_182, %mul3A_183 : i32
      %swap3A_185 = arith.constant 3 : i32
      %swap3A_186 = arith.index_cast %swap3A_185 : i32 to index
      %swap3A_187 = arith.index_cast %mul3A_184 : i32 to index
      %swap3A_188 = tpu.vector_load %arg3[%swap3A_186, %swap3A_187] {strides = array<i32>} : memref<8x2048xf32, #tpu.memory_space<vmem>>, vector<1x16xf32>,
      %swap3A_189 = vector.shape_cast %swap3A_188 : vector<1x16xf32> to vector<16xf32>
      %swap3A_190 = vector.shape_cast %broadcast_in_dim3A_0 : vector<16xf32> to vector<1x16xf32>
      tpu.vector_store %arg3[%swap3A_186, %swap3A_187], %swap3A_190 {strides = array<i32>} : memref<8x2048xf32, #tpu.memory_space<vmem>>, vector<1x16xf32>,
    }
    %scan3A_19 = arith.constant 128 : i32
    %scan3A_20 = arith.constant 0 : i32
    %scan3A_21 = arith.constant 128 : i32
    %scan3A_22 = arith.addi %scan3A_20, %scan3A_21 : i32
    %scan3A_23 = arith.constant 8 : i32
    scf.for %scan3A_81 = %scan3A_20 to %scan3A_22 step %scan3A_23  : i32 {
      %mul3A_82 = arith.constant 1 : i32
      %mul3A_83 = arith.muli %scan3A_81, %mul3A_82 : i32
      %add3A_84 = arith.constant 0 : i32
      %add3A_85 = arith.addi %add3A_84, %mul3A_83 : i32
      %mul3A_86 = arith.constant 16 : i32
      %mul3A_87 = arith.muli %add3A_85, %mul3A_86 : i32
      %swap3A = arith.constant 4 : i32
      %swap3A_88 = arith.index_cast %swap3A : i32 to index
      %swap3A_89 = arith.index_cast %mul3A_87 : i32 to index
      %swap3A_90 = tpu.vector_load %arg3[%swap3A_88, %swap3A_89] {strides = array<i32>} : memref<8x2048xf32, #tpu.memory_space<vmem>>, vector<1x16xf32>,
      %swap3A_91 = vector.shape_cast %swap3A_90 : vector<1x16xf32> to vector<16xf32>
      %swap3A_92 = vector.shape_cast %broadcast_in_dim3A_0 : vector<16xf32> to vector<1x16xf32>
      tpu.vector_store %arg3[%swap3A_88, %swap3A_89], %swap3A_92 {strides = array<i32>} : memref<8x2048xf32, #tpu.memory_space<vmem>>, vector<1x16xf32>,
      %scan3A_93 = arith.constant 1 : i32
      %scan3A_94 = arith.addi %scan3A_81, %scan3A_93 : i32
      %mul3A_95 = arith.constant 1 : i32
      %mul3A_96 = arith.muli %scan3A_94, %mul3A_95 : i32
      %add3A_97 = arith.constant 0 : i32
      %add3A_98 = arith.addi %add3A_97, %mul3A_96 : i32
      %mul3A_99 = arith.constant 16 : i32
      %mul3A_100 = arith.muli %add3A_98, %mul3A_99 : i32
      %swap3A_101 = arith.constant 4 : i32
      %swap3A_102 = arith.index_cast %swap3A_101 : i32 to index
      %swap3A_103 = arith.index_cast %mul3A_100 : i32 to index
      %swap3A_104 = tpu.vector_load %arg3[%swap3A_102, %swap3A_103] {strides = array<i32>} : memref<8x2048xf32, #tpu.memory_space<vmem>>, vector<1x16xf32>,
      %swap3A_105 = vector.shape_cast %swap3A_104 : vector<1x16xf32> to vector<16xf32>
      %swap3A_106 = vector.shape_cast %broadcast_in_dim3A_0 : vector<16xf32> to vector<1x16xf32>
      tpu.vector_store %arg3[%swap3A_102, %swap3A_103], %swap3A_106 {strides = array<i32>} : memref<8x2048xf32, #tpu.memory_space<vmem>>, vector<1x16xf32>,
      %scan3A_107 = arith.constant 2 : i32
      %scan3A_108 = arith.addi %scan3A_81, %scan3A_107 : i32
      %mul3A_109 = arith.constant 1 : i32
      %mul3A_110 = arith.muli %scan3A_108, %mul3A_109 : i32
      %add3A_111 = arith.constant 0 : i32
      %add3A_112 = arith.addi %add3A_111, %mul3A_110 : i32
      %mul3A_113 = arith.constant 16 : i32
      %mul3A_114 = arith.muli %add3A_112, %mul3A_113 : i32
      %swap3A_115 = arith.constant 4 : i32
      %swap3A_116 = arith.index_cast %swap3A_115 : i32 to index
      %swap3A_117 = arith.index_cast %mul3A_114 : i32 to index
      %swap3A_118 = tpu.vector_load %arg3[%swap3A_116, %swap3A_117] {strides = array<i32>} : memref<8x2048xf32, #tpu.memory_space<vmem>>, vector<1x16xf32>,
      %swap3A_119 = vector.shape_cast %swap3A_118 : vector<1x16xf32> to vector<16xf32>
      %swap3A_120 = vector.shape_cast %broadcast_in_dim3A_0 : vector<16xf32> to vector<1x16xf32>
      tpu.vector_store %arg3[%swap3A_116, %swap3A_117], %swap3A_120 {strides = array<i32>} : memref<8x2048xf32, #tpu.memory_space<vmem>>, vector<1x16xf32>,
      %scan3A_121 = arith.constant 3 : i32
      %scan3A_122 = arith.addi %scan3A_81, %scan3A_121 : i32
      %mul3A_123 = arith.constant 1 : i32
      %mul3A_124 = arith.muli %scan3A_122, %mul3A_123 : i32
      %add3A_125 = arith.constant 0 : i32
      %add3A_126 = arith.addi %add3A_125, %mul3A_124 : i32
      %mul3A_127 = arith.constant 16 : i32
      %mul3A_128 = arith.muli %add3A_126, %mul3A_127 : i32
      %swap3A_129 = arith.constant 4 : i32
      %swap3A_130 = arith.index_cast %swap3A_129 : i32 to index
      %swap3A_131 = arith.index_cast %mul3A_128 : i32 to index
      %swap3A_132 = tpu.vector_load %arg3[%swap3A_130, %swap3A_131] {strides = array<i32>} : memref<8x2048xf32, #tpu.memory_space<vmem>>, vector<1x16xf32>,
      %swap3A_133 = vector.shape_cast %swap3A_132 : vector<1x16xf32> to vector<16xf32>
      %swap3A_134 = vector.shape_cast %broadcast_in_dim3A_0 : vector<16xf32> to vector<1x16xf32>
      tpu.vector_store %arg3[%swap3A_130, %swap3A_131], %swap3A_134 {strides = array<i32>} : memref<8x2048xf32, #tpu.memory_space<vmem>>, vector<1x16xf32>,
      %scan3A_135 = arith.constant 4 : i32
      %scan3A_136 = arith.addi %scan3A_81, %scan3A_135 : i32
      %mul3A_137 = arith.constant 1 : i32
      %mul3A_138 = arith.muli %scan3A_136, %mul3A_137 : i32
      %add3A_139 = arith.constant 0 : i32
      %add3A_140 = arith.addi %add3A_139, %mul3A_138 : i32
      %mul3A_141 = arith.constant 16 : i32
      %mul3A_142 = arith.muli %add3A_140, %mul3A_141 : i32
      %swap3A_143 = arith.constant 4 : i32
      %swap3A_144 = arith.index_cast %swap3A_143 : i32 to index
      %swap3A_145 = arith.index_cast %mul3A_142 : i32 to index
      %swap3A_146 = tpu.vector_load %arg3[%swap3A_144, %swap3A_145] {strides = array<i32>} : memref<8x2048xf32, #tpu.memory_space<vmem>>, vector<1x16xf32>,
      %swap3A_147 = vector.shape_cast %swap3A_146 : vector<1x16xf32> to vector<16xf32>
      %swap3A_148 = vector.shape_cast %broadcast_in_dim3A_0 : vector<16xf32> to vector<1x16xf32>
      tpu.vector_store %arg3[%swap3A_144, %swap3A_145], %swap3A_148 {strides = array<i32>} : memref<8x2048xf32, #tpu.memory_space<vmem>>, vector<1x16xf32>,
      %scan3A_149 = arith.constant 5 : i32
      %scan3A_150 = arith.addi %scan3A_81, %scan3A_149 : i32
      %mul3A_151 = arith.constant 1 : i32
      %mul3A_152 = arith.muli %scan3A_150, %mul3A_151 : i32
      %add3A_153 = arith.constant 0 : i32
      %add3A_154 = arith.addi %add3A_153, %mul3A_152 : i32
      %mul3A_155 = arith.constant 16 : i32
      %mul3A_156 = arith.muli %add3A_154, %mul3A_155 : i32
      %swap3A_157 = arith.constant 4 : i32
      %swap3A_158 = arith.index_cast %swap3A_157 : i32 to index
      %swap3A_159 = arith.index_cast %mul3A_156 : i32 to index
      %swap3A_160 = tpu.vector_load %arg3[%swap3A_158, %swap3A_159] {strides = array<i32>} : memref<8x2048xf32, #tpu.memory_space<vmem>>, vector<1x16xf32>,
      %swap3A_161 = vector.shape_cast %swap3A_160 : vector<1x16xf32> to vector<16xf32>
      %swap3A_162 = vector.shape_cast %broadcast_in_dim3A_0 : vector<16xf32> to vector<1x16xf32>
      tpu.vector_store %arg3[%swap3A_158, %swap3A_159], %swap3A_162 {strides = array<i32>} : memref<8x2048xf32, #tpu.memory_space<vmem>>, vector<1x16xf32>,
      %scan3A_163 = arith.constant 6 : i32
      %scan3A_164 = arith.addi %scan3A_81, %scan3A_163 : i32
      %mul3A_165 = arith.constant 1 : i32
      %mul3A_166 = arith.muli %scan3A_164, %mul3A_165 : i32
      %add3A_167 = arith.constant 0 : i32
      %add3A_168 = arith.addi %add3A_167, %mul3A_166 : i32
      %mul3A_169 = arith.constant 16 : i32
      %mul3A_170 = arith.muli %add3A_168, %mul3A_169 : i32
      %swap3A_171 = arith.constant 4 : i32
      %swap3A_172 = arith.index_cast %swap3A_171 : i32 to index
      %swap3A_173 = arith.index_cast %mul3A_170 : i32 to index
      %swap3A_174 = tpu.vector_load %arg3[%swap3A_172, %swap3A_173] {strides = array<i32>} : memref<8x2048xf32, #tpu.memory_space<vmem>>, vector<1x16xf32>,
      %swap3A_175 = vector.shape_cast %swap3A_174 : vector<1x16xf32> to vector<16xf32>
      %swap3A_176 = vector.shape_cast %broadcast_in_dim3A_0 : vector<16xf32> to vector<1x16xf32>
      tpu.vector_store %arg3[%swap3A_172, %swap3A_173], %swap3A_176 {strides = array<i32>} : memref<8x2048xf32, #tpu.memory_space<vmem>>, vector<1x16xf32>,
      %scan3A_177 = arith.constant 7 : i32
      %scan3A_178 = arith.addi %scan3A_81, %scan3A_177 : i32
      %mul3A_179 = arith.constant 1 : i32
      %mul3A_180 = arith.muli %scan3A_178, %mul3A_179 : i32
      %add3A_181 = arith.constant 0 : i32
      %add3A_182 = arith.addi %add3A_181, %mul3A_180 : i32
      %mul3A_183 = arith.constant 16 : i32
      %mul3A_184 = arith.muli %add3A_182, %mul3A_183 : i32
      %swap3A_185 = arith.constant 4 : i32
      %swap3A_186 = arith.index_cast %swap3A_185 : i32 to index
      %swap3A_187 = arith.index_cast %mul3A_184 : i32 to index
      %swap3A_188 = tpu.vector_load %arg3[%swap3A_186, %swap3A_187] {strides = array<i32>} : memref<8x2048xf32, #tpu.memory_space<vmem>>, vector<1x16xf32>,
      %swap3A_189 = vector.shape_cast %swap3A_188 : vector<1x16xf32> to vector<16xf32>
      %swap3A_190 = vector.shape_cast %broadcast_in_dim3A_0 : vector<16xf32> to vector<1x16xf32>
      tpu.vector_store %arg3[%swap3A_186, %swap3A_187], %swap3A_190 {strides = array<i32>} : memref<8x2048xf32, #tpu.memory_space<vmem>>, vector<1x16xf32>,
    }
    %scan3A_24 = arith.constant 128 : i32
    %scan3A_25 = arith.constant 0 : i32
    %scan3A_26 = arith.constant 128 : i32
    %scan3A_27 = arith.addi %scan3A_25, %scan3A_26 : i32
    %scan3A_28 = arith.constant 8 : i32
    scf.for %scan3A_81 = %scan3A_25 to %scan3A_27 step %scan3A_28  : i32 {
      %mul3A_82 = arith.constant 1 : i32
      %mul3A_83 = arith.muli %scan3A_81, %mul3A_82 : i32
      %add3A_84 = arith.constant 0 : i32
      %add3A_85 = arith.addi %add3A_84, %mul3A_83 : i32
      %mul3A_86 = arith.constant 16 : i32
      %mul3A_87 = arith.muli %add3A_85, %mul3A_86 : i32
      %swap3A = arith.constant 5 : i32
      %swap3A_88 = arith.index_cast %swap3A : i32 to index
      %swap3A_89 = arith.index_cast %mul3A_87 : i32 to index
      %swap3A_90 = tpu.vector_load %arg3[%swap3A_88, %swap3A_89] {strides = array<i32>} : memref<8x2048xf32, #tpu.memory_space<vmem>>, vector<1x16xf32>,
      %swap3A_91 = vector.shape_cast %swap3A_90 : vector<1x16xf32> to vector<16xf32>
      %swap3A_92 = vector.shape_cast %broadcast_in_dim3A_0 : vector<16xf32> to vector<1x16xf32>
      tpu.vector_store %arg3[%swap3A_88, %swap3A_89], %swap3A_92 {strides = array<i32>} : memref<8x2048xf32, #tpu.memory_space<vmem>>, vector<1x16xf32>,
      %scan3A_93 = arith.constant 1 : i32
      %scan3A_94 = arith.addi %scan3A_81, %scan3A_93 : i32
      %mul3A_95 = arith.constant 1 : i32
      %mul3A_96 = arith.muli %scan3A_94, %mul3A_95 : i32
      %add3A_97 = arith.constant 0 : i32
      %add3A_98 = arith.addi %add3A_97, %mul3A_96 : i32
      %mul3A_99 = arith.constant 16 : i32
      %mul3A_100 = arith.muli %add3A_98, %mul3A_99 : i32
      %swap3A_101 = arith.constant 5 : i32
      %swap3A_102 = arith.index_cast %swap3A_101 : i32 to index
      %swap3A_103 = arith.index_cast %mul3A_100 : i32 to index
      %swap3A_104 = tpu.vector_load %arg3[%swap3A_102, %swap3A_103] {strides = array<i32>} : memref<8x2048xf32, #tpu.memory_space<vmem>>, vector<1x16xf32>,
      %swap3A_105 = vector.shape_cast %swap3A_104 : vector<1x16xf32> to vector<16xf32>
      %swap3A_106 = vector.shape_cast %broadcast_in_dim3A_0 : vector<16xf32> to vector<1x16xf32>
      tpu.vector_store %arg3[%swap3A_102, %swap3A_103], %swap3A_106 {strides = array<i32>} : memref<8x2048xf32, #tpu.memory_space<vmem>>, vector<1x16xf32>,
      %scan3A_107 = arith.constant 2 : i32
      %scan3A_108 = arith.addi %scan3A_81, %scan3A_107 : i32
      %mul3A_109 = arith.constant 1 : i32
      %mul3A_110 = arith.muli %scan3A_108, %mul3A_109 : i32
      %add3A_111 = arith.constant 0 : i32
      %add3A_112 = arith.addi %add3A_111, %mul3A_110 : i32
      %mul3A_113 = arith.constant 16 : i32
      %mul3A_114 = arith.muli %add3A_112, %mul3A_113 : i32
      %swap3A_115 = arith.constant 5 : i32
      %swap3A_116 = arith.index_cast %swap3A_115 : i32 to index
      %swap3A_117 = arith.index_cast %mul3A_114 : i32 to index
      %swap3A_118 = tpu.vector_load %arg3[%swap3A_116, %swap3A_117] {strides = array<i32>} : memref<8x2048xf32, #tpu.memory_space<vmem>>, vector<1x16xf32>,
      %swap3A_119 = vector.shape_cast %swap3A_118 : vector<1x16xf32> to vector<16xf32>
      %swap3A_120 = vector.shape_cast %broadcast_in_dim3A_0 : vector<16xf32> to vector<1x16xf32>
      tpu.vector_store %arg3[%swap3A_116, %swap3A_117], %swap3A_120 {strides = array<i32>} : memref<8x2048xf32, #tpu.memory_space<vmem>>, vector<1x16xf32>,
      %scan3A_121 = arith.constant 3 : i32
      %scan3A_122 = arith.addi %scan3A_81, %scan3A_121 : i32
      %mul3A_123 = arith.constant 1 : i32
      %mul3A_124 = arith.muli %scan3A_122, %mul3A_123 : i32
      %add3A_125 = arith.constant 0 : i32
      %add3A_126 = arith.addi %add3A_125, %mul3A_124 : i32
      %mul3A_127 = arith.constant 16 : i32
      %mul3A_128 = arith.muli %add3A_126, %mul3A_127 : i32
      %swap3A_129 = arith.constant 5 : i32
      %swap3A_130 = arith.index_cast %swap3A_129 : i32 to index
      %swap3A_131 = arith.index_cast %mul3A_128 : i32 to index
      %swap3A_132 = tpu.vector_load %arg3[%swap3A_130, %swap3A_131] {strides = array<i32>} : memref<8x2048xf32, #tpu.memory_space<vmem>>, vector<1x16xf32>,
      %swap3A_133 = vector.shape_cast %swap3A_132 : vector<1x16xf32> to vector<16xf32>
      %swap3A_134 = vector.shape_cast %broadcast_in_dim3A_0 : vector<16xf32> to vector<1x16xf32>
      tpu.vector_store %arg3[%swap3A_130, %swap3A_131], %swap3A_134 {strides = array<i32>} : memref<8x2048xf32, #tpu.memory_space<vmem>>, vector<1x16xf32>,
      %scan3A_135 = arith.constant 4 : i32
      %scan3A_136 = arith.addi %scan3A_81, %scan3A_135 : i32
      %mul3A_137 = arith.constant 1 : i32
      %mul3A_138 = arith.muli %scan3A_136, %mul3A_137 : i32
      %add3A_139 = arith.constant 0 : i32
      %add3A_140 = arith.addi %add3A_139, %mul3A_138 : i32
      %mul3A_141 = arith.constant 16 : i32
      %mul3A_142 = arith.muli %add3A_140, %mul3A_141 : i32
      %swap3A_143 = arith.constant 5 : i32
      %swap3A_144 = arith.index_cast %swap3A_143 : i32 to index
      %swap3A_145 = arith.index_cast %mul3A_142 : i32 to index
      %swap3A_146 = tpu.vector_load %arg3[%swap3A_144, %swap3A_145] {strides = array<i32>} : memref<8x2048xf32, #tpu.memory_space<vmem>>, vector<1x16xf32>,
      %swap3A_147 = vector.shape_cast %swap3A_146 : vector<1x16xf32> to vector<16xf32>
      %swap3A_148 = vector.shape_cast %broadcast_in_dim3A_0 : vector<16xf32> to vector<1x16xf32>
      tpu.vector_store %arg3[%swap3A_144, %swap3A_145], %swap3A_148 {strides = array<i32>} : memref<8x2048xf32, #tpu.memory_space<vmem>>, vector<1x16xf32>,
      %scan3A_149 = arith.constant 5 : i32
      %scan3A_150 = arith.addi %scan3A_81, %scan3A_149 : i32
      %mul3A_151 = arith.constant 1 : i32
      %mul3A_152 = arith.muli %scan3A_150, %mul3A_151 : i32
      %add3A_153 = arith.constant 0 : i32
      %add3A_154 = arith.addi %add3A_153, %mul3A_152 : i32
      %mul3A_155 = arith.constant 16 : i32
      %mul3A_156 = arith.muli %add3A_154, %mul3A_155 : i32
      %swap3A_157 = arith.constant 5 : i32
      %swap3A_158 = arith.index_cast %swap3A_157 : i32 to index
      %swap3A_159 = arith.index_cast %mul3A_156 : i32 to index
      %swap3A_160 = tpu.vector_load %arg3[%swap3A_158, %swap3A_159] {strides = array<i32>} : memref<8x2048xf32, #tpu.memory_space<vmem>>, vector<1x16xf32>,
      %swap3A_161 = vector.shape_cast %swap3A_160 : vector<1x16xf32> to vector<16xf32>
      %swap3A_162 = vector.shape_cast %broadcast_in_dim3A_0 : vector<16xf32> to vector<1x16xf32>
      tpu.vector_store %arg3[%swap3A_158, %swap3A_159], %swap3A_162 {strides = array<i32>} : memref<8x2048xf32, #tpu.memory_space<vmem>>, vector<1x16xf32>,
      %scan3A_163 = arith.constant 6 : i32
      %scan3A_164 = arith.addi %scan3A_81, %scan3A_163 : i32
      %mul3A_165 = arith.constant 1 : i32
      %mul3A_166 = arith.muli %scan3A_164, %mul3A_165 : i32
      %add3A_167 = arith.constant 0 : i32
      %add3A_168 = arith.addi %add3A_167, %mul3A_166 : i32
      %mul3A_169 = arith.constant 16 : i32
      %mul3A_170 = arith.muli %add3A_168, %mul3A_169 : i32
      %swap3A_171 = arith.constant 5 : i32
      %swap3A_172 = arith.index_cast %swap3A_171 : i32 to index
      %swap3A_173 = arith.index_cast %mul3A_170 : i32 to index
      %swap3A_174 = tpu.vector_load %arg3[%swap3A_172, %swap3A_173] {strides = array<i32>} : memref<8x2048xf32, #tpu.memory_space<vmem>>, vector<1x16xf32>,
      %swap3A_175 = vector.shape_cast %swap3A_174 : vector<1x16xf32> to vector<16xf32>
      %swap3A_176 = vector.shape_cast %broadcast_in_dim3A_0 : vector<16xf32> to vector<1x16xf32>
      tpu.vector_store %arg3[%swap3A_172, %swap3A_173], %swap3A_176 {strides = array<i32>} : memref<8x2048xf32, #tpu.memory_space<vmem>>, vector<1x16xf32>,
      %scan3A_177 = arith.constant 7 : i32
      %scan3A_178 = arith.addi %scan3A_81, %scan3A_177 : i32
      %mul3A_179 = arith.constant 1 : i32
      %mul3A_180 = arith.muli %scan3A_178, %mul3A_179 : i32
      %add3A_181 = arith.constant 0 : i32
      %add3A_182 = arith.addi %add3A_181, %mul3A_180 : i32
      %mul3A_183 = arith.constant 16 : i32
      %mul3A_184 = arith.muli %add3A_182, %mul3A_183 : i32
      %swap3A_185 = arith.constant 5 : i32
      %swap3A_186 = arith.index_cast %swap3A_185 : i32 to index
      %swap3A_187 = arith.index_cast %mul3A_184 : i32 to index
      %swap3A_188 = tpu.vector_load %arg3[%swap3A_186, %swap3A_187] {strides = array<i32>} : memref<8x2048xf32, #tpu.memory_space<vmem>>, vector<1x16xf32>,
      %swap3A_189 = vector.shape_cast %swap3A_188 : vector<1x16xf32> to vector<16xf32>
      %swap3A_190 = vector.shape_cast %broadcast_in_dim3A_0 : vector<16xf32> to vector<1x16xf32>
      tpu.vector_store %arg3[%swap3A_186, %swap3A_187], %swap3A_190 {strides = array<i32>} : memref<8x2048xf32, #tpu.memory_space<vmem>>, vector<1x16xf32>,
    }
    %scan3A_29 = arith.constant 128 : i32
    %scan3A_30 = arith.constant 0 : i32
    %scan3A_31 = arith.constant 128 : i32
    %scan3A_32 = arith.addi %scan3A_30, %scan3A_31 : i32
    %scan3A_33 = arith.constant 8 : i32
    scf.for %scan3A_81 = %scan3A_30 to %scan3A_32 step %scan3A_33  : i32 {
      %mul3A_82 = arith.constant 1 : i32
      %mul3A_83 = arith.muli %scan3A_81, %mul3A_82 : i32
      %add3A_84 = arith.constant 0 : i32
      %add3A_85 = arith.addi %add3A_84, %mul3A_83 : i32
      %mul3A_86 = arith.constant 16 : i32
      %mul3A_87 = arith.muli %add3A_85, %mul3A_86 : i32
      %swap3A = arith.constant 6 : i32
      %swap3A_88 = arith.index_cast %swap3A : i32 to index
      %swap3A_89 = arith.index_cast %mul3A_87 : i32 to index
      %swap3A_90 = tpu.vector_load %arg3[%swap3A_88, %swap3A_89] {strides = array<i32>} : memref<8x2048xf32, #tpu.memory_space<vmem>>, vector<1x16xf32>,
      %swap3A_91 = vector.shape_cast %swap3A_90 : vector<1x16xf32> to vector<16xf32>
      %swap3A_92 = vector.shape_cast %broadcast_in_dim3A_0 : vector<16xf32> to vector<1x16xf32>
      tpu.vector_store %arg3[%swap3A_88, %swap3A_89], %swap3A_92 {strides = array<i32>} : memref<8x2048xf32, #tpu.memory_space<vmem>>, vector<1x16xf32>,
      %scan3A_93 = arith.constant 1 : i32
      %scan3A_94 = arith.addi %scan3A_81, %scan3A_93 : i32
      %mul3A_95 = arith.constant 1 : i32
      %mul3A_96 = arith.muli %scan3A_94, %mul3A_95 : i32
      %add3A_97 = arith.constant 0 : i32
      %add3A_98 = arith.addi %add3A_97, %mul3A_96 : i32
      %mul3A_99 = arith.constant 16 : i32
      %mul3A_100 = arith.muli %add3A_98, %mul3A_99 : i32
      %swap3A_101 = arith.constant 6 : i32
      %swap3A_102 = arith.index_cast %swap3A_101 : i32 to index
      %swap3A_103 = arith.index_cast %mul3A_100 : i32 to index
      %swap3A_104 = tpu.vector_load %arg3[%swap3A_102, %swap3A_103] {strides = array<i32>} : memref<8x2048xf32, #tpu.memory_space<vmem>>, vector<1x16xf32>,
      %swap3A_105 = vector.shape_cast %swap3A_104 : vector<1x16xf32> to vector<16xf32>
      %swap3A_106 = vector.shape_cast %broadcast_in_dim3A_0 : vector<16xf32> to vector<1x16xf32>
      tpu.vector_store %arg3[%swap3A_102, %swap3A_103], %swap3A_106 {strides = array<i32>} : memref<8x2048xf32, #tpu.memory_space<vmem>>, vector<1x16xf32>,
      %scan3A_107 = arith.constant 2 : i32
      %scan3A_108 = arith.addi %scan3A_81, %scan3A_107 : i32
      %mul3A_109 = arith.constant 1 : i32
      %mul3A_110 = arith.muli %scan3A_108, %mul3A_109 : i32
      %add3A_111 = arith.constant 0 : i32
      %add3A_112 = arith.addi %add3A_111, %mul3A_110 : i32
      %mul3A_113 = arith.constant 16 : i32
      %mul3A_114 = arith.muli %add3A_112, %mul3A_113 : i32
      %swap3A_115 = arith.constant 6 : i32
      %swap3A_116 = arith.index_cast %swap3A_115 : i32 to index
      %swap3A_117 = arith.index_cast %mul3A_114 : i32 to index
      %swap3A_118 = tpu.vector_load %arg3[%swap3A_116, %swap3A_117] {strides = array<i32>} : memref<8x2048xf32, #tpu.memory_space<vmem>>, vector<1x16xf32>,
      %swap3A_119 = vector.shape_cast %swap3A_118 : vector<1x16xf32> to vector<16xf32>
      %swap3A_120 = vector.shape_cast %broadcast_in_dim3A_0 : vector<16xf32> to vector<1x16xf32>
      tpu.vector_store %arg3[%swap3A_116, %swap3A_117], %swap3A_120 {strides = array<i32>} : memref<8x2048xf32, #tpu.memory_space<vmem>>, vector<1x16xf32>,
      %scan3A_121 = arith.constant 3 : i32
      %scan3A_122 = arith.addi %scan3A_81, %scan3A_121 : i32
      %mul3A_123 = arith.constant 1 : i32
      %mul3A_124 = arith.muli %scan3A_122, %mul3A_123 : i32
      %add3A_125 = arith.constant 0 : i32
      %add3A_126 = arith.addi %add3A_125, %mul3A_124 : i32
      %mul3A_127 = arith.constant 16 : i32
      %mul3A_128 = arith.muli %add3A_126, %mul3A_127 : i32
      %swap3A_129 = arith.constant 6 : i32
      %swap3A_130 = arith.index_cast %swap3A_129 : i32 to index
      %swap3A_131 = arith.index_cast %mul3A_128 : i32 to index
      %swap3A_132 = tpu.vector_load %arg3[%swap3A_130, %swap3A_131] {strides = array<i32>} : memref<8x2048xf32, #tpu.memory_space<vmem>>, vector<1x16xf32>,
      %swap3A_133 = vector.shape_cast %swap3A_132 : vector<1x16xf32> to vector<16xf32>
      %swap3A_134 = vector.shape_cast %broadcast_in_dim3A_0 : vector<16xf32> to vector<1x16xf32>
      tpu.vector_store %arg3[%swap3A_130, %swap3A_131], %swap3A_134 {strides = array<i32>} : memref<8x2048xf32, #tpu.memory_space<vmem>>, vector<1x16xf32>,
      %scan3A_135 = arith.constant 4 : i32
      %scan3A_136 = arith.addi %scan3A_81, %scan3A_135 : i32
      %mul3A_137 = arith.constant 1 : i32
      %mul3A_138 = arith.muli %scan3A_136, %mul3A_137 : i32
      %add3A_139 = arith.constant 0 : i32
      %add3A_140 = arith.addi %add3A_139, %mul3A_138 : i32
      %mul3A_141 = arith.constant 16 : i32
      %mul3A_142 = arith.muli %add3A_140, %mul3A_141 : i32
      %swap3A_143 = arith.constant 6 : i32
      %swap3A_144 = arith.index_cast %swap3A_143 : i32 to index
      %swap3A_145 = arith.index_cast %mul3A_142 : i32 to index
      %swap3A_146 = tpu.vector_load %arg3[%swap3A_144, %swap3A_145] {strides = array<i32>} : memref<8x2048xf32, #tpu.memory_space<vmem>>, vector<1x16xf32>,
      %swap3A_147 = vector.shape_cast %swap3A_146 : vector<1x16xf32> to vector<16xf32>
      %swap3A_148 = vector.shape_cast %broadcast_in_dim3A_0 : vector<16xf32> to vector<1x16xf32>
      tpu.vector_store %arg3[%swap3A_144, %swap3A_145], %swap3A_148 {strides = array<i32>} : memref<8x2048xf32, #tpu.memory_space<vmem>>, vector<1x16xf32>,
      %scan3A_149 = arith.constant 5 : i32
      %scan3A_150 = arith.addi %scan3A_81, %scan3A_149 : i32
      %mul3A_151 = arith.constant 1 : i32
      %mul3A_152 = arith.muli %scan3A_150, %mul3A_151 : i32
      %add3A_153 = arith.constant 0 : i32
      %add3A_154 = arith.addi %add3A_153, %mul3A_152 : i32
      %mul3A_155 = arith.constant 16 : i32
      %mul3A_156 = arith.muli %add3A_154, %mul3A_155 : i32
      %swap3A_157 = arith.constant 6 : i32
      %swap3A_158 = arith.index_cast %swap3A_157 : i32 to index
      %swap3A_159 = arith.index_cast %mul3A_156 : i32 to index
      %swap3A_160 = tpu.vector_load %arg3[%swap3A_158, %swap3A_159] {strides = array<i32>} : memref<8x2048xf32, #tpu.memory_space<vmem>>, vector<1x16xf32>,
      %swap3A_161 = vector.shape_cast %swap3A_160 : vector<1x16xf32> to vector<16xf32>
      %swap3A_162 = vector.shape_cast %broadcast_in_dim3A_0 : vector<16xf32> to vector<1x16xf32>
      tpu.vector_store %arg3[%swap3A_158, %swap3A_159], %swap3A_162 {strides = array<i32>} : memref<8x2048xf32, #tpu.memory_space<vmem>>, vector<1x16xf32>,
      %scan3A_163 = arith.constant 6 : i32
      %scan3A_164 = arith.addi %scan3A_81, %scan3A_163 : i32
      %mul3A_165 = arith.constant 1 : i32
      %mul3A_166 = arith.muli %scan3A_164, %mul3A_165 : i32
      %add3A_167 = arith.constant 0 : i32
      %add3A_168 = arith.addi %add3A_167, %mul3A_166 : i32
      %mul3A_169 = arith.constant 16 : i32
      %mul3A_170 = arith.muli %add3A_168, %mul3A_169 : i32
      %swap3A_171 = arith.constant 6 : i32
      %swap3A_172 = arith.index_cast %swap3A_171 : i32 to index
      %swap3A_173 = arith.index_cast %mul3A_170 : i32 to index
      %swap3A_174 = tpu.vector_load %arg3[%swap3A_172, %swap3A_173] {strides = array<i32>} : memref<8x2048xf32, #tpu.memory_space<vmem>>, vector<1x16xf32>,
      %swap3A_175 = vector.shape_cast %swap3A_174 : vector<1x16xf32> to vector<16xf32>
      %swap3A_176 = vector.shape_cast %broadcast_in_dim3A_0 : vector<16xf32> to vector<1x16xf32>
      tpu.vector_store %arg3[%swap3A_172, %swap3A_173], %swap3A_176 {strides = array<i32>} : memref<8x2048xf32, #tpu.memory_space<vmem>>, vector<1x16xf32>,
      %scan3A_177 = arith.constant 7 : i32
      %scan3A_178 = arith.addi %scan3A_81, %scan3A_177 : i32
      %mul3A_179 = arith.constant 1 : i32
      %mul3A_180 = arith.muli %scan3A_178, %mul3A_179 : i32
      %add3A_181 = arith.constant 0 : i32
      %add3A_182 = arith.addi %add3A_181, %mul3A_180 : i32
      %mul3A_183 = arith.constant 16 : i32
      %mul3A_184 = arith.muli %add3A_182, %mul3A_183 : i32
      %swap3A_185 = arith.constant 6 : i32
      %swap3A_186 = arith.index_cast %swap3A_185 : i32 to index
      %swap3A_187 = arith.index_cast %mul3A_184 : i32 to index
      %swap3A_188 = tpu.vector_load %arg3[%swap3A_186, %swap3A_187] {strides = array<i32>} : memref<8x2048xf32, #tpu.memory_space<vmem>>, vector<1x16xf32>,
      %swap3A_189 = vector.shape_cast %swap3A_188 : vector<1x16xf32> to vector<16xf32>
      %swap3A_190 = vector.shape_cast %broadcast_in_dim3A_0 : vector<16xf32> to vector<1x16xf32>
      tpu.vector_store %arg3[%swap3A_186, %swap3A_187], %swap3A_190 {strides = array<i32>} : memref<8x2048xf32, #tpu.memory_space<vmem>>, vector<1x16xf32>,
    }
    %scan3A_34 = arith.constant 128 : i32
    %scan3A_35 = arith.constant 0 : i32
    %scan3A_36 = arith.constant 128 : i32
    %scan3A_37 = arith.addi %scan3A_35, %scan3A_36 : i32
    %scan3A_38 = arith.constant 8 : i32
    scf.for %scan3A_81 = %scan3A_35 to %scan3A_37 step %scan3A_38  : i32 {
      %mul3A_82 = arith.constant 1 : i32
      %mul3A_83 = arith.muli %scan3A_81, %mul3A_82 : i32
      %add3A_84 = arith.constant 0 : i32
      %add3A_85 = arith.addi %add3A_84, %mul3A_83 : i32
      %mul3A_86 = arith.constant 16 : i32
      %mul3A_87 = arith.muli %add3A_85, %mul3A_86 : i32
      %swap3A = arith.constant 7 : i32
      %swap3A_88 = arith.index_cast %swap3A : i32 to index
      %swap3A_89 = arith.index_cast %mul3A_87 : i32 to index
      %swap3A_90 = tpu.vector_load %arg3[%swap3A_88, %swap3A_89] {strides = array<i32>} : memref<8x2048xf32, #tpu.memory_space<vmem>>, vector<1x16xf32>,
      %swap3A_91 = vector.shape_cast %swap3A_90 : vector<1x16xf32> to vector<16xf32>
      %swap3A_92 = vector.shape_cast %broadcast_in_dim3A_0 : vector<16xf32> to vector<1x16xf32>
      tpu.vector_store %arg3[%swap3A_88, %swap3A_89], %swap3A_92 {strides = array<i32>} : memref<8x2048xf32, #tpu.memory_space<vmem>>, vector<1x16xf32>,
      %scan3A_93 = arith.constant 1 : i32
      %scan3A_94 = arith.addi %scan3A_81, %scan3A_93 : i32
      %mul3A_95 = arith.constant 1 : i32
      %mul3A_96 = arith.muli %scan3A_94, %mul3A_95 : i32
      %add3A_97 = arith.constant 0 : i32
      %add3A_98 = arith.addi %add3A_97, %mul3A_96 : i32
      %mul3A_99 = arith.constant 16 : i32
      %mul3A_100 = arith.muli %add3A_98, %mul3A_99 : i32
      %swap3A_101 = arith.constant 7 : i32
      %swap3A_102 = arith.index_cast %swap3A_101 : i32 to index
      %swap3A_103 = arith.index_cast %mul3A_100 : i32 to index
      %swap3A_104 = tpu.vector_load %arg3[%swap3A_102, %swap3A_103] {strides = array<i32>} : memref<8x2048xf32, #tpu.memory_space<vmem>>, vector<1x16xf32>,
      %swap3A_105 = vector.shape_cast %swap3A_104 : vector<1x16xf32> to vector<16xf32>
      %swap3A_106 = vector.shape_cast %broadcast_in_dim3A_0 : vector<16xf32> to vector<1x16xf32>
      tpu.vector_store %arg3[%swap3A_102, %swap3A_103], %swap3A_106 {strides = array<i32>} : memref<8x2048xf32, #tpu.memory_space<vmem>>, vector<1x16xf32>,
      %scan3A_107 = arith.constant 2 : i32
      %scan3A_108 = arith.addi %scan3A_81, %scan3A_107 : i32
      %mul3A_109 = arith.constant 1 : i32
      %mul3A_110 = arith.muli %scan3A_108, %mul3A_109 : i32
      %add3A_111 = arith.constant 0 : i32
      %add3A_112 = arith.addi %add3A_111, %mul3A_110 : i32
      %mul3A_113 = arith.constant 16 : i32
      %mul3A_114 = arith.muli %add3A_112, %mul3A_113 : i32
      %swap3A_115 = arith.constant 7 : i32
      %swap3A_116 = arith.index_cast %swap3A_115 : i32 to index
      %swap3A_117 = arith.index_cast %mul3A_114 : i32 to index
      %swap3A_118 = tpu.vector_load %arg3[%swap3A_116, %swap3A_117] {strides = array<i32>} : memref<8x2048xf32, #tpu.memory_space<vmem>>, vector<1x16xf32>,
      %swap3A_119 = vector.shape_cast %swap3A_118 : vector<1x16xf32> to vector<16xf32>
      %swap3A_120 = vector.shape_cast %broadcast_in_dim3A_0 : vector<16xf32> to vector<1x16xf32>
      tpu.vector_store %arg3[%swap3A_116, %swap3A_117], %swap3A_120 {strides = array<i32>} : memref<8x2048xf32, #tpu.memory_space<vmem>>, vector<1x16xf32>,
      %scan3A_121 = arith.constant 3 : i32
      %scan3A_122 = arith.addi %scan3A_81, %scan3A_121 : i32
      %mul3A_123 = arith.constant 1 : i32
      %mul3A_124 = arith.muli %scan3A_122, %mul3A_123 : i32
      %add3A_125 = arith.constant 0 : i32
      %add3A_126 = arith.addi %add3A_125, %mul3A_124 : i32
      %mul3A_127 = arith.constant 16 : i32
      %mul3A_128 = arith.muli %add3A_126, %mul3A_127 : i32
      %swap3A_129 = arith.constant 7 : i32
      %swap3A_130 = arith.index_cast %swap3A_129 : i32 to index
      %swap3A_131 = arith.index_cast %mul3A_128 : i32 to index
      %swap3A_132 = tpu.vector_load %arg3[%swap3A_130, %swap3A_131] {strides = array<i32>} : memref<8x2048xf32, #tpu.memory_space<vmem>>, vector<1x16xf32>,
      %swap3A_133 = vector.shape_cast %swap3A_132 : vector<1x16xf32> to vector<16xf32>
      %swap3A_134 = vector.shape_cast %broadcast_in_dim3A_0 : vector<16xf32> to vector<1x16xf32>
      tpu.vector_store %arg3[%swap3A_130, %swap3A_131], %swap3A_134 {strides = array<i32>} : memref<8x2048xf32, #tpu.memory_space<vmem>>, vector<1x16xf32>,
      %scan3A_135 = arith.constant 4 : i32
      %scan3A_136 = arith.addi %scan3A_81, %scan3A_135 : i32
      %mul3A_137 = arith.constant 1 : i32
      %mul3A_138 = arith.muli %scan3A_136, %mul3A_137 : i32
      %add3A_139 = arith.constant 0 : i32
      %add3A_140 = arith.addi %add3A_139, %mul3A_138 : i32
      %mul3A_141 = arith.constant 16 : i32
      %mul3A_142 = arith.muli %add3A_140, %mul3A_141 : i32
      %swap3A_143 = arith.constant 7 : i32
      %swap3A_144 = arith.index_cast %swap3A_143 : i32 to index
      %swap3A_145 = arith.index_cast %mul3A_142 : i32 to index
      %swap3A_146 = tpu.vector_load %arg3[%swap3A_144, %swap3A_145] {strides = array<i32>} : memref<8x2048xf32, #tpu.memory_space<vmem>>, vector<1x16xf32>,
      %swap3A_147 = vector.shape_cast %swap3A_146 : vector<1x16xf32> to vector<16xf32>
      %swap3A_148 = vector.shape_cast %broadcast_in_dim3A_0 : vector<16xf32> to vector<1x16xf32>
      tpu.vector_store %arg3[%swap3A_144, %swap3A_145], %swap3A_148 {strides = array<i32>} : memref<8x2048xf32, #tpu.memory_space<vmem>>, vector<1x16xf32>,
      %scan3A_149 = arith.constant 5 : i32
      %scan3A_150 = arith.addi %scan3A_81, %scan3A_149 : i32
      %mul3A_151 = arith.constant 1 : i32
      %mul3A_152 = arith.muli %scan3A_150, %mul3A_151 : i32
      %add3A_153 = arith.constant 0 : i32
      %add3A_154 = arith.addi %add3A_153, %mul3A_152 : i32
      %mul3A_155 = arith.constant 16 : i32
      %mul3A_156 = arith.muli %add3A_154, %mul3A_155 : i32
      %swap3A_157 = arith.constant 7 : i32
      %swap3A_158 = arith.index_cast %swap3A_157 : i32 to index
      %swap3A_159 = arith.index_cast %mul3A_156 : i32 to index
      %swap3A_160 = tpu.vector_load %arg3[%swap3A_158, %swap3A_159] {strides = array<i32>} : memref<8x2048xf32, #tpu.memory_space<vmem>>, vector<1x16xf32>,
      %swap3A_161 = vector.shape_cast %swap3A_160 : vector<1x16xf32> to vector<16xf32>
      %swap3A_162 = vector.shape_cast %broadcast_in_dim3A_0 : vector<16xf32> to vector<1x16xf32>
      tpu.vector_store %arg3[%swap3A_158, %swap3A_159], %swap3A_162 {strides = array<i32>} : memref<8x2048xf32, #tpu.memory_space<vmem>>, vector<1x16xf32>,
      %scan3A_163 = arith.constant 6 : i32
      %scan3A_164 = arith.addi %scan3A_81, %scan3A_163 : i32
      %mul3A_165 = arith.constant 1 : i32
      %mul3A_166 = arith.muli %scan3A_164, %mul3A_165 : i32
      %add3A_167 = arith.constant 0 : i32
      %add3A_168 = arith.addi %add3A_167, %mul3A_166 : i32
      %mul3A_169 = arith.constant 16 : i32
      %mul3A_170 = arith.muli %add3A_168, %mul3A_169 : i32
      %swap3A_171 = arith.constant 7 : i32
      %swap3A_172 = arith.index_cast %swap3A_171 : i32 to index
      %swap3A_173 = arith.index_cast %mul3A_170 : i32 to index
      %swap3A_174 = tpu.vector_load %arg3[%swap3A_172, %swap3A_173] {strides = array<i32>} : memref<8x2048xf32, #tpu.memory_space<vmem>>, vector<1x16xf32>,
      %swap3A_175 = vector.shape_cast %swap3A_174 : vector<1x16xf32> to vector<16xf32>
      %swap3A_176 = vector.shape_cast %broadcast_in_dim3A_0 : vector<16xf32> to vector<1x16xf32>
      tpu.vector_store %arg3[%swap3A_172, %swap3A_173], %swap3A_176 {strides = array<i32>} : memref<8x2048xf32, #tpu.memory_space<vmem>>, vector<1x16xf32>,
      %scan3A_177 = arith.constant 7 : i32
      %scan3A_178 = arith.addi %scan3A_81, %scan3A_177 : i32
      %mul3A_179 = arith.constant 1 : i32
      %mul3A_180 = arith.muli %scan3A_178, %mul3A_179 : i32
      %add3A_181 = arith.constant 0 : i32
      %add3A_182 = arith.addi %add3A_181, %mul3A_180 : i32
      %mul3A_183 = arith.constant 16 : i32
      %mul3A_184 = arith.muli %add3A_182, %mul3A_183 : i32
      %swap3A_185 = arith.constant 7 : i32
      %swap3A_186 = arith.index_cast %swap3A_185 : i32 to index
      %swap3A_187 = arith.index_cast %mul3A_184 : i32 to index
      %swap3A_188 = tpu.vector_load %arg3[%swap3A_186, %swap3A_187] {strides = array<i32>} : memref<8x2048xf32, #tpu.memory_space<vmem>>, vector<1x16xf32>,
      %swap3A_189 = vector.shape_cast %swap3A_188 : vector<1x16xf32> to vector<16xf32>
      %swap3A_190 = vector.shape_cast %broadcast_in_dim3A_0 : vector<16xf32> to vector<1x16xf32>
      tpu.vector_store %arg3[%swap3A_186, %swap3A_187], %swap3A_190 {strides = array<i32>} : memref<8x2048xf32, #tpu.memory_space<vmem>>, vector<1x16xf32>,
    }
    %scan3A_39 = arith.constant 128 : i32
    %mul3A = arith.constant 2 : i32
    %mul3A_40 = arith.muli %arg1, %mul3A : i32
    %add3A = arith.addi %mul3A_40, %arg0 : i32
    %jit3A = arith.constant 2 : i32
    %div3A = arith.divsi %add3A, %jit3A : i32
    %sign3A = arith.constant 0 : i32
    %sign3A_41 = arith.cmpi sgt, %add3A, %sign3A : i32
    %sign3A_42 = arith.extui %sign3A_41 : i1 to i32
    %sign3A_43 = arith.constant 0 : i32
    %sign3A_44 = arith.cmpi slt, %add3A, %sign3A_43 : i32
    %sign3A_45 = arith.extui %sign3A_44 : i1 to i32
    %sign3A_46 = arith.subi %sign3A_42, %sign3A_45 : i32
    %sign3A_47 = arith.constant 0 : i32
    %sign3A_48 = arith.cmpi sgt, %jit3A, %sign3A_47 : i32
    %sign3A_49 = arith.extui %sign3A_48 : i1 to i32
    %sign3A_50 = arith.constant 0 : i32
    %sign3A_51 = arith.cmpi slt, %jit3A, %sign3A_50 : i32
    %sign3A_52 = arith.extui %sign3A_51 : i1 to i32
    %sign3A_53 = arith.subi %sign3A_49, %sign3A_52 : i32
    %ne3A = arith.cmpi ne, %sign3A_46, %sign3A_53 : i32
    %rem3A = arith.remsi %add3A, %jit3A : i32
    %ne3A_54 = arith.constant 0 : i32
    %ne3A_55 = arith.cmpi ne, %rem3A, %ne3A_54 : i32
    %and3A = arith.andi %ne3A, %ne3A_55 : i1
    %sub3A = arith.constant 1 : i32
    %sub3A_56 = arith.subi %div3A, %sub3A : i32
    %select_n3A = arith.select %and3A, %sub3A_56, %div3A : i32
    %mul3A_57 = arith.constant 8 : i32
    %mul3A_58 = arith.muli %select_n3A, %mul3A_57 : i32
    %multiple_of3A = tpu.assume_multiple %mul3A_58, 8 : i32
    %jit3A_59 = arith.constant 2 : i32
    %eq3A = arith.constant 0 : i32
    %eq3A_60 = arith.cmpi eq, %jit3A_59, %eq3A : i32
    %jit3A_61 = arith.constant 1 : i32
    %select_n3A_62 = arith.select %eq3A_60, %jit3A_61, %jit3A_59 : i32
    %rem3A_63 = arith.remsi %add3A, %select_n3A_62 : i32
    %ne3A_64 = arith.constant 0 : i32
    %ne3A_65 = arith.cmpi ne, %rem3A_63, %ne3A_64 : i32
    %lt3A = arith.constant 0 : i32
    %lt3A_66 = arith.cmpi slt, %rem3A_63, %lt3A : i32
    %lt3A_67 = arith.constant 0 : i32
    %lt3A_68 = arith.cmpi slt, %select_n3A_62, %lt3A_67 : i32
    %ne3A_69 = arith.xori %lt3A_66, %lt3A_68 : i1
    %and3A_70 = arith.andi %ne3A_69, %ne3A_65 : i1
    %add3A_71 = arith.addi %rem3A_63, %select_n3A_62 : i32
    %select_n3A_72 = arith.select %and3A_70, %add3A_71, %rem3A_63 : i32
    %mul3A_73 = arith.constant 16384 : i32
    %mul3A_74 = arith.muli %select_n3A_72, %mul3A_73 : i32
    %multiple_of3A_75 = tpu.assume_multiple %mul3A_74, 128 : i32
    %scan3A_76 = arith.constant 0 : i32
    %scan3A_77 = arith.constant 8 : i32
    %scan3A_78 = arith.addi %scan3A_76, %scan3A_77 : i32
    %scan3A_79 = arith.constant 1 : i32
    scf.for %scan3A_81 = %scan3A_76 to %scan3A_78 step %scan3A_79  : i32 {
      %mul3A_82 = arith.constant 1 : i32
      %mul3A_83 = arith.muli %scan3A_81, %mul3A_82 : i32
      %add3A_84 = arith.constant 0 : i32
      %add3A_85 = arith.addi %add3A_84, %mul3A_83 : i32
      %mul3A_86 = arith.constant 2048 : i32
      %mul3A_87 = arith.muli %add3A_85, %mul3A_86 : i32
      %add3A_88 = arith.addi %multiple_of3A_75, %mul3A_87 : i32
      %multiple_of3A_89 = tpu.assume_multiple %add3A_88, 128 : i32
      "tpu.region"() ({
        %run_scoped3A = tpu.sem_alloc : memref<!tpu.dma_semaphore, #tpu.memory_space<semaphore_mem>>
        %dma_start3A = tpu.memref_slice %arg2[%multiple_of3A, %multiple_of3A_89] : memref<128x32768xf32, #tpu.memory_space<hbm>> -> memref<8x2048xf32, #tpu.memory_space<hbm>>
        %dma_start3A_90 = tpu.memref_slice %arg2[%multiple_of3A, %multiple_of3A_89] : memref<128x32768xf32, #tpu.memory_space<hbm>> -> memref<8x2048xf32, #tpu.memory_space<hbm>>
        tpu.enqueue_dma source(%arg3 : memref<8x2048xf32, #tpu.memory_space<vmem>>) target(%dma_start3A_90 : memref<8x2048xf32, #tpu.memory_space<hbm>>) target_semaphore(%run_scoped3A : memref<!tpu.dma_semaphore, #tpu.memory_space<semaphore_mem>>)
        %dma_wait3A = tpu.memref_slice %arg2[%multiple_of3A, %multiple_of3A_89] : memref<128x32768xf32, #tpu.memory_space<hbm>> -> memref<8x2048xf32, #tpu.memory_space<hbm>>
        %dma_wait3A_91 = tpu.memref_slice %arg2[%multiple_of3A, %multiple_of3A_89] : memref<128x32768xf32, #tpu.memory_space<hbm>> -> memref<8x2048xf32, #tpu.memory_space<hbm>>
        tpu.wait_dma2 semaphore(%run_scoped3A : memref<!tpu.dma_semaphore, #tpu.memory_space<semaphore_mem>>) src(%arg3 : memref<8x2048xf32, #tpu.memory_space<vmem>>) dst(%dma_wait3A_91 : memref<8x2048xf32, #tpu.memory_space<hbm>>)
        tpu.yield
      }) : () -> ()
    }
    %scan3A_80 = arith.constant 8 : i32
    return
  }
}

#map = affine_map<(d0, d1) -> (0)>
#map1 = affine_map<(d0, d1) -> (0, 0)>
module attributes {stable_mosaic.version = 14 : i64} {
  func.func @new_body(%arg0: i32, %arg1: i32, %arg2: memref<128xi32, #tpu.memory_space<hbm>>, %arg3: memref<128x32768xf32, #tpu.memory_space<hbm>>, %arg4: memref<128x32768xf32, #tpu.memory_space<hbm>>, %arg5: memref<144xi32, #tpu.memory_space<vmem>>, %arg6: memref<8x128xf32, #tpu.memory_space<vmem>>) attributes {dimension_semantics = [#tpu.dimension_semantics<core_parallel>, #tpu.dimension_semantics<subcore_parallel>], iteration_bounds = array<i64: 2, 16>, scalar_prefetch = 0 : i64, scratch_operands = 2 : i64, tpu.core_type = #tpu.core_type<sc_vector_subcore>, window_params = [{transform_indices = #map}, {transform_indices = #map1}, {transform_indices = #map1}]} {
    "tpu.region"() ({
      %run_scoped3A = tpu.sem_alloc : memref<!tpu.dma_semaphore, #tpu.memory_space<semaphore_mem>>
      %dma_start3A = arith.constant 0 : i32
      %dma_start3A_387 = tpu.memref_slice %arg5[%dma_start3A] : memref<144xi32, #tpu.memory_space<vmem>> -> memref<128xi32, #tpu.memory_space<vmem>>
      %dma_start3A_388 = arith.constant 0 : i32
      %dma_start3A_389 = tpu.memref_slice %arg5[%dma_start3A_388] : memref<144xi32, #tpu.memory_space<vmem>> -> memref<128xi32, #tpu.memory_space<vmem>>
      tpu.enqueue_dma source(%arg2 : memref<128xi32, #tpu.memory_space<hbm>>) target(%dma_start3A_389 : memref<128xi32, #tpu.memory_space<vmem>>) target_semaphore(%run_scoped3A : memref<!tpu.dma_semaphore, #tpu.memory_space<semaphore_mem>>)
      %dma_wait3A = arith.constant 0 : i32
      %dma_wait3A_390 = tpu.memref_slice %arg5[%dma_wait3A] : memref<144xi32, #tpu.memory_space<vmem>> -> memref<128xi32, #tpu.memory_space<vmem>>
      %dma_wait3A_391 = arith.constant 0 : i32
      %dma_wait3A_392 = tpu.memref_slice %arg5[%dma_wait3A_391] : memref<144xi32, #tpu.memory_space<vmem>> -> memref<128xi32, #tpu.memory_space<vmem>>
      tpu.wait_dma2 semaphore(%run_scoped3A : memref<!tpu.dma_semaphore, #tpu.memory_space<semaphore_mem>>) src(%arg2 : memref<128xi32, #tpu.memory_space<hbm>>) dst(%dma_wait3A_392 : memref<128xi32, #tpu.memory_space<vmem>>)
      tpu.yield
    }) : () -> ()
    %mul3A = arith.constant 2 : i32
    %mul3A_0 = arith.muli %arg1, %mul3A : i32
    %add3A = arith.addi %mul3A_0, %arg0 : i32
    %broadcast_in_dim3A = arith.constant 0.000000e+00 : f32
    %broadcast_in_dim3A_1 = vector.broadcast %broadcast_in_dim3A : f32 to vector<16xf32>
    %swap3A = arith.constant 0 : i32
    %swap3A_2 = arith.index_cast %swap3A : i32 to index
    %swap3A_3 = arith.constant 0 : index
    %swap3A_4 = tpu.vector_load %arg6[%swap3A_2, %swap3A_3] {strides = array<i32>} : memref<8x128xf32, #tpu.memory_space<vmem>>, vector<1x16xf32>,
    %swap3A_5 = vector.shape_cast %swap3A_4 : vector<1x16xf32> to vector<16xf32>
    %swap3A_6 = vector.shape_cast %broadcast_in_dim3A_1 : vector<16xf32> to vector<1x16xf32>
    tpu.vector_store %arg6[%swap3A_2, %swap3A_3], %swap3A_6 {strides = array<i32>} : memref<8x128xf32, #tpu.memory_space<vmem>>, vector<1x16xf32>,
    %swap3A_7 = arith.constant 0 : i32
    %swap3A_8 = arith.index_cast %swap3A_7 : i32 to index
    %swap3A_9 = arith.constant 16 : index
    %swap3A_10 = tpu.vector_load %arg6[%swap3A_8, %swap3A_9] {strides = array<i32>} : memref<8x128xf32, #tpu.memory_space<vmem>>, vector<1x16xf32>,
    %swap3A_11 = vector.shape_cast %swap3A_10 : vector<1x16xf32> to vector<16xf32>
    %swap3A_12 = vector.shape_cast %broadcast_in_dim3A_1 : vector<16xf32> to vector<1x16xf32>
    tpu.vector_store %arg6[%swap3A_8, %swap3A_9], %swap3A_12 {strides = array<i32>} : memref<8x128xf32, #tpu.memory_space<vmem>>, vector<1x16xf32>,
    %swap3A_13 = arith.constant 0 : i32
    %swap3A_14 = arith.index_cast %swap3A_13 : i32 to index
    %swap3A_15 = arith.constant 32 : index
    %swap3A_16 = tpu.vector_load %arg6[%swap3A_14, %swap3A_15] {strides = array<i32>} : memref<8x128xf32, #tpu.memory_space<vmem>>, vector<1x16xf32>,
    %swap3A_17 = vector.shape_cast %swap3A_16 : vector<1x16xf32> to vector<16xf32>
    %swap3A_18 = vector.shape_cast %broadcast_in_dim3A_1 : vector<16xf32> to vector<1x16xf32>
    tpu.vector_store %arg6[%swap3A_14, %swap3A_15], %swap3A_18 {strides = array<i32>} : memref<8x128xf32, #tpu.memory_space<vmem>>, vector<1x16xf32>,
    %swap3A_19 = arith.constant 0 : i32
    %swap3A_20 = arith.index_cast %swap3A_19 : i32 to index
    %swap3A_21 = arith.constant 48 : index
    %swap3A_22 = tpu.vector_load %arg6[%swap3A_20, %swap3A_21] {strides = array<i32>} : memref<8x128xf32, #tpu.memory_space<vmem>>, vector<1x16xf32>,
    %swap3A_23 = vector.shape_cast %swap3A_22 : vector<1x16xf32> to vector<16xf32>
    %swap3A_24 = vector.shape_cast %broadcast_in_dim3A_1 : vector<16xf32> to vector<1x16xf32>
    tpu.vector_store %arg6[%swap3A_20, %swap3A_21], %swap3A_24 {strides = array<i32>} : memref<8x128xf32, #tpu.memory_space<vmem>>, vector<1x16xf32>,
    %swap3A_25 = arith.constant 0 : i32
    %swap3A_26 = arith.index_cast %swap3A_25 : i32 to index
    %swap3A_27 = arith.constant 64 : index
    %swap3A_28 = tpu.vector_load %arg6[%swap3A_26, %swap3A_27] {strides = array<i32>} : memref<8x128xf32, #tpu.memory_space<vmem>>, vector<1x16xf32>,
    %swap3A_29 = vector.shape_cast %swap3A_28 : vector<1x16xf32> to vector<16xf32>
    %swap3A_30 = vector.shape_cast %broadcast_in_dim3A_1 : vector<16xf32> to vector<1x16xf32>
    tpu.vector_store %arg6[%swap3A_26, %swap3A_27], %swap3A_30 {strides = array<i32>} : memref<8x128xf32, #tpu.memory_space<vmem>>, vector<1x16xf32>,
    %swap3A_31 = arith.constant 0 : i32
    %swap3A_32 = arith.index_cast %swap3A_31 : i32 to index
    %swap3A_33 = arith.constant 80 : index
    %swap3A_34 = tpu.vector_load %arg6[%swap3A_32, %swap3A_33] {strides = array<i32>} : memref<8x128xf32, #tpu.memory_space<vmem>>, vector<1x16xf32>,
    %swap3A_35 = vector.shape_cast %swap3A_34 : vector<1x16xf32> to vector<16xf32>
    %swap3A_36 = vector.shape_cast %broadcast_in_dim3A_1 : vector<16xf32> to vector<1x16xf32>
    tpu.vector_store %arg6[%swap3A_32, %swap3A_33], %swap3A_36 {strides = array<i32>} : memref<8x128xf32, #tpu.memory_space<vmem>>, vector<1x16xf32>,
    %swap3A_37 = arith.constant 0 : i32
    %swap3A_38 = arith.index_cast %swap3A_37 : i32 to index
    %swap3A_39 = arith.constant 96 : index
    %swap3A_40 = tpu.vector_load %arg6[%swap3A_38, %swap3A_39] {strides = array<i32>} : memref<8x128xf32, #tpu.memory_space<vmem>>, vector<1x16xf32>,
    %swap3A_41 = vector.shape_cast %swap3A_40 : vector<1x16xf32> to vector<16xf32>
    %swap3A_42 = vector.shape_cast %broadcast_in_dim3A_1 : vector<16xf32> to vector<1x16xf32>
    tpu.vector_store %arg6[%swap3A_38, %swap3A_39], %swap3A_42 {strides = array<i32>} : memref<8x128xf32, #tpu.memory_space<vmem>>, vector<1x16xf32>,
    %swap3A_43 = arith.constant 0 : i32
    %swap3A_44 = arith.index_cast %swap3A_43 : i32 to index
    %swap3A_45 = arith.constant 112 : index
    %swap3A_46 = tpu.vector_load %arg6[%swap3A_44, %swap3A_45] {strides = array<i32>} : memref<8x128xf32, #tpu.memory_space<vmem>>, vector<1x16xf32>,
    %swap3A_47 = vector.shape_cast %swap3A_46 : vector<1x16xf32> to vector<16xf32>
    %swap3A_48 = vector.shape_cast %broadcast_in_dim3A_1 : vector<16xf32> to vector<1x16xf32>
    tpu.vector_store %arg6[%swap3A_44, %swap3A_45], %swap3A_48 {strides = array<i32>} : memref<8x128xf32, #tpu.memory_space<vmem>>, vector<1x16xf32>,
    %swap3A_49 = arith.constant 1 : i32
    %swap3A_50 = arith.index_cast %swap3A_49 : i32 to index
    %swap3A_51 = arith.constant 0 : index
    %swap3A_52 = tpu.vector_load %arg6[%swap3A_50, %swap3A_51] {strides = array<i32>} : memref<8x128xf32, #tpu.memory_space<vmem>>, vector<1x16xf32>,
    %swap3A_53 = vector.shape_cast %swap3A_52 : vector<1x16xf32> to vector<16xf32>
    %swap3A_54 = vector.shape_cast %broadcast_in_dim3A_1 : vector<16xf32> to vector<1x16xf32>
    tpu.vector_store %arg6[%swap3A_50, %swap3A_51], %swap3A_54 {strides = array<i32>} : memref<8x128xf32, #tpu.memory_space<vmem>>, vector<1x16xf32>,
    %swap3A_55 = arith.constant 1 : i32
    %swap3A_56 = arith.index_cast %swap3A_55 : i32 to index
    %swap3A_57 = arith.constant 16 : index
    %swap3A_58 = tpu.vector_load %arg6[%swap3A_56, %swap3A_57] {strides = array<i32>} : memref<8x128xf32, #tpu.memory_space<vmem>>, vector<1x16xf32>,
    %swap3A_59 = vector.shape_cast %swap3A_58 : vector<1x16xf32> to vector<16xf32>
    %swap3A_60 = vector.shape_cast %broadcast_in_dim3A_1 : vector<16xf32> to vector<1x16xf32>
    tpu.vector_store %arg6[%swap3A_56, %swap3A_57], %swap3A_60 {strides = array<i32>} : memref<8x128xf32, #tpu.memory_space<vmem>>, vector<1x16xf32>,
    %swap3A_61 = arith.constant 1 : i32
    %swap3A_62 = arith.index_cast %swap3A_61 : i32 to index
    %swap3A_63 = arith.constant 32 : index
    %swap3A_64 = tpu.vector_load %arg6[%swap3A_62, %swap3A_63] {strides = array<i32>} : memref<8x128xf32, #tpu.memory_space<vmem>>, vector<1x16xf32>,
    %swap3A_65 = vector.shape_cast %swap3A_64 : vector<1x16xf32> to vector<16xf32>
    %swap3A_66 = vector.shape_cast %broadcast_in_dim3A_1 : vector<16xf32> to vector<1x16xf32>
    tpu.vector_store %arg6[%swap3A_62, %swap3A_63], %swap3A_66 {strides = array<i32>} : memref<8x128xf32, #tpu.memory_space<vmem>>, vector<1x16xf32>,
    %swap3A_67 = arith.constant 1 : i32
    %swap3A_68 = arith.index_cast %swap3A_67 : i32 to index
    %swap3A_69 = arith.constant 48 : index
    %swap3A_70 = tpu.vector_load %arg6[%swap3A_68, %swap3A_69] {strides = array<i32>} : memref<8x128xf32, #tpu.memory_space<vmem>>, vector<1x16xf32>,
    %swap3A_71 = vector.shape_cast %swap3A_70 : vector<1x16xf32> to vector<16xf32>
    %swap3A_72 = vector.shape_cast %broadcast_in_dim3A_1 : vector<16xf32> to vector<1x16xf32>
    tpu.vector_store %arg6[%swap3A_68, %swap3A_69], %swap3A_72 {strides = array<i32>} : memref<8x128xf32, #tpu.memory_space<vmem>>, vector<1x16xf32>,
    %swap3A_73 = arith.constant 1 : i32
    %swap3A_74 = arith.index_cast %swap3A_73 : i32 to index
    %swap3A_75 = arith.constant 64 : index
    %swap3A_76 = tpu.vector_load %arg6[%swap3A_74, %swap3A_75] {strides = array<i32>} : memref<8x128xf32, #tpu.memory_space<vmem>>, vector<1x16xf32>,
    %swap3A_77 = vector.shape_cast %swap3A_76 : vector<1x16xf32> to vector<16xf32>
    %swap3A_78 = vector.shape_cast %broadcast_in_dim3A_1 : vector<16xf32> to vector<1x16xf32>
    tpu.vector_store %arg6[%swap3A_74, %swap3A_75], %swap3A_78 {strides = array<i32>} : memref<8x128xf32, #tpu.memory_space<vmem>>, vector<1x16xf32>,
    %swap3A_79 = arith.constant 1 : i32
    %swap3A_80 = arith.index_cast %swap3A_79 : i32 to index
    %swap3A_81 = arith.constant 80 : index
    %swap3A_82 = tpu.vector_load %arg6[%swap3A_80, %swap3A_81] {strides = array<i32>} : memref<8x128xf32, #tpu.memory_space<vmem>>, vector<1x16xf32>,
    %swap3A_83 = vector.shape_cast %swap3A_82 : vector<1x16xf32> to vector<16xf32>
    %swap3A_84 = vector.shape_cast %broadcast_in_dim3A_1 : vector<16xf32> to vector<1x16xf32>
    tpu.vector_store %arg6[%swap3A_80, %swap3A_81], %swap3A_84 {strides = array<i32>} : memref<8x128xf32, #tpu.memory_space<vmem>>, vector<1x16xf32>,
    %swap3A_85 = arith.constant 1 : i32
    %swap3A_86 = arith.index_cast %swap3A_85 : i32 to index
    %swap3A_87 = arith.constant 96 : index
    %swap3A_88 = tpu.vector_load %arg6[%swap3A_86, %swap3A_87] {strides = array<i32>} : memref<8x128xf32, #tpu.memory_space<vmem>>, vector<1x16xf32>,
    %swap3A_89 = vector.shape_cast %swap3A_88 : vector<1x16xf32> to vector<16xf32>
    %swap3A_90 = vector.shape_cast %broadcast_in_dim3A_1 : vector<16xf32> to vector<1x16xf32>
    tpu.vector_store %arg6[%swap3A_86, %swap3A_87], %swap3A_90 {strides = array<i32>} : memref<8x128xf32, #tpu.memory_space<vmem>>, vector<1x16xf32>,
    %swap3A_91 = arith.constant 1 : i32
    %swap3A_92 = arith.index_cast %swap3A_91 : i32 to index
    %swap3A_93 = arith.constant 112 : index
    %swap3A_94 = tpu.vector_load %arg6[%swap3A_92, %swap3A_93] {strides = array<i32>} : memref<8x128xf32, #tpu.memory_space<vmem>>, vector<1x16xf32>,
    %swap3A_95 = vector.shape_cast %swap3A_94 : vector<1x16xf32> to vector<16xf32>
    %swap3A_96 = vector.shape_cast %broadcast_in_dim3A_1 : vector<16xf32> to vector<1x16xf32>
    tpu.vector_store %arg6[%swap3A_92, %swap3A_93], %swap3A_96 {strides = array<i32>} : memref<8x128xf32, #tpu.memory_space<vmem>>, vector<1x16xf32>,
    %swap3A_97 = arith.constant 2 : i32
    %swap3A_98 = arith.index_cast %swap3A_97 : i32 to index
    %swap3A_99 = arith.constant 0 : index
    %swap3A_100 = tpu.vector_load %arg6[%swap3A_98, %swap3A_99] {strides = array<i32>} : memref<8x128xf32, #tpu.memory_space<vmem>>, vector<1x16xf32>,
    %swap3A_101 = vector.shape_cast %swap3A_100 : vector<1x16xf32> to vector<16xf32>
    %swap3A_102 = vector.shape_cast %broadcast_in_dim3A_1 : vector<16xf32> to vector<1x16xf32>
    tpu.vector_store %arg6[%swap3A_98, %swap3A_99], %swap3A_102 {strides = array<i32>} : memref<8x128xf32, #tpu.memory_space<vmem>>, vector<1x16xf32>,
    %swap3A_103 = arith.constant 2 : i32
    %swap3A_104 = arith.index_cast %swap3A_103 : i32 to index
    %swap3A_105 = arith.constant 16 : index
    %swap3A_106 = tpu.vector_load %arg6[%swap3A_104, %swap3A_105] {strides = array<i32>} : memref<8x128xf32, #tpu.memory_space<vmem>>, vector<1x16xf32>,
    %swap3A_107 = vector.shape_cast %swap3A_106 : vector<1x16xf32> to vector<16xf32>
    %swap3A_108 = vector.shape_cast %broadcast_in_dim3A_1 : vector<16xf32> to vector<1x16xf32>
    tpu.vector_store %arg6[%swap3A_104, %swap3A_105], %swap3A_108 {strides = array<i32>} : memref<8x128xf32, #tpu.memory_space<vmem>>, vector<1x16xf32>,
    %swap3A_109 = arith.constant 2 : i32
    %swap3A_110 = arith.index_cast %swap3A_109 : i32 to index
    %swap3A_111 = arith.constant 32 : index
    %swap3A_112 = tpu.vector_load %arg6[%swap3A_110, %swap3A_111] {strides = array<i32>} : memref<8x128xf32, #tpu.memory_space<vmem>>, vector<1x16xf32>,
    %swap3A_113 = vector.shape_cast %swap3A_112 : vector<1x16xf32> to vector<16xf32>
    %swap3A_114 = vector.shape_cast %broadcast_in_dim3A_1 : vector<16xf32> to vector<1x16xf32>
    tpu.vector_store %arg6[%swap3A_110, %swap3A_111], %swap3A_114 {strides = array<i32>} : memref<8x128xf32, #tpu.memory_space<vmem>>, vector<1x16xf32>,
    %swap3A_115 = arith.constant 2 : i32
    %swap3A_116 = arith.index_cast %swap3A_115 : i32 to index
    %swap3A_117 = arith.constant 48 : index
    %swap3A_118 = tpu.vector_load %arg6[%swap3A_116, %swap3A_117] {strides = array<i32>} : memref<8x128xf32, #tpu.memory_space<vmem>>, vector<1x16xf32>,
    %swap3A_119 = vector.shape_cast %swap3A_118 : vector<1x16xf32> to vector<16xf32>
    %swap3A_120 = vector.shape_cast %broadcast_in_dim3A_1 : vector<16xf32> to vector<1x16xf32>
    tpu.vector_store %arg6[%swap3A_116, %swap3A_117], %swap3A_120 {strides = array<i32>} : memref<8x128xf32, #tpu.memory_space<vmem>>, vector<1x16xf32>,
    %swap3A_121 = arith.constant 2 : i32
    %swap3A_122 = arith.index_cast %swap3A_121 : i32 to index
    %swap3A_123 = arith.constant 64 : index
    %swap3A_124 = tpu.vector_load %arg6[%swap3A_122, %swap3A_123] {strides = array<i32>} : memref<8x128xf32, #tpu.memory_space<vmem>>, vector<1x16xf32>,
    %swap3A_125 = vector.shape_cast %swap3A_124 : vector<1x16xf32> to vector<16xf32>
    %swap3A_126 = vector.shape_cast %broadcast_in_dim3A_1 : vector<16xf32> to vector<1x16xf32>
    tpu.vector_store %arg6[%swap3A_122, %swap3A_123], %swap3A_126 {strides = array<i32>} : memref<8x128xf32, #tpu.memory_space<vmem>>, vector<1x16xf32>,
    %swap3A_127 = arith.constant 2 : i32
    %swap3A_128 = arith.index_cast %swap3A_127 : i32 to index
    %swap3A_129 = arith.constant 80 : index
    %swap3A_130 = tpu.vector_load %arg6[%swap3A_128, %swap3A_129] {strides = array<i32>} : memref<8x128xf32, #tpu.memory_space<vmem>>, vector<1x16xf32>,
    %swap3A_131 = vector.shape_cast %swap3A_130 : vector<1x16xf32> to vector<16xf32>
    %swap3A_132 = vector.shape_cast %broadcast_in_dim3A_1 : vector<16xf32> to vector<1x16xf32>
    tpu.vector_store %arg6[%swap3A_128, %swap3A_129], %swap3A_132 {strides = array<i32>} : memref<8x128xf32, #tpu.memory_space<vmem>>, vector<1x16xf32>,
    %swap3A_133 = arith.constant 2 : i32
    %swap3A_134 = arith.index_cast %swap3A_133 : i32 to index
    %swap3A_135 = arith.constant 96 : index
    %swap3A_136 = tpu.vector_load %arg6[%swap3A_134, %swap3A_135] {strides = array<i32>} : memref<8x128xf32, #tpu.memory_space<vmem>>, vector<1x16xf32>,
    %swap3A_137 = vector.shape_cast %swap3A_136 : vector<1x16xf32> to vector<16xf32>
    %swap3A_138 = vector.shape_cast %broadcast_in_dim3A_1 : vector<16xf32> to vector<1x16xf32>
    tpu.vector_store %arg6[%swap3A_134, %swap3A_135], %swap3A_138 {strides = array<i32>} : memref<8x128xf32, #tpu.memory_space<vmem>>, vector<1x16xf32>,
    %swap3A_139 = arith.constant 2 : i32
    %swap3A_140 = arith.index_cast %swap3A_139 : i32 to index
    %swap3A_141 = arith.constant 112 : index
    %swap3A_142 = tpu.vector_load %arg6[%swap3A_140, %swap3A_141] {strides = array<i32>} : memref<8x128xf32, #tpu.memory_space<vmem>>, vector<1x16xf32>,
    %swap3A_143 = vector.shape_cast %swap3A_142 : vector<1x16xf32> to vector<16xf32>
    %swap3A_144 = vector.shape_cast %broadcast_in_dim3A_1 : vector<16xf32> to vector<1x16xf32>
    tpu.vector_store %arg6[%swap3A_140, %swap3A_141], %swap3A_144 {strides = array<i32>} : memref<8x128xf32, #tpu.memory_space<vmem>>, vector<1x16xf32>,
    %swap3A_145 = arith.constant 3 : i32
    %swap3A_146 = arith.index_cast %swap3A_145 : i32 to index
    %swap3A_147 = arith.constant 0 : index
    %swap3A_148 = tpu.vector_load %arg6[%swap3A_146, %swap3A_147] {strides = array<i32>} : memref<8x128xf32, #tpu.memory_space<vmem>>, vector<1x16xf32>,
    %swap3A_149 = vector.shape_cast %swap3A_148 : vector<1x16xf32> to vector<16xf32>
    %swap3A_150 = vector.shape_cast %broadcast_in_dim3A_1 : vector<16xf32> to vector<1x16xf32>
    tpu.vector_store %arg6[%swap3A_146, %swap3A_147], %swap3A_150 {strides = array<i32>} : memref<8x128xf32, #tpu.memory_space<vmem>>, vector<1x16xf32>,
    %swap3A_151 = arith.constant 3 : i32
    %swap3A_152 = arith.index_cast %swap3A_151 : i32 to index
    %swap3A_153 = arith.constant 16 : index
    %swap3A_154 = tpu.vector_load %arg6[%swap3A_152, %swap3A_153] {strides = array<i32>} : memref<8x128xf32, #tpu.memory_space<vmem>>, vector<1x16xf32>,
    %swap3A_155 = vector.shape_cast %swap3A_154 : vector<1x16xf32> to vector<16xf32>
    %swap3A_156 = vector.shape_cast %broadcast_in_dim3A_1 : vector<16xf32> to vector<1x16xf32>
    tpu.vector_store %arg6[%swap3A_152, %swap3A_153], %swap3A_156 {strides = array<i32>} : memref<8x128xf32, #tpu.memory_space<vmem>>, vector<1x16xf32>,
    %swap3A_157 = arith.constant 3 : i32
    %swap3A_158 = arith.index_cast %swap3A_157 : i32 to index
    %swap3A_159 = arith.constant 32 : index
    %swap3A_160 = tpu.vector_load %arg6[%swap3A_158, %swap3A_159] {strides = array<i32>} : memref<8x128xf32, #tpu.memory_space<vmem>>, vector<1x16xf32>,
    %swap3A_161 = vector.shape_cast %swap3A_160 : vector<1x16xf32> to vector<16xf32>
    %swap3A_162 = vector.shape_cast %broadcast_in_dim3A_1 : vector<16xf32> to vector<1x16xf32>
    tpu.vector_store %arg6[%swap3A_158, %swap3A_159], %swap3A_162 {strides = array<i32>} : memref<8x128xf32, #tpu.memory_space<vmem>>, vector<1x16xf32>,
    %swap3A_163 = arith.constant 3 : i32
    %swap3A_164 = arith.index_cast %swap3A_163 : i32 to index
    %swap3A_165 = arith.constant 48 : index
    %swap3A_166 = tpu.vector_load %arg6[%swap3A_164, %swap3A_165] {strides = array<i32>} : memref<8x128xf32, #tpu.memory_space<vmem>>, vector<1x16xf32>,
    %swap3A_167 = vector.shape_cast %swap3A_166 : vector<1x16xf32> to vector<16xf32>
    %swap3A_168 = vector.shape_cast %broadcast_in_dim3A_1 : vector<16xf32> to vector<1x16xf32>
    tpu.vector_store %arg6[%swap3A_164, %swap3A_165], %swap3A_168 {strides = array<i32>} : memref<8x128xf32, #tpu.memory_space<vmem>>, vector<1x16xf32>,
    %swap3A_169 = arith.constant 3 : i32
    %swap3A_170 = arith.index_cast %swap3A_169 : i32 to index
    %swap3A_171 = arith.constant 64 : index
    %swap3A_172 = tpu.vector_load %arg6[%swap3A_170, %swap3A_171] {strides = array<i32>} : memref<8x128xf32, #tpu.memory_space<vmem>>, vector<1x16xf32>,
    %swap3A_173 = vector.shape_cast %swap3A_172 : vector<1x16xf32> to vector<16xf32>
    %swap3A_174 = vector.shape_cast %broadcast_in_dim3A_1 : vector<16xf32> to vector<1x16xf32>
    tpu.vector_store %arg6[%swap3A_170, %swap3A_171], %swap3A_174 {strides = array<i32>} : memref<8x128xf32, #tpu.memory_space<vmem>>, vector<1x16xf32>,
    %swap3A_175 = arith.constant 3 : i32
    %swap3A_176 = arith.index_cast %swap3A_175 : i32 to index
    %swap3A_177 = arith.constant 80 : index
    %swap3A_178 = tpu.vector_load %arg6[%swap3A_176, %swap3A_177] {strides = array<i32>} : memref<8x128xf32, #tpu.memory_space<vmem>>, vector<1x16xf32>,
    %swap3A_179 = vector.shape_cast %swap3A_178 : vector<1x16xf32> to vector<16xf32>
    %swap3A_180 = vector.shape_cast %broadcast_in_dim3A_1 : vector<16xf32> to vector<1x16xf32>
    tpu.vector_store %arg6[%swap3A_176, %swap3A_177], %swap3A_180 {strides = array<i32>} : memref<8x128xf32, #tpu.memory_space<vmem>>, vector<1x16xf32>,
    %swap3A_181 = arith.constant 3 : i32
    %swap3A_182 = arith.index_cast %swap3A_181 : i32 to index
    %swap3A_183 = arith.constant 96 : index
    %swap3A_184 = tpu.vector_load %arg6[%swap3A_182, %swap3A_183] {strides = array<i32>} : memref<8x128xf32, #tpu.memory_space<vmem>>, vector<1x16xf32>,
    %swap3A_185 = vector.shape_cast %swap3A_184 : vector<1x16xf32> to vector<16xf32>
    %swap3A_186 = vector.shape_cast %broadcast_in_dim3A_1 : vector<16xf32> to vector<1x16xf32>
    tpu.vector_store %arg6[%swap3A_182, %swap3A_183], %swap3A_186 {strides = array<i32>} : memref<8x128xf32, #tpu.memory_space<vmem>>, vector<1x16xf32>,
    %swap3A_187 = arith.constant 3 : i32
    %swap3A_188 = arith.index_cast %swap3A_187 : i32 to index
    %swap3A_189 = arith.constant 112 : index
    %swap3A_190 = tpu.vector_load %arg6[%swap3A_188, %swap3A_189] {strides = array<i32>} : memref<8x128xf32, #tpu.memory_space<vmem>>, vector<1x16xf32>,
    %swap3A_191 = vector.shape_cast %swap3A_190 : vector<1x16xf32> to vector<16xf32>
    %swap3A_192 = vector.shape_cast %broadcast_in_dim3A_1 : vector<16xf32> to vector<1x16xf32>
    tpu.vector_store %arg6[%swap3A_188, %swap3A_189], %swap3A_192 {strides = array<i32>} : memref<8x128xf32, #tpu.memory_space<vmem>>, vector<1x16xf32>,
    %swap3A_193 = arith.constant 4 : i32
    %swap3A_194 = arith.index_cast %swap3A_193 : i32 to index
    %swap3A_195 = arith.constant 0 : index
    %swap3A_196 = tpu.vector_load %arg6[%swap3A_194, %swap3A_195] {strides = array<i32>} : memref<8x128xf32, #tpu.memory_space<vmem>>, vector<1x16xf32>,
    %swap3A_197 = vector.shape_cast %swap3A_196 : vector<1x16xf32> to vector<16xf32>
    %swap3A_198 = vector.shape_cast %broadcast_in_dim3A_1 : vector<16xf32> to vector<1x16xf32>
    tpu.vector_store %arg6[%swap3A_194, %swap3A_195], %swap3A_198 {strides = array<i32>} : memref<8x128xf32, #tpu.memory_space<vmem>>, vector<1x16xf32>,
    %swap3A_199 = arith.constant 4 : i32
    %swap3A_200 = arith.index_cast %swap3A_199 : i32 to index
    %swap3A_201 = arith.constant 16 : index
    %swap3A_202 = tpu.vector_load %arg6[%swap3A_200, %swap3A_201] {strides = array<i32>} : memref<8x128xf32, #tpu.memory_space<vmem>>, vector<1x16xf32>,
    %swap3A_203 = vector.shape_cast %swap3A_202 : vector<1x16xf32> to vector<16xf32>
    %swap3A_204 = vector.shape_cast %broadcast_in_dim3A_1 : vector<16xf32> to vector<1x16xf32>
    tpu.vector_store %arg6[%swap3A_200, %swap3A_201], %swap3A_204 {strides = array<i32>} : memref<8x128xf32, #tpu.memory_space<vmem>>, vector<1x16xf32>,
    %swap3A_205 = arith.constant 4 : i32
    %swap3A_206 = arith.index_cast %swap3A_205 : i32 to index
    %swap3A_207 = arith.constant 32 : index
    %swap3A_208 = tpu.vector_load %arg6[%swap3A_206, %swap3A_207] {strides = array<i32>} : memref<8x128xf32, #tpu.memory_space<vmem>>, vector<1x16xf32>,
    %swap3A_209 = vector.shape_cast %swap3A_208 : vector<1x16xf32> to vector<16xf32>
    %swap3A_210 = vector.shape_cast %broadcast_in_dim3A_1 : vector<16xf32> to vector<1x16xf32>
    tpu.vector_store %arg6[%swap3A_206, %swap3A_207], %swap3A_210 {strides = array<i32>} : memref<8x128xf32, #tpu.memory_space<vmem>>, vector<1x16xf32>,
    %swap3A_211 = arith.constant 4 : i32
    %swap3A_212 = arith.index_cast %swap3A_211 : i32 to index
    %swap3A_213 = arith.constant 48 : index
    %swap3A_214 = tpu.vector_load %arg6[%swap3A_212, %swap3A_213] {strides = array<i32>} : memref<8x128xf32, #tpu.memory_space<vmem>>, vector<1x16xf32>,
    %swap3A_215 = vector.shape_cast %swap3A_214 : vector<1x16xf32> to vector<16xf32>
    %swap3A_216 = vector.shape_cast %broadcast_in_dim3A_1 : vector<16xf32> to vector<1x16xf32>
    tpu.vector_store %arg6[%swap3A_212, %swap3A_213], %swap3A_216 {strides = array<i32>} : memref<8x128xf32, #tpu.memory_space<vmem>>, vector<1x16xf32>,
    %swap3A_217 = arith.constant 4 : i32
    %swap3A_218 = arith.index_cast %swap3A_217 : i32 to index
    %swap3A_219 = arith.constant 64 : index
    %swap3A_220 = tpu.vector_load %arg6[%swap3A_218, %swap3A_219] {strides = array<i32>} : memref<8x128xf32, #tpu.memory_space<vmem>>, vector<1x16xf32>,
    %swap3A_221 = vector.shape_cast %swap3A_220 : vector<1x16xf32> to vector<16xf32>
    %swap3A_222 = vector.shape_cast %broadcast_in_dim3A_1 : vector<16xf32> to vector<1x16xf32>
    tpu.vector_store %arg6[%swap3A_218, %swap3A_219], %swap3A_222 {strides = array<i32>} : memref<8x128xf32, #tpu.memory_space<vmem>>, vector<1x16xf32>,
    %swap3A_223 = arith.constant 4 : i32
    %swap3A_224 = arith.index_cast %swap3A_223 : i32 to index
    %swap3A_225 = arith.constant 80 : index
    %swap3A_226 = tpu.vector_load %arg6[%swap3A_224, %swap3A_225] {strides = array<i32>} : memref<8x128xf32, #tpu.memory_space<vmem>>, vector<1x16xf32>,
    %swap3A_227 = vector.shape_cast %swap3A_226 : vector<1x16xf32> to vector<16xf32>
    %swap3A_228 = vector.shape_cast %broadcast_in_dim3A_1 : vector<16xf32> to vector<1x16xf32>
    tpu.vector_store %arg6[%swap3A_224, %swap3A_225], %swap3A_228 {strides = array<i32>} : memref<8x128xf32, #tpu.memory_space<vmem>>, vector<1x16xf32>,
    %swap3A_229 = arith.constant 4 : i32
    %swap3A_230 = arith.index_cast %swap3A_229 : i32 to index
    %swap3A_231 = arith.constant 96 : index
    %swap3A_232 = tpu.vector_load %arg6[%swap3A_230, %swap3A_231] {strides = array<i32>} : memref<8x128xf32, #tpu.memory_space<vmem>>, vector<1x16xf32>,
    %swap3A_233 = vector.shape_cast %swap3A_232 : vector<1x16xf32> to vector<16xf32>
    %swap3A_234 = vector.shape_cast %broadcast_in_dim3A_1 : vector<16xf32> to vector<1x16xf32>
    tpu.vector_store %arg6[%swap3A_230, %swap3A_231], %swap3A_234 {strides = array<i32>} : memref<8x128xf32, #tpu.memory_space<vmem>>, vector<1x16xf32>,
    %swap3A_235 = arith.constant 4 : i32
    %swap3A_236 = arith.index_cast %swap3A_235 : i32 to index
    %swap3A_237 = arith.constant 112 : index
    %swap3A_238 = tpu.vector_load %arg6[%swap3A_236, %swap3A_237] {strides = array<i32>} : memref<8x128xf32, #tpu.memory_space<vmem>>, vector<1x16xf32>,
    %swap3A_239 = vector.shape_cast %swap3A_238 : vector<1x16xf32> to vector<16xf32>
    %swap3A_240 = vector.shape_cast %broadcast_in_dim3A_1 : vector<16xf32> to vector<1x16xf32>
    tpu.vector_store %arg6[%swap3A_236, %swap3A_237], %swap3A_240 {strides = array<i32>} : memref<8x128xf32, #tpu.memory_space<vmem>>, vector<1x16xf32>,
    %swap3A_241 = arith.constant 5 : i32
    %swap3A_242 = arith.index_cast %swap3A_241 : i32 to index
    %swap3A_243 = arith.constant 0 : index
    %swap3A_244 = tpu.vector_load %arg6[%swap3A_242, %swap3A_243] {strides = array<i32>} : memref<8x128xf32, #tpu.memory_space<vmem>>, vector<1x16xf32>,
    %swap3A_245 = vector.shape_cast %swap3A_244 : vector<1x16xf32> to vector<16xf32>
    %swap3A_246 = vector.shape_cast %broadcast_in_dim3A_1 : vector<16xf32> to vector<1x16xf32>
    tpu.vector_store %arg6[%swap3A_242, %swap3A_243], %swap3A_246 {strides = array<i32>} : memref<8x128xf32, #tpu.memory_space<vmem>>, vector<1x16xf32>,
    %swap3A_247 = arith.constant 5 : i32
    %swap3A_248 = arith.index_cast %swap3A_247 : i32 to index
    %swap3A_249 = arith.constant 16 : index
    %swap3A_250 = tpu.vector_load %arg6[%swap3A_248, %swap3A_249] {strides = array<i32>} : memref<8x128xf32, #tpu.memory_space<vmem>>, vector<1x16xf32>,
    %swap3A_251 = vector.shape_cast %swap3A_250 : vector<1x16xf32> to vector<16xf32>
    %swap3A_252 = vector.shape_cast %broadcast_in_dim3A_1 : vector<16xf32> to vector<1x16xf32>
    tpu.vector_store %arg6[%swap3A_248, %swap3A_249], %swap3A_252 {strides = array<i32>} : memref<8x128xf32, #tpu.memory_space<vmem>>, vector<1x16xf32>,
    %swap3A_253 = arith.constant 5 : i32
    %swap3A_254 = arith.index_cast %swap3A_253 : i32 to index
    %swap3A_255 = arith.constant 32 : index
    %swap3A_256 = tpu.vector_load %arg6[%swap3A_254, %swap3A_255] {strides = array<i32>} : memref<8x128xf32, #tpu.memory_space<vmem>>, vector<1x16xf32>,
    %swap3A_257 = vector.shape_cast %swap3A_256 : vector<1x16xf32> to vector<16xf32>
    %swap3A_258 = vector.shape_cast %broadcast_in_dim3A_1 : vector<16xf32> to vector<1x16xf32>
    tpu.vector_store %arg6[%swap3A_254, %swap3A_255], %swap3A_258 {strides = array<i32>} : memref<8x128xf32, #tpu.memory_space<vmem>>, vector<1x16xf32>,
    %swap3A_259 = arith.constant 5 : i32
    %swap3A_260 = arith.index_cast %swap3A_259 : i32 to index
    %swap3A_261 = arith.constant 48 : index
    %swap3A_262 = tpu.vector_load %arg6[%swap3A_260, %swap3A_261] {strides = array<i32>} : memref<8x128xf32, #tpu.memory_space<vmem>>, vector<1x16xf32>,
    %swap3A_263 = vector.shape_cast %swap3A_262 : vector<1x16xf32> to vector<16xf32>
    %swap3A_264 = vector.shape_cast %broadcast_in_dim3A_1 : vector<16xf32> to vector<1x16xf32>
    tpu.vector_store %arg6[%swap3A_260, %swap3A_261], %swap3A_264 {strides = array<i32>} : memref<8x128xf32, #tpu.memory_space<vmem>>, vector<1x16xf32>,
    %swap3A_265 = arith.constant 5 : i32
    %swap3A_266 = arith.index_cast %swap3A_265 : i32 to index
    %swap3A_267 = arith.constant 64 : index
    %swap3A_268 = tpu.vector_load %arg6[%swap3A_266, %swap3A_267] {strides = array<i32>} : memref<8x128xf32, #tpu.memory_space<vmem>>, vector<1x16xf32>,
    %swap3A_269 = vector.shape_cast %swap3A_268 : vector<1x16xf32> to vector<16xf32>
    %swap3A_270 = vector.shape_cast %broadcast_in_dim3A_1 : vector<16xf32> to vector<1x16xf32>
    tpu.vector_store %arg6[%swap3A_266, %swap3A_267], %swap3A_270 {strides = array<i32>} : memref<8x128xf32, #tpu.memory_space<vmem>>, vector<1x16xf32>,
    %swap3A_271 = arith.constant 5 : i32
    %swap3A_272 = arith.index_cast %swap3A_271 : i32 to index
    %swap3A_273 = arith.constant 80 : index
    %swap3A_274 = tpu.vector_load %arg6[%swap3A_272, %swap3A_273] {strides = array<i32>} : memref<8x128xf32, #tpu.memory_space<vmem>>, vector<1x16xf32>,
    %swap3A_275 = vector.shape_cast %swap3A_274 : vector<1x16xf32> to vector<16xf32>
    %swap3A_276 = vector.shape_cast %broadcast_in_dim3A_1 : vector<16xf32> to vector<1x16xf32>
    tpu.vector_store %arg6[%swap3A_272, %swap3A_273], %swap3A_276 {strides = array<i32>} : memref<8x128xf32, #tpu.memory_space<vmem>>, vector<1x16xf32>,
    %swap3A_277 = arith.constant 5 : i32
    %swap3A_278 = arith.index_cast %swap3A_277 : i32 to index
    %swap3A_279 = arith.constant 96 : index
    %swap3A_280 = tpu.vector_load %arg6[%swap3A_278, %swap3A_279] {strides = array<i32>} : memref<8x128xf32, #tpu.memory_space<vmem>>, vector<1x16xf32>,
    %swap3A_281 = vector.shape_cast %swap3A_280 : vector<1x16xf32> to vector<16xf32>
    %swap3A_282 = vector.shape_cast %broadcast_in_dim3A_1 : vector<16xf32> to vector<1x16xf32>
    tpu.vector_store %arg6[%swap3A_278, %swap3A_279], %swap3A_282 {strides = array<i32>} : memref<8x128xf32, #tpu.memory_space<vmem>>, vector<1x16xf32>,
    %swap3A_283 = arith.constant 5 : i32
    %swap3A_284 = arith.index_cast %swap3A_283 : i32 to index
    %swap3A_285 = arith.constant 112 : index
    %swap3A_286 = tpu.vector_load %arg6[%swap3A_284, %swap3A_285] {strides = array<i32>} : memref<8x128xf32, #tpu.memory_space<vmem>>, vector<1x16xf32>,
    %swap3A_287 = vector.shape_cast %swap3A_286 : vector<1x16xf32> to vector<16xf32>
    %swap3A_288 = vector.shape_cast %broadcast_in_dim3A_1 : vector<16xf32> to vector<1x16xf32>
    tpu.vector_store %arg6[%swap3A_284, %swap3A_285], %swap3A_288 {strides = array<i32>} : memref<8x128xf32, #tpu.memory_space<vmem>>, vector<1x16xf32>,
    %swap3A_289 = arith.constant 6 : i32
    %swap3A_290 = arith.index_cast %swap3A_289 : i32 to index
    %swap3A_291 = arith.constant 0 : index
    %swap3A_292 = tpu.vector_load %arg6[%swap3A_290, %swap3A_291] {strides = array<i32>} : memref<8x128xf32, #tpu.memory_space<vmem>>, vector<1x16xf32>,
    %swap3A_293 = vector.shape_cast %swap3A_292 : vector<1x16xf32> to vector<16xf32>
    %swap3A_294 = vector.shape_cast %broadcast_in_dim3A_1 : vector<16xf32> to vector<1x16xf32>
    tpu.vector_store %arg6[%swap3A_290, %swap3A_291], %swap3A_294 {strides = array<i32>} : memref<8x128xf32, #tpu.memory_space<vmem>>, vector<1x16xf32>,
    %swap3A_295 = arith.constant 6 : i32
    %swap3A_296 = arith.index_cast %swap3A_295 : i32 to index
    %swap3A_297 = arith.constant 16 : index
    %swap3A_298 = tpu.vector_load %arg6[%swap3A_296, %swap3A_297] {strides = array<i32>} : memref<8x128xf32, #tpu.memory_space<vmem>>, vector<1x16xf32>,
    %swap3A_299 = vector.shape_cast %swap3A_298 : vector<1x16xf32> to vector<16xf32>
    %swap3A_300 = vector.shape_cast %broadcast_in_dim3A_1 : vector<16xf32> to vector<1x16xf32>
    tpu.vector_store %arg6[%swap3A_296, %swap3A_297], %swap3A_300 {strides = array<i32>} : memref<8x128xf32, #tpu.memory_space<vmem>>, vector<1x16xf32>,
    %swap3A_301 = arith.constant 6 : i32
    %swap3A_302 = arith.index_cast %swap3A_301 : i32 to index
    %swap3A_303 = arith.constant 32 : index
    %swap3A_304 = tpu.vector_load %arg6[%swap3A_302, %swap3A_303] {strides = array<i32>} : memref<8x128xf32, #tpu.memory_space<vmem>>, vector<1x16xf32>,
    %swap3A_305 = vector.shape_cast %swap3A_304 : vector<1x16xf32> to vector<16xf32>
    %swap3A_306 = vector.shape_cast %broadcast_in_dim3A_1 : vector<16xf32> to vector<1x16xf32>
    tpu.vector_store %arg6[%swap3A_302, %swap3A_303], %swap3A_306 {strides = array<i32>} : memref<8x128xf32, #tpu.memory_space<vmem>>, vector<1x16xf32>,
    %swap3A_307 = arith.constant 6 : i32
    %swap3A_308 = arith.index_cast %swap3A_307 : i32 to index
    %swap3A_309 = arith.constant 48 : index
    %swap3A_310 = tpu.vector_load %arg6[%swap3A_308, %swap3A_309] {strides = array<i32>} : memref<8x128xf32, #tpu.memory_space<vmem>>, vector<1x16xf32>,
    %swap3A_311 = vector.shape_cast %swap3A_310 : vector<1x16xf32> to vector<16xf32>
    %swap3A_312 = vector.shape_cast %broadcast_in_dim3A_1 : vector<16xf32> to vector<1x16xf32>
    tpu.vector_store %arg6[%swap3A_308, %swap3A_309], %swap3A_312 {strides = array<i32>} : memref<8x128xf32, #tpu.memory_space<vmem>>, vector<1x16xf32>,
    %swap3A_313 = arith.constant 6 : i32
    %swap3A_314 = arith.index_cast %swap3A_313 : i32 to index
    %swap3A_315 = arith.constant 64 : index
    %swap3A_316 = tpu.vector_load %arg6[%swap3A_314, %swap3A_315] {strides = array<i32>} : memref<8x128xf32, #tpu.memory_space<vmem>>, vector<1x16xf32>,
    %swap3A_317 = vector.shape_cast %swap3A_316 : vector<1x16xf32> to vector<16xf32>
    %swap3A_318 = vector.shape_cast %broadcast_in_dim3A_1 : vector<16xf32> to vector<1x16xf32>
    tpu.vector_store %arg6[%swap3A_314, %swap3A_315], %swap3A_318 {strides = array<i32>} : memref<8x128xf32, #tpu.memory_space<vmem>>, vector<1x16xf32>,
    %swap3A_319 = arith.constant 6 : i32
    %swap3A_320 = arith.index_cast %swap3A_319 : i32 to index
    %swap3A_321 = arith.constant 80 : index
    %swap3A_322 = tpu.vector_load %arg6[%swap3A_320, %swap3A_321] {strides = array<i32>} : memref<8x128xf32, #tpu.memory_space<vmem>>, vector<1x16xf32>,
    %swap3A_323 = vector.shape_cast %swap3A_322 : vector<1x16xf32> to vector<16xf32>
    %swap3A_324 = vector.shape_cast %broadcast_in_dim3A_1 : vector<16xf32> to vector<1x16xf32>
    tpu.vector_store %arg6[%swap3A_320, %swap3A_321], %swap3A_324 {strides = array<i32>} : memref<8x128xf32, #tpu.memory_space<vmem>>, vector<1x16xf32>,
    %swap3A_325 = arith.constant 6 : i32
    %swap3A_326 = arith.index_cast %swap3A_325 : i32 to index
    %swap3A_327 = arith.constant 96 : index
    %swap3A_328 = tpu.vector_load %arg6[%swap3A_326, %swap3A_327] {strides = array<i32>} : memref<8x128xf32, #tpu.memory_space<vmem>>, vector<1x16xf32>,
    %swap3A_329 = vector.shape_cast %swap3A_328 : vector<1x16xf32> to vector<16xf32>
    %swap3A_330 = vector.shape_cast %broadcast_in_dim3A_1 : vector<16xf32> to vector<1x16xf32>
    tpu.vector_store %arg6[%swap3A_326, %swap3A_327], %swap3A_330 {strides = array<i32>} : memref<8x128xf32, #tpu.memory_space<vmem>>, vector<1x16xf32>,
    %swap3A_331 = arith.constant 6 : i32
    %swap3A_332 = arith.index_cast %swap3A_331 : i32 to index
    %swap3A_333 = arith.constant 112 : index
    %swap3A_334 = tpu.vector_load %arg6[%swap3A_332, %swap3A_333] {strides = array<i32>} : memref<8x128xf32, #tpu.memory_space<vmem>>, vector<1x16xf32>,
    %swap3A_335 = vector.shape_cast %swap3A_334 : vector<1x16xf32> to vector<16xf32>
    %swap3A_336 = vector.shape_cast %broadcast_in_dim3A_1 : vector<16xf32> to vector<1x16xf32>
    tpu.vector_store %arg6[%swap3A_332, %swap3A_333], %swap3A_336 {strides = array<i32>} : memref<8x128xf32, #tpu.memory_space<vmem>>, vector<1x16xf32>,
    %swap3A_337 = arith.constant 7 : i32
    %swap3A_338 = arith.index_cast %swap3A_337 : i32 to index
    %swap3A_339 = arith.constant 0 : index
    %swap3A_340 = tpu.vector_load %arg6[%swap3A_338, %swap3A_339] {strides = array<i32>} : memref<8x128xf32, #tpu.memory_space<vmem>>, vector<1x16xf32>,
    %swap3A_341 = vector.shape_cast %swap3A_340 : vector<1x16xf32> to vector<16xf32>
    %swap3A_342 = vector.shape_cast %broadcast_in_dim3A_1 : vector<16xf32> to vector<1x16xf32>
    tpu.vector_store %arg6[%swap3A_338, %swap3A_339], %swap3A_342 {strides = array<i32>} : memref<8x128xf32, #tpu.memory_space<vmem>>, vector<1x16xf32>,
    %swap3A_343 = arith.constant 7 : i32
    %swap3A_344 = arith.index_cast %swap3A_343 : i32 to index
    %swap3A_345 = arith.constant 16 : index
    %swap3A_346 = tpu.vector_load %arg6[%swap3A_344, %swap3A_345] {strides = array<i32>} : memref<8x128xf32, #tpu.memory_space<vmem>>, vector<1x16xf32>,
    %swap3A_347 = vector.shape_cast %swap3A_346 : vector<1x16xf32> to vector<16xf32>
    %swap3A_348 = vector.shape_cast %broadcast_in_dim3A_1 : vector<16xf32> to vector<1x16xf32>
    tpu.vector_store %arg6[%swap3A_344, %swap3A_345], %swap3A_348 {strides = array<i32>} : memref<8x128xf32, #tpu.memory_space<vmem>>, vector<1x16xf32>,
    %swap3A_349 = arith.constant 7 : i32
    %swap3A_350 = arith.index_cast %swap3A_349 : i32 to index
    %swap3A_351 = arith.constant 32 : index
    %swap3A_352 = tpu.vector_load %arg6[%swap3A_350, %swap3A_351] {strides = array<i32>} : memref<8x128xf32, #tpu.memory_space<vmem>>, vector<1x16xf32>,
    %swap3A_353 = vector.shape_cast %swap3A_352 : vector<1x16xf32> to vector<16xf32>
    %swap3A_354 = vector.shape_cast %broadcast_in_dim3A_1 : vector<16xf32> to vector<1x16xf32>
    tpu.vector_store %arg6[%swap3A_350, %swap3A_351], %swap3A_354 {strides = array<i32>} : memref<8x128xf32, #tpu.memory_space<vmem>>, vector<1x16xf32>,
    %swap3A_355 = arith.constant 7 : i32
    %swap3A_356 = arith.index_cast %swap3A_355 : i32 to index
    %swap3A_357 = arith.constant 48 : index
    %swap3A_358 = tpu.vector_load %arg6[%swap3A_356, %swap3A_357] {strides = array<i32>} : memref<8x128xf32, #tpu.memory_space<vmem>>, vector<1x16xf32>,
    %swap3A_359 = vector.shape_cast %swap3A_358 : vector<1x16xf32> to vector<16xf32>
    %swap3A_360 = vector.shape_cast %broadcast_in_dim3A_1 : vector<16xf32> to vector<1x16xf32>
    tpu.vector_store %arg6[%swap3A_356, %swap3A_357], %swap3A_360 {strides = array<i32>} : memref<8x128xf32, #tpu.memory_space<vmem>>, vector<1x16xf32>,
    %swap3A_361 = arith.constant 7 : i32
    %swap3A_362 = arith.index_cast %swap3A_361 : i32 to index
    %swap3A_363 = arith.constant 64 : index
    %swap3A_364 = tpu.vector_load %arg6[%swap3A_362, %swap3A_363] {strides = array<i32>} : memref<8x128xf32, #tpu.memory_space<vmem>>, vector<1x16xf32>,
    %swap3A_365 = vector.shape_cast %swap3A_364 : vector<1x16xf32> to vector<16xf32>
    %swap3A_366 = vector.shape_cast %broadcast_in_dim3A_1 : vector<16xf32> to vector<1x16xf32>
    tpu.vector_store %arg6[%swap3A_362, %swap3A_363], %swap3A_366 {strides = array<i32>} : memref<8x128xf32, #tpu.memory_space<vmem>>, vector<1x16xf32>,
    %swap3A_367 = arith.constant 7 : i32
    %swap3A_368 = arith.index_cast %swap3A_367 : i32 to index
    %swap3A_369 = arith.constant 80 : index
    %swap3A_370 = tpu.vector_load %arg6[%swap3A_368, %swap3A_369] {strides = array<i32>} : memref<8x128xf32, #tpu.memory_space<vmem>>, vector<1x16xf32>,
    %swap3A_371 = vector.shape_cast %swap3A_370 : vector<1x16xf32> to vector<16xf32>
    %swap3A_372 = vector.shape_cast %broadcast_in_dim3A_1 : vector<16xf32> to vector<1x16xf32>
    tpu.vector_store %arg6[%swap3A_368, %swap3A_369], %swap3A_372 {strides = array<i32>} : memref<8x128xf32, #tpu.memory_space<vmem>>, vector<1x16xf32>,
    %swap3A_373 = arith.constant 7 : i32
    %swap3A_374 = arith.index_cast %swap3A_373 : i32 to index
    %swap3A_375 = arith.constant 96 : index
    %swap3A_376 = tpu.vector_load %arg6[%swap3A_374, %swap3A_375] {strides = array<i32>} : memref<8x128xf32, #tpu.memory_space<vmem>>, vector<1x16xf32>,
    %swap3A_377 = vector.shape_cast %swap3A_376 : vector<1x16xf32> to vector<16xf32>
    %swap3A_378 = vector.shape_cast %broadcast_in_dim3A_1 : vector<16xf32> to vector<1x16xf32>
    tpu.vector_store %arg6[%swap3A_374, %swap3A_375], %swap3A_378 {strides = array<i32>} : memref<8x128xf32, #tpu.memory_space<vmem>>, vector<1x16xf32>,
    %swap3A_379 = arith.constant 7 : i32
    %swap3A_380 = arith.index_cast %swap3A_379 : i32 to index
    %swap3A_381 = arith.constant 112 : index
    %swap3A_382 = tpu.vector_load %arg6[%swap3A_380, %swap3A_381] {strides = array<i32>} : memref<8x128xf32, #tpu.memory_space<vmem>>, vector<1x16xf32>,
    %swap3A_383 = vector.shape_cast %swap3A_382 : vector<1x16xf32> to vector<16xf32>
    %swap3A_384 = vector.shape_cast %broadcast_in_dim3A_1 : vector<16xf32> to vector<1x16xf32>
    tpu.vector_store %arg6[%swap3A_380, %swap3A_381], %swap3A_384 {strides = array<i32>} : memref<8x128xf32, #tpu.memory_space<vmem>>, vector<1x16xf32>,
    %lt3A = arith.constant 16 : i32
    %lt3A_385 = arith.cmpi slt, %add3A, %lt3A : i32
    %convert_element_type3A = arith.extui %lt3A_385 : i1 to i32
    %cond3A = arith.constant 0 : i32
    %cond3A_386 = arith.cmpi ne, %convert_element_type3A, %cond3A : i32
    scf.if %cond3A_386 {
      %mul3A_387 = arith.constant 8 : i32
      %mul3A_388 = arith.muli %add3A, %mul3A_387 : i32
      %multiple_of3A = tpu.assume_multiple %mul3A_388, 8 : i32
      %iota3A = tpu.iota {dimensions = array<i32: 0>} : vector<16xi32>
      %broadcast_in_dim3A_389 = arith.constant 1 : i32
      %broadcast_in_dim3A_390 = vector.broadcast %broadcast_in_dim3A_389 : i32 to vector<16xi32>
      %get3A = arith.index_cast %multiple_of3A : i32 to index
      %get3A_391 = tpu.vector_load %arg5[%get3A] {strides = array<i32>} : memref<144xi32, #tpu.memory_space<vmem>>, vector<16xi32>,
      %get3A_392 = vector.shape_cast %get3A_391 : vector<16xi32> to vector<16xi32>
      %slice3A = vector.extract_strided_slice %get3A_392 {offsets = [0], sizes = [1], strides = [1]} : vector<16xi32> to vector<1xi32>
      %squeeze3A = vector.extract %slice3A[0] : i32 from vector<1xi32>
      %shift_right_arithmetic3A = arith.constant 7 : i32
      %shift_right_arithmetic3A_393 = arith.shrsi %squeeze3A, %shift_right_arithmetic3A : i32
      %slice3A_394 = vector.extract_strided_slice %get3A_392 {offsets = [1], sizes = [1], strides = [1]} : vector<16xi32> to vector<1xi32>
      %squeeze3A_395 = vector.extract %slice3A_394[0] : i32 from vector<1xi32>
      %shift_right_arithmetic3A_396 = arith.constant 7 : i32
      %shift_right_arithmetic3A_397 = arith.shrsi %squeeze3A_395, %shift_right_arithmetic3A_396 : i32
      %slice3A_398 = vector.extract_strided_slice %get3A_392 {offsets = [2], sizes = [1], strides = [1]} : vector<16xi32> to vector<1xi32>
      %squeeze3A_399 = vector.extract %slice3A_398[0] : i32 from vector<1xi32>
      %shift_right_arithmetic3A_400 = arith.constant 7 : i32
      %shift_right_arithmetic3A_401 = arith.shrsi %squeeze3A_399, %shift_right_arithmetic3A_400 : i32
      %slice3A_402 = vector.extract_strided_slice %get3A_392 {offsets = [3], sizes = [1], strides = [1]} : vector<16xi32> to vector<1xi32>
      %squeeze3A_403 = vector.extract %slice3A_402[0] : i32 from vector<1xi32>
      %shift_right_arithmetic3A_404 = arith.constant 7 : i32
      %shift_right_arithmetic3A_405 = arith.shrsi %squeeze3A_403, %shift_right_arithmetic3A_404 : i32
      %slice3A_406 = vector.extract_strided_slice %get3A_392 {offsets = [4], sizes = [1], strides = [1]} : vector<16xi32> to vector<1xi32>
      %squeeze3A_407 = vector.extract %slice3A_406[0] : i32 from vector<1xi32>
      %shift_right_arithmetic3A_408 = arith.constant 7 : i32
      %shift_right_arithmetic3A_409 = arith.shrsi %squeeze3A_407, %shift_right_arithmetic3A_408 : i32
      %slice3A_410 = vector.extract_strided_slice %get3A_392 {offsets = [5], sizes = [1], strides = [1]} : vector<16xi32> to vector<1xi32>
      %squeeze3A_411 = vector.extract %slice3A_410[0] : i32 from vector<1xi32>
      %shift_right_arithmetic3A_412 = arith.constant 7 : i32
      %shift_right_arithmetic3A_413 = arith.shrsi %squeeze3A_411, %shift_right_arithmetic3A_412 : i32
      %slice3A_414 = vector.extract_strided_slice %get3A_392 {offsets = [6], sizes = [1], strides = [1]} : vector<16xi32> to vector<1xi32>
      %squeeze3A_415 = vector.extract %slice3A_414[0] : i32 from vector<1xi32>
      %shift_right_arithmetic3A_416 = arith.constant 7 : i32
      %shift_right_arithmetic3A_417 = arith.shrsi %squeeze3A_415, %shift_right_arithmetic3A_416 : i32
      %slice3A_418 = vector.extract_strided_slice %get3A_392 {offsets = [7], sizes = [1], strides = [1]} : vector<16xi32> to vector<1xi32>
      %squeeze3A_419 = vector.extract %slice3A_418[0] : i32 from vector<1xi32>
      %shift_right_arithmetic3A_420 = arith.constant 7 : i32
      %shift_right_arithmetic3A_421 = arith.shrsi %squeeze3A_419, %shift_right_arithmetic3A_420 : i32
      %slice3A_422 = vector.extract_strided_slice %get3A_392 {offsets = [0], sizes = [1], strides = [1]} : vector<16xi32> to vector<1xi32>
      %squeeze3A_423 = vector.extract %slice3A_422[0] : i32 from vector<1xi32>
      %and3A = arith.constant 127 : i32
      %and3A_424 = arith.andi %squeeze3A_423, %and3A : i32
      %slice3A_425 = vector.extract_strided_slice %get3A_392 {offsets = [1], sizes = [1], strides = [1]} : vector<16xi32> to vector<1xi32>
      %squeeze3A_426 = vector.extract %slice3A_425[0] : i32 from vector<1xi32>
      %and3A_427 = arith.constant 127 : i32
      %and3A_428 = arith.andi %squeeze3A_426, %and3A_427 : i32
      %slice3A_429 = vector.extract_strided_slice %get3A_392 {offsets = [2], sizes = [1], strides = [1]} : vector<16xi32> to vector<1xi32>
      %squeeze3A_430 = vector.extract %slice3A_429[0] : i32 from vector<1xi32>
      %and3A_431 = arith.constant 127 : i32
      %and3A_432 = arith.andi %squeeze3A_430, %and3A_431 : i32
      %slice3A_433 = vector.extract_strided_slice %get3A_392 {offsets = [3], sizes = [1], strides = [1]} : vector<16xi32> to vector<1xi32>
      %squeeze3A_434 = vector.extract %slice3A_433[0] : i32 from vector<1xi32>
      %and3A_435 = arith.constant 127 : i32
      %and3A_436 = arith.andi %squeeze3A_434, %and3A_435 : i32
      %slice3A_437 = vector.extract_strided_slice %get3A_392 {offsets = [4], sizes = [1], strides = [1]} : vector<16xi32> to vector<1xi32>
      %squeeze3A_438 = vector.extract %slice3A_437[0] : i32 from vector<1xi32>
      %and3A_439 = arith.constant 127 : i32
      %and3A_440 = arith.andi %squeeze3A_438, %and3A_439 : i32
      %slice3A_441 = vector.extract_strided_slice %get3A_392 {offsets = [5], sizes = [1], strides = [1]} : vector<16xi32> to vector<1xi32>
      %squeeze3A_442 = vector.extract %slice3A_441[0] : i32 from vector<1xi32>
      %and3A_443 = arith.constant 127 : i32
      %and3A_444 = arith.andi %squeeze3A_442, %and3A_443 : i32
      %slice3A_445 = vector.extract_strided_slice %get3A_392 {offsets = [6], sizes = [1], strides = [1]} : vector<16xi32> to vector<1xi32>
      %squeeze3A_446 = vector.extract %slice3A_445[0] : i32 from vector<1xi32>
      %and3A_447 = arith.constant 127 : i32
      %and3A_448 = arith.andi %squeeze3A_446, %and3A_447 : i32
      %slice3A_449 = vector.extract_strided_slice %get3A_392 {offsets = [7], sizes = [1], strides = [1]} : vector<16xi32> to vector<1xi32>
      %squeeze3A_450 = vector.extract %slice3A_449[0] : i32 from vector<1xi32>
      %and3A_451 = arith.constant 127 : i32
      %and3A_452 = arith.andi %squeeze3A_450, %and3A_451 : i32
      %cond3A_453 = arith.constant 1 : i32
      %eq3A = arith.cmpi eq, %shift_right_arithmetic3A_393, %shift_right_arithmetic3A_393 : i32
      %convert_element_type3A_454 = arith.extui %eq3A : i1 to i32
      %cond3A_455 = arith.constant 0 : i32
      %cond3A_456 = arith.cmpi ne, %convert_element_type3A_454, %cond3A_455 : i32
      scf.if %cond3A_456 {
        %and3A_603 = arith.constant -16 : i32
        %and3A_604 = arith.andi %and3A_424, %and3A_603 : i32
        %and3A_605 = arith.constant 15 : i32
        %and3A_606 = arith.andi %and3A_424, %and3A_605 : i32
        %broadcast_in_dim3A_607 = vector.broadcast %and3A_606 : i32 to vector<16xi32>
        %sub3A = arith.subi %iota3A, %broadcast_in_dim3A_607 : vector<16xi32>
        %abs3A = math.absi %sub3A : vector<16xi32>
        %sub3A_608 = arith.subi %broadcast_in_dim3A_390, %abs3A : vector<16xi32>
        %max3A = arith.constant 0 : i32
        %max3A_609 = vector.broadcast %max3A : i32 to vector<16xi32>
        %max3A_610 = arith.maxsi %sub3A_608, %max3A_609 : vector<16xi32>
        %convert_element_type3A_611 = arith.sitofp %max3A_610 : vector<16xi32> to vector<16xf32>
        %swap3A_612 = arith.constant 0 : i32
        %swap3A_613 = arith.index_cast %swap3A_612 : i32 to index
        %swap3A_614 = arith.index_cast %and3A_604 : i32 to index
        %swap3A_615 = tpu.vector_load %arg6[%swap3A_613, %swap3A_614] {strides = array<i32>} : memref<8x128xf32, #tpu.memory_space<vmem>>, vector<1x16xf32>,
        %swap3A_616 = vector.shape_cast %swap3A_615 : vector<1x16xf32> to vector<16xf32>
        %swap3A_617 = vector.shape_cast %convert_element_type3A_611 : vector<16xf32> to vector<1x16xf32>
        tpu.vector_store %arg6[%swap3A_613, %swap3A_614], %swap3A_617 {strides = array<i32>} : memref<8x128xf32, #tpu.memory_space<vmem>>, vector<1x16xf32>,
      } else {
      }
      %eq3A_457 = arith.cmpi eq, %shift_right_arithmetic3A_397, %shift_right_arithmetic3A_393 : i32
      %convert_element_type3A_458 = arith.extui %eq3A_457 : i1 to i32
      %cond3A_459 = arith.constant 0 : i32
      %cond3A_460 = arith.cmpi ne, %convert_element_type3A_458, %cond3A_459 : i32
      scf.if %cond3A_460 {
        %and3A_603 = arith.constant -16 : i32
        %and3A_604 = arith.andi %and3A_428, %and3A_603 : i32
        %and3A_605 = arith.constant 15 : i32
        %and3A_606 = arith.andi %and3A_428, %and3A_605 : i32
        %broadcast_in_dim3A_607 = vector.broadcast %and3A_606 : i32 to vector<16xi32>
        %sub3A = arith.subi %iota3A, %broadcast_in_dim3A_607 : vector<16xi32>
        %abs3A = math.absi %sub3A : vector<16xi32>
        %sub3A_608 = arith.subi %broadcast_in_dim3A_390, %abs3A : vector<16xi32>
        %max3A = arith.constant 0 : i32
        %max3A_609 = vector.broadcast %max3A : i32 to vector<16xi32>
        %max3A_610 = arith.maxsi %sub3A_608, %max3A_609 : vector<16xi32>
        %convert_element_type3A_611 = arith.sitofp %max3A_610 : vector<16xi32> to vector<16xf32>
        %swap3A_612 = arith.constant 1 : i32
        %swap3A_613 = arith.index_cast %swap3A_612 : i32 to index
        %swap3A_614 = arith.index_cast %and3A_604 : i32 to index
        %swap3A_615 = tpu.vector_load %arg6[%swap3A_613, %swap3A_614] {strides = array<i32>} : memref<8x128xf32, #tpu.memory_space<vmem>>, vector<1x16xf32>,
        %swap3A_616 = vector.shape_cast %swap3A_615 : vector<1x16xf32> to vector<16xf32>
        %swap3A_617 = vector.shape_cast %convert_element_type3A_611 : vector<16xf32> to vector<1x16xf32>
        tpu.vector_store %arg6[%swap3A_613, %swap3A_614], %swap3A_617 {strides = array<i32>} : memref<8x128xf32, #tpu.memory_space<vmem>>, vector<1x16xf32>,
      } else {
      }
      %eq3A_461 = arith.cmpi eq, %shift_right_arithmetic3A_401, %shift_right_arithmetic3A_393 : i32
      %convert_element_type3A_462 = arith.extui %eq3A_461 : i1 to i32
      %cond3A_463 = arith.constant 0 : i32
      %cond3A_464 = arith.cmpi ne, %convert_element_type3A_462, %cond3A_463 : i32
      scf.if %cond3A_464 {
        %and3A_603 = arith.constant -16 : i32
        %and3A_604 = arith.andi %and3A_432, %and3A_603 : i32
        %and3A_605 = arith.constant 15 : i32
        %and3A_606 = arith.andi %and3A_432, %and3A_605 : i32
        %broadcast_in_dim3A_607 = vector.broadcast %and3A_606 : i32 to vector<16xi32>
        %sub3A = arith.subi %iota3A, %broadcast_in_dim3A_607 : vector<16xi32>
        %abs3A = math.absi %sub3A : vector<16xi32>
        %sub3A_608 = arith.subi %broadcast_in_dim3A_390, %abs3A : vector<16xi32>
        %max3A = arith.constant 0 : i32
        %max3A_609 = vector.broadcast %max3A : i32 to vector<16xi32>
        %max3A_610 = arith.maxsi %sub3A_608, %max3A_609 : vector<16xi32>
        %convert_element_type3A_611 = arith.sitofp %max3A_610 : vector<16xi32> to vector<16xf32>
        %swap3A_612 = arith.constant 2 : i32
        %swap3A_613 = arith.index_cast %swap3A_612 : i32 to index
        %swap3A_614 = arith.index_cast %and3A_604 : i32 to index
        %swap3A_615 = tpu.vector_load %arg6[%swap3A_613, %swap3A_614] {strides = array<i32>} : memref<8x128xf32, #tpu.memory_space<vmem>>, vector<1x16xf32>,
        %swap3A_616 = vector.shape_cast %swap3A_615 : vector<1x16xf32> to vector<16xf32>
        %swap3A_617 = vector.shape_cast %convert_element_type3A_611 : vector<16xf32> to vector<1x16xf32>
        tpu.vector_store %arg6[%swap3A_613, %swap3A_614], %swap3A_617 {strides = array<i32>} : memref<8x128xf32, #tpu.memory_space<vmem>>, vector<1x16xf32>,
      } else {
      }
      %eq3A_465 = arith.cmpi eq, %shift_right_arithmetic3A_405, %shift_right_arithmetic3A_393 : i32
      %convert_element_type3A_466 = arith.extui %eq3A_465 : i1 to i32
      %cond3A_467 = arith.constant 0 : i32
      %cond3A_468 = arith.cmpi ne, %convert_element_type3A_466, %cond3A_467 : i32
      scf.if %cond3A_468 {
        %and3A_603 = arith.constant -16 : i32
        %and3A_604 = arith.andi %and3A_436, %and3A_603 : i32
        %and3A_605 = arith.constant 15 : i32
        %and3A_606 = arith.andi %and3A_436, %and3A_605 : i32
        %broadcast_in_dim3A_607 = vector.broadcast %and3A_606 : i32 to vector<16xi32>
        %sub3A = arith.subi %iota3A, %broadcast_in_dim3A_607 : vector<16xi32>
        %abs3A = math.absi %sub3A : vector<16xi32>
        %sub3A_608 = arith.subi %broadcast_in_dim3A_390, %abs3A : vector<16xi32>
        %max3A = arith.constant 0 : i32
        %max3A_609 = vector.broadcast %max3A : i32 to vector<16xi32>
        %max3A_610 = arith.maxsi %sub3A_608, %max3A_609 : vector<16xi32>
        %convert_element_type3A_611 = arith.sitofp %max3A_610 : vector<16xi32> to vector<16xf32>
        %swap3A_612 = arith.constant 3 : i32
        %swap3A_613 = arith.index_cast %swap3A_612 : i32 to index
        %swap3A_614 = arith.index_cast %and3A_604 : i32 to index
        %swap3A_615 = tpu.vector_load %arg6[%swap3A_613, %swap3A_614] {strides = array<i32>} : memref<8x128xf32, #tpu.memory_space<vmem>>, vector<1x16xf32>,
        %swap3A_616 = vector.shape_cast %swap3A_615 : vector<1x16xf32> to vector<16xf32>
        %swap3A_617 = vector.shape_cast %convert_element_type3A_611 : vector<16xf32> to vector<1x16xf32>
        tpu.vector_store %arg6[%swap3A_613, %swap3A_614], %swap3A_617 {strides = array<i32>} : memref<8x128xf32, #tpu.memory_space<vmem>>, vector<1x16xf32>,
      } else {
      }
      %eq3A_469 = arith.cmpi eq, %shift_right_arithmetic3A_409, %shift_right_arithmetic3A_393 : i32
      %convert_element_type3A_470 = arith.extui %eq3A_469 : i1 to i32
      %cond3A_471 = arith.constant 0 : i32
      %cond3A_472 = arith.cmpi ne, %convert_element_type3A_470, %cond3A_471 : i32
      scf.if %cond3A_472 {
        %and3A_603 = arith.constant -16 : i32
        %and3A_604 = arith.andi %and3A_440, %and3A_603 : i32
        %and3A_605 = arith.constant 15 : i32
        %and3A_606 = arith.andi %and3A_440, %and3A_605 : i32
        %broadcast_in_dim3A_607 = vector.broadcast %and3A_606 : i32 to vector<16xi32>
        %sub3A = arith.subi %iota3A, %broadcast_in_dim3A_607 : vector<16xi32>
        %abs3A = math.absi %sub3A : vector<16xi32>
        %sub3A_608 = arith.subi %broadcast_in_dim3A_390, %abs3A : vector<16xi32>
        %max3A = arith.constant 0 : i32
        %max3A_609 = vector.broadcast %max3A : i32 to vector<16xi32>
        %max3A_610 = arith.maxsi %sub3A_608, %max3A_609 : vector<16xi32>
        %convert_element_type3A_611 = arith.sitofp %max3A_610 : vector<16xi32> to vector<16xf32>
        %swap3A_612 = arith.constant 4 : i32
        %swap3A_613 = arith.index_cast %swap3A_612 : i32 to index
        %swap3A_614 = arith.index_cast %and3A_604 : i32 to index
        %swap3A_615 = tpu.vector_load %arg6[%swap3A_613, %swap3A_614] {strides = array<i32>} : memref<8x128xf32, #tpu.memory_space<vmem>>, vector<1x16xf32>,
        %swap3A_616 = vector.shape_cast %swap3A_615 : vector<1x16xf32> to vector<16xf32>
        %swap3A_617 = vector.shape_cast %convert_element_type3A_611 : vector<16xf32> to vector<1x16xf32>
        tpu.vector_store %arg6[%swap3A_613, %swap3A_614], %swap3A_617 {strides = array<i32>} : memref<8x128xf32, #tpu.memory_space<vmem>>, vector<1x16xf32>,
      } else {
      }
      %eq3A_473 = arith.cmpi eq, %shift_right_arithmetic3A_413, %shift_right_arithmetic3A_393 : i32
      %convert_element_type3A_474 = arith.extui %eq3A_473 : i1 to i32
      %cond3A_475 = arith.constant 0 : i32
      %cond3A_476 = arith.cmpi ne, %convert_element_type3A_474, %cond3A_475 : i32
      scf.if %cond3A_476 {
        %and3A_603 = arith.constant -16 : i32
        %and3A_604 = arith.andi %and3A_444, %and3A_603 : i32
        %and3A_605 = arith.constant 15 : i32
        %and3A_606 = arith.andi %and3A_444, %and3A_605 : i32
        %broadcast_in_dim3A_607 = vector.broadcast %and3A_606 : i32 to vector<16xi32>
        %sub3A = arith.subi %iota3A, %broadcast_in_dim3A_607 : vector<16xi32>
        %abs3A = math.absi %sub3A : vector<16xi32>
        %sub3A_608 = arith.subi %broadcast_in_dim3A_390, %abs3A : vector<16xi32>
        %max3A = arith.constant 0 : i32
        %max3A_609 = vector.broadcast %max3A : i32 to vector<16xi32>
        %max3A_610 = arith.maxsi %sub3A_608, %max3A_609 : vector<16xi32>
        %convert_element_type3A_611 = arith.sitofp %max3A_610 : vector<16xi32> to vector<16xf32>
        %swap3A_612 = arith.constant 5 : i32
        %swap3A_613 = arith.index_cast %swap3A_612 : i32 to index
        %swap3A_614 = arith.index_cast %and3A_604 : i32 to index
        %swap3A_615 = tpu.vector_load %arg6[%swap3A_613, %swap3A_614] {strides = array<i32>} : memref<8x128xf32, #tpu.memory_space<vmem>>, vector<1x16xf32>,
        %swap3A_616 = vector.shape_cast %swap3A_615 : vector<1x16xf32> to vector<16xf32>
        %swap3A_617 = vector.shape_cast %convert_element_type3A_611 : vector<16xf32> to vector<1x16xf32>
        tpu.vector_store %arg6[%swap3A_613, %swap3A_614], %swap3A_617 {strides = array<i32>} : memref<8x128xf32, #tpu.memory_space<vmem>>, vector<1x16xf32>,
      } else {
      }
      %eq3A_477 = arith.cmpi eq, %shift_right_arithmetic3A_417, %shift_right_arithmetic3A_393 : i32
      %convert_element_type3A_478 = arith.extui %eq3A_477 : i1 to i32
      %cond3A_479 = arith.constant 0 : i32
      %cond3A_480 = arith.cmpi ne, %convert_element_type3A_478, %cond3A_479 : i32
      scf.if %cond3A_480 {
        %and3A_603 = arith.constant -16 : i32
        %and3A_604 = arith.andi %and3A_448, %and3A_603 : i32
        %and3A_605 = arith.constant 15 : i32
        %and3A_606 = arith.andi %and3A_448, %and3A_605 : i32
        %broadcast_in_dim3A_607 = vector.broadcast %and3A_606 : i32 to vector<16xi32>
        %sub3A = arith.subi %iota3A, %broadcast_in_dim3A_607 : vector<16xi32>
        %abs3A = math.absi %sub3A : vector<16xi32>
        %sub3A_608 = arith.subi %broadcast_in_dim3A_390, %abs3A : vector<16xi32>
        %max3A = arith.constant 0 : i32
        %max3A_609 = vector.broadcast %max3A : i32 to vector<16xi32>
        %max3A_610 = arith.maxsi %sub3A_608, %max3A_609 : vector<16xi32>
        %convert_element_type3A_611 = arith.sitofp %max3A_610 : vector<16xi32> to vector<16xf32>
        %swap3A_612 = arith.constant 6 : i32
        %swap3A_613 = arith.index_cast %swap3A_612 : i32 to index
        %swap3A_614 = arith.index_cast %and3A_604 : i32 to index
        %swap3A_615 = tpu.vector_load %arg6[%swap3A_613, %swap3A_614] {strides = array<i32>} : memref<8x128xf32, #tpu.memory_space<vmem>>, vector<1x16xf32>,
        %swap3A_616 = vector.shape_cast %swap3A_615 : vector<1x16xf32> to vector<16xf32>
        %swap3A_617 = vector.shape_cast %convert_element_type3A_611 : vector<16xf32> to vector<1x16xf32>
        tpu.vector_store %arg6[%swap3A_613, %swap3A_614], %swap3A_617 {strides = array<i32>} : memref<8x128xf32, #tpu.memory_space<vmem>>, vector<1x16xf32>,
      } else {
      }
      %eq3A_481 = arith.cmpi eq, %shift_right_arithmetic3A_421, %shift_right_arithmetic3A_393 : i32
      %convert_element_type3A_482 = arith.extui %eq3A_481 : i1 to i32
      %cond3A_483 = arith.constant 0 : i32
      %cond3A_484 = arith.cmpi ne, %convert_element_type3A_482, %cond3A_483 : i32
      scf.if %cond3A_484 {
        %and3A_603 = arith.constant -16 : i32
        %and3A_604 = arith.andi %and3A_452, %and3A_603 : i32
        %and3A_605 = arith.constant 15 : i32
        %and3A_606 = arith.andi %and3A_452, %and3A_605 : i32
        %broadcast_in_dim3A_607 = vector.broadcast %and3A_606 : i32 to vector<16xi32>
        %sub3A = arith.subi %iota3A, %broadcast_in_dim3A_607 : vector<16xi32>
        %abs3A = math.absi %sub3A : vector<16xi32>
        %sub3A_608 = arith.subi %broadcast_in_dim3A_390, %abs3A : vector<16xi32>
        %max3A = arith.constant 0 : i32
        %max3A_609 = vector.broadcast %max3A : i32 to vector<16xi32>
        %max3A_610 = arith.maxsi %sub3A_608, %max3A_609 : vector<16xi32>
        %convert_element_type3A_611 = arith.sitofp %max3A_610 : vector<16xi32> to vector<16xf32>
        %swap3A_612 = arith.constant 7 : i32
        %swap3A_613 = arith.index_cast %swap3A_612 : i32 to index
        %swap3A_614 = arith.index_cast %and3A_604 : i32 to index
        %swap3A_615 = tpu.vector_load %arg6[%swap3A_613, %swap3A_614] {strides = array<i32>} : memref<8x128xf32, #tpu.memory_space<vmem>>, vector<1x16xf32>,
        %swap3A_616 = vector.shape_cast %swap3A_615 : vector<1x16xf32> to vector<16xf32>
        %swap3A_617 = vector.shape_cast %convert_element_type3A_611 : vector<16xf32> to vector<1x16xf32>
        tpu.vector_store %arg6[%swap3A_613, %swap3A_614], %swap3A_617 {strides = array<i32>} : memref<8x128xf32, #tpu.memory_space<vmem>>, vector<1x16xf32>,
      } else {
      }
      %mul3A_485 = arith.constant 128 : i32
      %mul3A_486 = arith.muli %shift_right_arithmetic3A_393, %mul3A_485 : i32
      %multiple_of3A_487 = tpu.assume_multiple %mul3A_486, 128 : i32
      "tpu.region"() ({
        %run_scoped3A = tpu.sem_alloc : memref<!tpu.dma_semaphore, #tpu.memory_space<semaphore_mem>>
        %dma_start3A = tpu.memref_slice %arg3[%multiple_of3A, %multiple_of3A_487] : memref<128x32768xf32, #tpu.memory_space<hbm>> -> memref<8x128xf32, #tpu.memory_space<hbm>>
        %dma_start3A_603 = tpu.memref_slice %arg3[%multiple_of3A, %multiple_of3A_487] : memref<128x32768xf32, #tpu.memory_space<hbm>> -> memref<8x128xf32, #tpu.memory_space<hbm>>
        tpu.enqueue_dma source(%arg6 : memref<8x128xf32, #tpu.memory_space<vmem>>) target(%dma_start3A_603 : memref<8x128xf32, #tpu.memory_space<hbm>>) target_semaphore(%run_scoped3A : memref<!tpu.dma_semaphore, #tpu.memory_space<semaphore_mem>>)
        %dma_wait3A = tpu.memref_slice %arg3[%multiple_of3A, %multiple_of3A_487] : memref<128x32768xf32, #tpu.memory_space<hbm>> -> memref<8x128xf32, #tpu.memory_space<hbm>>
        %dma_wait3A_604 = tpu.memref_slice %arg3[%multiple_of3A, %multiple_of3A_487] : memref<128x32768xf32, #tpu.memory_space<hbm>> -> memref<8x128xf32, #tpu.memory_space<hbm>>
        tpu.wait_dma2 semaphore(%run_scoped3A : memref<!tpu.dma_semaphore, #tpu.memory_space<semaphore_mem>>) src(%arg6 : memref<8x128xf32, #tpu.memory_space<vmem>>) dst(%dma_wait3A_604 : memref<8x128xf32, #tpu.memory_space<hbm>>)
        tpu.yield
      }) : () -> ()
      %eq3A_488 = arith.cmpi eq, %shift_right_arithmetic3A_393, %shift_right_arithmetic3A_393 : i32
      %convert_element_type3A_489 = arith.extui %eq3A_488 : i1 to i32
      %cond3A_490 = arith.constant 0 : i32
      %cond3A_491 = arith.cmpi ne, %convert_element_type3A_489, %cond3A_490 : i32
      scf.if %cond3A_491 {
        %and3A_603 = arith.constant -16 : i32
        %and3A_604 = arith.andi %and3A_424, %and3A_603 : i32
        %swap3A_605 = arith.constant 0 : i32
        %swap3A_606 = arith.index_cast %swap3A_605 : i32 to index
        %swap3A_607 = arith.index_cast %and3A_604 : i32 to index
        %swap3A_608 = tpu.vector_load %arg6[%swap3A_606, %swap3A_607] {strides = array<i32>} : memref<8x128xf32, #tpu.memory_space<vmem>>, vector<1x16xf32>,
        %swap3A_609 = vector.shape_cast %swap3A_608 : vector<1x16xf32> to vector<16xf32>
        %swap3A_610 = vector.shape_cast %broadcast_in_dim3A_1 : vector<16xf32> to vector<1x16xf32>
        tpu.vector_store %arg6[%swap3A_606, %swap3A_607], %swap3A_610 {strides = array<i32>} : memref<8x128xf32, #tpu.memory_space<vmem>>, vector<1x16xf32>,
      } else {
      }
      %eq3A_492 = arith.cmpi eq, %shift_right_arithmetic3A_397, %shift_right_arithmetic3A_393 : i32
      %convert_element_type3A_493 = arith.extui %eq3A_492 : i1 to i32
      %cond3A_494 = arith.constant 0 : i32
      %cond3A_495 = arith.cmpi ne, %convert_element_type3A_493, %cond3A_494 : i32
      scf.if %cond3A_495 {
        %and3A_603 = arith.constant -16 : i32
        %and3A_604 = arith.andi %and3A_428, %and3A_603 : i32
        %swap3A_605 = arith.constant 1 : i32
        %swap3A_606 = arith.index_cast %swap3A_605 : i32 to index
        %swap3A_607 = arith.index_cast %and3A_604 : i32 to index
        %swap3A_608 = tpu.vector_load %arg6[%swap3A_606, %swap3A_607] {strides = array<i32>} : memref<8x128xf32, #tpu.memory_space<vmem>>, vector<1x16xf32>,
        %swap3A_609 = vector.shape_cast %swap3A_608 : vector<1x16xf32> to vector<16xf32>
        %swap3A_610 = vector.shape_cast %broadcast_in_dim3A_1 : vector<16xf32> to vector<1x16xf32>
        tpu.vector_store %arg6[%swap3A_606, %swap3A_607], %swap3A_610 {strides = array<i32>} : memref<8x128xf32, #tpu.memory_space<vmem>>, vector<1x16xf32>,
      } else {
      }
      %eq3A_496 = arith.cmpi eq, %shift_right_arithmetic3A_401, %shift_right_arithmetic3A_393 : i32
      %convert_element_type3A_497 = arith.extui %eq3A_496 : i1 to i32
      %cond3A_498 = arith.constant 0 : i32
      %cond3A_499 = arith.cmpi ne, %convert_element_type3A_497, %cond3A_498 : i32
      scf.if %cond3A_499 {
        %and3A_603 = arith.constant -16 : i32
        %and3A_604 = arith.andi %and3A_432, %and3A_603 : i32
        %swap3A_605 = arith.constant 2 : i32
        %swap3A_606 = arith.index_cast %swap3A_605 : i32 to index
        %swap3A_607 = arith.index_cast %and3A_604 : i32 to index
        %swap3A_608 = tpu.vector_load %arg6[%swap3A_606, %swap3A_607] {strides = array<i32>} : memref<8x128xf32, #tpu.memory_space<vmem>>, vector<1x16xf32>,
        %swap3A_609 = vector.shape_cast %swap3A_608 : vector<1x16xf32> to vector<16xf32>
        %swap3A_610 = vector.shape_cast %broadcast_in_dim3A_1 : vector<16xf32> to vector<1x16xf32>
        tpu.vector_store %arg6[%swap3A_606, %swap3A_607], %swap3A_610 {strides = array<i32>} : memref<8x128xf32, #tpu.memory_space<vmem>>, vector<1x16xf32>,
      } else {
      }
      %eq3A_500 = arith.cmpi eq, %shift_right_arithmetic3A_405, %shift_right_arithmetic3A_393 : i32
      %convert_element_type3A_501 = arith.extui %eq3A_500 : i1 to i32
      %cond3A_502 = arith.constant 0 : i32
      %cond3A_503 = arith.cmpi ne, %convert_element_type3A_501, %cond3A_502 : i32
      scf.if %cond3A_503 {
        %and3A_603 = arith.constant -16 : i32
        %and3A_604 = arith.andi %and3A_436, %and3A_603 : i32
        %swap3A_605 = arith.constant 3 : i32
        %swap3A_606 = arith.index_cast %swap3A_605 : i32 to index
        %swap3A_607 = arith.index_cast %and3A_604 : i32 to index
        %swap3A_608 = tpu.vector_load %arg6[%swap3A_606, %swap3A_607] {strides = array<i32>} : memref<8x128xf32, #tpu.memory_space<vmem>>, vector<1x16xf32>,
        %swap3A_609 = vector.shape_cast %swap3A_608 : vector<1x16xf32> to vector<16xf32>
        %swap3A_610 = vector.shape_cast %broadcast_in_dim3A_1 : vector<16xf32> to vector<1x16xf32>
        tpu.vector_store %arg6[%swap3A_606, %swap3A_607], %swap3A_610 {strides = array<i32>} : memref<8x128xf32, #tpu.memory_space<vmem>>, vector<1x16xf32>,
      } else {
      }
      %eq3A_504 = arith.cmpi eq, %shift_right_arithmetic3A_409, %shift_right_arithmetic3A_393 : i32
      %convert_element_type3A_505 = arith.extui %eq3A_504 : i1 to i32
      %cond3A_506 = arith.constant 0 : i32
      %cond3A_507 = arith.cmpi ne, %convert_element_type3A_505, %cond3A_506 : i32
      scf.if %cond3A_507 {
        %and3A_603 = arith.constant -16 : i32
        %and3A_604 = arith.andi %and3A_440, %and3A_603 : i32
        %swap3A_605 = arith.constant 4 : i32
        %swap3A_606 = arith.index_cast %swap3A_605 : i32 to index
        %swap3A_607 = arith.index_cast %and3A_604 : i32 to index
        %swap3A_608 = tpu.vector_load %arg6[%swap3A_606, %swap3A_607] {strides = array<i32>} : memref<8x128xf32, #tpu.memory_space<vmem>>, vector<1x16xf32>,
        %swap3A_609 = vector.shape_cast %swap3A_608 : vector<1x16xf32> to vector<16xf32>
        %swap3A_610 = vector.shape_cast %broadcast_in_dim3A_1 : vector<16xf32> to vector<1x16xf32>
        tpu.vector_store %arg6[%swap3A_606, %swap3A_607], %swap3A_610 {strides = array<i32>} : memref<8x128xf32, #tpu.memory_space<vmem>>, vector<1x16xf32>,
      } else {
      }
      %eq3A_508 = arith.cmpi eq, %shift_right_arithmetic3A_413, %shift_right_arithmetic3A_393 : i32
      %convert_element_type3A_509 = arith.extui %eq3A_508 : i1 to i32
      %cond3A_510 = arith.constant 0 : i32
      %cond3A_511 = arith.cmpi ne, %convert_element_type3A_509, %cond3A_510 : i32
      scf.if %cond3A_511 {
        %and3A_603 = arith.constant -16 : i32
        %and3A_604 = arith.andi %and3A_444, %and3A_603 : i32
        %swap3A_605 = arith.constant 5 : i32
        %swap3A_606 = arith.index_cast %swap3A_605 : i32 to index
        %swap3A_607 = arith.index_cast %and3A_604 : i32 to index
        %swap3A_608 = tpu.vector_load %arg6[%swap3A_606, %swap3A_607] {strides = array<i32>} : memref<8x128xf32, #tpu.memory_space<vmem>>, vector<1x16xf32>,
        %swap3A_609 = vector.shape_cast %swap3A_608 : vector<1x16xf32> to vector<16xf32>
        %swap3A_610 = vector.shape_cast %broadcast_in_dim3A_1 : vector<16xf32> to vector<1x16xf32>
        tpu.vector_store %arg6[%swap3A_606, %swap3A_607], %swap3A_610 {strides = array<i32>} : memref<8x128xf32, #tpu.memory_space<vmem>>, vector<1x16xf32>,
      } else {
      }
      %eq3A_512 = arith.cmpi eq, %shift_right_arithmetic3A_417, %shift_right_arithmetic3A_393 : i32
      %convert_element_type3A_513 = arith.extui %eq3A_512 : i1 to i32
      %cond3A_514 = arith.constant 0 : i32
      %cond3A_515 = arith.cmpi ne, %convert_element_type3A_513, %cond3A_514 : i32
      scf.if %cond3A_515 {
        %and3A_603 = arith.constant -16 : i32
        %and3A_604 = arith.andi %and3A_448, %and3A_603 : i32
        %swap3A_605 = arith.constant 6 : i32
        %swap3A_606 = arith.index_cast %swap3A_605 : i32 to index
        %swap3A_607 = arith.index_cast %and3A_604 : i32 to index
        %swap3A_608 = tpu.vector_load %arg6[%swap3A_606, %swap3A_607] {strides = array<i32>} : memref<8x128xf32, #tpu.memory_space<vmem>>, vector<1x16xf32>,
        %swap3A_609 = vector.shape_cast %swap3A_608 : vector<1x16xf32> to vector<16xf32>
        %swap3A_610 = vector.shape_cast %broadcast_in_dim3A_1 : vector<16xf32> to vector<1x16xf32>
        tpu.vector_store %arg6[%swap3A_606, %swap3A_607], %swap3A_610 {strides = array<i32>} : memref<8x128xf32, #tpu.memory_space<vmem>>, vector<1x16xf32>,
      } else {
      }
      %eq3A_516 = arith.cmpi eq, %shift_right_arithmetic3A_421, %shift_right_arithmetic3A_393 : i32
      %convert_element_type3A_517 = arith.extui %eq3A_516 : i1 to i32
      %cond3A_518 = arith.constant 0 : i32
      %cond3A_519 = arith.cmpi ne, %convert_element_type3A_517, %cond3A_518 : i32
      scf.if %cond3A_519 {
        %and3A_603 = arith.constant -16 : i32
        %and3A_604 = arith.andi %and3A_452, %and3A_603 : i32
        %swap3A_605 = arith.constant 7 : i32
        %swap3A_606 = arith.index_cast %swap3A_605 : i32 to index
        %swap3A_607 = arith.index_cast %and3A_604 : i32 to index
        %swap3A_608 = tpu.vector_load %arg6[%swap3A_606, %swap3A_607] {strides = array<i32>} : memref<8x128xf32, #tpu.memory_space<vmem>>, vector<1x16xf32>,
        %swap3A_609 = vector.shape_cast %swap3A_608 : vector<1x16xf32> to vector<16xf32>
        %swap3A_610 = vector.shape_cast %broadcast_in_dim3A_1 : vector<16xf32> to vector<1x16xf32>
        tpu.vector_store %arg6[%swap3A_606, %swap3A_607], %swap3A_610 {strides = array<i32>} : memref<8x128xf32, #tpu.memory_space<vmem>>, vector<1x16xf32>,
      } else {
      }
      %ne3A = arith.cmpi ne, %shift_right_arithmetic3A_393, %shift_right_arithmetic3A_397 : i32
      %and3A_520 = arith.constant true
      %and3A_521 = arith.andi %and3A_520, %ne3A : i1
      %convert_element_type3A_522 = arith.extui %and3A_521 : i1 to i32
      %cond3A_523 = arith.constant 0 : i32
      %cond3A_524 = arith.cmpi ne, %convert_element_type3A_522, %cond3A_523 : i32
      scf.if %cond3A_524 {
        %eq3A_603 = arith.cmpi eq, %shift_right_arithmetic3A_393, %shift_right_arithmetic3A_397 : i32
        %convert_element_type3A_604 = arith.extui %eq3A_603 : i1 to i32
        %cond3A_605 = arith.constant 0 : i32
        %cond3A_606 = arith.cmpi ne, %convert_element_type3A_604, %cond3A_605 : i32
        scf.if %cond3A_606 {
          %and3A_670 = arith.constant -16 : i32
          %and3A_671 = arith.andi %and3A_424, %and3A_670 : i32
          %and3A_672 = arith.constant 15 : i32
          %and3A_673 = arith.andi %and3A_424, %and3A_672 : i32
          %broadcast_in_dim3A_674 = vector.broadcast %and3A_673 : i32 to vector<16xi32>
          %sub3A = arith.subi %iota3A, %broadcast_in_dim3A_674 : vector<16xi32>
          %abs3A = math.absi %sub3A : vector<16xi32>
          %sub3A_675 = arith.subi %broadcast_in_dim3A_390, %abs3A : vector<16xi32>
          %max3A = arith.constant 0 : i32
          %max3A_676 = vector.broadcast %max3A : i32 to vector<16xi32>
          %max3A_677 = arith.maxsi %sub3A_675, %max3A_676 : vector<16xi32>
          %convert_element_type3A_678 = arith.sitofp %max3A_677 : vector<16xi32> to vector<16xf32>
          %swap3A_679 = arith.constant 0 : i32
          %swap3A_680 = arith.index_cast %swap3A_679 : i32 to index
          %swap3A_681 = arith.index_cast %and3A_671 : i32 to index
          %swap3A_682 = tpu.vector_load %arg6[%swap3A_680, %swap3A_681] {strides = array<i32>} : memref<8x128xf32, #tpu.memory_space<vmem>>, vector<1x16xf32>,
          %swap3A_683 = vector.shape_cast %swap3A_682 : vector<1x16xf32> to vector<16xf32>
          %swap3A_684 = vector.shape_cast %convert_element_type3A_678 : vector<16xf32> to vector<1x16xf32>
          tpu.vector_store %arg6[%swap3A_680, %swap3A_681], %swap3A_684 {strides = array<i32>} : memref<8x128xf32, #tpu.memory_space<vmem>>, vector<1x16xf32>,
        } else {
        }
        %eq3A_607 = arith.cmpi eq, %shift_right_arithmetic3A_397, %shift_right_arithmetic3A_397 : i32
        %convert_element_type3A_608 = arith.extui %eq3A_607 : i1 to i32
        %cond3A_609 = arith.constant 0 : i32
        %cond3A_610 = arith.cmpi ne, %convert_element_type3A_608, %cond3A_609 : i32
        scf.if %cond3A_610 {
          %and3A_670 = arith.constant -16 : i32
          %and3A_671 = arith.andi %and3A_428, %and3A_670 : i32
          %and3A_672 = arith.constant 15 : i32
          %and3A_673 = arith.andi %and3A_428, %and3A_672 : i32
          %broadcast_in_dim3A_674 = vector.broadcast %and3A_673 : i32 to vector<16xi32>
          %sub3A = arith.subi %iota3A, %broadcast_in_dim3A_674 : vector<16xi32>
          %abs3A = math.absi %sub3A : vector<16xi32>
          %sub3A_675 = arith.subi %broadcast_in_dim3A_390, %abs3A : vector<16xi32>
          %max3A = arith.constant 0 : i32
          %max3A_676 = vector.broadcast %max3A : i32 to vector<16xi32>
          %max3A_677 = arith.maxsi %sub3A_675, %max3A_676 : vector<16xi32>
          %convert_element_type3A_678 = arith.sitofp %max3A_677 : vector<16xi32> to vector<16xf32>
          %swap3A_679 = arith.constant 1 : i32
          %swap3A_680 = arith.index_cast %swap3A_679 : i32 to index
          %swap3A_681 = arith.index_cast %and3A_671 : i32 to index
          %swap3A_682 = tpu.vector_load %arg6[%swap3A_680, %swap3A_681] {strides = array<i32>} : memref<8x128xf32, #tpu.memory_space<vmem>>, vector<1x16xf32>,
          %swap3A_683 = vector.shape_cast %swap3A_682 : vector<1x16xf32> to vector<16xf32>
          %swap3A_684 = vector.shape_cast %convert_element_type3A_678 : vector<16xf32> to vector<1x16xf32>
          tpu.vector_store %arg6[%swap3A_680, %swap3A_681], %swap3A_684 {strides = array<i32>} : memref<8x128xf32, #tpu.memory_space<vmem>>, vector<1x16xf32>,
        } else {
        }
        %eq3A_611 = arith.cmpi eq, %shift_right_arithmetic3A_401, %shift_right_arithmetic3A_397 : i32
        %convert_element_type3A_612 = arith.extui %eq3A_611 : i1 to i32
        %cond3A_613 = arith.constant 0 : i32
        %cond3A_614 = arith.cmpi ne, %convert_element_type3A_612, %cond3A_613 : i32
        scf.if %cond3A_614 {
          %and3A_670 = arith.constant -16 : i32
          %and3A_671 = arith.andi %and3A_432, %and3A_670 : i32
          %and3A_672 = arith.constant 15 : i32
          %and3A_673 = arith.andi %and3A_432, %and3A_672 : i32
          %broadcast_in_dim3A_674 = vector.broadcast %and3A_673 : i32 to vector<16xi32>
          %sub3A = arith.subi %iota3A, %broadcast_in_dim3A_674 : vector<16xi32>
          %abs3A = math.absi %sub3A : vector<16xi32>
          %sub3A_675 = arith.subi %broadcast_in_dim3A_390, %abs3A : vector<16xi32>
          %max3A = arith.constant 0 : i32
          %max3A_676 = vector.broadcast %max3A : i32 to vector<16xi32>
          %max3A_677 = arith.maxsi %sub3A_675, %max3A_676 : vector<16xi32>
          %convert_element_type3A_678 = arith.sitofp %max3A_677 : vector<16xi32> to vector<16xf32>
          %swap3A_679 = arith.constant 2 : i32
          %swap3A_680 = arith.index_cast %swap3A_679 : i32 to index
          %swap3A_681 = arith.index_cast %and3A_671 : i32 to index
          %swap3A_682 = tpu.vector_load %arg6[%swap3A_680, %swap3A_681] {strides = array<i32>} : memref<8x128xf32, #tpu.memory_space<vmem>>, vector<1x16xf32>,
          %swap3A_683 = vector.shape_cast %swap3A_682 : vector<1x16xf32> to vector<16xf32>
          %swap3A_684 = vector.shape_cast %convert_element_type3A_678 : vector<16xf32> to vector<1x16xf32>
          tpu.vector_store %arg6[%swap3A_680, %swap3A_681], %swap3A_684 {strides = array<i32>} : memref<8x128xf32, #tpu.memory_space<vmem>>, vector<1x16xf32>,
        } else {
        }
        %eq3A_615 = arith.cmpi eq, %shift_right_arithmetic3A_405, %shift_right_arithmetic3A_397 : i32
        %convert_element_type3A_616 = arith.extui %eq3A_615 : i1 to i32
        %cond3A_617 = arith.constant 0 : i32
        %cond3A_618 = arith.cmpi ne, %convert_element_type3A_616, %cond3A_617 : i32
        scf.if %cond3A_618 {
          %and3A_670 = arith.constant -16 : i32
          %and3A_671 = arith.andi %and3A_436, %and3A_670 : i32
          %and3A_672 = arith.constant 15 : i32
          %and3A_673 = arith.andi %and3A_436, %and3A_672 : i32
          %broadcast_in_dim3A_674 = vector.broadcast %and3A_673 : i32 to vector<16xi32>
          %sub3A = arith.subi %iota3A, %broadcast_in_dim3A_674 : vector<16xi32>
          %abs3A = math.absi %sub3A : vector<16xi32>
          %sub3A_675 = arith.subi %broadcast_in_dim3A_390, %abs3A : vector<16xi32>
          %max3A = arith.constant 0 : i32
          %max3A_676 = vector.broadcast %max3A : i32 to vector<16xi32>
          %max3A_677 = arith.maxsi %sub3A_675, %max3A_676 : vector<16xi32>
          %convert_element_type3A_678 = arith.sitofp %max3A_677 : vector<16xi32> to vector<16xf32>
          %swap3A_679 = arith.constant 3 : i32
          %swap3A_680 = arith.index_cast %swap3A_679 : i32 to index
          %swap3A_681 = arith.index_cast %and3A_671 : i32 to index
          %swap3A_682 = tpu.vector_load %arg6[%swap3A_680, %swap3A_681] {strides = array<i32>} : memref<8x128xf32, #tpu.memory_space<vmem>>, vector<1x16xf32>,
          %swap3A_683 = vector.shape_cast %swap3A_682 : vector<1x16xf32> to vector<16xf32>
          %swap3A_684 = vector.shape_cast %convert_element_type3A_678 : vector<16xf32> to vector<1x16xf32>
          tpu.vector_store %arg6[%swap3A_680, %swap3A_681], %swap3A_684 {strides = array<i32>} : memref<8x128xf32, #tpu.memory_space<vmem>>, vector<1x16xf32>,
        } else {
        }
        %eq3A_619 = arith.cmpi eq, %shift_right_arithmetic3A_409, %shift_right_arithmetic3A_397 : i32
        %convert_element_type3A_620 = arith.extui %eq3A_619 : i1 to i32
        %cond3A_621 = arith.constant 0 : i32
        %cond3A_622 = arith.cmpi ne, %convert_element_type3A_620, %cond3A_621 : i32
        scf.if %cond3A_622 {
          %and3A_670 = arith.constant -16 : i32
          %and3A_671 = arith.andi %and3A_440, %and3A_670 : i32
          %and3A_672 = arith.constant 15 : i32
          %and3A_673 = arith.andi %and3A_440, %and3A_672 : i32
          %broadcast_in_dim3A_674 = vector.broadcast %and3A_673 : i32 to vector<16xi32>
          %sub3A = arith.subi %iota3A, %broadcast_in_dim3A_674 : vector<16xi32>
          %abs3A = math.absi %sub3A : vector<16xi32>
          %sub3A_675 = arith.subi %broadcast_in_dim3A_390, %abs3A : vector<16xi32>
          %max3A = arith.constant 0 : i32
          %max3A_676 = vector.broadcast %max3A : i32 to vector<16xi32>
          %max3A_677 = arith.maxsi %sub3A_675, %max3A_676 : vector<16xi32>
          %convert_element_type3A_678 = arith.sitofp %max3A_677 : vector<16xi32> to vector<16xf32>
          %swap3A_679 = arith.constant 4 : i32
          %swap3A_680 = arith.index_cast %swap3A_679 : i32 to index
          %swap3A_681 = arith.index_cast %and3A_671 : i32 to index
          %swap3A_682 = tpu.vector_load %arg6[%swap3A_680, %swap3A_681] {strides = array<i32>} : memref<8x128xf32, #tpu.memory_space<vmem>>, vector<1x16xf32>,
          %swap3A_683 = vector.shape_cast %swap3A_682 : vector<1x16xf32> to vector<16xf32>
          %swap3A_684 = vector.shape_cast %convert_element_type3A_678 : vector<16xf32> to vector<1x16xf32>
          tpu.vector_store %arg6[%swap3A_680, %swap3A_681], %swap3A_684 {strides = array<i32>} : memref<8x128xf32, #tpu.memory_space<vmem>>, vector<1x16xf32>,
        } else {
        }
        %eq3A_623 = arith.cmpi eq, %shift_right_arithmetic3A_413, %shift_right_arithmetic3A_397 : i32
        %convert_element_type3A_624 = arith.extui %eq3A_623 : i1 to i32
        %cond3A_625 = arith.constant 0 : i32
        %cond3A_626 = arith.cmpi ne, %convert_element_type3A_624, %cond3A_625 : i32
        scf.if %cond3A_626 {
          %and3A_670 = arith.constant -16 : i32
          %and3A_671 = arith.andi %and3A_444, %and3A_670 : i32
          %and3A_672 = arith.constant 15 : i32
          %and3A_673 = arith.andi %and3A_444, %and3A_672 : i32
          %broadcast_in_dim3A_674 = vector.broadcast %and3A_673 : i32 to vector<16xi32>
          %sub3A = arith.subi %iota3A, %broadcast_in_dim3A_674 : vector<16xi32>
          %abs3A = math.absi %sub3A : vector<16xi32>
          %sub3A_675 = arith.subi %broadcast_in_dim3A_390, %abs3A : vector<16xi32>
          %max3A = arith.constant 0 : i32
          %max3A_676 = vector.broadcast %max3A : i32 to vector<16xi32>
          %max3A_677 = arith.maxsi %sub3A_675, %max3A_676 : vector<16xi32>
          %convert_element_type3A_678 = arith.sitofp %max3A_677 : vector<16xi32> to vector<16xf32>
          %swap3A_679 = arith.constant 5 : i32
          %swap3A_680 = arith.index_cast %swap3A_679 : i32 to index
          %swap3A_681 = arith.index_cast %and3A_671 : i32 to index
          %swap3A_682 = tpu.vector_load %arg6[%swap3A_680, %swap3A_681] {strides = array<i32>} : memref<8x128xf32, #tpu.memory_space<vmem>>, vector<1x16xf32>,
          %swap3A_683 = vector.shape_cast %swap3A_682 : vector<1x16xf32> to vector<16xf32>
          %swap3A_684 = vector.shape_cast %convert_element_type3A_678 : vector<16xf32> to vector<1x16xf32>
          tpu.vector_store %arg6[%swap3A_680, %swap3A_681], %swap3A_684 {strides = array<i32>} : memref<8x128xf32, #tpu.memory_space<vmem>>, vector<1x16xf32>,
        } else {
        }
        %eq3A_627 = arith.cmpi eq, %shift_right_arithmetic3A_417, %shift_right_arithmetic3A_397 : i32
        %convert_element_type3A_628 = arith.extui %eq3A_627 : i1 to i32
        %cond3A_629 = arith.constant 0 : i32
        %cond3A_630 = arith.cmpi ne, %convert_element_type3A_628, %cond3A_629 : i32
        scf.if %cond3A_630 {
          %and3A_670 = arith.constant -16 : i32
          %and3A_671 = arith.andi %and3A_448, %and3A_670 : i32
          %and3A_672 = arith.constant 15 : i32
          %and3A_673 = arith.andi %and3A_448, %and3A_672 : i32
          %broadcast_in_dim3A_674 = vector.broadcast %and3A_673 : i32 to vector<16xi32>
          %sub3A = arith.subi %iota3A, %broadcast_in_dim3A_674 : vector<16xi32>
          %abs3A = math.absi %sub3A : vector<16xi32>
          %sub3A_675 = arith.subi %broadcast_in_dim3A_390, %abs3A : vector<16xi32>
          %max3A = arith.constant 0 : i32
          %max3A_676 = vector.broadcast %max3A : i32 to vector<16xi32>
          %max3A_677 = arith.maxsi %sub3A_675, %max3A_676 : vector<16xi32>
          %convert_element_type3A_678 = arith.sitofp %max3A_677 : vector<16xi32> to vector<16xf32>
          %swap3A_679 = arith.constant 6 : i32
          %swap3A_680 = arith.index_cast %swap3A_679 : i32 to index
          %swap3A_681 = arith.index_cast %and3A_671 : i32 to index
          %swap3A_682 = tpu.vector_load %arg6[%swap3A_680, %swap3A_681] {strides = array<i32>} : memref<8x128xf32, #tpu.memory_space<vmem>>, vector<1x16xf32>,
          %swap3A_683 = vector.shape_cast %swap3A_682 : vector<1x16xf32> to vector<16xf32>
          %swap3A_684 = vector.shape_cast %convert_element_type3A_678 : vector<16xf32> to vector<1x16xf32>
          tpu.vector_store %arg6[%swap3A_680, %swap3A_681], %swap3A_684 {strides = array<i32>} : memref<8x128xf32, #tpu.memory_space<vmem>>, vector<1x16xf32>,
        } else {
        }
        %eq3A_631 = arith.cmpi eq, %shift_right_arithmetic3A_421, %shift_right_arithmetic3A_397 : i32
        %convert_element_type3A_632 = arith.extui %eq3A_631 : i1 to i32
        %cond3A_633 = arith.constant 0 : i32
        %cond3A_634 = arith.cmpi ne, %convert_element_type3A_632, %cond3A_633 : i32
        scf.if %cond3A_634 {
          %and3A_670 = arith.constant -16 : i32
          %and3A_671 = arith.andi %and3A_452, %and3A_670 : i32
          %and3A_672 = arith.constant 15 : i32
          %and3A_673 = arith.andi %and3A_452, %and3A_672 : i32
          %broadcast_in_dim3A_674 = vector.broadcast %and3A_673 : i32 to vector<16xi32>
          %sub3A = arith.subi %iota3A, %broadcast_in_dim3A_674 : vector<16xi32>
          %abs3A = math.absi %sub3A : vector<16xi32>
          %sub3A_675 = arith.subi %broadcast_in_dim3A_390, %abs3A : vector<16xi32>
          %max3A = arith.constant 0 : i32
          %max3A_676 = vector.broadcast %max3A : i32 to vector<16xi32>
          %max3A_677 = arith.maxsi %sub3A_675, %max3A_676 : vector<16xi32>
          %convert_element_type3A_678 = arith.sitofp %max3A_677 : vector<16xi32> to vector<16xf32>
          %swap3A_679 = arith.constant 7 : i32
          %swap3A_680 = arith.index_cast %swap3A_679 : i32 to index
          %swap3A_681 = arith.index_cast %and3A_671 : i32 to index
          %swap3A_682 = tpu.vector_load %arg6[%swap3A_680, %swap3A_681] {strides = array<i32>} : memref<8x128xf32, #tpu.memory_space<vmem>>, vector<1x16xf32>,
          %swap3A_683 = vector.shape_cast %swap3A_682 : vector<1x16xf32> to vector<16xf32>
          %swap3A_684 = vector.shape_cast %convert_element_type3A_678 : vector<16xf32> to vector<1x16xf32>
          tpu.vector_store %arg6[%swap3A_680, %swap3A_681], %swap3A_684 {strides = array<i32>} : memref<8x128xf32, #tpu.memory_space<vmem>>, vector<1x16xf32>,
        } else {
        }
        %mul3A_635 = arith.constant 128 : i32
        %mul3A_636 = arith.muli %shift_right_arithmetic3A_397, %mul3A_635 : i32
        %multiple_of3A_637 = tpu.assume_multiple %mul3A_636, 128 : i32
        "tpu.region"() ({
          %run_scoped3A = tpu.sem_alloc : memref<!tpu.dma_semaphore, #tpu.memory_space<semaphore_mem>>
          %dma_start3A = tpu.memref_slice %arg3[%multiple_of3A, %multiple_of3A_637] : memref<128x32768xf32, #tpu.memory_space<hbm>> -> memref<8x128xf32, #tpu.memory_space<hbm>>
          %dma_start3A_670 = tpu.memref_slice %arg3[%multiple_of3A, %multiple_of3A_637] : memref<128x32768xf32, #tpu.memory_space<hbm>> -> memref<8x128xf32, #tpu.memory_space<hbm>>
          tpu.enqueue_dma source(%arg6 : memref<8x128xf32, #tpu.memory_space<vmem>>) target(%dma_start3A_670 : memref<8x128xf32, #tpu.memory_space<hbm>>) target_semaphore(%run_scoped3A : memref<!tpu.dma_semaphore, #tpu.memory_space<semaphore_mem>>)
          %dma_wait3A = tpu.memref_slice %arg3[%multiple_of3A, %multiple_of3A_637] : memref<128x32768xf32, #tpu.memory_space<hbm>> -> memref<8x128xf32, #tpu.memory_space<hbm>>
          %dma_wait3A_671 = tpu.memref_slice %arg3[%multiple_of3A, %multiple_of3A_637] : memref<128x32768xf32, #tpu.memory_space<hbm>> -> memref<8x128xf32, #tpu.memory_space<hbm>>
          tpu.wait_dma2 semaphore(%run_scoped3A : memref<!tpu.dma_semaphore, #tpu.memory_space<semaphore_mem>>) src(%arg6 : memref<8x128xf32, #tpu.memory_space<vmem>>) dst(%dma_wait3A_671 : memref<8x128xf32, #tpu.memory_space<hbm>>)
          tpu.yield
        }) : () -> ()
        %eq3A_638 = arith.cmpi eq, %shift_right_arithmetic3A_393, %shift_right_arithmetic3A_397 : i32
        %convert_element_type3A_639 = arith.extui %eq3A_638 : i1 to i32
        %cond3A_640 = arith.constant 0 : i32
        %cond3A_641 = arith.cmpi ne, %convert_element_type3A_639, %cond3A_640 : i32
        scf.if %cond3A_641 {
          %and3A_670 = arith.constant -16 : i32
          %and3A_671 = arith.andi %and3A_424, %and3A_670 : i32
          %swap3A_672 = arith.constant 0 : i32
          %swap3A_673 = arith.index_cast %swap3A_672 : i32 to index
          %swap3A_674 = arith.index_cast %and3A_671 : i32 to index
          %swap3A_675 = tpu.vector_load %arg6[%swap3A_673, %swap3A_674] {strides = array<i32>} : memref<8x128xf32, #tpu.memory_space<vmem>>, vector<1x16xf32>,
          %swap3A_676 = vector.shape_cast %swap3A_675 : vector<1x16xf32> to vector<16xf32>
          %swap3A_677 = vector.shape_cast %broadcast_in_dim3A_1 : vector<16xf32> to vector<1x16xf32>
          tpu.vector_store %arg6[%swap3A_673, %swap3A_674], %swap3A_677 {strides = array<i32>} : memref<8x128xf32, #tpu.memory_space<vmem>>, vector<1x16xf32>,
        } else {
        }
        %eq3A_642 = arith.cmpi eq, %shift_right_arithmetic3A_397, %shift_right_arithmetic3A_397 : i32
        %convert_element_type3A_643 = arith.extui %eq3A_642 : i1 to i32
        %cond3A_644 = arith.constant 0 : i32
        %cond3A_645 = arith.cmpi ne, %convert_element_type3A_643, %cond3A_644 : i32
        scf.if %cond3A_645 {
          %and3A_670 = arith.constant -16 : i32
          %and3A_671 = arith.andi %and3A_428, %and3A_670 : i32
          %swap3A_672 = arith.constant 1 : i32
          %swap3A_673 = arith.index_cast %swap3A_672 : i32 to index
          %swap3A_674 = arith.index_cast %and3A_671 : i32 to index
          %swap3A_675 = tpu.vector_load %arg6[%swap3A_673, %swap3A_674] {strides = array<i32>} : memref<8x128xf32, #tpu.memory_space<vmem>>, vector<1x16xf32>,
          %swap3A_676 = vector.shape_cast %swap3A_675 : vector<1x16xf32> to vector<16xf32>
          %swap3A_677 = vector.shape_cast %broadcast_in_dim3A_1 : vector<16xf32> to vector<1x16xf32>
          tpu.vector_store %arg6[%swap3A_673, %swap3A_674], %swap3A_677 {strides = array<i32>} : memref<8x128xf32, #tpu.memory_space<vmem>>, vector<1x16xf32>,
        } else {
        }
        %eq3A_646 = arith.cmpi eq, %shift_right_arithmetic3A_401, %shift_right_arithmetic3A_397 : i32
        %convert_element_type3A_647 = arith.extui %eq3A_646 : i1 to i32
        %cond3A_648 = arith.constant 0 : i32
        %cond3A_649 = arith.cmpi ne, %convert_element_type3A_647, %cond3A_648 : i32
        scf.if %cond3A_649 {
          %and3A_670 = arith.constant -16 : i32
          %and3A_671 = arith.andi %and3A_432, %and3A_670 : i32
          %swap3A_672 = arith.constant 2 : i32
          %swap3A_673 = arith.index_cast %swap3A_672 : i32 to index
          %swap3A_674 = arith.index_cast %and3A_671 : i32 to index
          %swap3A_675 = tpu.vector_load %arg6[%swap3A_673, %swap3A_674] {strides = array<i32>} : memref<8x128xf32, #tpu.memory_space<vmem>>, vector<1x16xf32>,
          %swap3A_676 = vector.shape_cast %swap3A_675 : vector<1x16xf32> to vector<16xf32>
          %swap3A_677 = vector.shape_cast %broadcast_in_dim3A_1 : vector<16xf32> to vector<1x16xf32>
          tpu.vector_store %arg6[%swap3A_673, %swap3A_674], %swap3A_677 {strides = array<i32>} : memref<8x128xf32, #tpu.memory_space<vmem>>, vector<1x16xf32>,
        } else {
        }
        %eq3A_650 = arith.cmpi eq, %shift_right_arithmetic3A_405, %shift_right_arithmetic3A_397 : i32
        %convert_element_type3A_651 = arith.extui %eq3A_650 : i1 to i32
        %cond3A_652 = arith.constant 0 : i32
        %cond3A_653 = arith.cmpi ne, %convert_element_type3A_651, %cond3A_652 : i32
        scf.if %cond3A_653 {
          %and3A_670 = arith.constant -16 : i32
          %and3A_671 = arith.andi %and3A_436, %and3A_670 : i32
          %swap3A_672 = arith.constant 3 : i32
          %swap3A_673 = arith.index_cast %swap3A_672 : i32 to index
          %swap3A_674 = arith.index_cast %and3A_671 : i32 to index
          %swap3A_675 = tpu.vector_load %arg6[%swap3A_673, %swap3A_674] {strides = array<i32>} : memref<8x128xf32, #tpu.memory_space<vmem>>, vector<1x16xf32>,
          %swap3A_676 = vector.shape_cast %swap3A_675 : vector<1x16xf32> to vector<16xf32>
          %swap3A_677 = vector.shape_cast %broadcast_in_dim3A_1 : vector<16xf32> to vector<1x16xf32>
          tpu.vector_store %arg6[%swap3A_673, %swap3A_674], %swap3A_677 {strides = array<i32>} : memref<8x128xf32, #tpu.memory_space<vmem>>, vector<1x16xf32>,
        } else {
        }
        %eq3A_654 = arith.cmpi eq, %shift_right_arithmetic3A_409, %shift_right_arithmetic3A_397 : i32
        %convert_element_type3A_655 = arith.extui %eq3A_654 : i1 to i32
        %cond3A_656 = arith.constant 0 : i32
        %cond3A_657 = arith.cmpi ne, %convert_element_type3A_655, %cond3A_656 : i32
        scf.if %cond3A_657 {
          %and3A_670 = arith.constant -16 : i32
          %and3A_671 = arith.andi %and3A_440, %and3A_670 : i32
          %swap3A_672 = arith.constant 4 : i32
          %swap3A_673 = arith.index_cast %swap3A_672 : i32 to index
          %swap3A_674 = arith.index_cast %and3A_671 : i32 to index
          %swap3A_675 = tpu.vector_load %arg6[%swap3A_673, %swap3A_674] {strides = array<i32>} : memref<8x128xf32, #tpu.memory_space<vmem>>, vector<1x16xf32>,
          %swap3A_676 = vector.shape_cast %swap3A_675 : vector<1x16xf32> to vector<16xf32>
          %swap3A_677 = vector.shape_cast %broadcast_in_dim3A_1 : vector<16xf32> to vector<1x16xf32>
          tpu.vector_store %arg6[%swap3A_673, %swap3A_674], %swap3A_677 {strides = array<i32>} : memref<8x128xf32, #tpu.memory_space<vmem>>, vector<1x16xf32>,
        } else {
        }
        %eq3A_658 = arith.cmpi eq, %shift_right_arithmetic3A_413, %shift_right_arithmetic3A_397 : i32
        %convert_element_type3A_659 = arith.extui %eq3A_658 : i1 to i32
        %cond3A_660 = arith.constant 0 : i32
        %cond3A_661 = arith.cmpi ne, %convert_element_type3A_659, %cond3A_660 : i32
        scf.if %cond3A_661 {
          %and3A_670 = arith.constant -16 : i32
          %and3A_671 = arith.andi %and3A_444, %and3A_670 : i32
          %swap3A_672 = arith.constant 5 : i32
          %swap3A_673 = arith.index_cast %swap3A_672 : i32 to index
          %swap3A_674 = arith.index_cast %and3A_671 : i32 to index
          %swap3A_675 = tpu.vector_load %arg6[%swap3A_673, %swap3A_674] {strides = array<i32>} : memref<8x128xf32, #tpu.memory_space<vmem>>, vector<1x16xf32>,
          %swap3A_676 = vector.shape_cast %swap3A_675 : vector<1x16xf32> to vector<16xf32>
          %swap3A_677 = vector.shape_cast %broadcast_in_dim3A_1 : vector<16xf32> to vector<1x16xf32>
          tpu.vector_store %arg6[%swap3A_673, %swap3A_674], %swap3A_677 {strides = array<i32>} : memref<8x128xf32, #tpu.memory_space<vmem>>, vector<1x16xf32>,
        } else {
        }
        %eq3A_662 = arith.cmpi eq, %shift_right_arithmetic3A_417, %shift_right_arithmetic3A_397 : i32
        %convert_element_type3A_663 = arith.extui %eq3A_662 : i1 to i32
        %cond3A_664 = arith.constant 0 : i32
        %cond3A_665 = arith.cmpi ne, %convert_element_type3A_663, %cond3A_664 : i32
        scf.if %cond3A_665 {
          %and3A_670 = arith.constant -16 : i32
          %and3A_671 = arith.andi %and3A_448, %and3A_670 : i32
          %swap3A_672 = arith.constant 6 : i32
          %swap3A_673 = arith.index_cast %swap3A_672 : i32 to index
          %swap3A_674 = arith.index_cast %and3A_671 : i32 to index
          %swap3A_675 = tpu.vector_load %arg6[%swap3A_673, %swap3A_674] {strides = array<i32>} : memref<8x128xf32, #tpu.memory_space<vmem>>, vector<1x16xf32>,
          %swap3A_676 = vector.shape_cast %swap3A_675 : vector<1x16xf32> to vector<16xf32>
          %swap3A_677 = vector.shape_cast %broadcast_in_dim3A_1 : vector<16xf32> to vector<1x16xf32>
          tpu.vector_store %arg6[%swap3A_673, %swap3A_674], %swap3A_677 {strides = array<i32>} : memref<8x128xf32, #tpu.memory_space<vmem>>, vector<1x16xf32>,
        } else {
        }
        %eq3A_666 = arith.cmpi eq, %shift_right_arithmetic3A_421, %shift_right_arithmetic3A_397 : i32
        %convert_element_type3A_667 = arith.extui %eq3A_666 : i1 to i32
        %cond3A_668 = arith.constant 0 : i32
        %cond3A_669 = arith.cmpi ne, %convert_element_type3A_667, %cond3A_668 : i32
        scf.if %cond3A_669 {
          %and3A_670 = arith.constant -16 : i32
          %and3A_671 = arith.andi %and3A_452, %and3A_670 : i32
          %swap3A_672 = arith.constant 7 : i32
          %swap3A_673 = arith.index_cast %swap3A_672 : i32 to index
          %swap3A_674 = arith.index_cast %and3A_671 : i32 to index
          %swap3A_675 = tpu.vector_load %arg6[%swap3A_673, %swap3A_674] {strides = array<i32>} : memref<8x128xf32, #tpu.memory_space<vmem>>, vector<1x16xf32>,
          %swap3A_676 = vector.shape_cast %swap3A_675 : vector<1x16xf32> to vector<16xf32>
          %swap3A_677 = vector.shape_cast %broadcast_in_dim3A_1 : vector<16xf32> to vector<1x16xf32>
          tpu.vector_store %arg6[%swap3A_673, %swap3A_674], %swap3A_677 {strides = array<i32>} : memref<8x128xf32, #tpu.memory_space<vmem>>, vector<1x16xf32>,
        } else {
        }
      } else {
      }
      %ne3A_525 = arith.cmpi ne, %shift_right_arithmetic3A_393, %shift_right_arithmetic3A_401 : i32
      %and3A_526 = arith.constant true
      %and3A_527 = arith.andi %and3A_526, %ne3A_525 : i1
      %ne3A_528 = arith.cmpi ne, %shift_right_arithmetic3A_397, %shift_right_arithmetic3A_401 : i32
      %and3A_529 = arith.andi %and3A_527, %ne3A_528 : i1
      %convert_element_type3A_530 = arith.extui %and3A_529 : i1 to i32
      %cond3A_531 = arith.constant 0 : i32
      %cond3A_532 = arith.cmpi ne, %convert_element_type3A_530, %cond3A_531 : i32
      scf.if %cond3A_532 {
        %eq3A_603 = arith.cmpi eq, %shift_right_arithmetic3A_393, %shift_right_arithmetic3A_401 : i32
        %convert_element_type3A_604 = arith.extui %eq3A_603 : i1 to i32
        %cond3A_605 = arith.constant 0 : i32
        %cond3A_606 = arith.cmpi ne, %convert_element_type3A_604, %cond3A_605 : i32
        scf.if %cond3A_606 {
          %and3A_670 = arith.constant -16 : i32
          %and3A_671 = arith.andi %and3A_424, %and3A_670 : i32
          %and3A_672 = arith.constant 15 : i32
          %and3A_673 = arith.andi %and3A_424, %and3A_672 : i32
          %broadcast_in_dim3A_674 = vector.broadcast %and3A_673 : i32 to vector<16xi32>
          %sub3A = arith.subi %iota3A, %broadcast_in_dim3A_674 : vector<16xi32>
          %abs3A = math.absi %sub3A : vector<16xi32>
          %sub3A_675 = arith.subi %broadcast_in_dim3A_390, %abs3A : vector<16xi32>
          %max3A = arith.constant 0 : i32
          %max3A_676 = vector.broadcast %max3A : i32 to vector<16xi32>
          %max3A_677 = arith.maxsi %sub3A_675, %max3A_676 : vector<16xi32>
          %convert_element_type3A_678 = arith.sitofp %max3A_677 : vector<16xi32> to vector<16xf32>
          %swap3A_679 = arith.constant 0 : i32
          %swap3A_680 = arith.index_cast %swap3A_679 : i32 to index
          %swap3A_681 = arith.index_cast %and3A_671 : i32 to index
          %swap3A_682 = tpu.vector_load %arg6[%swap3A_680, %swap3A_681] {strides = array<i32>} : memref<8x128xf32, #tpu.memory_space<vmem>>, vector<1x16xf32>,
          %swap3A_683 = vector.shape_cast %swap3A_682 : vector<1x16xf32> to vector<16xf32>
          %swap3A_684 = vector.shape_cast %convert_element_type3A_678 : vector<16xf32> to vector<1x16xf32>
          tpu.vector_store %arg6[%swap3A_680, %swap3A_681], %swap3A_684 {strides = array<i32>} : memref<8x128xf32, #tpu.memory_space<vmem>>, vector<1x16xf32>,
        } else {
        }
        %eq3A_607 = arith.cmpi eq, %shift_right_arithmetic3A_397, %shift_right_arithmetic3A_401 : i32
        %convert_element_type3A_608 = arith.extui %eq3A_607 : i1 to i32
        %cond3A_609 = arith.constant 0 : i32
        %cond3A_610 = arith.cmpi ne, %convert_element_type3A_608, %cond3A_609 : i32
        scf.if %cond3A_610 {
          %and3A_670 = arith.constant -16 : i32
          %and3A_671 = arith.andi %and3A_428, %and3A_670 : i32
          %and3A_672 = arith.constant 15 : i32
          %and3A_673 = arith.andi %and3A_428, %and3A_672 : i32
          %broadcast_in_dim3A_674 = vector.broadcast %and3A_673 : i32 to vector<16xi32>
          %sub3A = arith.subi %iota3A, %broadcast_in_dim3A_674 : vector<16xi32>
          %abs3A = math.absi %sub3A : vector<16xi32>
          %sub3A_675 = arith.subi %broadcast_in_dim3A_390, %abs3A : vector<16xi32>
          %max3A = arith.constant 0 : i32
          %max3A_676 = vector.broadcast %max3A : i32 to vector<16xi32>
          %max3A_677 = arith.maxsi %sub3A_675, %max3A_676 : vector<16xi32>
          %convert_element_type3A_678 = arith.sitofp %max3A_677 : vector<16xi32> to vector<16xf32>
          %swap3A_679 = arith.constant 1 : i32
          %swap3A_680 = arith.index_cast %swap3A_679 : i32 to index
          %swap3A_681 = arith.index_cast %and3A_671 : i32 to index
          %swap3A_682 = tpu.vector_load %arg6[%swap3A_680, %swap3A_681] {strides = array<i32>} : memref<8x128xf32, #tpu.memory_space<vmem>>, vector<1x16xf32>,
          %swap3A_683 = vector.shape_cast %swap3A_682 : vector<1x16xf32> to vector<16xf32>
          %swap3A_684 = vector.shape_cast %convert_element_type3A_678 : vector<16xf32> to vector<1x16xf32>
          tpu.vector_store %arg6[%swap3A_680, %swap3A_681], %swap3A_684 {strides = array<i32>} : memref<8x128xf32, #tpu.memory_space<vmem>>, vector<1x16xf32>,
        } else {
        }
        %eq3A_611 = arith.cmpi eq, %shift_right_arithmetic3A_401, %shift_right_arithmetic3A_401 : i32
        %convert_element_type3A_612 = arith.extui %eq3A_611 : i1 to i32
        %cond3A_613 = arith.constant 0 : i32
        %cond3A_614 = arith.cmpi ne, %convert_element_type3A_612, %cond3A_613 : i32
        scf.if %cond3A_614 {
          %and3A_670 = arith.constant -16 : i32
          %and3A_671 = arith.andi %and3A_432, %and3A_670 : i32
          %and3A_672 = arith.constant 15 : i32
          %and3A_673 = arith.andi %and3A_432, %and3A_672 : i32
          %broadcast_in_dim3A_674 = vector.broadcast %and3A_673 : i32 to vector<16xi32>
          %sub3A = arith.subi %iota3A, %broadcast_in_dim3A_674 : vector<16xi32>
          %abs3A = math.absi %sub3A : vector<16xi32>
          %sub3A_675 = arith.subi %broadcast_in_dim3A_390, %abs3A : vector<16xi32>
          %max3A = arith.constant 0 : i32
          %max3A_676 = vector.broadcast %max3A : i32 to vector<16xi32>
          %max3A_677 = arith.maxsi %sub3A_675, %max3A_676 : vector<16xi32>
          %convert_element_type3A_678 = arith.sitofp %max3A_677 : vector<16xi32> to vector<16xf32>
          %swap3A_679 = arith.constant 2 : i32
          %swap3A_680 = arith.index_cast %swap3A_679 : i32 to index
          %swap3A_681 = arith.index_cast %and3A_671 : i32 to index
          %swap3A_682 = tpu.vector_load %arg6[%swap3A_680, %swap3A_681] {strides = array<i32>} : memref<8x128xf32, #tpu.memory_space<vmem>>, vector<1x16xf32>,
          %swap3A_683 = vector.shape_cast %swap3A_682 : vector<1x16xf32> to vector<16xf32>
          %swap3A_684 = vector.shape_cast %convert_element_type3A_678 : vector<16xf32> to vector<1x16xf32>
          tpu.vector_store %arg6[%swap3A_680, %swap3A_681], %swap3A_684 {strides = array<i32>} : memref<8x128xf32, #tpu.memory_space<vmem>>, vector<1x16xf32>,
        } else {
        }
        %eq3A_615 = arith.cmpi eq, %shift_right_arithmetic3A_405, %shift_right_arithmetic3A_401 : i32
        %convert_element_type3A_616 = arith.extui %eq3A_615 : i1 to i32
        %cond3A_617 = arith.constant 0 : i32
        %cond3A_618 = arith.cmpi ne, %convert_element_type3A_616, %cond3A_617 : i32
        scf.if %cond3A_618 {
          %and3A_670 = arith.constant -16 : i32
          %and3A_671 = arith.andi %and3A_436, %and3A_670 : i32
          %and3A_672 = arith.constant 15 : i32
          %and3A_673 = arith.andi %and3A_436, %and3A_672 : i32
          %broadcast_in_dim3A_674 = vector.broadcast %and3A_673 : i32 to vector<16xi32>
          %sub3A = arith.subi %iota3A, %broadcast_in_dim3A_674 : vector<16xi32>
          %abs3A = math.absi %sub3A : vector<16xi32>
          %sub3A_675 = arith.subi %broadcast_in_dim3A_390, %abs3A : vector<16xi32>
          %max3A = arith.constant 0 : i32
          %max3A_676 = vector.broadcast %max3A : i32 to vector<16xi32>
          %max3A_677 = arith.maxsi %sub3A_675, %max3A_676 : vector<16xi32>
          %convert_element_type3A_678 = arith.sitofp %max3A_677 : vector<16xi32> to vector<16xf32>
          %swap3A_679 = arith.constant 3 : i32
          %swap3A_680 = arith.index_cast %swap3A_679 : i32 to index
          %swap3A_681 = arith.index_cast %and3A_671 : i32 to index
          %swap3A_682 = tpu.vector_load %arg6[%swap3A_680, %swap3A_681] {strides = array<i32>} : memref<8x128xf32, #tpu.memory_space<vmem>>, vector<1x16xf32>,
          %swap3A_683 = vector.shape_cast %swap3A_682 : vector<1x16xf32> to vector<16xf32>
          %swap3A_684 = vector.shape_cast %convert_element_type3A_678 : vector<16xf32> to vector<1x16xf32>
          tpu.vector_store %arg6[%swap3A_680, %swap3A_681], %swap3A_684 {strides = array<i32>} : memref<8x128xf32, #tpu.memory_space<vmem>>, vector<1x16xf32>,
        } else {
        }
        %eq3A_619 = arith.cmpi eq, %shift_right_arithmetic3A_409, %shift_right_arithmetic3A_401 : i32
        %convert_element_type3A_620 = arith.extui %eq3A_619 : i1 to i32
        %cond3A_621 = arith.constant 0 : i32
        %cond3A_622 = arith.cmpi ne, %convert_element_type3A_620, %cond3A_621 : i32
        scf.if %cond3A_622 {
          %and3A_670 = arith.constant -16 : i32
          %and3A_671 = arith.andi %and3A_440, %and3A_670 : i32
          %and3A_672 = arith.constant 15 : i32
          %and3A_673 = arith.andi %and3A_440, %and3A_672 : i32
          %broadcast_in_dim3A_674 = vector.broadcast %and3A_673 : i32 to vector<16xi32>
          %sub3A = arith.subi %iota3A, %broadcast_in_dim3A_674 : vector<16xi32>
          %abs3A = math.absi %sub3A : vector<16xi32>
          %sub3A_675 = arith.subi %broadcast_in_dim3A_390, %abs3A : vector<16xi32>
          %max3A = arith.constant 0 : i32
          %max3A_676 = vector.broadcast %max3A : i32 to vector<16xi32>
          %max3A_677 = arith.maxsi %sub3A_675, %max3A_676 : vector<16xi32>
          %convert_element_type3A_678 = arith.sitofp %max3A_677 : vector<16xi32> to vector<16xf32>
          %swap3A_679 = arith.constant 4 : i32
          %swap3A_680 = arith.index_cast %swap3A_679 : i32 to index
          %swap3A_681 = arith.index_cast %and3A_671 : i32 to index
          %swap3A_682 = tpu.vector_load %arg6[%swap3A_680, %swap3A_681] {strides = array<i32>} : memref<8x128xf32, #tpu.memory_space<vmem>>, vector<1x16xf32>,
          %swap3A_683 = vector.shape_cast %swap3A_682 : vector<1x16xf32> to vector<16xf32>
          %swap3A_684 = vector.shape_cast %convert_element_type3A_678 : vector<16xf32> to vector<1x16xf32>
          tpu.vector_store %arg6[%swap3A_680, %swap3A_681], %swap3A_684 {strides = array<i32>} : memref<8x128xf32, #tpu.memory_space<vmem>>, vector<1x16xf32>,
        } else {
        }
        %eq3A_623 = arith.cmpi eq, %shift_right_arithmetic3A_413, %shift_right_arithmetic3A_401 : i32
        %convert_element_type3A_624 = arith.extui %eq3A_623 : i1 to i32
        %cond3A_625 = arith.constant 0 : i32
        %cond3A_626 = arith.cmpi ne, %convert_element_type3A_624, %cond3A_625 : i32
        scf.if %cond3A_626 {
          %and3A_670 = arith.constant -16 : i32
          %and3A_671 = arith.andi %and3A_444, %and3A_670 : i32
          %and3A_672 = arith.constant 15 : i32
          %and3A_673 = arith.andi %and3A_444, %and3A_672 : i32
          %broadcast_in_dim3A_674 = vector.broadcast %and3A_673 : i32 to vector<16xi32>
          %sub3A = arith.subi %iota3A, %broadcast_in_dim3A_674 : vector<16xi32>
          %abs3A = math.absi %sub3A : vector<16xi32>
          %sub3A_675 = arith.subi %broadcast_in_dim3A_390, %abs3A : vector<16xi32>
          %max3A = arith.constant 0 : i32
          %max3A_676 = vector.broadcast %max3A : i32 to vector<16xi32>
          %max3A_677 = arith.maxsi %sub3A_675, %max3A_676 : vector<16xi32>
          %convert_element_type3A_678 = arith.sitofp %max3A_677 : vector<16xi32> to vector<16xf32>
          %swap3A_679 = arith.constant 5 : i32
          %swap3A_680 = arith.index_cast %swap3A_679 : i32 to index
          %swap3A_681 = arith.index_cast %and3A_671 : i32 to index
          %swap3A_682 = tpu.vector_load %arg6[%swap3A_680, %swap3A_681] {strides = array<i32>} : memref<8x128xf32, #tpu.memory_space<vmem>>, vector<1x16xf32>,
          %swap3A_683 = vector.shape_cast %swap3A_682 : vector<1x16xf32> to vector<16xf32>
          %swap3A_684 = vector.shape_cast %convert_element_type3A_678 : vector<16xf32> to vector<1x16xf32>
          tpu.vector_store %arg6[%swap3A_680, %swap3A_681], %swap3A_684 {strides = array<i32>} : memref<8x128xf32, #tpu.memory_space<vmem>>, vector<1x16xf32>,
        } else {
        }
        %eq3A_627 = arith.cmpi eq, %shift_right_arithmetic3A_417, %shift_right_arithmetic3A_401 : i32
        %convert_element_type3A_628 = arith.extui %eq3A_627 : i1 to i32
        %cond3A_629 = arith.constant 0 : i32
        %cond3A_630 = arith.cmpi ne, %convert_element_type3A_628, %cond3A_629 : i32
        scf.if %cond3A_630 {
          %and3A_670 = arith.constant -16 : i32
          %and3A_671 = arith.andi %and3A_448, %and3A_670 : i32
          %and3A_672 = arith.constant 15 : i32
          %and3A_673 = arith.andi %and3A_448, %and3A_672 : i32
          %broadcast_in_dim3A_674 = vector.broadcast %and3A_673 : i32 to vector<16xi32>
          %sub3A = arith.subi %iota3A, %broadcast_in_dim3A_674 : vector<16xi32>
          %abs3A = math.absi %sub3A : vector<16xi32>
          %sub3A_675 = arith.subi %broadcast_in_dim3A_390, %abs3A : vector<16xi32>
          %max3A = arith.constant 0 : i32
          %max3A_676 = vector.broadcast %max3A : i32 to vector<16xi32>
          %max3A_677 = arith.maxsi %sub3A_675, %max3A_676 : vector<16xi32>
          %convert_element_type3A_678 = arith.sitofp %max3A_677 : vector<16xi32> to vector<16xf32>
          %swap3A_679 = arith.constant 6 : i32
          %swap3A_680 = arith.index_cast %swap3A_679 : i32 to index
          %swap3A_681 = arith.index_cast %and3A_671 : i32 to index
          %swap3A_682 = tpu.vector_load %arg6[%swap3A_680, %swap3A_681] {strides = array<i32>} : memref<8x128xf32, #tpu.memory_space<vmem>>, vector<1x16xf32>,
          %swap3A_683 = vector.shape_cast %swap3A_682 : vector<1x16xf32> to vector<16xf32>
          %swap3A_684 = vector.shape_cast %convert_element_type3A_678 : vector<16xf32> to vector<1x16xf32>
          tpu.vector_store %arg6[%swap3A_680, %swap3A_681], %swap3A_684 {strides = array<i32>} : memref<8x128xf32, #tpu.memory_space<vmem>>, vector<1x16xf32>,
        } else {
        }
        %eq3A_631 = arith.cmpi eq, %shift_right_arithmetic3A_421, %shift_right_arithmetic3A_401 : i32
        %convert_element_type3A_632 = arith.extui %eq3A_631 : i1 to i32
        %cond3A_633 = arith.constant 0 : i32
        %cond3A_634 = arith.cmpi ne, %convert_element_type3A_632, %cond3A_633 : i32
        scf.if %cond3A_634 {
          %and3A_670 = arith.constant -16 : i32
          %and3A_671 = arith.andi %and3A_452, %and3A_670 : i32
          %and3A_672 = arith.constant 15 : i32
          %and3A_673 = arith.andi %and3A_452, %and3A_672 : i32
          %broadcast_in_dim3A_674 = vector.broadcast %and3A_673 : i32 to vector<16xi32>
          %sub3A = arith.subi %iota3A, %broadcast_in_dim3A_674 : vector<16xi32>
          %abs3A = math.absi %sub3A : vector<16xi32>
          %sub3A_675 = arith.subi %broadcast_in_dim3A_390, %abs3A : vector<16xi32>
          %max3A = arith.constant 0 : i32
          %max3A_676 = vector.broadcast %max3A : i32 to vector<16xi32>
          %max3A_677 = arith.maxsi %sub3A_675, %max3A_676 : vector<16xi32>
          %convert_element_type3A_678 = arith.sitofp %max3A_677 : vector<16xi32> to vector<16xf32>
          %swap3A_679 = arith.constant 7 : i32
          %swap3A_680 = arith.index_cast %swap3A_679 : i32 to index
          %swap3A_681 = arith.index_cast %and3A_671 : i32 to index
          %swap3A_682 = tpu.vector_load %arg6[%swap3A_680, %swap3A_681] {strides = array<i32>} : memref<8x128xf32, #tpu.memory_space<vmem>>, vector<1x16xf32>,
          %swap3A_683 = vector.shape_cast %swap3A_682 : vector<1x16xf32> to vector<16xf32>
          %swap3A_684 = vector.shape_cast %convert_element_type3A_678 : vector<16xf32> to vector<1x16xf32>
          tpu.vector_store %arg6[%swap3A_680, %swap3A_681], %swap3A_684 {strides = array<i32>} : memref<8x128xf32, #tpu.memory_space<vmem>>, vector<1x16xf32>,
        } else {
        }
        %mul3A_635 = arith.constant 128 : i32
        %mul3A_636 = arith.muli %shift_right_arithmetic3A_401, %mul3A_635 : i32
        %multiple_of3A_637 = tpu.assume_multiple %mul3A_636, 128 : i32
        "tpu.region"() ({
          %run_scoped3A = tpu.sem_alloc : memref<!tpu.dma_semaphore, #tpu.memory_space<semaphore_mem>>
          %dma_start3A = tpu.memref_slice %arg3[%multiple_of3A, %multiple_of3A_637] : memref<128x32768xf32, #tpu.memory_space<hbm>> -> memref<8x128xf32, #tpu.memory_space<hbm>>
          %dma_start3A_670 = tpu.memref_slice %arg3[%multiple_of3A, %multiple_of3A_637] : memref<128x32768xf32, #tpu.memory_space<hbm>> -> memref<8x128xf32, #tpu.memory_space<hbm>>
          tpu.enqueue_dma source(%arg6 : memref<8x128xf32, #tpu.memory_space<vmem>>) target(%dma_start3A_670 : memref<8x128xf32, #tpu.memory_space<hbm>>) target_semaphore(%run_scoped3A : memref<!tpu.dma_semaphore, #tpu.memory_space<semaphore_mem>>)
          %dma_wait3A = tpu.memref_slice %arg3[%multiple_of3A, %multiple_of3A_637] : memref<128x32768xf32, #tpu.memory_space<hbm>> -> memref<8x128xf32, #tpu.memory_space<hbm>>
          %dma_wait3A_671 = tpu.memref_slice %arg3[%multiple_of3A, %multiple_of3A_637] : memref<128x32768xf32, #tpu.memory_space<hbm>> -> memref<8x128xf32, #tpu.memory_space<hbm>>
          tpu.wait_dma2 semaphore(%run_scoped3A : memref<!tpu.dma_semaphore, #tpu.memory_space<semaphore_mem>>) src(%arg6 : memref<8x128xf32, #tpu.memory_space<vmem>>) dst(%dma_wait3A_671 : memref<8x128xf32, #tpu.memory_space<hbm>>)
          tpu.yield
        }) : () -> ()
        %eq3A_638 = arith.cmpi eq, %shift_right_arithmetic3A_393, %shift_right_arithmetic3A_401 : i32
        %convert_element_type3A_639 = arith.extui %eq3A_638 : i1 to i32
        %cond3A_640 = arith.constant 0 : i32
        %cond3A_641 = arith.cmpi ne, %convert_element_type3A_639, %cond3A_640 : i32
        scf.if %cond3A_641 {
          %and3A_670 = arith.constant -16 : i32
          %and3A_671 = arith.andi %and3A_424, %and3A_670 : i32
          %swap3A_672 = arith.constant 0 : i32
          %swap3A_673 = arith.index_cast %swap3A_672 : i32 to index
          %swap3A_674 = arith.index_cast %and3A_671 : i32 to index
          %swap3A_675 = tpu.vector_load %arg6[%swap3A_673, %swap3A_674] {strides = array<i32>} : memref<8x128xf32, #tpu.memory_space<vmem>>, vector<1x16xf32>,
          %swap3A_676 = vector.shape_cast %swap3A_675 : vector<1x16xf32> to vector<16xf32>
          %swap3A_677 = vector.shape_cast %broadcast_in_dim3A_1 : vector<16xf32> to vector<1x16xf32>
          tpu.vector_store %arg6[%swap3A_673, %swap3A_674], %swap3A_677 {strides = array<i32>} : memref<8x128xf32, #tpu.memory_space<vmem>>, vector<1x16xf32>,
        } else {
        }
        %eq3A_642 = arith.cmpi eq, %shift_right_arithmetic3A_397, %shift_right_arithmetic3A_401 : i32
        %convert_element_type3A_643 = arith.extui %eq3A_642 : i1 to i32
        %cond3A_644 = arith.constant 0 : i32
        %cond3A_645 = arith.cmpi ne, %convert_element_type3A_643, %cond3A_644 : i32
        scf.if %cond3A_645 {
          %and3A_670 = arith.constant -16 : i32
          %and3A_671 = arith.andi %and3A_428, %and3A_670 : i32
          %swap3A_672 = arith.constant 1 : i32
          %swap3A_673 = arith.index_cast %swap3A_672 : i32 to index
          %swap3A_674 = arith.index_cast %and3A_671 : i32 to index
          %swap3A_675 = tpu.vector_load %arg6[%swap3A_673, %swap3A_674] {strides = array<i32>} : memref<8x128xf32, #tpu.memory_space<vmem>>, vector<1x16xf32>,
          %swap3A_676 = vector.shape_cast %swap3A_675 : vector<1x16xf32> to vector<16xf32>
          %swap3A_677 = vector.shape_cast %broadcast_in_dim3A_1 : vector<16xf32> to vector<1x16xf32>
          tpu.vector_store %arg6[%swap3A_673, %swap3A_674], %swap3A_677 {strides = array<i32>} : memref<8x128xf32, #tpu.memory_space<vmem>>, vector<1x16xf32>,
        } else {
        }
        %eq3A_646 = arith.cmpi eq, %shift_right_arithmetic3A_401, %shift_right_arithmetic3A_401 : i32
        %convert_element_type3A_647 = arith.extui %eq3A_646 : i1 to i32
        %cond3A_648 = arith.constant 0 : i32
        %cond3A_649 = arith.cmpi ne, %convert_element_type3A_647, %cond3A_648 : i32
        scf.if %cond3A_649 {
          %and3A_670 = arith.constant -16 : i32
          %and3A_671 = arith.andi %and3A_432, %and3A_670 : i32
          %swap3A_672 = arith.constant 2 : i32
          %swap3A_673 = arith.index_cast %swap3A_672 : i32 to index
          %swap3A_674 = arith.index_cast %and3A_671 : i32 to index
          %swap3A_675 = tpu.vector_load %arg6[%swap3A_673, %swap3A_674] {strides = array<i32>} : memref<8x128xf32, #tpu.memory_space<vmem>>, vector<1x16xf32>,
          %swap3A_676 = vector.shape_cast %swap3A_675 : vector<1x16xf32> to vector<16xf32>
          %swap3A_677 = vector.shape_cast %broadcast_in_dim3A_1 : vector<16xf32> to vector<1x16xf32>
          tpu.vector_store %arg6[%swap3A_673, %swap3A_674], %swap3A_677 {strides = array<i32>} : memref<8x128xf32, #tpu.memory_space<vmem>>, vector<1x16xf32>,
        } else {
        }
        %eq3A_650 = arith.cmpi eq, %shift_right_arithmetic3A_405, %shift_right_arithmetic3A_401 : i32
        %convert_element_type3A_651 = arith.extui %eq3A_650 : i1 to i32
        %cond3A_652 = arith.constant 0 : i32
        %cond3A_653 = arith.cmpi ne, %convert_element_type3A_651, %cond3A_652 : i32
        scf.if %cond3A_653 {
          %and3A_670 = arith.constant -16 : i32
          %and3A_671 = arith.andi %and3A_436, %and3A_670 : i32
          %swap3A_672 = arith.constant 3 : i32
          %swap3A_673 = arith.index_cast %swap3A_672 : i32 to index
          %swap3A_674 = arith.index_cast %and3A_671 : i32 to index
          %swap3A_675 = tpu.vector_load %arg6[%swap3A_673, %swap3A_674] {strides = array<i32>} : memref<8x128xf32, #tpu.memory_space<vmem>>, vector<1x16xf32>,
          %swap3A_676 = vector.shape_cast %swap3A_675 : vector<1x16xf32> to vector<16xf32>
          %swap3A_677 = vector.shape_cast %broadcast_in_dim3A_1 : vector<16xf32> to vector<1x16xf32>
          tpu.vector_store %arg6[%swap3A_673, %swap3A_674], %swap3A_677 {strides = array<i32>} : memref<8x128xf32, #tpu.memory_space<vmem>>, vector<1x16xf32>,
        } else {
        }
        %eq3A_654 = arith.cmpi eq, %shift_right_arithmetic3A_409, %shift_right_arithmetic3A_401 : i32
        %convert_element_type3A_655 = arith.extui %eq3A_654 : i1 to i32
        %cond3A_656 = arith.constant 0 : i32
        %cond3A_657 = arith.cmpi ne, %convert_element_type3A_655, %cond3A_656 : i32
        scf.if %cond3A_657 {
          %and3A_670 = arith.constant -16 : i32
          %and3A_671 = arith.andi %and3A_440, %and3A_670 : i32
          %swap3A_672 = arith.constant 4 : i32
          %swap3A_673 = arith.index_cast %swap3A_672 : i32 to index
          %swap3A_674 = arith.index_cast %and3A_671 : i32 to index
          %swap3A_675 = tpu.vector_load %arg6[%swap3A_673, %swap3A_674] {strides = array<i32>} : memref<8x128xf32, #tpu.memory_space<vmem>>, vector<1x16xf32>,
          %swap3A_676 = vector.shape_cast %swap3A_675 : vector<1x16xf32> to vector<16xf32>
          %swap3A_677 = vector.shape_cast %broadcast_in_dim3A_1 : vector<16xf32> to vector<1x16xf32>
          tpu.vector_store %arg6[%swap3A_673, %swap3A_674], %swap3A_677 {strides = array<i32>} : memref<8x128xf32, #tpu.memory_space<vmem>>, vector<1x16xf32>,
        } else {
        }
        %eq3A_658 = arith.cmpi eq, %shift_right_arithmetic3A_413, %shift_right_arithmetic3A_401 : i32
        %convert_element_type3A_659 = arith.extui %eq3A_658 : i1 to i32
        %cond3A_660 = arith.constant 0 : i32
        %cond3A_661 = arith.cmpi ne, %convert_element_type3A_659, %cond3A_660 : i32
        scf.if %cond3A_661 {
          %and3A_670 = arith.constant -16 : i32
          %and3A_671 = arith.andi %and3A_444, %and3A_670 : i32
          %swap3A_672 = arith.constant 5 : i32
          %swap3A_673 = arith.index_cast %swap3A_672 : i32 to index
          %swap3A_674 = arith.index_cast %and3A_671 : i32 to index
          %swap3A_675 = tpu.vector_load %arg6[%swap3A_673, %swap3A_674] {strides = array<i32>} : memref<8x128xf32, #tpu.memory_space<vmem>>, vector<1x16xf32>,
          %swap3A_676 = vector.shape_cast %swap3A_675 : vector<1x16xf32> to vector<16xf32>
          %swap3A_677 = vector.shape_cast %broadcast_in_dim3A_1 : vector<16xf32> to vector<1x16xf32>
          tpu.vector_store %arg6[%swap3A_673, %swap3A_674], %swap3A_677 {strides = array<i32>} : memref<8x128xf32, #tpu.memory_space<vmem>>, vector<1x16xf32>,
        } else {
        }
        %eq3A_662 = arith.cmpi eq, %shift_right_arithmetic3A_417, %shift_right_arithmetic3A_401 : i32
        %convert_element_type3A_663 = arith.extui %eq3A_662 : i1 to i32
        %cond3A_664 = arith.constant 0 : i32
        %cond3A_665 = arith.cmpi ne, %convert_element_type3A_663, %cond3A_664 : i32
        scf.if %cond3A_665 {
          %and3A_670 = arith.constant -16 : i32
          %and3A_671 = arith.andi %and3A_448, %and3A_670 : i32
          %swap3A_672 = arith.constant 6 : i32
          %swap3A_673 = arith.index_cast %swap3A_672 : i32 to index
          %swap3A_674 = arith.index_cast %and3A_671 : i32 to index
          %swap3A_675 = tpu.vector_load %arg6[%swap3A_673, %swap3A_674] {strides = array<i32>} : memref<8x128xf32, #tpu.memory_space<vmem>>, vector<1x16xf32>,
          %swap3A_676 = vector.shape_cast %swap3A_675 : vector<1x16xf32> to vector<16xf32>
          %swap3A_677 = vector.shape_cast %broadcast_in_dim3A_1 : vector<16xf32> to vector<1x16xf32>
          tpu.vector_store %arg6[%swap3A_673, %swap3A_674], %swap3A_677 {strides = array<i32>} : memref<8x128xf32, #tpu.memory_space<vmem>>, vector<1x16xf32>,
        } else {
        }
        %eq3A_666 = arith.cmpi eq, %shift_right_arithmetic3A_421, %shift_right_arithmetic3A_401 : i32
        %convert_element_type3A_667 = arith.extui %eq3A_666 : i1 to i32
        %cond3A_668 = arith.constant 0 : i32
        %cond3A_669 = arith.cmpi ne, %convert_element_type3A_667, %cond3A_668 : i32
        scf.if %cond3A_669 {
          %and3A_670 = arith.constant -16 : i32
          %and3A_671 = arith.andi %and3A_452, %and3A_670 : i32
          %swap3A_672 = arith.constant 7 : i32
          %swap3A_673 = arith.index_cast %swap3A_672 : i32 to index
          %swap3A_674 = arith.index_cast %and3A_671 : i32 to index
          %swap3A_675 = tpu.vector_load %arg6[%swap3A_673, %swap3A_674] {strides = array<i32>} : memref<8x128xf32, #tpu.memory_space<vmem>>, vector<1x16xf32>,
          %swap3A_676 = vector.shape_cast %swap3A_675 : vector<1x16xf32> to vector<16xf32>
          %swap3A_677 = vector.shape_cast %broadcast_in_dim3A_1 : vector<16xf32> to vector<1x16xf32>
          tpu.vector_store %arg6[%swap3A_673, %swap3A_674], %swap3A_677 {strides = array<i32>} : memref<8x128xf32, #tpu.memory_space<vmem>>, vector<1x16xf32>,
        } else {
        }
      } else {
      }
      %ne3A_533 = arith.cmpi ne, %shift_right_arithmetic3A_393, %shift_right_arithmetic3A_405 : i32
      %and3A_534 = arith.constant true
      %and3A_535 = arith.andi %and3A_534, %ne3A_533 : i1
      %ne3A_536 = arith.cmpi ne, %shift_right_arithmetic3A_397, %shift_right_arithmetic3A_405 : i32
      %and3A_537 = arith.andi %and3A_535, %ne3A_536 : i1
      %ne3A_538 = arith.cmpi ne, %shift_right_arithmetic3A_401, %shift_right_arithmetic3A_405 : i32
      %and3A_539 = arith.andi %and3A_537, %ne3A_538 : i1
      %convert_element_type3A_540 = arith.extui %and3A_539 : i1 to i32
      %cond3A_541 = arith.constant 0 : i32
      %cond3A_542 = arith.cmpi ne, %convert_element_type3A_540, %cond3A_541 : i32
      scf.if %cond3A_542 {
        %eq3A_603 = arith.cmpi eq, %shift_right_arithmetic3A_393, %shift_right_arithmetic3A_405 : i32
        %convert_element_type3A_604 = arith.extui %eq3A_603 : i1 to i32
        %cond3A_605 = arith.constant 0 : i32
        %cond3A_606 = arith.cmpi ne, %convert_element_type3A_604, %cond3A_605 : i32
        scf.if %cond3A_606 {
          %and3A_670 = arith.constant -16 : i32
          %and3A_671 = arith.andi %and3A_424, %and3A_670 : i32
          %and3A_672 = arith.constant 15 : i32
          %and3A_673 = arith.andi %and3A_424, %and3A_672 : i32
          %broadcast_in_dim3A_674 = vector.broadcast %and3A_673 : i32 to vector<16xi32>
          %sub3A = arith.subi %iota3A, %broadcast_in_dim3A_674 : vector<16xi32>
          %abs3A = math.absi %sub3A : vector<16xi32>
          %sub3A_675 = arith.subi %broadcast_in_dim3A_390, %abs3A : vector<16xi32>
          %max3A = arith.constant 0 : i32
          %max3A_676 = vector.broadcast %max3A : i32 to vector<16xi32>
          %max3A_677 = arith.maxsi %sub3A_675, %max3A_676 : vector<16xi32>
          %convert_element_type3A_678 = arith.sitofp %max3A_677 : vector<16xi32> to vector<16xf32>
          %swap3A_679 = arith.constant 0 : i32
          %swap3A_680 = arith.index_cast %swap3A_679 : i32 to index
          %swap3A_681 = arith.index_cast %and3A_671 : i32 to index
          %swap3A_682 = tpu.vector_load %arg6[%swap3A_680, %swap3A_681] {strides = array<i32>} : memref<8x128xf32, #tpu.memory_space<vmem>>, vector<1x16xf32>,
          %swap3A_683 = vector.shape_cast %swap3A_682 : vector<1x16xf32> to vector<16xf32>
          %swap3A_684 = vector.shape_cast %convert_element_type3A_678 : vector<16xf32> to vector<1x16xf32>
          tpu.vector_store %arg6[%swap3A_680, %swap3A_681], %swap3A_684 {strides = array<i32>} : memref<8x128xf32, #tpu.memory_space<vmem>>, vector<1x16xf32>,
        } else {
        }
        %eq3A_607 = arith.cmpi eq, %shift_right_arithmetic3A_397, %shift_right_arithmetic3A_405 : i32
        %convert_element_type3A_608 = arith.extui %eq3A_607 : i1 to i32
        %cond3A_609 = arith.constant 0 : i32
        %cond3A_610 = arith.cmpi ne, %convert_element_type3A_608, %cond3A_609 : i32
        scf.if %cond3A_610 {
          %and3A_670 = arith.constant -16 : i32
          %and3A_671 = arith.andi %and3A_428, %and3A_670 : i32
          %and3A_672 = arith.constant 15 : i32
          %and3A_673 = arith.andi %and3A_428, %and3A_672 : i32
          %broadcast_in_dim3A_674 = vector.broadcast %and3A_673 : i32 to vector<16xi32>
          %sub3A = arith.subi %iota3A, %broadcast_in_dim3A_674 : vector<16xi32>
          %abs3A = math.absi %sub3A : vector<16xi32>
          %sub3A_675 = arith.subi %broadcast_in_dim3A_390, %abs3A : vector<16xi32>
          %max3A = arith.constant 0 : i32
          %max3A_676 = vector.broadcast %max3A : i32 to vector<16xi32>
          %max3A_677 = arith.maxsi %sub3A_675, %max3A_676 : vector<16xi32>
          %convert_element_type3A_678 = arith.sitofp %max3A_677 : vector<16xi32> to vector<16xf32>
          %swap3A_679 = arith.constant 1 : i32
          %swap3A_680 = arith.index_cast %swap3A_679 : i32 to index
          %swap3A_681 = arith.index_cast %and3A_671 : i32 to index
          %swap3A_682 = tpu.vector_load %arg6[%swap3A_680, %swap3A_681] {strides = array<i32>} : memref<8x128xf32, #tpu.memory_space<vmem>>, vector<1x16xf32>,
          %swap3A_683 = vector.shape_cast %swap3A_682 : vector<1x16xf32> to vector<16xf32>
          %swap3A_684 = vector.shape_cast %convert_element_type3A_678 : vector<16xf32> to vector<1x16xf32>
          tpu.vector_store %arg6[%swap3A_680, %swap3A_681], %swap3A_684 {strides = array<i32>} : memref<8x128xf32, #tpu.memory_space<vmem>>, vector<1x16xf32>,
        } else {
        }
        %eq3A_611 = arith.cmpi eq, %shift_right_arithmetic3A_401, %shift_right_arithmetic3A_405 : i32
        %convert_element_type3A_612 = arith.extui %eq3A_611 : i1 to i32
        %cond3A_613 = arith.constant 0 : i32
        %cond3A_614 = arith.cmpi ne, %convert_element_type3A_612, %cond3A_613 : i32
        scf.if %cond3A_614 {
          %and3A_670 = arith.constant -16 : i32
          %and3A_671 = arith.andi %and3A_432, %and3A_670 : i32
          %and3A_672 = arith.constant 15 : i32
          %and3A_673 = arith.andi %and3A_432, %and3A_672 : i32
          %broadcast_in_dim3A_674 = vector.broadcast %and3A_673 : i32 to vector<16xi32>
          %sub3A = arith.subi %iota3A, %broadcast_in_dim3A_674 : vector<16xi32>
          %abs3A = math.absi %sub3A : vector<16xi32>
          %sub3A_675 = arith.subi %broadcast_in_dim3A_390, %abs3A : vector<16xi32>
          %max3A = arith.constant 0 : i32
          %max3A_676 = vector.broadcast %max3A : i32 to vector<16xi32>
          %max3A_677 = arith.maxsi %sub3A_675, %max3A_676 : vector<16xi32>
          %convert_element_type3A_678 = arith.sitofp %max3A_677 : vector<16xi32> to vector<16xf32>
          %swap3A_679 = arith.constant 2 : i32
          %swap3A_680 = arith.index_cast %swap3A_679 : i32 to index
          %swap3A_681 = arith.index_cast %and3A_671 : i32 to index
          %swap3A_682 = tpu.vector_load %arg6[%swap3A_680, %swap3A_681] {strides = array<i32>} : memref<8x128xf32, #tpu.memory_space<vmem>>, vector<1x16xf32>,
          %swap3A_683 = vector.shape_cast %swap3A_682 : vector<1x16xf32> to vector<16xf32>
          %swap3A_684 = vector.shape_cast %convert_element_type3A_678 : vector<16xf32> to vector<1x16xf32>
          tpu.vector_store %arg6[%swap3A_680, %swap3A_681], %swap3A_684 {strides = array<i32>} : memref<8x128xf32, #tpu.memory_space<vmem>>, vector<1x16xf32>,
        } else {
        }
        %eq3A_615 = arith.cmpi eq, %shift_right_arithmetic3A_405, %shift_right_arithmetic3A_405 : i32
        %convert_element_type3A_616 = arith.extui %eq3A_615 : i1 to i32
        %cond3A_617 = arith.constant 0 : i32
        %cond3A_618 = arith.cmpi ne, %convert_element_type3A_616, %cond3A_617 : i32
        scf.if %cond3A_618 {
          %and3A_670 = arith.constant -16 : i32
          %and3A_671 = arith.andi %and3A_436, %and3A_670 : i32
          %and3A_672 = arith.constant 15 : i32
          %and3A_673 = arith.andi %and3A_436, %and3A_672 : i32
          %broadcast_in_dim3A_674 = vector.broadcast %and3A_673 : i32 to vector<16xi32>
          %sub3A = arith.subi %iota3A, %broadcast_in_dim3A_674 : vector<16xi32>
          %abs3A = math.absi %sub3A : vector<16xi32>
          %sub3A_675 = arith.subi %broadcast_in_dim3A_390, %abs3A : vector<16xi32>
          %max3A = arith.constant 0 : i32
          %max3A_676 = vector.broadcast %max3A : i32 to vector<16xi32>
          %max3A_677 = arith.maxsi %sub3A_675, %max3A_676 : vector<16xi32>
          %convert_element_type3A_678 = arith.sitofp %max3A_677 : vector<16xi32> to vector<16xf32>
          %swap3A_679 = arith.constant 3 : i32
          %swap3A_680 = arith.index_cast %swap3A_679 : i32 to index
          %swap3A_681 = arith.index_cast %and3A_671 : i32 to index
          %swap3A_682 = tpu.vector_load %arg6[%swap3A_680, %swap3A_681] {strides = array<i32>} : memref<8x128xf32, #tpu.memory_space<vmem>>, vector<1x16xf32>,
          %swap3A_683 = vector.shape_cast %swap3A_682 : vector<1x16xf32> to vector<16xf32>
          %swap3A_684 = vector.shape_cast %convert_element_type3A_678 : vector<16xf32> to vector<1x16xf32>
          tpu.vector_store %arg6[%swap3A_680, %swap3A_681], %swap3A_684 {strides = array<i32>} : memref<8x128xf32, #tpu.memory_space<vmem>>, vector<1x16xf32>,
        } else {
        }
        %eq3A_619 = arith.cmpi eq, %shift_right_arithmetic3A_409, %shift_right_arithmetic3A_405 : i32
        %convert_element_type3A_620 = arith.extui %eq3A_619 : i1 to i32
        %cond3A_621 = arith.constant 0 : i32
        %cond3A_622 = arith.cmpi ne, %convert_element_type3A_620, %cond3A_621 : i32
        scf.if %cond3A_622 {
          %and3A_670 = arith.constant -16 : i32
          %and3A_671 = arith.andi %and3A_440, %and3A_670 : i32
          %and3A_672 = arith.constant 15 : i32
          %and3A_673 = arith.andi %and3A_440, %and3A_672 : i32
          %broadcast_in_dim3A_674 = vector.broadcast %and3A_673 : i32 to vector<16xi32>
          %sub3A = arith.subi %iota3A, %broadcast_in_dim3A_674 : vector<16xi32>
          %abs3A = math.absi %sub3A : vector<16xi32>
          %sub3A_675 = arith.subi %broadcast_in_dim3A_390, %abs3A : vector<16xi32>
          %max3A = arith.constant 0 : i32
          %max3A_676 = vector.broadcast %max3A : i32 to vector<16xi32>
          %max3A_677 = arith.maxsi %sub3A_675, %max3A_676 : vector<16xi32>
          %convert_element_type3A_678 = arith.sitofp %max3A_677 : vector<16xi32> to vector<16xf32>
          %swap3A_679 = arith.constant 4 : i32
          %swap3A_680 = arith.index_cast %swap3A_679 : i32 to index
          %swap3A_681 = arith.index_cast %and3A_671 : i32 to index
          %swap3A_682 = tpu.vector_load %arg6[%swap3A_680, %swap3A_681] {strides = array<i32>} : memref<8x128xf32, #tpu.memory_space<vmem>>, vector<1x16xf32>,
          %swap3A_683 = vector.shape_cast %swap3A_682 : vector<1x16xf32> to vector<16xf32>
          %swap3A_684 = vector.shape_cast %convert_element_type3A_678 : vector<16xf32> to vector<1x16xf32>
          tpu.vector_store %arg6[%swap3A_680, %swap3A_681], %swap3A_684 {strides = array<i32>} : memref<8x128xf32, #tpu.memory_space<vmem>>, vector<1x16xf32>,
        } else {
        }
        %eq3A_623 = arith.cmpi eq, %shift_right_arithmetic3A_413, %shift_right_arithmetic3A_405 : i32
        %convert_element_type3A_624 = arith.extui %eq3A_623 : i1 to i32
        %cond3A_625 = arith.constant 0 : i32
        %cond3A_626 = arith.cmpi ne, %convert_element_type3A_624, %cond3A_625 : i32
        scf.if %cond3A_626 {
          %and3A_670 = arith.constant -16 : i32
          %and3A_671 = arith.andi %and3A_444, %and3A_670 : i32
          %and3A_672 = arith.constant 15 : i32
          %and3A_673 = arith.andi %and3A_444, %and3A_672 : i32
          %broadcast_in_dim3A_674 = vector.broadcast %and3A_673 : i32 to vector<16xi32>
          %sub3A = arith.subi %iota3A, %broadcast_in_dim3A_674 : vector<16xi32>
          %abs3A = math.absi %sub3A : vector<16xi32>
          %sub3A_675 = arith.subi %broadcast_in_dim3A_390, %abs3A : vector<16xi32>
          %max3A = arith.constant 0 : i32
          %max3A_676 = vector.broadcast %max3A : i32 to vector<16xi32>
          %max3A_677 = arith.maxsi %sub3A_675, %max3A_676 : vector<16xi32>
          %convert_element_type3A_678 = arith.sitofp %max3A_677 : vector<16xi32> to vector<16xf32>
          %swap3A_679 = arith.constant 5 : i32
          %swap3A_680 = arith.index_cast %swap3A_679 : i32 to index
          %swap3A_681 = arith.index_cast %and3A_671 : i32 to index
          %swap3A_682 = tpu.vector_load %arg6[%swap3A_680, %swap3A_681] {strides = array<i32>} : memref<8x128xf32, #tpu.memory_space<vmem>>, vector<1x16xf32>,
          %swap3A_683 = vector.shape_cast %swap3A_682 : vector<1x16xf32> to vector<16xf32>
          %swap3A_684 = vector.shape_cast %convert_element_type3A_678 : vector<16xf32> to vector<1x16xf32>
          tpu.vector_store %arg6[%swap3A_680, %swap3A_681], %swap3A_684 {strides = array<i32>} : memref<8x128xf32, #tpu.memory_space<vmem>>, vector<1x16xf32>,
        } else {
        }
        %eq3A_627 = arith.cmpi eq, %shift_right_arithmetic3A_417, %shift_right_arithmetic3A_405 : i32
        %convert_element_type3A_628 = arith.extui %eq3A_627 : i1 to i32
        %cond3A_629 = arith.constant 0 : i32
        %cond3A_630 = arith.cmpi ne, %convert_element_type3A_628, %cond3A_629 : i32
        scf.if %cond3A_630 {
          %and3A_670 = arith.constant -16 : i32
          %and3A_671 = arith.andi %and3A_448, %and3A_670 : i32
          %and3A_672 = arith.constant 15 : i32
          %and3A_673 = arith.andi %and3A_448, %and3A_672 : i32
          %broadcast_in_dim3A_674 = vector.broadcast %and3A_673 : i32 to vector<16xi32>
          %sub3A = arith.subi %iota3A, %broadcast_in_dim3A_674 : vector<16xi32>
          %abs3A = math.absi %sub3A : vector<16xi32>
          %sub3A_675 = arith.subi %broadcast_in_dim3A_390, %abs3A : vector<16xi32>
          %max3A = arith.constant 0 : i32
          %max3A_676 = vector.broadcast %max3A : i32 to vector<16xi32>
          %max3A_677 = arith.maxsi %sub3A_675, %max3A_676 : vector<16xi32>
          %convert_element_type3A_678 = arith.sitofp %max3A_677 : vector<16xi32> to vector<16xf32>
          %swap3A_679 = arith.constant 6 : i32
          %swap3A_680 = arith.index_cast %swap3A_679 : i32 to index
          %swap3A_681 = arith.index_cast %and3A_671 : i32 to index
          %swap3A_682 = tpu.vector_load %arg6[%swap3A_680, %swap3A_681] {strides = array<i32>} : memref<8x128xf32, #tpu.memory_space<vmem>>, vector<1x16xf32>,
          %swap3A_683 = vector.shape_cast %swap3A_682 : vector<1x16xf32> to vector<16xf32>
          %swap3A_684 = vector.shape_cast %convert_element_type3A_678 : vector<16xf32> to vector<1x16xf32>
          tpu.vector_store %arg6[%swap3A_680, %swap3A_681], %swap3A_684 {strides = array<i32>} : memref<8x128xf32, #tpu.memory_space<vmem>>, vector<1x16xf32>,
        } else {
        }
        %eq3A_631 = arith.cmpi eq, %shift_right_arithmetic3A_421, %shift_right_arithmetic3A_405 : i32
        %convert_element_type3A_632 = arith.extui %eq3A_631 : i1 to i32
        %cond3A_633 = arith.constant 0 : i32
        %cond3A_634 = arith.cmpi ne, %convert_element_type3A_632, %cond3A_633 : i32
        scf.if %cond3A_634 {
          %and3A_670 = arith.constant -16 : i32
          %and3A_671 = arith.andi %and3A_452, %and3A_670 : i32
          %and3A_672 = arith.constant 15 : i32
          %and3A_673 = arith.andi %and3A_452, %and3A_672 : i32
          %broadcast_in_dim3A_674 = vector.broadcast %and3A_673 : i32 to vector<16xi32>
          %sub3A = arith.subi %iota3A, %broadcast_in_dim3A_674 : vector<16xi32>
          %abs3A = math.absi %sub3A : vector<16xi32>
          %sub3A_675 = arith.subi %broadcast_in_dim3A_390, %abs3A : vector<16xi32>
          %max3A = arith.constant 0 : i32
          %max3A_676 = vector.broadcast %max3A : i32 to vector<16xi32>
          %max3A_677 = arith.maxsi %sub3A_675, %max3A_676 : vector<16xi32>
          %convert_element_type3A_678 = arith.sitofp %max3A_677 : vector<16xi32> to vector<16xf32>
          %swap3A_679 = arith.constant 7 : i32
          %swap3A_680 = arith.index_cast %swap3A_679 : i32 to index
          %swap3A_681 = arith.index_cast %and3A_671 : i32 to index
          %swap3A_682 = tpu.vector_load %arg6[%swap3A_680, %swap3A_681] {strides = array<i32>} : memref<8x128xf32, #tpu.memory_space<vmem>>, vector<1x16xf32>,
          %swap3A_683 = vector.shape_cast %swap3A_682 : vector<1x16xf32> to vector<16xf32>
          %swap3A_684 = vector.shape_cast %convert_element_type3A_678 : vector<16xf32> to vector<1x16xf32>
          tpu.vector_store %arg6[%swap3A_680, %swap3A_681], %swap3A_684 {strides = array<i32>} : memref<8x128xf32, #tpu.memory_space<vmem>>, vector<1x16xf32>,
        } else {
        }
        %mul3A_635 = arith.constant 128 : i32
        %mul3A_636 = arith.muli %shift_right_arithmetic3A_405, %mul3A_635 : i32
        %multiple_of3A_637 = tpu.assume_multiple %mul3A_636, 128 : i32
        "tpu.region"() ({
          %run_scoped3A = tpu.sem_alloc : memref<!tpu.dma_semaphore, #tpu.memory_space<semaphore_mem>>
          %dma_start3A = tpu.memref_slice %arg3[%multiple_of3A, %multiple_of3A_637] : memref<128x32768xf32, #tpu.memory_space<hbm>> -> memref<8x128xf32, #tpu.memory_space<hbm>>
          %dma_start3A_670 = tpu.memref_slice %arg3[%multiple_of3A, %multiple_of3A_637] : memref<128x32768xf32, #tpu.memory_space<hbm>> -> memref<8x128xf32, #tpu.memory_space<hbm>>
          tpu.enqueue_dma source(%arg6 : memref<8x128xf32, #tpu.memory_space<vmem>>) target(%dma_start3A_670 : memref<8x128xf32, #tpu.memory_space<hbm>>) target_semaphore(%run_scoped3A : memref<!tpu.dma_semaphore, #tpu.memory_space<semaphore_mem>>)
          %dma_wait3A = tpu.memref_slice %arg3[%multiple_of3A, %multiple_of3A_637] : memref<128x32768xf32, #tpu.memory_space<hbm>> -> memref<8x128xf32, #tpu.memory_space<hbm>>
          %dma_wait3A_671 = tpu.memref_slice %arg3[%multiple_of3A, %multiple_of3A_637] : memref<128x32768xf32, #tpu.memory_space<hbm>> -> memref<8x128xf32, #tpu.memory_space<hbm>>
          tpu.wait_dma2 semaphore(%run_scoped3A : memref<!tpu.dma_semaphore, #tpu.memory_space<semaphore_mem>>) src(%arg6 : memref<8x128xf32, #tpu.memory_space<vmem>>) dst(%dma_wait3A_671 : memref<8x128xf32, #tpu.memory_space<hbm>>)
          tpu.yield
        }) : () -> ()
        %eq3A_638 = arith.cmpi eq, %shift_right_arithmetic3A_393, %shift_right_arithmetic3A_405 : i32
        %convert_element_type3A_639 = arith.extui %eq3A_638 : i1 to i32
        %cond3A_640 = arith.constant 0 : i32
        %cond3A_641 = arith.cmpi ne, %convert_element_type3A_639, %cond3A_640 : i32
        scf.if %cond3A_641 {
          %and3A_670 = arith.constant -16 : i32
          %and3A_671 = arith.andi %and3A_424, %and3A_670 : i32
          %swap3A_672 = arith.constant 0 : i32
          %swap3A_673 = arith.index_cast %swap3A_672 : i32 to index
          %swap3A_674 = arith.index_cast %and3A_671 : i32 to index
          %swap3A_675 = tpu.vector_load %arg6[%swap3A_673, %swap3A_674] {strides = array<i32>} : memref<8x128xf32, #tpu.memory_space<vmem>>, vector<1x16xf32>,
          %swap3A_676 = vector.shape_cast %swap3A_675 : vector<1x16xf32> to vector<16xf32>
          %swap3A_677 = vector.shape_cast %broadcast_in_dim3A_1 : vector<16xf32> to vector<1x16xf32>
          tpu.vector_store %arg6[%swap3A_673, %swap3A_674], %swap3A_677 {strides = array<i32>} : memref<8x128xf32, #tpu.memory_space<vmem>>, vector<1x16xf32>,
        } else {
        }
        %eq3A_642 = arith.cmpi eq, %shift_right_arithmetic3A_397, %shift_right_arithmetic3A_405 : i32
        %convert_element_type3A_643 = arith.extui %eq3A_642 : i1 to i32
        %cond3A_644 = arith.constant 0 : i32
        %cond3A_645 = arith.cmpi ne, %convert_element_type3A_643, %cond3A_644 : i32
        scf.if %cond3A_645 {
          %and3A_670 = arith.constant -16 : i32
          %and3A_671 = arith.andi %and3A_428, %and3A_670 : i32
          %swap3A_672 = arith.constant 1 : i32
          %swap3A_673 = arith.index_cast %swap3A_672 : i32 to index
          %swap3A_674 = arith.index_cast %and3A_671 : i32 to index
          %swap3A_675 = tpu.vector_load %arg6[%swap3A_673, %swap3A_674] {strides = array<i32>} : memref<8x128xf32, #tpu.memory_space<vmem>>, vector<1x16xf32>,
          %swap3A_676 = vector.shape_cast %swap3A_675 : vector<1x16xf32> to vector<16xf32>
          %swap3A_677 = vector.shape_cast %broadcast_in_dim3A_1 : vector<16xf32> to vector<1x16xf32>
          tpu.vector_store %arg6[%swap3A_673, %swap3A_674], %swap3A_677 {strides = array<i32>} : memref<8x128xf32, #tpu.memory_space<vmem>>, vector<1x16xf32>,
        } else {
        }
        %eq3A_646 = arith.cmpi eq, %shift_right_arithmetic3A_401, %shift_right_arithmetic3A_405 : i32
        %convert_element_type3A_647 = arith.extui %eq3A_646 : i1 to i32
        %cond3A_648 = arith.constant 0 : i32
        %cond3A_649 = arith.cmpi ne, %convert_element_type3A_647, %cond3A_648 : i32
        scf.if %cond3A_649 {
          %and3A_670 = arith.constant -16 : i32
          %and3A_671 = arith.andi %and3A_432, %and3A_670 : i32
          %swap3A_672 = arith.constant 2 : i32
          %swap3A_673 = arith.index_cast %swap3A_672 : i32 to index
          %swap3A_674 = arith.index_cast %and3A_671 : i32 to index
          %swap3A_675 = tpu.vector_load %arg6[%swap3A_673, %swap3A_674] {strides = array<i32>} : memref<8x128xf32, #tpu.memory_space<vmem>>, vector<1x16xf32>,
          %swap3A_676 = vector.shape_cast %swap3A_675 : vector<1x16xf32> to vector<16xf32>
          %swap3A_677 = vector.shape_cast %broadcast_in_dim3A_1 : vector<16xf32> to vector<1x16xf32>
          tpu.vector_store %arg6[%swap3A_673, %swap3A_674], %swap3A_677 {strides = array<i32>} : memref<8x128xf32, #tpu.memory_space<vmem>>, vector<1x16xf32>,
        } else {
        }
        %eq3A_650 = arith.cmpi eq, %shift_right_arithmetic3A_405, %shift_right_arithmetic3A_405 : i32
        %convert_element_type3A_651 = arith.extui %eq3A_650 : i1 to i32
        %cond3A_652 = arith.constant 0 : i32
        %cond3A_653 = arith.cmpi ne, %convert_element_type3A_651, %cond3A_652 : i32
        scf.if %cond3A_653 {
          %and3A_670 = arith.constant -16 : i32
          %and3A_671 = arith.andi %and3A_436, %and3A_670 : i32
          %swap3A_672 = arith.constant 3 : i32
          %swap3A_673 = arith.index_cast %swap3A_672 : i32 to index
          %swap3A_674 = arith.index_cast %and3A_671 : i32 to index
          %swap3A_675 = tpu.vector_load %arg6[%swap3A_673, %swap3A_674] {strides = array<i32>} : memref<8x128xf32, #tpu.memory_space<vmem>>, vector<1x16xf32>,
          %swap3A_676 = vector.shape_cast %swap3A_675 : vector<1x16xf32> to vector<16xf32>
          %swap3A_677 = vector.shape_cast %broadcast_in_dim3A_1 : vector<16xf32> to vector<1x16xf32>
          tpu.vector_store %arg6[%swap3A_673, %swap3A_674], %swap3A_677 {strides = array<i32>} : memref<8x128xf32, #tpu.memory_space<vmem>>, vector<1x16xf32>,
        } else {
        }
        %eq3A_654 = arith.cmpi eq, %shift_right_arithmetic3A_409, %shift_right_arithmetic3A_405 : i32
        %convert_element_type3A_655 = arith.extui %eq3A_654 : i1 to i32
        %cond3A_656 = arith.constant 0 : i32
        %cond3A_657 = arith.cmpi ne, %convert_element_type3A_655, %cond3A_656 : i32
        scf.if %cond3A_657 {
          %and3A_670 = arith.constant -16 : i32
          %and3A_671 = arith.andi %and3A_440, %and3A_670 : i32
          %swap3A_672 = arith.constant 4 : i32
          %swap3A_673 = arith.index_cast %swap3A_672 : i32 to index
          %swap3A_674 = arith.index_cast %and3A_671 : i32 to index
          %swap3A_675 = tpu.vector_load %arg6[%swap3A_673, %swap3A_674] {strides = array<i32>} : memref<8x128xf32, #tpu.memory_space<vmem>>, vector<1x16xf32>,
          %swap3A_676 = vector.shape_cast %swap3A_675 : vector<1x16xf32> to vector<16xf32>
          %swap3A_677 = vector.shape_cast %broadcast_in_dim3A_1 : vector<16xf32> to vector<1x16xf32>
          tpu.vector_store %arg6[%swap3A_673, %swap3A_674], %swap3A_677 {strides = array<i32>} : memref<8x128xf32, #tpu.memory_space<vmem>>, vector<1x16xf32>,
        } else {
        }
        %eq3A_658 = arith.cmpi eq, %shift_right_arithmetic3A_413, %shift_right_arithmetic3A_405 : i32
        %convert_element_type3A_659 = arith.extui %eq3A_658 : i1 to i32
        %cond3A_660 = arith.constant 0 : i32
        %cond3A_661 = arith.cmpi ne, %convert_element_type3A_659, %cond3A_660 : i32
        scf.if %cond3A_661 {
          %and3A_670 = arith.constant -16 : i32
          %and3A_671 = arith.andi %and3A_444, %and3A_670 : i32
          %swap3A_672 = arith.constant 5 : i32
          %swap3A_673 = arith.index_cast %swap3A_672 : i32 to index
          %swap3A_674 = arith.index_cast %and3A_671 : i32 to index
          %swap3A_675 = tpu.vector_load %arg6[%swap3A_673, %swap3A_674] {strides = array<i32>} : memref<8x128xf32, #tpu.memory_space<vmem>>, vector<1x16xf32>,
          %swap3A_676 = vector.shape_cast %swap3A_675 : vector<1x16xf32> to vector<16xf32>
          %swap3A_677 = vector.shape_cast %broadcast_in_dim3A_1 : vector<16xf32> to vector<1x16xf32>
          tpu.vector_store %arg6[%swap3A_673, %swap3A_674], %swap3A_677 {strides = array<i32>} : memref<8x128xf32, #tpu.memory_space<vmem>>, vector<1x16xf32>,
        } else {
        }
        %eq3A_662 = arith.cmpi eq, %shift_right_arithmetic3A_417, %shift_right_arithmetic3A_405 : i32
        %convert_element_type3A_663 = arith.extui %eq3A_662 : i1 to i32
        %cond3A_664 = arith.constant 0 : i32
        %cond3A_665 = arith.cmpi ne, %convert_element_type3A_663, %cond3A_664 : i32
        scf.if %cond3A_665 {
          %and3A_670 = arith.constant -16 : i32
          %and3A_671 = arith.andi %and3A_448, %and3A_670 : i32
          %swap3A_672 = arith.constant 6 : i32
          %swap3A_673 = arith.index_cast %swap3A_672 : i32 to index
          %swap3A_674 = arith.index_cast %and3A_671 : i32 to index
          %swap3A_675 = tpu.vector_load %arg6[%swap3A_673, %swap3A_674] {strides = array<i32>} : memref<8x128xf32, #tpu.memory_space<vmem>>, vector<1x16xf32>,
          %swap3A_676 = vector.shape_cast %swap3A_675 : vector<1x16xf32> to vector<16xf32>
          %swap3A_677 = vector.shape_cast %broadcast_in_dim3A_1 : vector<16xf32> to vector<1x16xf32>
          tpu.vector_store %arg6[%swap3A_673, %swap3A_674], %swap3A_677 {strides = array<i32>} : memref<8x128xf32, #tpu.memory_space<vmem>>, vector<1x16xf32>,
        } else {
        }
        %eq3A_666 = arith.cmpi eq, %shift_right_arithmetic3A_421, %shift_right_arithmetic3A_405 : i32
        %convert_element_type3A_667 = arith.extui %eq3A_666 : i1 to i32
        %cond3A_668 = arith.constant 0 : i32
        %cond3A_669 = arith.cmpi ne, %convert_element_type3A_667, %cond3A_668 : i32
        scf.if %cond3A_669 {
          %and3A_670 = arith.constant -16 : i32
          %and3A_671 = arith.andi %and3A_452, %and3A_670 : i32
          %swap3A_672 = arith.constant 7 : i32
          %swap3A_673 = arith.index_cast %swap3A_672 : i32 to index
          %swap3A_674 = arith.index_cast %and3A_671 : i32 to index
          %swap3A_675 = tpu.vector_load %arg6[%swap3A_673, %swap3A_674] {strides = array<i32>} : memref<8x128xf32, #tpu.memory_space<vmem>>, vector<1x16xf32>,
          %swap3A_676 = vector.shape_cast %swap3A_675 : vector<1x16xf32> to vector<16xf32>
          %swap3A_677 = vector.shape_cast %broadcast_in_dim3A_1 : vector<16xf32> to vector<1x16xf32>
          tpu.vector_store %arg6[%swap3A_673, %swap3A_674], %swap3A_677 {strides = array<i32>} : memref<8x128xf32, #tpu.memory_space<vmem>>, vector<1x16xf32>,
        } else {
        }
      } else {
      }
      %ne3A_543 = arith.cmpi ne, %shift_right_arithmetic3A_393, %shift_right_arithmetic3A_409 : i32
      %and3A_544 = arith.constant true
      %and3A_545 = arith.andi %and3A_544, %ne3A_543 : i1
      %ne3A_546 = arith.cmpi ne, %shift_right_arithmetic3A_397, %shift_right_arithmetic3A_409 : i32
      %and3A_547 = arith.andi %and3A_545, %ne3A_546 : i1
      %ne3A_548 = arith.cmpi ne, %shift_right_arithmetic3A_401, %shift_right_arithmetic3A_409 : i32
      %and3A_549 = arith.andi %and3A_547, %ne3A_548 : i1
      %ne3A_550 = arith.cmpi ne, %shift_right_arithmetic3A_405, %shift_right_arithmetic3A_409 : i32
      %and3A_551 = arith.andi %and3A_549, %ne3A_550 : i1
      %convert_element_type3A_552 = arith.extui %and3A_551 : i1 to i32
      %cond3A_553 = arith.constant 0 : i32
      %cond3A_554 = arith.cmpi ne, %convert_element_type3A_552, %cond3A_553 : i32
      scf.if %cond3A_554 {
        %eq3A_603 = arith.cmpi eq, %shift_right_arithmetic3A_393, %shift_right_arithmetic3A_409 : i32
        %convert_element_type3A_604 = arith.extui %eq3A_603 : i1 to i32
        %cond3A_605 = arith.constant 0 : i32
        %cond3A_606 = arith.cmpi ne, %convert_element_type3A_604, %cond3A_605 : i32
        scf.if %cond3A_606 {
          %and3A_670 = arith.constant -16 : i32
          %and3A_671 = arith.andi %and3A_424, %and3A_670 : i32
          %and3A_672 = arith.constant 15 : i32
          %and3A_673 = arith.andi %and3A_424, %and3A_672 : i32
          %broadcast_in_dim3A_674 = vector.broadcast %and3A_673 : i32 to vector<16xi32>
          %sub3A = arith.subi %iota3A, %broadcast_in_dim3A_674 : vector<16xi32>
          %abs3A = math.absi %sub3A : vector<16xi32>
          %sub3A_675 = arith.subi %broadcast_in_dim3A_390, %abs3A : vector<16xi32>
          %max3A = arith.constant 0 : i32
          %max3A_676 = vector.broadcast %max3A : i32 to vector<16xi32>
          %max3A_677 = arith.maxsi %sub3A_675, %max3A_676 : vector<16xi32>
          %convert_element_type3A_678 = arith.sitofp %max3A_677 : vector<16xi32> to vector<16xf32>
          %swap3A_679 = arith.constant 0 : i32
          %swap3A_680 = arith.index_cast %swap3A_679 : i32 to index
          %swap3A_681 = arith.index_cast %and3A_671 : i32 to index
          %swap3A_682 = tpu.vector_load %arg6[%swap3A_680, %swap3A_681] {strides = array<i32>} : memref<8x128xf32, #tpu.memory_space<vmem>>, vector<1x16xf32>,
          %swap3A_683 = vector.shape_cast %swap3A_682 : vector<1x16xf32> to vector<16xf32>
          %swap3A_684 = vector.shape_cast %convert_element_type3A_678 : vector<16xf32> to vector<1x16xf32>
          tpu.vector_store %arg6[%swap3A_680, %swap3A_681], %swap3A_684 {strides = array<i32>} : memref<8x128xf32, #tpu.memory_space<vmem>>, vector<1x16xf32>,
        } else {
        }
        %eq3A_607 = arith.cmpi eq, %shift_right_arithmetic3A_397, %shift_right_arithmetic3A_409 : i32
        %convert_element_type3A_608 = arith.extui %eq3A_607 : i1 to i32
        %cond3A_609 = arith.constant 0 : i32
        %cond3A_610 = arith.cmpi ne, %convert_element_type3A_608, %cond3A_609 : i32
        scf.if %cond3A_610 {
          %and3A_670 = arith.constant -16 : i32
          %and3A_671 = arith.andi %and3A_428, %and3A_670 : i32
          %and3A_672 = arith.constant 15 : i32
          %and3A_673 = arith.andi %and3A_428, %and3A_672 : i32
          %broadcast_in_dim3A_674 = vector.broadcast %and3A_673 : i32 to vector<16xi32>
          %sub3A = arith.subi %iota3A, %broadcast_in_dim3A_674 : vector<16xi32>
          %abs3A = math.absi %sub3A : vector<16xi32>
          %sub3A_675 = arith.subi %broadcast_in_dim3A_390, %abs3A : vector<16xi32>
          %max3A = arith.constant 0 : i32
          %max3A_676 = vector.broadcast %max3A : i32 to vector<16xi32>
          %max3A_677 = arith.maxsi %sub3A_675, %max3A_676 : vector<16xi32>
          %convert_element_type3A_678 = arith.sitofp %max3A_677 : vector<16xi32> to vector<16xf32>
          %swap3A_679 = arith.constant 1 : i32
          %swap3A_680 = arith.index_cast %swap3A_679 : i32 to index
          %swap3A_681 = arith.index_cast %and3A_671 : i32 to index
          %swap3A_682 = tpu.vector_load %arg6[%swap3A_680, %swap3A_681] {strides = array<i32>} : memref<8x128xf32, #tpu.memory_space<vmem>>, vector<1x16xf32>,
          %swap3A_683 = vector.shape_cast %swap3A_682 : vector<1x16xf32> to vector<16xf32>
          %swap3A_684 = vector.shape_cast %convert_element_type3A_678 : vector<16xf32> to vector<1x16xf32>
          tpu.vector_store %arg6[%swap3A_680, %swap3A_681], %swap3A_684 {strides = array<i32>} : memref<8x128xf32, #tpu.memory_space<vmem>>, vector<1x16xf32>,
        } else {
        }
        %eq3A_611 = arith.cmpi eq, %shift_right_arithmetic3A_401, %shift_right_arithmetic3A_409 : i32
        %convert_element_type3A_612 = arith.extui %eq3A_611 : i1 to i32
        %cond3A_613 = arith.constant 0 : i32
        %cond3A_614 = arith.cmpi ne, %convert_element_type3A_612, %cond3A_613 : i32
        scf.if %cond3A_614 {
          %and3A_670 = arith.constant -16 : i32
          %and3A_671 = arith.andi %and3A_432, %and3A_670 : i32
          %and3A_672 = arith.constant 15 : i32
          %and3A_673 = arith.andi %and3A_432, %and3A_672 : i32
          %broadcast_in_dim3A_674 = vector.broadcast %and3A_673 : i32 to vector<16xi32>
          %sub3A = arith.subi %iota3A, %broadcast_in_dim3A_674 : vector<16xi32>
          %abs3A = math.absi %sub3A : vector<16xi32>
          %sub3A_675 = arith.subi %broadcast_in_dim3A_390, %abs3A : vector<16xi32>
          %max3A = arith.constant 0 : i32
          %max3A_676 = vector.broadcast %max3A : i32 to vector<16xi32>
          %max3A_677 = arith.maxsi %sub3A_675, %max3A_676 : vector<16xi32>
          %convert_element_type3A_678 = arith.sitofp %max3A_677 : vector<16xi32> to vector<16xf32>
          %swap3A_679 = arith.constant 2 : i32
          %swap3A_680 = arith.index_cast %swap3A_679 : i32 to index
          %swap3A_681 = arith.index_cast %and3A_671 : i32 to index
          %swap3A_682 = tpu.vector_load %arg6[%swap3A_680, %swap3A_681] {strides = array<i32>} : memref<8x128xf32, #tpu.memory_space<vmem>>, vector<1x16xf32>,
          %swap3A_683 = vector.shape_cast %swap3A_682 : vector<1x16xf32> to vector<16xf32>
          %swap3A_684 = vector.shape_cast %convert_element_type3A_678 : vector<16xf32> to vector<1x16xf32>
          tpu.vector_store %arg6[%swap3A_680, %swap3A_681], %swap3A_684 {strides = array<i32>} : memref<8x128xf32, #tpu.memory_space<vmem>>, vector<1x16xf32>,
        } else {
        }
        %eq3A_615 = arith.cmpi eq, %shift_right_arithmetic3A_405, %shift_right_arithmetic3A_409 : i32
        %convert_element_type3A_616 = arith.extui %eq3A_615 : i1 to i32
        %cond3A_617 = arith.constant 0 : i32
        %cond3A_618 = arith.cmpi ne, %convert_element_type3A_616, %cond3A_617 : i32
        scf.if %cond3A_618 {
          %and3A_670 = arith.constant -16 : i32
          %and3A_671 = arith.andi %and3A_436, %and3A_670 : i32
          %and3A_672 = arith.constant 15 : i32
          %and3A_673 = arith.andi %and3A_436, %and3A_672 : i32
          %broadcast_in_dim3A_674 = vector.broadcast %and3A_673 : i32 to vector<16xi32>
          %sub3A = arith.subi %iota3A, %broadcast_in_dim3A_674 : vector<16xi32>
          %abs3A = math.absi %sub3A : vector<16xi32>
          %sub3A_675 = arith.subi %broadcast_in_dim3A_390, %abs3A : vector<16xi32>
          %max3A = arith.constant 0 : i32
          %max3A_676 = vector.broadcast %max3A : i32 to vector<16xi32>
          %max3A_677 = arith.maxsi %sub3A_675, %max3A_676 : vector<16xi32>
          %convert_element_type3A_678 = arith.sitofp %max3A_677 : vector<16xi32> to vector<16xf32>
          %swap3A_679 = arith.constant 3 : i32
          %swap3A_680 = arith.index_cast %swap3A_679 : i32 to index
          %swap3A_681 = arith.index_cast %and3A_671 : i32 to index
          %swap3A_682 = tpu.vector_load %arg6[%swap3A_680, %swap3A_681] {strides = array<i32>} : memref<8x128xf32, #tpu.memory_space<vmem>>, vector<1x16xf32>,
          %swap3A_683 = vector.shape_cast %swap3A_682 : vector<1x16xf32> to vector<16xf32>
          %swap3A_684 = vector.shape_cast %convert_element_type3A_678 : vector<16xf32> to vector<1x16xf32>
          tpu.vector_store %arg6[%swap3A_680, %swap3A_681], %swap3A_684 {strides = array<i32>} : memref<8x128xf32, #tpu.memory_space<vmem>>, vector<1x16xf32>,
        } else {
        }
        %eq3A_619 = arith.cmpi eq, %shift_right_arithmetic3A_409, %shift_right_arithmetic3A_409 : i32
        %convert_element_type3A_620 = arith.extui %eq3A_619 : i1 to i32
        %cond3A_621 = arith.constant 0 : i32
        %cond3A_622 = arith.cmpi ne, %convert_element_type3A_620, %cond3A_621 : i32
        scf.if %cond3A_622 {
          %and3A_670 = arith.constant -16 : i32
          %and3A_671 = arith.andi %and3A_440, %and3A_670 : i32
          %and3A_672 = arith.constant 15 : i32
          %and3A_673 = arith.andi %and3A_440, %and3A_672 : i32
          %broadcast_in_dim3A_674 = vector.broadcast %and3A_673 : i32 to vector<16xi32>
          %sub3A = arith.subi %iota3A, %broadcast_in_dim3A_674 : vector<16xi32>
          %abs3A = math.absi %sub3A : vector<16xi32>
          %sub3A_675 = arith.subi %broadcast_in_dim3A_390, %abs3A : vector<16xi32>
          %max3A = arith.constant 0 : i32
          %max3A_676 = vector.broadcast %max3A : i32 to vector<16xi32>
          %max3A_677 = arith.maxsi %sub3A_675, %max3A_676 : vector<16xi32>
          %convert_element_type3A_678 = arith.sitofp %max3A_677 : vector<16xi32> to vector<16xf32>
          %swap3A_679 = arith.constant 4 : i32
          %swap3A_680 = arith.index_cast %swap3A_679 : i32 to index
          %swap3A_681 = arith.index_cast %and3A_671 : i32 to index
          %swap3A_682 = tpu.vector_load %arg6[%swap3A_680, %swap3A_681] {strides = array<i32>} : memref<8x128xf32, #tpu.memory_space<vmem>>, vector<1x16xf32>,
          %swap3A_683 = vector.shape_cast %swap3A_682 : vector<1x16xf32> to vector<16xf32>
          %swap3A_684 = vector.shape_cast %convert_element_type3A_678 : vector<16xf32> to vector<1x16xf32>
          tpu.vector_store %arg6[%swap3A_680, %swap3A_681], %swap3A_684 {strides = array<i32>} : memref<8x128xf32, #tpu.memory_space<vmem>>, vector<1x16xf32>,
        } else {
        }
        %eq3A_623 = arith.cmpi eq, %shift_right_arithmetic3A_413, %shift_right_arithmetic3A_409 : i32
        %convert_element_type3A_624 = arith.extui %eq3A_623 : i1 to i32
        %cond3A_625 = arith.constant 0 : i32
        %cond3A_626 = arith.cmpi ne, %convert_element_type3A_624, %cond3A_625 : i32
        scf.if %cond3A_626 {
          %and3A_670 = arith.constant -16 : i32
          %and3A_671 = arith.andi %and3A_444, %and3A_670 : i32
          %and3A_672 = arith.constant 15 : i32
          %and3A_673 = arith.andi %and3A_444, %and3A_672 : i32
          %broadcast_in_dim3A_674 = vector.broadcast %and3A_673 : i32 to vector<16xi32>
          %sub3A = arith.subi %iota3A, %broadcast_in_dim3A_674 : vector<16xi32>
          %abs3A = math.absi %sub3A : vector<16xi32>
          %sub3A_675 = arith.subi %broadcast_in_dim3A_390, %abs3A : vector<16xi32>
          %max3A = arith.constant 0 : i32
          %max3A_676 = vector.broadcast %max3A : i32 to vector<16xi32>
          %max3A_677 = arith.maxsi %sub3A_675, %max3A_676 : vector<16xi32>
          %convert_element_type3A_678 = arith.sitofp %max3A_677 : vector<16xi32> to vector<16xf32>
          %swap3A_679 = arith.constant 5 : i32
          %swap3A_680 = arith.index_cast %swap3A_679 : i32 to index
          %swap3A_681 = arith.index_cast %and3A_671 : i32 to index
          %swap3A_682 = tpu.vector_load %arg6[%swap3A_680, %swap3A_681] {strides = array<i32>} : memref<8x128xf32, #tpu.memory_space<vmem>>, vector<1x16xf32>,
          %swap3A_683 = vector.shape_cast %swap3A_682 : vector<1x16xf32> to vector<16xf32>
          %swap3A_684 = vector.shape_cast %convert_element_type3A_678 : vector<16xf32> to vector<1x16xf32>
          tpu.vector_store %arg6[%swap3A_680, %swap3A_681], %swap3A_684 {strides = array<i32>} : memref<8x128xf32, #tpu.memory_space<vmem>>, vector<1x16xf32>,
        } else {
        }
        %eq3A_627 = arith.cmpi eq, %shift_right_arithmetic3A_417, %shift_right_arithmetic3A_409 : i32
        %convert_element_type3A_628 = arith.extui %eq3A_627 : i1 to i32
        %cond3A_629 = arith.constant 0 : i32
        %cond3A_630 = arith.cmpi ne, %convert_element_type3A_628, %cond3A_629 : i32
        scf.if %cond3A_630 {
          %and3A_670 = arith.constant -16 : i32
          %and3A_671 = arith.andi %and3A_448, %and3A_670 : i32
          %and3A_672 = arith.constant 15 : i32
          %and3A_673 = arith.andi %and3A_448, %and3A_672 : i32
          %broadcast_in_dim3A_674 = vector.broadcast %and3A_673 : i32 to vector<16xi32>
          %sub3A = arith.subi %iota3A, %broadcast_in_dim3A_674 : vector<16xi32>
          %abs3A = math.absi %sub3A : vector<16xi32>
          %sub3A_675 = arith.subi %broadcast_in_dim3A_390, %abs3A : vector<16xi32>
          %max3A = arith.constant 0 : i32
          %max3A_676 = vector.broadcast %max3A : i32 to vector<16xi32>
          %max3A_677 = arith.maxsi %sub3A_675, %max3A_676 : vector<16xi32>
          %convert_element_type3A_678 = arith.sitofp %max3A_677 : vector<16xi32> to vector<16xf32>
          %swap3A_679 = arith.constant 6 : i32
          %swap3A_680 = arith.index_cast %swap3A_679 : i32 to index
          %swap3A_681 = arith.index_cast %and3A_671 : i32 to index
          %swap3A_682 = tpu.vector_load %arg6[%swap3A_680, %swap3A_681] {strides = array<i32>} : memref<8x128xf32, #tpu.memory_space<vmem>>, vector<1x16xf32>,
          %swap3A_683 = vector.shape_cast %swap3A_682 : vector<1x16xf32> to vector<16xf32>
          %swap3A_684 = vector.shape_cast %convert_element_type3A_678 : vector<16xf32> to vector<1x16xf32>
          tpu.vector_store %arg6[%swap3A_680, %swap3A_681], %swap3A_684 {strides = array<i32>} : memref<8x128xf32, #tpu.memory_space<vmem>>, vector<1x16xf32>,
        } else {
        }
        %eq3A_631 = arith.cmpi eq, %shift_right_arithmetic3A_421, %shift_right_arithmetic3A_409 : i32
        %convert_element_type3A_632 = arith.extui %eq3A_631 : i1 to i32
        %cond3A_633 = arith.constant 0 : i32
        %cond3A_634 = arith.cmpi ne, %convert_element_type3A_632, %cond3A_633 : i32
        scf.if %cond3A_634 {
          %and3A_670 = arith.constant -16 : i32
          %and3A_671 = arith.andi %and3A_452, %and3A_670 : i32
          %and3A_672 = arith.constant 15 : i32
          %and3A_673 = arith.andi %and3A_452, %and3A_672 : i32
          %broadcast_in_dim3A_674 = vector.broadcast %and3A_673 : i32 to vector<16xi32>
          %sub3A = arith.subi %iota3A, %broadcast_in_dim3A_674 : vector<16xi32>
          %abs3A = math.absi %sub3A : vector<16xi32>
          %sub3A_675 = arith.subi %broadcast_in_dim3A_390, %abs3A : vector<16xi32>
          %max3A = arith.constant 0 : i32
          %max3A_676 = vector.broadcast %max3A : i32 to vector<16xi32>
          %max3A_677 = arith.maxsi %sub3A_675, %max3A_676 : vector<16xi32>
          %convert_element_type3A_678 = arith.sitofp %max3A_677 : vector<16xi32> to vector<16xf32>
          %swap3A_679 = arith.constant 7 : i32
          %swap3A_680 = arith.index_cast %swap3A_679 : i32 to index
          %swap3A_681 = arith.index_cast %and3A_671 : i32 to index
          %swap3A_682 = tpu.vector_load %arg6[%swap3A_680, %swap3A_681] {strides = array<i32>} : memref<8x128xf32, #tpu.memory_space<vmem>>, vector<1x16xf32>,
          %swap3A_683 = vector.shape_cast %swap3A_682 : vector<1x16xf32> to vector<16xf32>
          %swap3A_684 = vector.shape_cast %convert_element_type3A_678 : vector<16xf32> to vector<1x16xf32>
          tpu.vector_store %arg6[%swap3A_680, %swap3A_681], %swap3A_684 {strides = array<i32>} : memref<8x128xf32, #tpu.memory_space<vmem>>, vector<1x16xf32>,
        } else {
        }
        %mul3A_635 = arith.constant 128 : i32
        %mul3A_636 = arith.muli %shift_right_arithmetic3A_409, %mul3A_635 : i32
        %multiple_of3A_637 = tpu.assume_multiple %mul3A_636, 128 : i32
        "tpu.region"() ({
          %run_scoped3A = tpu.sem_alloc : memref<!tpu.dma_semaphore, #tpu.memory_space<semaphore_mem>>
          %dma_start3A = tpu.memref_slice %arg3[%multiple_of3A, %multiple_of3A_637] : memref<128x32768xf32, #tpu.memory_space<hbm>> -> memref<8x128xf32, #tpu.memory_space<hbm>>
          %dma_start3A_670 = tpu.memref_slice %arg3[%multiple_of3A, %multiple_of3A_637] : memref<128x32768xf32, #tpu.memory_space<hbm>> -> memref<8x128xf32, #tpu.memory_space<hbm>>
          tpu.enqueue_dma source(%arg6 : memref<8x128xf32, #tpu.memory_space<vmem>>) target(%dma_start3A_670 : memref<8x128xf32, #tpu.memory_space<hbm>>) target_semaphore(%run_scoped3A : memref<!tpu.dma_semaphore, #tpu.memory_space<semaphore_mem>>)
          %dma_wait3A = tpu.memref_slice %arg3[%multiple_of3A, %multiple_of3A_637] : memref<128x32768xf32, #tpu.memory_space<hbm>> -> memref<8x128xf32, #tpu.memory_space<hbm>>
          %dma_wait3A_671 = tpu.memref_slice %arg3[%multiple_of3A, %multiple_of3A_637] : memref<128x32768xf32, #tpu.memory_space<hbm>> -> memref<8x128xf32, #tpu.memory_space<hbm>>
          tpu.wait_dma2 semaphore(%run_scoped3A : memref<!tpu.dma_semaphore, #tpu.memory_space<semaphore_mem>>) src(%arg6 : memref<8x128xf32, #tpu.memory_space<vmem>>) dst(%dma_wait3A_671 : memref<8x128xf32, #tpu.memory_space<hbm>>)
          tpu.yield
        }) : () -> ()
        %eq3A_638 = arith.cmpi eq, %shift_right_arithmetic3A_393, %shift_right_arithmetic3A_409 : i32
        %convert_element_type3A_639 = arith.extui %eq3A_638 : i1 to i32
        %cond3A_640 = arith.constant 0 : i32
        %cond3A_641 = arith.cmpi ne, %convert_element_type3A_639, %cond3A_640 : i32
        scf.if %cond3A_641 {
          %and3A_670 = arith.constant -16 : i32
          %and3A_671 = arith.andi %and3A_424, %and3A_670 : i32
          %swap3A_672 = arith.constant 0 : i32
          %swap3A_673 = arith.index_cast %swap3A_672 : i32 to index
          %swap3A_674 = arith.index_cast %and3A_671 : i32 to index
          %swap3A_675 = tpu.vector_load %arg6[%swap3A_673, %swap3A_674] {strides = array<i32>} : memref<8x128xf32, #tpu.memory_space<vmem>>, vector<1x16xf32>,
          %swap3A_676 = vector.shape_cast %swap3A_675 : vector<1x16xf32> to vector<16xf32>
          %swap3A_677 = vector.shape_cast %broadcast_in_dim3A_1 : vector<16xf32> to vector<1x16xf32>
          tpu.vector_store %arg6[%swap3A_673, %swap3A_674], %swap3A_677 {strides = array<i32>} : memref<8x128xf32, #tpu.memory_space<vmem>>, vector<1x16xf32>,
        } else {
        }
        %eq3A_642 = arith.cmpi eq, %shift_right_arithmetic3A_397, %shift_right_arithmetic3A_409 : i32
        %convert_element_type3A_643 = arith.extui %eq3A_642 : i1 to i32
        %cond3A_644 = arith.constant 0 : i32
        %cond3A_645 = arith.cmpi ne, %convert_element_type3A_643, %cond3A_644 : i32
        scf.if %cond3A_645 {
          %and3A_670 = arith.constant -16 : i32
          %and3A_671 = arith.andi %and3A_428, %and3A_670 : i32
          %swap3A_672 = arith.constant 1 : i32
          %swap3A_673 = arith.index_cast %swap3A_672 : i32 to index
          %swap3A_674 = arith.index_cast %and3A_671 : i32 to index
          %swap3A_675 = tpu.vector_load %arg6[%swap3A_673, %swap3A_674] {strides = array<i32>} : memref<8x128xf32, #tpu.memory_space<vmem>>, vector<1x16xf32>,
          %swap3A_676 = vector.shape_cast %swap3A_675 : vector<1x16xf32> to vector<16xf32>
          %swap3A_677 = vector.shape_cast %broadcast_in_dim3A_1 : vector<16xf32> to vector<1x16xf32>
          tpu.vector_store %arg6[%swap3A_673, %swap3A_674], %swap3A_677 {strides = array<i32>} : memref<8x128xf32, #tpu.memory_space<vmem>>, vector<1x16xf32>,
        } else {
        }
        %eq3A_646 = arith.cmpi eq, %shift_right_arithmetic3A_401, %shift_right_arithmetic3A_409 : i32
        %convert_element_type3A_647 = arith.extui %eq3A_646 : i1 to i32
        %cond3A_648 = arith.constant 0 : i32
        %cond3A_649 = arith.cmpi ne, %convert_element_type3A_647, %cond3A_648 : i32
        scf.if %cond3A_649 {
          %and3A_670 = arith.constant -16 : i32
          %and3A_671 = arith.andi %and3A_432, %and3A_670 : i32
          %swap3A_672 = arith.constant 2 : i32
          %swap3A_673 = arith.index_cast %swap3A_672 : i32 to index
          %swap3A_674 = arith.index_cast %and3A_671 : i32 to index
          %swap3A_675 = tpu.vector_load %arg6[%swap3A_673, %swap3A_674] {strides = array<i32>} : memref<8x128xf32, #tpu.memory_space<vmem>>, vector<1x16xf32>,
          %swap3A_676 = vector.shape_cast %swap3A_675 : vector<1x16xf32> to vector<16xf32>
          %swap3A_677 = vector.shape_cast %broadcast_in_dim3A_1 : vector<16xf32> to vector<1x16xf32>
          tpu.vector_store %arg6[%swap3A_673, %swap3A_674], %swap3A_677 {strides = array<i32>} : memref<8x128xf32, #tpu.memory_space<vmem>>, vector<1x16xf32>,
        } else {
        }
        %eq3A_650 = arith.cmpi eq, %shift_right_arithmetic3A_405, %shift_right_arithmetic3A_409 : i32
        %convert_element_type3A_651 = arith.extui %eq3A_650 : i1 to i32
        %cond3A_652 = arith.constant 0 : i32
        %cond3A_653 = arith.cmpi ne, %convert_element_type3A_651, %cond3A_652 : i32
        scf.if %cond3A_653 {
          %and3A_670 = arith.constant -16 : i32
          %and3A_671 = arith.andi %and3A_436, %and3A_670 : i32
          %swap3A_672 = arith.constant 3 : i32
          %swap3A_673 = arith.index_cast %swap3A_672 : i32 to index
          %swap3A_674 = arith.index_cast %and3A_671 : i32 to index
          %swap3A_675 = tpu.vector_load %arg6[%swap3A_673, %swap3A_674] {strides = array<i32>} : memref<8x128xf32, #tpu.memory_space<vmem>>, vector<1x16xf32>,
          %swap3A_676 = vector.shape_cast %swap3A_675 : vector<1x16xf32> to vector<16xf32>
          %swap3A_677 = vector.shape_cast %broadcast_in_dim3A_1 : vector<16xf32> to vector<1x16xf32>
          tpu.vector_store %arg6[%swap3A_673, %swap3A_674], %swap3A_677 {strides = array<i32>} : memref<8x128xf32, #tpu.memory_space<vmem>>, vector<1x16xf32>,
        } else {
        }
        %eq3A_654 = arith.cmpi eq, %shift_right_arithmetic3A_409, %shift_right_arithmetic3A_409 : i32
        %convert_element_type3A_655 = arith.extui %eq3A_654 : i1 to i32
        %cond3A_656 = arith.constant 0 : i32
        %cond3A_657 = arith.cmpi ne, %convert_element_type3A_655, %cond3A_656 : i32
        scf.if %cond3A_657 {
          %and3A_670 = arith.constant -16 : i32
          %and3A_671 = arith.andi %and3A_440, %and3A_670 : i32
          %swap3A_672 = arith.constant 4 : i32
          %swap3A_673 = arith.index_cast %swap3A_672 : i32 to index
          %swap3A_674 = arith.index_cast %and3A_671 : i32 to index
          %swap3A_675 = tpu.vector_load %arg6[%swap3A_673, %swap3A_674] {strides = array<i32>} : memref<8x128xf32, #tpu.memory_space<vmem>>, vector<1x16xf32>,
          %swap3A_676 = vector.shape_cast %swap3A_675 : vector<1x16xf32> to vector<16xf32>
          %swap3A_677 = vector.shape_cast %broadcast_in_dim3A_1 : vector<16xf32> to vector<1x16xf32>
          tpu.vector_store %arg6[%swap3A_673, %swap3A_674], %swap3A_677 {strides = array<i32>} : memref<8x128xf32, #tpu.memory_space<vmem>>, vector<1x16xf32>,
        } else {
        }
        %eq3A_658 = arith.cmpi eq, %shift_right_arithmetic3A_413, %shift_right_arithmetic3A_409 : i32
        %convert_element_type3A_659 = arith.extui %eq3A_658 : i1 to i32
        %cond3A_660 = arith.constant 0 : i32
        %cond3A_661 = arith.cmpi ne, %convert_element_type3A_659, %cond3A_660 : i32
        scf.if %cond3A_661 {
          %and3A_670 = arith.constant -16 : i32
          %and3A_671 = arith.andi %and3A_444, %and3A_670 : i32
          %swap3A_672 = arith.constant 5 : i32
          %swap3A_673 = arith.index_cast %swap3A_672 : i32 to index
          %swap3A_674 = arith.index_cast %and3A_671 : i32 to index
          %swap3A_675 = tpu.vector_load %arg6[%swap3A_673, %swap3A_674] {strides = array<i32>} : memref<8x128xf32, #tpu.memory_space<vmem>>, vector<1x16xf32>,
          %swap3A_676 = vector.shape_cast %swap3A_675 : vector<1x16xf32> to vector<16xf32>
          %swap3A_677 = vector.shape_cast %broadcast_in_dim3A_1 : vector<16xf32> to vector<1x16xf32>
          tpu.vector_store %arg6[%swap3A_673, %swap3A_674], %swap3A_677 {strides = array<i32>} : memref<8x128xf32, #tpu.memory_space<vmem>>, vector<1x16xf32>,
        } else {
        }
        %eq3A_662 = arith.cmpi eq, %shift_right_arithmetic3A_417, %shift_right_arithmetic3A_409 : i32
        %convert_element_type3A_663 = arith.extui %eq3A_662 : i1 to i32
        %cond3A_664 = arith.constant 0 : i32
        %cond3A_665 = arith.cmpi ne, %convert_element_type3A_663, %cond3A_664 : i32
        scf.if %cond3A_665 {
          %and3A_670 = arith.constant -16 : i32
          %and3A_671 = arith.andi %and3A_448, %and3A_670 : i32
          %swap3A_672 = arith.constant 6 : i32
          %swap3A_673 = arith.index_cast %swap3A_672 : i32 to index
          %swap3A_674 = arith.index_cast %and3A_671 : i32 to index
          %swap3A_675 = tpu.vector_load %arg6[%swap3A_673, %swap3A_674] {strides = array<i32>} : memref<8x128xf32, #tpu.memory_space<vmem>>, vector<1x16xf32>,
          %swap3A_676 = vector.shape_cast %swap3A_675 : vector<1x16xf32> to vector<16xf32>
          %swap3A_677 = vector.shape_cast %broadcast_in_dim3A_1 : vector<16xf32> to vector<1x16xf32>
          tpu.vector_store %arg6[%swap3A_673, %swap3A_674], %swap3A_677 {strides = array<i32>} : memref<8x128xf32, #tpu.memory_space<vmem>>, vector<1x16xf32>,
        } else {
        }
        %eq3A_666 = arith.cmpi eq, %shift_right_arithmetic3A_421, %shift_right_arithmetic3A_409 : i32
        %convert_element_type3A_667 = arith.extui %eq3A_666 : i1 to i32
        %cond3A_668 = arith.constant 0 : i32
        %cond3A_669 = arith.cmpi ne, %convert_element_type3A_667, %cond3A_668 : i32
        scf.if %cond3A_669 {
          %and3A_670 = arith.constant -16 : i32
          %and3A_671 = arith.andi %and3A_452, %and3A_670 : i32
          %swap3A_672 = arith.constant 7 : i32
          %swap3A_673 = arith.index_cast %swap3A_672 : i32 to index
          %swap3A_674 = arith.index_cast %and3A_671 : i32 to index
          %swap3A_675 = tpu.vector_load %arg6[%swap3A_673, %swap3A_674] {strides = array<i32>} : memref<8x128xf32, #tpu.memory_space<vmem>>, vector<1x16xf32>,
          %swap3A_676 = vector.shape_cast %swap3A_675 : vector<1x16xf32> to vector<16xf32>
          %swap3A_677 = vector.shape_cast %broadcast_in_dim3A_1 : vector<16xf32> to vector<1x16xf32>
          tpu.vector_store %arg6[%swap3A_673, %swap3A_674], %swap3A_677 {strides = array<i32>} : memref<8x128xf32, #tpu.memory_space<vmem>>, vector<1x16xf32>,
        } else {
        }
      } else {
      }
      %ne3A_555 = arith.cmpi ne, %shift_right_arithmetic3A_393, %shift_right_arithmetic3A_413 : i32
      %and3A_556 = arith.constant true
      %and3A_557 = arith.andi %and3A_556, %ne3A_555 : i1
      %ne3A_558 = arith.cmpi ne, %shift_right_arithmetic3A_397, %shift_right_arithmetic3A_413 : i32
      %and3A_559 = arith.andi %and3A_557, %ne3A_558 : i1
      %ne3A_560 = arith.cmpi ne, %shift_right_arithmetic3A_401, %shift_right_arithmetic3A_413 : i32
      %and3A_561 = arith.andi %and3A_559, %ne3A_560 : i1
      %ne3A_562 = arith.cmpi ne, %shift_right_arithmetic3A_405, %shift_right_arithmetic3A_413 : i32
      %and3A_563 = arith.andi %and3A_561, %ne3A_562 : i1
      %ne3A_564 = arith.cmpi ne, %shift_right_arithmetic3A_409, %shift_right_arithmetic3A_413 : i32
      %and3A_565 = arith.andi %and3A_563, %ne3A_564 : i1
      %convert_element_type3A_566 = arith.extui %and3A_565 : i1 to i32
      %cond3A_567 = arith.constant 0 : i32
      %cond3A_568 = arith.cmpi ne, %convert_element_type3A_566, %cond3A_567 : i32
      scf.if %cond3A_568 {
        %eq3A_603 = arith.cmpi eq, %shift_right_arithmetic3A_393, %shift_right_arithmetic3A_413 : i32
        %convert_element_type3A_604 = arith.extui %eq3A_603 : i1 to i32
        %cond3A_605 = arith.constant 0 : i32
        %cond3A_606 = arith.cmpi ne, %convert_element_type3A_604, %cond3A_605 : i32
        scf.if %cond3A_606 {
          %and3A_670 = arith.constant -16 : i32
          %and3A_671 = arith.andi %and3A_424, %and3A_670 : i32
          %and3A_672 = arith.constant 15 : i32
          %and3A_673 = arith.andi %and3A_424, %and3A_672 : i32
          %broadcast_in_dim3A_674 = vector.broadcast %and3A_673 : i32 to vector<16xi32>
          %sub3A = arith.subi %iota3A, %broadcast_in_dim3A_674 : vector<16xi32>
          %abs3A = math.absi %sub3A : vector<16xi32>
          %sub3A_675 = arith.subi %broadcast_in_dim3A_390, %abs3A : vector<16xi32>
          %max3A = arith.constant 0 : i32
          %max3A_676 = vector.broadcast %max3A : i32 to vector<16xi32>
          %max3A_677 = arith.maxsi %sub3A_675, %max3A_676 : vector<16xi32>
          %convert_element_type3A_678 = arith.sitofp %max3A_677 : vector<16xi32> to vector<16xf32>
          %swap3A_679 = arith.constant 0 : i32
          %swap3A_680 = arith.index_cast %swap3A_679 : i32 to index
          %swap3A_681 = arith.index_cast %and3A_671 : i32 to index
          %swap3A_682 = tpu.vector_load %arg6[%swap3A_680, %swap3A_681] {strides = array<i32>} : memref<8x128xf32, #tpu.memory_space<vmem>>, vector<1x16xf32>,
          %swap3A_683 = vector.shape_cast %swap3A_682 : vector<1x16xf32> to vector<16xf32>
          %swap3A_684 = vector.shape_cast %convert_element_type3A_678 : vector<16xf32> to vector<1x16xf32>
          tpu.vector_store %arg6[%swap3A_680, %swap3A_681], %swap3A_684 {strides = array<i32>} : memref<8x128xf32, #tpu.memory_space<vmem>>, vector<1x16xf32>,
        } else {
        }
        %eq3A_607 = arith.cmpi eq, %shift_right_arithmetic3A_397, %shift_right_arithmetic3A_413 : i32
        %convert_element_type3A_608 = arith.extui %eq3A_607 : i1 to i32
        %cond3A_609 = arith.constant 0 : i32
        %cond3A_610 = arith.cmpi ne, %convert_element_type3A_608, %cond3A_609 : i32
        scf.if %cond3A_610 {
          %and3A_670 = arith.constant -16 : i32
          %and3A_671 = arith.andi %and3A_428, %and3A_670 : i32
          %and3A_672 = arith.constant 15 : i32
          %and3A_673 = arith.andi %and3A_428, %and3A_672 : i32
          %broadcast_in_dim3A_674 = vector.broadcast %and3A_673 : i32 to vector<16xi32>
          %sub3A = arith.subi %iota3A, %broadcast_in_dim3A_674 : vector<16xi32>
          %abs3A = math.absi %sub3A : vector<16xi32>
          %sub3A_675 = arith.subi %broadcast_in_dim3A_390, %abs3A : vector<16xi32>
          %max3A = arith.constant 0 : i32
          %max3A_676 = vector.broadcast %max3A : i32 to vector<16xi32>
          %max3A_677 = arith.maxsi %sub3A_675, %max3A_676 : vector<16xi32>
          %convert_element_type3A_678 = arith.sitofp %max3A_677 : vector<16xi32> to vector<16xf32>
          %swap3A_679 = arith.constant 1 : i32
          %swap3A_680 = arith.index_cast %swap3A_679 : i32 to index
          %swap3A_681 = arith.index_cast %and3A_671 : i32 to index
          %swap3A_682 = tpu.vector_load %arg6[%swap3A_680, %swap3A_681] {strides = array<i32>} : memref<8x128xf32, #tpu.memory_space<vmem>>, vector<1x16xf32>,
          %swap3A_683 = vector.shape_cast %swap3A_682 : vector<1x16xf32> to vector<16xf32>
          %swap3A_684 = vector.shape_cast %convert_element_type3A_678 : vector<16xf32> to vector<1x16xf32>
          tpu.vector_store %arg6[%swap3A_680, %swap3A_681], %swap3A_684 {strides = array<i32>} : memref<8x128xf32, #tpu.memory_space<vmem>>, vector<1x16xf32>,
        } else {
        }
        %eq3A_611 = arith.cmpi eq, %shift_right_arithmetic3A_401, %shift_right_arithmetic3A_413 : i32
        %convert_element_type3A_612 = arith.extui %eq3A_611 : i1 to i32
        %cond3A_613 = arith.constant 0 : i32
        %cond3A_614 = arith.cmpi ne, %convert_element_type3A_612, %cond3A_613 : i32
        scf.if %cond3A_614 {
          %and3A_670 = arith.constant -16 : i32
          %and3A_671 = arith.andi %and3A_432, %and3A_670 : i32
          %and3A_672 = arith.constant 15 : i32
          %and3A_673 = arith.andi %and3A_432, %and3A_672 : i32
          %broadcast_in_dim3A_674 = vector.broadcast %and3A_673 : i32 to vector<16xi32>
          %sub3A = arith.subi %iota3A, %broadcast_in_dim3A_674 : vector<16xi32>
          %abs3A = math.absi %sub3A : vector<16xi32>
          %sub3A_675 = arith.subi %broadcast_in_dim3A_390, %abs3A : vector<16xi32>
          %max3A = arith.constant 0 : i32
          %max3A_676 = vector.broadcast %max3A : i32 to vector<16xi32>
          %max3A_677 = arith.maxsi %sub3A_675, %max3A_676 : vector<16xi32>
          %convert_element_type3A_678 = arith.sitofp %max3A_677 : vector<16xi32> to vector<16xf32>
          %swap3A_679 = arith.constant 2 : i32
          %swap3A_680 = arith.index_cast %swap3A_679 : i32 to index
          %swap3A_681 = arith.index_cast %and3A_671 : i32 to index
          %swap3A_682 = tpu.vector_load %arg6[%swap3A_680, %swap3A_681] {strides = array<i32>} : memref<8x128xf32, #tpu.memory_space<vmem>>, vector<1x16xf32>,
          %swap3A_683 = vector.shape_cast %swap3A_682 : vector<1x16xf32> to vector<16xf32>
          %swap3A_684 = vector.shape_cast %convert_element_type3A_678 : vector<16xf32> to vector<1x16xf32>
          tpu.vector_store %arg6[%swap3A_680, %swap3A_681], %swap3A_684 {strides = array<i32>} : memref<8x128xf32, #tpu.memory_space<vmem>>, vector<1x16xf32>,
        } else {
        }
        %eq3A_615 = arith.cmpi eq, %shift_right_arithmetic3A_405, %shift_right_arithmetic3A_413 : i32
        %convert_element_type3A_616 = arith.extui %eq3A_615 : i1 to i32
        %cond3A_617 = arith.constant 0 : i32
        %cond3A_618 = arith.cmpi ne, %convert_element_type3A_616, %cond3A_617 : i32
        scf.if %cond3A_618 {
          %and3A_670 = arith.constant -16 : i32
          %and3A_671 = arith.andi %and3A_436, %and3A_670 : i32
          %and3A_672 = arith.constant 15 : i32
          %and3A_673 = arith.andi %and3A_436, %and3A_672 : i32
          %broadcast_in_dim3A_674 = vector.broadcast %and3A_673 : i32 to vector<16xi32>
          %sub3A = arith.subi %iota3A, %broadcast_in_dim3A_674 : vector<16xi32>
          %abs3A = math.absi %sub3A : vector<16xi32>
          %sub3A_675 = arith.subi %broadcast_in_dim3A_390, %abs3A : vector<16xi32>
          %max3A = arith.constant 0 : i32
          %max3A_676 = vector.broadcast %max3A : i32 to vector<16xi32>
          %max3A_677 = arith.maxsi %sub3A_675, %max3A_676 : vector<16xi32>
          %convert_element_type3A_678 = arith.sitofp %max3A_677 : vector<16xi32> to vector<16xf32>
          %swap3A_679 = arith.constant 3 : i32
          %swap3A_680 = arith.index_cast %swap3A_679 : i32 to index
          %swap3A_681 = arith.index_cast %and3A_671 : i32 to index
          %swap3A_682 = tpu.vector_load %arg6[%swap3A_680, %swap3A_681] {strides = array<i32>} : memref<8x128xf32, #tpu.memory_space<vmem>>, vector<1x16xf32>,
          %swap3A_683 = vector.shape_cast %swap3A_682 : vector<1x16xf32> to vector<16xf32>
          %swap3A_684 = vector.shape_cast %convert_element_type3A_678 : vector<16xf32> to vector<1x16xf32>
          tpu.vector_store %arg6[%swap3A_680, %swap3A_681], %swap3A_684 {strides = array<i32>} : memref<8x128xf32, #tpu.memory_space<vmem>>, vector<1x16xf32>,
        } else {
        }
        %eq3A_619 = arith.cmpi eq, %shift_right_arithmetic3A_409, %shift_right_arithmetic3A_413 : i32
        %convert_element_type3A_620 = arith.extui %eq3A_619 : i1 to i32
        %cond3A_621 = arith.constant 0 : i32
        %cond3A_622 = arith.cmpi ne, %convert_element_type3A_620, %cond3A_621 : i32
        scf.if %cond3A_622 {
          %and3A_670 = arith.constant -16 : i32
          %and3A_671 = arith.andi %and3A_440, %and3A_670 : i32
          %and3A_672 = arith.constant 15 : i32
          %and3A_673 = arith.andi %and3A_440, %and3A_672 : i32
          %broadcast_in_dim3A_674 = vector.broadcast %and3A_673 : i32 to vector<16xi32>
          %sub3A = arith.subi %iota3A, %broadcast_in_dim3A_674 : vector<16xi32>
          %abs3A = math.absi %sub3A : vector<16xi32>
          %sub3A_675 = arith.subi %broadcast_in_dim3A_390, %abs3A : vector<16xi32>
          %max3A = arith.constant 0 : i32
          %max3A_676 = vector.broadcast %max3A : i32 to vector<16xi32>
          %max3A_677 = arith.maxsi %sub3A_675, %max3A_676 : vector<16xi32>
          %convert_element_type3A_678 = arith.sitofp %max3A_677 : vector<16xi32> to vector<16xf32>
          %swap3A_679 = arith.constant 4 : i32
          %swap3A_680 = arith.index_cast %swap3A_679 : i32 to index
          %swap3A_681 = arith.index_cast %and3A_671 : i32 to index
          %swap3A_682 = tpu.vector_load %arg6[%swap3A_680, %swap3A_681] {strides = array<i32>} : memref<8x128xf32, #tpu.memory_space<vmem>>, vector<1x16xf32>,
          %swap3A_683 = vector.shape_cast %swap3A_682 : vector<1x16xf32> to vector<16xf32>
          %swap3A_684 = vector.shape_cast %convert_element_type3A_678 : vector<16xf32> to vector<1x16xf32>
          tpu.vector_store %arg6[%swap3A_680, %swap3A_681], %swap3A_684 {strides = array<i32>} : memref<8x128xf32, #tpu.memory_space<vmem>>, vector<1x16xf32>,
        } else {
        }
        %eq3A_623 = arith.cmpi eq, %shift_right_arithmetic3A_413, %shift_right_arithmetic3A_413 : i32
        %convert_element_type3A_624 = arith.extui %eq3A_623 : i1 to i32
        %cond3A_625 = arith.constant 0 : i32
        %cond3A_626 = arith.cmpi ne, %convert_element_type3A_624, %cond3A_625 : i32
        scf.if %cond3A_626 {
          %and3A_670 = arith.constant -16 : i32
          %and3A_671 = arith.andi %and3A_444, %and3A_670 : i32
          %and3A_672 = arith.constant 15 : i32
          %and3A_673 = arith.andi %and3A_444, %and3A_672 : i32
          %broadcast_in_dim3A_674 = vector.broadcast %and3A_673 : i32 to vector<16xi32>
          %sub3A = arith.subi %iota3A, %broadcast_in_dim3A_674 : vector<16xi32>
          %abs3A = math.absi %sub3A : vector<16xi32>
          %sub3A_675 = arith.subi %broadcast_in_dim3A_390, %abs3A : vector<16xi32>
          %max3A = arith.constant 0 : i32
          %max3A_676 = vector.broadcast %max3A : i32 to vector<16xi32>
          %max3A_677 = arith.maxsi %sub3A_675, %max3A_676 : vector<16xi32>
          %convert_element_type3A_678 = arith.sitofp %max3A_677 : vector<16xi32> to vector<16xf32>
          %swap3A_679 = arith.constant 5 : i32
          %swap3A_680 = arith.index_cast %swap3A_679 : i32 to index
          %swap3A_681 = arith.index_cast %and3A_671 : i32 to index
          %swap3A_682 = tpu.vector_load %arg6[%swap3A_680, %swap3A_681] {strides = array<i32>} : memref<8x128xf32, #tpu.memory_space<vmem>>, vector<1x16xf32>,
          %swap3A_683 = vector.shape_cast %swap3A_682 : vector<1x16xf32> to vector<16xf32>
          %swap3A_684 = vector.shape_cast %convert_element_type3A_678 : vector<16xf32> to vector<1x16xf32>
          tpu.vector_store %arg6[%swap3A_680, %swap3A_681], %swap3A_684 {strides = array<i32>} : memref<8x128xf32, #tpu.memory_space<vmem>>, vector<1x16xf32>,
        } else {
        }
        %eq3A_627 = arith.cmpi eq, %shift_right_arithmetic3A_417, %shift_right_arithmetic3A_413 : i32
        %convert_element_type3A_628 = arith.extui %eq3A_627 : i1 to i32
        %cond3A_629 = arith.constant 0 : i32
        %cond3A_630 = arith.cmpi ne, %convert_element_type3A_628, %cond3A_629 : i32
        scf.if %cond3A_630 {
          %and3A_670 = arith.constant -16 : i32
          %and3A_671 = arith.andi %and3A_448, %and3A_670 : i32
          %and3A_672 = arith.constant 15 : i32
          %and3A_673 = arith.andi %and3A_448, %and3A_672 : i32
          %broadcast_in_dim3A_674 = vector.broadcast %and3A_673 : i32 to vector<16xi32>
          %sub3A = arith.subi %iota3A, %broadcast_in_dim3A_674 : vector<16xi32>
          %abs3A = math.absi %sub3A : vector<16xi32>
          %sub3A_675 = arith.subi %broadcast_in_dim3A_390, %abs3A : vector<16xi32>
          %max3A = arith.constant 0 : i32
          %max3A_676 = vector.broadcast %max3A : i32 to vector<16xi32>
          %max3A_677 = arith.maxsi %sub3A_675, %max3A_676 : vector<16xi32>
          %convert_element_type3A_678 = arith.sitofp %max3A_677 : vector<16xi32> to vector<16xf32>
          %swap3A_679 = arith.constant 6 : i32
          %swap3A_680 = arith.index_cast %swap3A_679 : i32 to index
          %swap3A_681 = arith.index_cast %and3A_671 : i32 to index
          %swap3A_682 = tpu.vector_load %arg6[%swap3A_680, %swap3A_681] {strides = array<i32>} : memref<8x128xf32, #tpu.memory_space<vmem>>, vector<1x16xf32>,
          %swap3A_683 = vector.shape_cast %swap3A_682 : vector<1x16xf32> to vector<16xf32>
          %swap3A_684 = vector.shape_cast %convert_element_type3A_678 : vector<16xf32> to vector<1x16xf32>
          tpu.vector_store %arg6[%swap3A_680, %swap3A_681], %swap3A_684 {strides = array<i32>} : memref<8x128xf32, #tpu.memory_space<vmem>>, vector<1x16xf32>,
        } else {
        }
        %eq3A_631 = arith.cmpi eq, %shift_right_arithmetic3A_421, %shift_right_arithmetic3A_413 : i32
        %convert_element_type3A_632 = arith.extui %eq3A_631 : i1 to i32
        %cond3A_633 = arith.constant 0 : i32
        %cond3A_634 = arith.cmpi ne, %convert_element_type3A_632, %cond3A_633 : i32
        scf.if %cond3A_634 {
          %and3A_670 = arith.constant -16 : i32
          %and3A_671 = arith.andi %and3A_452, %and3A_670 : i32
          %and3A_672 = arith.constant 15 : i32
          %and3A_673 = arith.andi %and3A_452, %and3A_672 : i32
          %broadcast_in_dim3A_674 = vector.broadcast %and3A_673 : i32 to vector<16xi32>
          %sub3A = arith.subi %iota3A, %broadcast_in_dim3A_674 : vector<16xi32>
          %abs3A = math.absi %sub3A : vector<16xi32>
          %sub3A_675 = arith.subi %broadcast_in_dim3A_390, %abs3A : vector<16xi32>
          %max3A = arith.constant 0 : i32
          %max3A_676 = vector.broadcast %max3A : i32 to vector<16xi32>
          %max3A_677 = arith.maxsi %sub3A_675, %max3A_676 : vector<16xi32>
          %convert_element_type3A_678 = arith.sitofp %max3A_677 : vector<16xi32> to vector<16xf32>
          %swap3A_679 = arith.constant 7 : i32
          %swap3A_680 = arith.index_cast %swap3A_679 : i32 to index
          %swap3A_681 = arith.index_cast %and3A_671 : i32 to index
          %swap3A_682 = tpu.vector_load %arg6[%swap3A_680, %swap3A_681] {strides = array<i32>} : memref<8x128xf32, #tpu.memory_space<vmem>>, vector<1x16xf32>,
          %swap3A_683 = vector.shape_cast %swap3A_682 : vector<1x16xf32> to vector<16xf32>
          %swap3A_684 = vector.shape_cast %convert_element_type3A_678 : vector<16xf32> to vector<1x16xf32>
          tpu.vector_store %arg6[%swap3A_680, %swap3A_681], %swap3A_684 {strides = array<i32>} : memref<8x128xf32, #tpu.memory_space<vmem>>, vector<1x16xf32>,
        } else {
        }
        %mul3A_635 = arith.constant 128 : i32
        %mul3A_636 = arith.muli %shift_right_arithmetic3A_413, %mul3A_635 : i32
        %multiple_of3A_637 = tpu.assume_multiple %mul3A_636, 128 : i32
        "tpu.region"() ({
          %run_scoped3A = tpu.sem_alloc : memref<!tpu.dma_semaphore, #tpu.memory_space<semaphore_mem>>
          %dma_start3A = tpu.memref_slice %arg3[%multiple_of3A, %multiple_of3A_637] : memref<128x32768xf32, #tpu.memory_space<hbm>> -> memref<8x128xf32, #tpu.memory_space<hbm>>
          %dma_start3A_670 = tpu.memref_slice %arg3[%multiple_of3A, %multiple_of3A_637] : memref<128x32768xf32, #tpu.memory_space<hbm>> -> memref<8x128xf32, #tpu.memory_space<hbm>>
          tpu.enqueue_dma source(%arg6 : memref<8x128xf32, #tpu.memory_space<vmem>>) target(%dma_start3A_670 : memref<8x128xf32, #tpu.memory_space<hbm>>) target_semaphore(%run_scoped3A : memref<!tpu.dma_semaphore, #tpu.memory_space<semaphore_mem>>)
          %dma_wait3A = tpu.memref_slice %arg3[%multiple_of3A, %multiple_of3A_637] : memref<128x32768xf32, #tpu.memory_space<hbm>> -> memref<8x128xf32, #tpu.memory_space<hbm>>
          %dma_wait3A_671 = tpu.memref_slice %arg3[%multiple_of3A, %multiple_of3A_637] : memref<128x32768xf32, #tpu.memory_space<hbm>> -> memref<8x128xf32, #tpu.memory_space<hbm>>
          tpu.wait_dma2 semaphore(%run_scoped3A : memref<!tpu.dma_semaphore, #tpu.memory_space<semaphore_mem>>) src(%arg6 : memref<8x128xf32, #tpu.memory_space<vmem>>) dst(%dma_wait3A_671 : memref<8x128xf32, #tpu.memory_space<hbm>>)
          tpu.yield
        }) : () -> ()
        %eq3A_638 = arith.cmpi eq, %shift_right_arithmetic3A_393, %shift_right_arithmetic3A_413 : i32
        %convert_element_type3A_639 = arith.extui %eq3A_638 : i1 to i32
        %cond3A_640 = arith.constant 0 : i32
        %cond3A_641 = arith.cmpi ne, %convert_element_type3A_639, %cond3A_640 : i32
        scf.if %cond3A_641 {
          %and3A_670 = arith.constant -16 : i32
          %and3A_671 = arith.andi %and3A_424, %and3A_670 : i32
          %swap3A_672 = arith.constant 0 : i32
          %swap3A_673 = arith.index_cast %swap3A_672 : i32 to index
          %swap3A_674 = arith.index_cast %and3A_671 : i32 to index
          %swap3A_675 = tpu.vector_load %arg6[%swap3A_673, %swap3A_674] {strides = array<i32>} : memref<8x128xf32, #tpu.memory_space<vmem>>, vector<1x16xf32>,
          %swap3A_676 = vector.shape_cast %swap3A_675 : vector<1x16xf32> to vector<16xf32>
          %swap3A_677 = vector.shape_cast %broadcast_in_dim3A_1 : vector<16xf32> to vector<1x16xf32>
          tpu.vector_store %arg6[%swap3A_673, %swap3A_674], %swap3A_677 {strides = array<i32>} : memref<8x128xf32, #tpu.memory_space<vmem>>, vector<1x16xf32>,
        } else {
        }
        %eq3A_642 = arith.cmpi eq, %shift_right_arithmetic3A_397, %shift_right_arithmetic3A_413 : i32
        %convert_element_type3A_643 = arith.extui %eq3A_642 : i1 to i32
        %cond3A_644 = arith.constant 0 : i32
        %cond3A_645 = arith.cmpi ne, %convert_element_type3A_643, %cond3A_644 : i32
        scf.if %cond3A_645 {
          %and3A_670 = arith.constant -16 : i32
          %and3A_671 = arith.andi %and3A_428, %and3A_670 : i32
          %swap3A_672 = arith.constant 1 : i32
          %swap3A_673 = arith.index_cast %swap3A_672 : i32 to index
          %swap3A_674 = arith.index_cast %and3A_671 : i32 to index
          %swap3A_675 = tpu.vector_load %arg6[%swap3A_673, %swap3A_674] {strides = array<i32>} : memref<8x128xf32, #tpu.memory_space<vmem>>, vector<1x16xf32>,
          %swap3A_676 = vector.shape_cast %swap3A_675 : vector<1x16xf32> to vector<16xf32>
          %swap3A_677 = vector.shape_cast %broadcast_in_dim3A_1 : vector<16xf32> to vector<1x16xf32>
          tpu.vector_store %arg6[%swap3A_673, %swap3A_674], %swap3A_677 {strides = array<i32>} : memref<8x128xf32, #tpu.memory_space<vmem>>, vector<1x16xf32>,
        } else {
        }
        %eq3A_646 = arith.cmpi eq, %shift_right_arithmetic3A_401, %shift_right_arithmetic3A_413 : i32
        %convert_element_type3A_647 = arith.extui %eq3A_646 : i1 to i32
        %cond3A_648 = arith.constant 0 : i32
        %cond3A_649 = arith.cmpi ne, %convert_element_type3A_647, %cond3A_648 : i32
        scf.if %cond3A_649 {
          %and3A_670 = arith.constant -16 : i32
          %and3A_671 = arith.andi %and3A_432, %and3A_670 : i32
          %swap3A_672 = arith.constant 2 : i32
          %swap3A_673 = arith.index_cast %swap3A_672 : i32 to index
          %swap3A_674 = arith.index_cast %and3A_671 : i32 to index
          %swap3A_675 = tpu.vector_load %arg6[%swap3A_673, %swap3A_674] {strides = array<i32>} : memref<8x128xf32, #tpu.memory_space<vmem>>, vector<1x16xf32>,
          %swap3A_676 = vector.shape_cast %swap3A_675 : vector<1x16xf32> to vector<16xf32>
          %swap3A_677 = vector.shape_cast %broadcast_in_dim3A_1 : vector<16xf32> to vector<1x16xf32>
          tpu.vector_store %arg6[%swap3A_673, %swap3A_674], %swap3A_677 {strides = array<i32>} : memref<8x128xf32, #tpu.memory_space<vmem>>, vector<1x16xf32>,
        } else {
        }
        %eq3A_650 = arith.cmpi eq, %shift_right_arithmetic3A_405, %shift_right_arithmetic3A_413 : i32
        %convert_element_type3A_651 = arith.extui %eq3A_650 : i1 to i32
        %cond3A_652 = arith.constant 0 : i32
        %cond3A_653 = arith.cmpi ne, %convert_element_type3A_651, %cond3A_652 : i32
        scf.if %cond3A_653 {
          %and3A_670 = arith.constant -16 : i32
          %and3A_671 = arith.andi %and3A_436, %and3A_670 : i32
          %swap3A_672 = arith.constant 3 : i32
          %swap3A_673 = arith.index_cast %swap3A_672 : i32 to index
          %swap3A_674 = arith.index_cast %and3A_671 : i32 to index
          %swap3A_675 = tpu.vector_load %arg6[%swap3A_673, %swap3A_674] {strides = array<i32>} : memref<8x128xf32, #tpu.memory_space<vmem>>, vector<1x16xf32>,
          %swap3A_676 = vector.shape_cast %swap3A_675 : vector<1x16xf32> to vector<16xf32>
          %swap3A_677 = vector.shape_cast %broadcast_in_dim3A_1 : vector<16xf32> to vector<1x16xf32>
          tpu.vector_store %arg6[%swap3A_673, %swap3A_674], %swap3A_677 {strides = array<i32>} : memref<8x128xf32, #tpu.memory_space<vmem>>, vector<1x16xf32>,
        } else {
        }
        %eq3A_654 = arith.cmpi eq, %shift_right_arithmetic3A_409, %shift_right_arithmetic3A_413 : i32
        %convert_element_type3A_655 = arith.extui %eq3A_654 : i1 to i32
        %cond3A_656 = arith.constant 0 : i32
        %cond3A_657 = arith.cmpi ne, %convert_element_type3A_655, %cond3A_656 : i32
        scf.if %cond3A_657 {
          %and3A_670 = arith.constant -16 : i32
          %and3A_671 = arith.andi %and3A_440, %and3A_670 : i32
          %swap3A_672 = arith.constant 4 : i32
          %swap3A_673 = arith.index_cast %swap3A_672 : i32 to index
          %swap3A_674 = arith.index_cast %and3A_671 : i32 to index
          %swap3A_675 = tpu.vector_load %arg6[%swap3A_673, %swap3A_674] {strides = array<i32>} : memref<8x128xf32, #tpu.memory_space<vmem>>, vector<1x16xf32>,
          %swap3A_676 = vector.shape_cast %swap3A_675 : vector<1x16xf32> to vector<16xf32>
          %swap3A_677 = vector.shape_cast %broadcast_in_dim3A_1 : vector<16xf32> to vector<1x16xf32>
          tpu.vector_store %arg6[%swap3A_673, %swap3A_674], %swap3A_677 {strides = array<i32>} : memref<8x128xf32, #tpu.memory_space<vmem>>, vector<1x16xf32>,
        } else {
        }
        %eq3A_658 = arith.cmpi eq, %shift_right_arithmetic3A_413, %shift_right_arithmetic3A_413 : i32
        %convert_element_type3A_659 = arith.extui %eq3A_658 : i1 to i32
        %cond3A_660 = arith.constant 0 : i32
        %cond3A_661 = arith.cmpi ne, %convert_element_type3A_659, %cond3A_660 : i32
        scf.if %cond3A_661 {
          %and3A_670 = arith.constant -16 : i32
          %and3A_671 = arith.andi %and3A_444, %and3A_670 : i32
          %swap3A_672 = arith.constant 5 : i32
          %swap3A_673 = arith.index_cast %swap3A_672 : i32 to index
          %swap3A_674 = arith.index_cast %and3A_671 : i32 to index
          %swap3A_675 = tpu.vector_load %arg6[%swap3A_673, %swap3A_674] {strides = array<i32>} : memref<8x128xf32, #tpu.memory_space<vmem>>, vector<1x16xf32>,
          %swap3A_676 = vector.shape_cast %swap3A_675 : vector<1x16xf32> to vector<16xf32>
          %swap3A_677 = vector.shape_cast %broadcast_in_dim3A_1 : vector<16xf32> to vector<1x16xf32>
          tpu.vector_store %arg6[%swap3A_673, %swap3A_674], %swap3A_677 {strides = array<i32>} : memref<8x128xf32, #tpu.memory_space<vmem>>, vector<1x16xf32>,
        } else {
        }
        %eq3A_662 = arith.cmpi eq, %shift_right_arithmetic3A_417, %shift_right_arithmetic3A_413 : i32
        %convert_element_type3A_663 = arith.extui %eq3A_662 : i1 to i32
        %cond3A_664 = arith.constant 0 : i32
        %cond3A_665 = arith.cmpi ne, %convert_element_type3A_663, %cond3A_664 : i32
        scf.if %cond3A_665 {
          %and3A_670 = arith.constant -16 : i32
          %and3A_671 = arith.andi %and3A_448, %and3A_670 : i32
          %swap3A_672 = arith.constant 6 : i32
          %swap3A_673 = arith.index_cast %swap3A_672 : i32 to index
          %swap3A_674 = arith.index_cast %and3A_671 : i32 to index
          %swap3A_675 = tpu.vector_load %arg6[%swap3A_673, %swap3A_674] {strides = array<i32>} : memref<8x128xf32, #tpu.memory_space<vmem>>, vector<1x16xf32>,
          %swap3A_676 = vector.shape_cast %swap3A_675 : vector<1x16xf32> to vector<16xf32>
          %swap3A_677 = vector.shape_cast %broadcast_in_dim3A_1 : vector<16xf32> to vector<1x16xf32>
          tpu.vector_store %arg6[%swap3A_673, %swap3A_674], %swap3A_677 {strides = array<i32>} : memref<8x128xf32, #tpu.memory_space<vmem>>, vector<1x16xf32>,
        } else {
        }
        %eq3A_666 = arith.cmpi eq, %shift_right_arithmetic3A_421, %shift_right_arithmetic3A_413 : i32
        %convert_element_type3A_667 = arith.extui %eq3A_666 : i1 to i32
        %cond3A_668 = arith.constant 0 : i32
        %cond3A_669 = arith.cmpi ne, %convert_element_type3A_667, %cond3A_668 : i32
        scf.if %cond3A_669 {
          %and3A_670 = arith.constant -16 : i32
          %and3A_671 = arith.andi %and3A_452, %and3A_670 : i32
          %swap3A_672 = arith.constant 7 : i32
          %swap3A_673 = arith.index_cast %swap3A_672 : i32 to index
          %swap3A_674 = arith.index_cast %and3A_671 : i32 to index
          %swap3A_675 = tpu.vector_load %arg6[%swap3A_673, %swap3A_674] {strides = array<i32>} : memref<8x128xf32, #tpu.memory_space<vmem>>, vector<1x16xf32>,
          %swap3A_676 = vector.shape_cast %swap3A_675 : vector<1x16xf32> to vector<16xf32>
          %swap3A_677 = vector.shape_cast %broadcast_in_dim3A_1 : vector<16xf32> to vector<1x16xf32>
          tpu.vector_store %arg6[%swap3A_673, %swap3A_674], %swap3A_677 {strides = array<i32>} : memref<8x128xf32, #tpu.memory_space<vmem>>, vector<1x16xf32>,
        } else {
        }
      } else {
      }
      %ne3A_569 = arith.cmpi ne, %shift_right_arithmetic3A_393, %shift_right_arithmetic3A_417 : i32
      %and3A_570 = arith.constant true
      %and3A_571 = arith.andi %and3A_570, %ne3A_569 : i1
      %ne3A_572 = arith.cmpi ne, %shift_right_arithmetic3A_397, %shift_right_arithmetic3A_417 : i32
      %and3A_573 = arith.andi %and3A_571, %ne3A_572 : i1
      %ne3A_574 = arith.cmpi ne, %shift_right_arithmetic3A_401, %shift_right_arithmetic3A_417 : i32
      %and3A_575 = arith.andi %and3A_573, %ne3A_574 : i1
      %ne3A_576 = arith.cmpi ne, %shift_right_arithmetic3A_405, %shift_right_arithmetic3A_417 : i32
      %and3A_577 = arith.andi %and3A_575, %ne3A_576 : i1
      %ne3A_578 = arith.cmpi ne, %shift_right_arithmetic3A_409, %shift_right_arithmetic3A_417 : i32
      %and3A_579 = arith.andi %and3A_577, %ne3A_578 : i1
      %ne3A_580 = arith.cmpi ne, %shift_right_arithmetic3A_413, %shift_right_arithmetic3A_417 : i32
      %and3A_581 = arith.andi %and3A_579, %ne3A_580 : i1
      %convert_element_type3A_582 = arith.extui %and3A_581 : i1 to i32
      %cond3A_583 = arith.constant 0 : i32
      %cond3A_584 = arith.cmpi ne, %convert_element_type3A_582, %cond3A_583 : i32
      scf.if %cond3A_584 {
        %eq3A_603 = arith.cmpi eq, %shift_right_arithmetic3A_393, %shift_right_arithmetic3A_417 : i32
        %convert_element_type3A_604 = arith.extui %eq3A_603 : i1 to i32
        %cond3A_605 = arith.constant 0 : i32
        %cond3A_606 = arith.cmpi ne, %convert_element_type3A_604, %cond3A_605 : i32
        scf.if %cond3A_606 {
          %and3A_670 = arith.constant -16 : i32
          %and3A_671 = arith.andi %and3A_424, %and3A_670 : i32
          %and3A_672 = arith.constant 15 : i32
          %and3A_673 = arith.andi %and3A_424, %and3A_672 : i32
          %broadcast_in_dim3A_674 = vector.broadcast %and3A_673 : i32 to vector<16xi32>
          %sub3A = arith.subi %iota3A, %broadcast_in_dim3A_674 : vector<16xi32>
          %abs3A = math.absi %sub3A : vector<16xi32>
          %sub3A_675 = arith.subi %broadcast_in_dim3A_390, %abs3A : vector<16xi32>
          %max3A = arith.constant 0 : i32
          %max3A_676 = vector.broadcast %max3A : i32 to vector<16xi32>
          %max3A_677 = arith.maxsi %sub3A_675, %max3A_676 : vector<16xi32>
          %convert_element_type3A_678 = arith.sitofp %max3A_677 : vector<16xi32> to vector<16xf32>
          %swap3A_679 = arith.constant 0 : i32
          %swap3A_680 = arith.index_cast %swap3A_679 : i32 to index
          %swap3A_681 = arith.index_cast %and3A_671 : i32 to index
          %swap3A_682 = tpu.vector_load %arg6[%swap3A_680, %swap3A_681] {strides = array<i32>} : memref<8x128xf32, #tpu.memory_space<vmem>>, vector<1x16xf32>,
          %swap3A_683 = vector.shape_cast %swap3A_682 : vector<1x16xf32> to vector<16xf32>
          %swap3A_684 = vector.shape_cast %convert_element_type3A_678 : vector<16xf32> to vector<1x16xf32>
          tpu.vector_store %arg6[%swap3A_680, %swap3A_681], %swap3A_684 {strides = array<i32>} : memref<8x128xf32, #tpu.memory_space<vmem>>, vector<1x16xf32>,
        } else {
        }
        %eq3A_607 = arith.cmpi eq, %shift_right_arithmetic3A_397, %shift_right_arithmetic3A_417 : i32
        %convert_element_type3A_608 = arith.extui %eq3A_607 : i1 to i32
        %cond3A_609 = arith.constant 0 : i32
        %cond3A_610 = arith.cmpi ne, %convert_element_type3A_608, %cond3A_609 : i32
        scf.if %cond3A_610 {
          %and3A_670 = arith.constant -16 : i32
          %and3A_671 = arith.andi %and3A_428, %and3A_670 : i32
          %and3A_672 = arith.constant 15 : i32
          %and3A_673 = arith.andi %and3A_428, %and3A_672 : i32
          %broadcast_in_dim3A_674 = vector.broadcast %and3A_673 : i32 to vector<16xi32>
          %sub3A = arith.subi %iota3A, %broadcast_in_dim3A_674 : vector<16xi32>
          %abs3A = math.absi %sub3A : vector<16xi32>
          %sub3A_675 = arith.subi %broadcast_in_dim3A_390, %abs3A : vector<16xi32>
          %max3A = arith.constant 0 : i32
          %max3A_676 = vector.broadcast %max3A : i32 to vector<16xi32>
          %max3A_677 = arith.maxsi %sub3A_675, %max3A_676 : vector<16xi32>
          %convert_element_type3A_678 = arith.sitofp %max3A_677 : vector<16xi32> to vector<16xf32>
          %swap3A_679 = arith.constant 1 : i32
          %swap3A_680 = arith.index_cast %swap3A_679 : i32 to index
          %swap3A_681 = arith.index_cast %and3A_671 : i32 to index
          %swap3A_682 = tpu.vector_load %arg6[%swap3A_680, %swap3A_681] {strides = array<i32>} : memref<8x128xf32, #tpu.memory_space<vmem>>, vector<1x16xf32>,
          %swap3A_683 = vector.shape_cast %swap3A_682 : vector<1x16xf32> to vector<16xf32>
          %swap3A_684 = vector.shape_cast %convert_element_type3A_678 : vector<16xf32> to vector<1x16xf32>
          tpu.vector_store %arg6[%swap3A_680, %swap3A_681], %swap3A_684 {strides = array<i32>} : memref<8x128xf32, #tpu.memory_space<vmem>>, vector<1x16xf32>,
        } else {
        }
        %eq3A_611 = arith.cmpi eq, %shift_right_arithmetic3A_401, %shift_right_arithmetic3A_417 : i32
        %convert_element_type3A_612 = arith.extui %eq3A_611 : i1 to i32
        %cond3A_613 = arith.constant 0 : i32
        %cond3A_614 = arith.cmpi ne, %convert_element_type3A_612, %cond3A_613 : i32
        scf.if %cond3A_614 {
          %and3A_670 = arith.constant -16 : i32
          %and3A_671 = arith.andi %and3A_432, %and3A_670 : i32
          %and3A_672 = arith.constant 15 : i32
          %and3A_673 = arith.andi %and3A_432, %and3A_672 : i32
          %broadcast_in_dim3A_674 = vector.broadcast %and3A_673 : i32 to vector<16xi32>
          %sub3A = arith.subi %iota3A, %broadcast_in_dim3A_674 : vector<16xi32>
          %abs3A = math.absi %sub3A : vector<16xi32>
          %sub3A_675 = arith.subi %broadcast_in_dim3A_390, %abs3A : vector<16xi32>
          %max3A = arith.constant 0 : i32
          %max3A_676 = vector.broadcast %max3A : i32 to vector<16xi32>
          %max3A_677 = arith.maxsi %sub3A_675, %max3A_676 : vector<16xi32>
          %convert_element_type3A_678 = arith.sitofp %max3A_677 : vector<16xi32> to vector<16xf32>
          %swap3A_679 = arith.constant 2 : i32
          %swap3A_680 = arith.index_cast %swap3A_679 : i32 to index
          %swap3A_681 = arith.index_cast %and3A_671 : i32 to index
          %swap3A_682 = tpu.vector_load %arg6[%swap3A_680, %swap3A_681] {strides = array<i32>} : memref<8x128xf32, #tpu.memory_space<vmem>>, vector<1x16xf32>,
          %swap3A_683 = vector.shape_cast %swap3A_682 : vector<1x16xf32> to vector<16xf32>
          %swap3A_684 = vector.shape_cast %convert_element_type3A_678 : vector<16xf32> to vector<1x16xf32>
          tpu.vector_store %arg6[%swap3A_680, %swap3A_681], %swap3A_684 {strides = array<i32>} : memref<8x128xf32, #tpu.memory_space<vmem>>, vector<1x16xf32>,
        } else {
        }
        %eq3A_615 = arith.cmpi eq, %shift_right_arithmetic3A_405, %shift_right_arithmetic3A_417 : i32
        %convert_element_type3A_616 = arith.extui %eq3A_615 : i1 to i32
        %cond3A_617 = arith.constant 0 : i32
        %cond3A_618 = arith.cmpi ne, %convert_element_type3A_616, %cond3A_617 : i32
        scf.if %cond3A_618 {
          %and3A_670 = arith.constant -16 : i32
          %and3A_671 = arith.andi %and3A_436, %and3A_670 : i32
          %and3A_672 = arith.constant 15 : i32
          %and3A_673 = arith.andi %and3A_436, %and3A_672 : i32
          %broadcast_in_dim3A_674 = vector.broadcast %and3A_673 : i32 to vector<16xi32>
          %sub3A = arith.subi %iota3A, %broadcast_in_dim3A_674 : vector<16xi32>
          %abs3A = math.absi %sub3A : vector<16xi32>
          %sub3A_675 = arith.subi %broadcast_in_dim3A_390, %abs3A : vector<16xi32>
          %max3A = arith.constant 0 : i32
          %max3A_676 = vector.broadcast %max3A : i32 to vector<16xi32>
          %max3A_677 = arith.maxsi %sub3A_675, %max3A_676 : vector<16xi32>
          %convert_element_type3A_678 = arith.sitofp %max3A_677 : vector<16xi32> to vector<16xf32>
          %swap3A_679 = arith.constant 3 : i32
          %swap3A_680 = arith.index_cast %swap3A_679 : i32 to index
          %swap3A_681 = arith.index_cast %and3A_671 : i32 to index
          %swap3A_682 = tpu.vector_load %arg6[%swap3A_680, %swap3A_681] {strides = array<i32>} : memref<8x128xf32, #tpu.memory_space<vmem>>, vector<1x16xf32>,
          %swap3A_683 = vector.shape_cast %swap3A_682 : vector<1x16xf32> to vector<16xf32>
          %swap3A_684 = vector.shape_cast %convert_element_type3A_678 : vector<16xf32> to vector<1x16xf32>
          tpu.vector_store %arg6[%swap3A_680, %swap3A_681], %swap3A_684 {strides = array<i32>} : memref<8x128xf32, #tpu.memory_space<vmem>>, vector<1x16xf32>,
        } else {
        }
        %eq3A_619 = arith.cmpi eq, %shift_right_arithmetic3A_409, %shift_right_arithmetic3A_417 : i32
        %convert_element_type3A_620 = arith.extui %eq3A_619 : i1 to i32
        %cond3A_621 = arith.constant 0 : i32
        %cond3A_622 = arith.cmpi ne, %convert_element_type3A_620, %cond3A_621 : i32
        scf.if %cond3A_622 {
          %and3A_670 = arith.constant -16 : i32
          %and3A_671 = arith.andi %and3A_440, %and3A_670 : i32
          %and3A_672 = arith.constant 15 : i32
          %and3A_673 = arith.andi %and3A_440, %and3A_672 : i32
          %broadcast_in_dim3A_674 = vector.broadcast %and3A_673 : i32 to vector<16xi32>
          %sub3A = arith.subi %iota3A, %broadcast_in_dim3A_674 : vector<16xi32>
          %abs3A = math.absi %sub3A : vector<16xi32>
          %sub3A_675 = arith.subi %broadcast_in_dim3A_390, %abs3A : vector<16xi32>
          %max3A = arith.constant 0 : i32
          %max3A_676 = vector.broadcast %max3A : i32 to vector<16xi32>
          %max3A_677 = arith.maxsi %sub3A_675, %max3A_676 : vector<16xi32>
          %convert_element_type3A_678 = arith.sitofp %max3A_677 : vector<16xi32> to vector<16xf32>
          %swap3A_679 = arith.constant 4 : i32
          %swap3A_680 = arith.index_cast %swap3A_679 : i32 to index
          %swap3A_681 = arith.index_cast %and3A_671 : i32 to index
          %swap3A_682 = tpu.vector_load %arg6[%swap3A_680, %swap3A_681] {strides = array<i32>} : memref<8x128xf32, #tpu.memory_space<vmem>>, vector<1x16xf32>,
          %swap3A_683 = vector.shape_cast %swap3A_682 : vector<1x16xf32> to vector<16xf32>
          %swap3A_684 = vector.shape_cast %convert_element_type3A_678 : vector<16xf32> to vector<1x16xf32>
          tpu.vector_store %arg6[%swap3A_680, %swap3A_681], %swap3A_684 {strides = array<i32>} : memref<8x128xf32, #tpu.memory_space<vmem>>, vector<1x16xf32>,
        } else {
        }
        %eq3A_623 = arith.cmpi eq, %shift_right_arithmetic3A_413, %shift_right_arithmetic3A_417 : i32
        %convert_element_type3A_624 = arith.extui %eq3A_623 : i1 to i32
        %cond3A_625 = arith.constant 0 : i32
        %cond3A_626 = arith.cmpi ne, %convert_element_type3A_624, %cond3A_625 : i32
        scf.if %cond3A_626 {
          %and3A_670 = arith.constant -16 : i32
          %and3A_671 = arith.andi %and3A_444, %and3A_670 : i32
          %and3A_672 = arith.constant 15 : i32
          %and3A_673 = arith.andi %and3A_444, %and3A_672 : i32
          %broadcast_in_dim3A_674 = vector.broadcast %and3A_673 : i32 to vector<16xi32>
          %sub3A = arith.subi %iota3A, %broadcast_in_dim3A_674 : vector<16xi32>
          %abs3A = math.absi %sub3A : vector<16xi32>
          %sub3A_675 = arith.subi %broadcast_in_dim3A_390, %abs3A : vector<16xi32>
          %max3A = arith.constant 0 : i32
          %max3A_676 = vector.broadcast %max3A : i32 to vector<16xi32>
          %max3A_677 = arith.maxsi %sub3A_675, %max3A_676 : vector<16xi32>
          %convert_element_type3A_678 = arith.sitofp %max3A_677 : vector<16xi32> to vector<16xf32>
          %swap3A_679 = arith.constant 5 : i32
          %swap3A_680 = arith.index_cast %swap3A_679 : i32 to index
          %swap3A_681 = arith.index_cast %and3A_671 : i32 to index
          %swap3A_682 = tpu.vector_load %arg6[%swap3A_680, %swap3A_681] {strides = array<i32>} : memref<8x128xf32, #tpu.memory_space<vmem>>, vector<1x16xf32>,
          %swap3A_683 = vector.shape_cast %swap3A_682 : vector<1x16xf32> to vector<16xf32>
          %swap3A_684 = vector.shape_cast %convert_element_type3A_678 : vector<16xf32> to vector<1x16xf32>
          tpu.vector_store %arg6[%swap3A_680, %swap3A_681], %swap3A_684 {strides = array<i32>} : memref<8x128xf32, #tpu.memory_space<vmem>>, vector<1x16xf32>,
        } else {
        }
        %eq3A_627 = arith.cmpi eq, %shift_right_arithmetic3A_417, %shift_right_arithmetic3A_417 : i32
        %convert_element_type3A_628 = arith.extui %eq3A_627 : i1 to i32
        %cond3A_629 = arith.constant 0 : i32
        %cond3A_630 = arith.cmpi ne, %convert_element_type3A_628, %cond3A_629 : i32
        scf.if %cond3A_630 {
          %and3A_670 = arith.constant -16 : i32
          %and3A_671 = arith.andi %and3A_448, %and3A_670 : i32
          %and3A_672 = arith.constant 15 : i32
          %and3A_673 = arith.andi %and3A_448, %and3A_672 : i32
          %broadcast_in_dim3A_674 = vector.broadcast %and3A_673 : i32 to vector<16xi32>
          %sub3A = arith.subi %iota3A, %broadcast_in_dim3A_674 : vector<16xi32>
          %abs3A = math.absi %sub3A : vector<16xi32>
          %sub3A_675 = arith.subi %broadcast_in_dim3A_390, %abs3A : vector<16xi32>
          %max3A = arith.constant 0 : i32
          %max3A_676 = vector.broadcast %max3A : i32 to vector<16xi32>
          %max3A_677 = arith.maxsi %sub3A_675, %max3A_676 : vector<16xi32>
          %convert_element_type3A_678 = arith.sitofp %max3A_677 : vector<16xi32> to vector<16xf32>
          %swap3A_679 = arith.constant 6 : i32
          %swap3A_680 = arith.index_cast %swap3A_679 : i32 to index
          %swap3A_681 = arith.index_cast %and3A_671 : i32 to index
          %swap3A_682 = tpu.vector_load %arg6[%swap3A_680, %swap3A_681] {strides = array<i32>} : memref<8x128xf32, #tpu.memory_space<vmem>>, vector<1x16xf32>,
          %swap3A_683 = vector.shape_cast %swap3A_682 : vector<1x16xf32> to vector<16xf32>
          %swap3A_684 = vector.shape_cast %convert_element_type3A_678 : vector<16xf32> to vector<1x16xf32>
          tpu.vector_store %arg6[%swap3A_680, %swap3A_681], %swap3A_684 {strides = array<i32>} : memref<8x128xf32, #tpu.memory_space<vmem>>, vector<1x16xf32>,
        } else {
        }
        %eq3A_631 = arith.cmpi eq, %shift_right_arithmetic3A_421, %shift_right_arithmetic3A_417 : i32
        %convert_element_type3A_632 = arith.extui %eq3A_631 : i1 to i32
        %cond3A_633 = arith.constant 0 : i32
        %cond3A_634 = arith.cmpi ne, %convert_element_type3A_632, %cond3A_633 : i32
        scf.if %cond3A_634 {
          %and3A_670 = arith.constant -16 : i32
          %and3A_671 = arith.andi %and3A_452, %and3A_670 : i32
          %and3A_672 = arith.constant 15 : i32
          %and3A_673 = arith.andi %and3A_452, %and3A_672 : i32
          %broadcast_in_dim3A_674 = vector.broadcast %and3A_673 : i32 to vector<16xi32>
          %sub3A = arith.subi %iota3A, %broadcast_in_dim3A_674 : vector<16xi32>
          %abs3A = math.absi %sub3A : vector<16xi32>
          %sub3A_675 = arith.subi %broadcast_in_dim3A_390, %abs3A : vector<16xi32>
          %max3A = arith.constant 0 : i32
          %max3A_676 = vector.broadcast %max3A : i32 to vector<16xi32>
          %max3A_677 = arith.maxsi %sub3A_675, %max3A_676 : vector<16xi32>
          %convert_element_type3A_678 = arith.sitofp %max3A_677 : vector<16xi32> to vector<16xf32>
          %swap3A_679 = arith.constant 7 : i32
          %swap3A_680 = arith.index_cast %swap3A_679 : i32 to index
          %swap3A_681 = arith.index_cast %and3A_671 : i32 to index
          %swap3A_682 = tpu.vector_load %arg6[%swap3A_680, %swap3A_681] {strides = array<i32>} : memref<8x128xf32, #tpu.memory_space<vmem>>, vector<1x16xf32>,
          %swap3A_683 = vector.shape_cast %swap3A_682 : vector<1x16xf32> to vector<16xf32>
          %swap3A_684 = vector.shape_cast %convert_element_type3A_678 : vector<16xf32> to vector<1x16xf32>
          tpu.vector_store %arg6[%swap3A_680, %swap3A_681], %swap3A_684 {strides = array<i32>} : memref<8x128xf32, #tpu.memory_space<vmem>>, vector<1x16xf32>,
        } else {
        }
        %mul3A_635 = arith.constant 128 : i32
        %mul3A_636 = arith.muli %shift_right_arithmetic3A_417, %mul3A_635 : i32
        %multiple_of3A_637 = tpu.assume_multiple %mul3A_636, 128 : i32
        "tpu.region"() ({
          %run_scoped3A = tpu.sem_alloc : memref<!tpu.dma_semaphore, #tpu.memory_space<semaphore_mem>>
          %dma_start3A = tpu.memref_slice %arg3[%multiple_of3A, %multiple_of3A_637] : memref<128x32768xf32, #tpu.memory_space<hbm>> -> memref<8x128xf32, #tpu.memory_space<hbm>>
          %dma_start3A_670 = tpu.memref_slice %arg3[%multiple_of3A, %multiple_of3A_637] : memref<128x32768xf32, #tpu.memory_space<hbm>> -> memref<8x128xf32, #tpu.memory_space<hbm>>
          tpu.enqueue_dma source(%arg6 : memref<8x128xf32, #tpu.memory_space<vmem>>) target(%dma_start3A_670 : memref<8x128xf32, #tpu.memory_space<hbm>>) target_semaphore(%run_scoped3A : memref<!tpu.dma_semaphore, #tpu.memory_space<semaphore_mem>>)
          %dma_wait3A = tpu.memref_slice %arg3[%multiple_of3A, %multiple_of3A_637] : memref<128x32768xf32, #tpu.memory_space<hbm>> -> memref<8x128xf32, #tpu.memory_space<hbm>>
          %dma_wait3A_671 = tpu.memref_slice %arg3[%multiple_of3A, %multiple_of3A_637] : memref<128x32768xf32, #tpu.memory_space<hbm>> -> memref<8x128xf32, #tpu.memory_space<hbm>>
          tpu.wait_dma2 semaphore(%run_scoped3A : memref<!tpu.dma_semaphore, #tpu.memory_space<semaphore_mem>>) src(%arg6 : memref<8x128xf32, #tpu.memory_space<vmem>>) dst(%dma_wait3A_671 : memref<8x128xf32, #tpu.memory_space<hbm>>)
          tpu.yield
        }) : () -> ()
        %eq3A_638 = arith.cmpi eq, %shift_right_arithmetic3A_393, %shift_right_arithmetic3A_417 : i32
        %convert_element_type3A_639 = arith.extui %eq3A_638 : i1 to i32
        %cond3A_640 = arith.constant 0 : i32
        %cond3A_641 = arith.cmpi ne, %convert_element_type3A_639, %cond3A_640 : i32
        scf.if %cond3A_641 {
          %and3A_670 = arith.constant -16 : i32
          %and3A_671 = arith.andi %and3A_424, %and3A_670 : i32
          %swap3A_672 = arith.constant 0 : i32
          %swap3A_673 = arith.index_cast %swap3A_672 : i32 to index
          %swap3A_674 = arith.index_cast %and3A_671 : i32 to index
          %swap3A_675 = tpu.vector_load %arg6[%swap3A_673, %swap3A_674] {strides = array<i32>} : memref<8x128xf32, #tpu.memory_space<vmem>>, vector<1x16xf32>,
          %swap3A_676 = vector.shape_cast %swap3A_675 : vector<1x16xf32> to vector<16xf32>
          %swap3A_677 = vector.shape_cast %broadcast_in_dim3A_1 : vector<16xf32> to vector<1x16xf32>
          tpu.vector_store %arg6[%swap3A_673, %swap3A_674], %swap3A_677 {strides = array<i32>} : memref<8x128xf32, #tpu.memory_space<vmem>>, vector<1x16xf32>,
        } else {
        }
        %eq3A_642 = arith.cmpi eq, %shift_right_arithmetic3A_397, %shift_right_arithmetic3A_417 : i32
        %convert_element_type3A_643 = arith.extui %eq3A_642 : i1 to i32
        %cond3A_644 = arith.constant 0 : i32
        %cond3A_645 = arith.cmpi ne, %convert_element_type3A_643, %cond3A_644 : i32
        scf.if %cond3A_645 {
          %and3A_670 = arith.constant -16 : i32
          %and3A_671 = arith.andi %and3A_428, %and3A_670 : i32
          %swap3A_672 = arith.constant 1 : i32
          %swap3A_673 = arith.index_cast %swap3A_672 : i32 to index
          %swap3A_674 = arith.index_cast %and3A_671 : i32 to index
          %swap3A_675 = tpu.vector_load %arg6[%swap3A_673, %swap3A_674] {strides = array<i32>} : memref<8x128xf32, #tpu.memory_space<vmem>>, vector<1x16xf32>,
          %swap3A_676 = vector.shape_cast %swap3A_675 : vector<1x16xf32> to vector<16xf32>
          %swap3A_677 = vector.shape_cast %broadcast_in_dim3A_1 : vector<16xf32> to vector<1x16xf32>
          tpu.vector_store %arg6[%swap3A_673, %swap3A_674], %swap3A_677 {strides = array<i32>} : memref<8x128xf32, #tpu.memory_space<vmem>>, vector<1x16xf32>,
        } else {
        }
        %eq3A_646 = arith.cmpi eq, %shift_right_arithmetic3A_401, %shift_right_arithmetic3A_417 : i32
        %convert_element_type3A_647 = arith.extui %eq3A_646 : i1 to i32
        %cond3A_648 = arith.constant 0 : i32
        %cond3A_649 = arith.cmpi ne, %convert_element_type3A_647, %cond3A_648 : i32
        scf.if %cond3A_649 {
          %and3A_670 = arith.constant -16 : i32
          %and3A_671 = arith.andi %and3A_432, %and3A_670 : i32
          %swap3A_672 = arith.constant 2 : i32
          %swap3A_673 = arith.index_cast %swap3A_672 : i32 to index
          %swap3A_674 = arith.index_cast %and3A_671 : i32 to index
          %swap3A_675 = tpu.vector_load %arg6[%swap3A_673, %swap3A_674] {strides = array<i32>} : memref<8x128xf32, #tpu.memory_space<vmem>>, vector<1x16xf32>,
          %swap3A_676 = vector.shape_cast %swap3A_675 : vector<1x16xf32> to vector<16xf32>
          %swap3A_677 = vector.shape_cast %broadcast_in_dim3A_1 : vector<16xf32> to vector<1x16xf32>
          tpu.vector_store %arg6[%swap3A_673, %swap3A_674], %swap3A_677 {strides = array<i32>} : memref<8x128xf32, #tpu.memory_space<vmem>>, vector<1x16xf32>,
        } else {
        }
        %eq3A_650 = arith.cmpi eq, %shift_right_arithmetic3A_405, %shift_right_arithmetic3A_417 : i32
        %convert_element_type3A_651 = arith.extui %eq3A_650 : i1 to i32
        %cond3A_652 = arith.constant 0 : i32
        %cond3A_653 = arith.cmpi ne, %convert_element_type3A_651, %cond3A_652 : i32
        scf.if %cond3A_653 {
          %and3A_670 = arith.constant -16 : i32
          %and3A_671 = arith.andi %and3A_436, %and3A_670 : i32
          %swap3A_672 = arith.constant 3 : i32
          %swap3A_673 = arith.index_cast %swap3A_672 : i32 to index
          %swap3A_674 = arith.index_cast %and3A_671 : i32 to index
          %swap3A_675 = tpu.vector_load %arg6[%swap3A_673, %swap3A_674] {strides = array<i32>} : memref<8x128xf32, #tpu.memory_space<vmem>>, vector<1x16xf32>,
          %swap3A_676 = vector.shape_cast %swap3A_675 : vector<1x16xf32> to vector<16xf32>
          %swap3A_677 = vector.shape_cast %broadcast_in_dim3A_1 : vector<16xf32> to vector<1x16xf32>
          tpu.vector_store %arg6[%swap3A_673, %swap3A_674], %swap3A_677 {strides = array<i32>} : memref<8x128xf32, #tpu.memory_space<vmem>>, vector<1x16xf32>,
        } else {
        }
        %eq3A_654 = arith.cmpi eq, %shift_right_arithmetic3A_409, %shift_right_arithmetic3A_417 : i32
        %convert_element_type3A_655 = arith.extui %eq3A_654 : i1 to i32
        %cond3A_656 = arith.constant 0 : i32
        %cond3A_657 = arith.cmpi ne, %convert_element_type3A_655, %cond3A_656 : i32
        scf.if %cond3A_657 {
          %and3A_670 = arith.constant -16 : i32
          %and3A_671 = arith.andi %and3A_440, %and3A_670 : i32
          %swap3A_672 = arith.constant 4 : i32
          %swap3A_673 = arith.index_cast %swap3A_672 : i32 to index
          %swap3A_674 = arith.index_cast %and3A_671 : i32 to index
          %swap3A_675 = tpu.vector_load %arg6[%swap3A_673, %swap3A_674] {strides = array<i32>} : memref<8x128xf32, #tpu.memory_space<vmem>>, vector<1x16xf32>,
          %swap3A_676 = vector.shape_cast %swap3A_675 : vector<1x16xf32> to vector<16xf32>
          %swap3A_677 = vector.shape_cast %broadcast_in_dim3A_1 : vector<16xf32> to vector<1x16xf32>
          tpu.vector_store %arg6[%swap3A_673, %swap3A_674], %swap3A_677 {strides = array<i32>} : memref<8x128xf32, #tpu.memory_space<vmem>>, vector<1x16xf32>,
        } else {
        }
        %eq3A_658 = arith.cmpi eq, %shift_right_arithmetic3A_413, %shift_right_arithmetic3A_417 : i32
        %convert_element_type3A_659 = arith.extui %eq3A_658 : i1 to i32
        %cond3A_660 = arith.constant 0 : i32
        %cond3A_661 = arith.cmpi ne, %convert_element_type3A_659, %cond3A_660 : i32
        scf.if %cond3A_661 {
          %and3A_670 = arith.constant -16 : i32
          %and3A_671 = arith.andi %and3A_444, %and3A_670 : i32
          %swap3A_672 = arith.constant 5 : i32
          %swap3A_673 = arith.index_cast %swap3A_672 : i32 to index
          %swap3A_674 = arith.index_cast %and3A_671 : i32 to index
          %swap3A_675 = tpu.vector_load %arg6[%swap3A_673, %swap3A_674] {strides = array<i32>} : memref<8x128xf32, #tpu.memory_space<vmem>>, vector<1x16xf32>,
          %swap3A_676 = vector.shape_cast %swap3A_675 : vector<1x16xf32> to vector<16xf32>
          %swap3A_677 = vector.shape_cast %broadcast_in_dim3A_1 : vector<16xf32> to vector<1x16xf32>
          tpu.vector_store %arg6[%swap3A_673, %swap3A_674], %swap3A_677 {strides = array<i32>} : memref<8x128xf32, #tpu.memory_space<vmem>>, vector<1x16xf32>,
        } else {
        }
        %eq3A_662 = arith.cmpi eq, %shift_right_arithmetic3A_417, %shift_right_arithmetic3A_417 : i32
        %convert_element_type3A_663 = arith.extui %eq3A_662 : i1 to i32
        %cond3A_664 = arith.constant 0 : i32
        %cond3A_665 = arith.cmpi ne, %convert_element_type3A_663, %cond3A_664 : i32
        scf.if %cond3A_665 {
          %and3A_670 = arith.constant -16 : i32
          %and3A_671 = arith.andi %and3A_448, %and3A_670 : i32
          %swap3A_672 = arith.constant 6 : i32
          %swap3A_673 = arith.index_cast %swap3A_672 : i32 to index
          %swap3A_674 = arith.index_cast %and3A_671 : i32 to index
          %swap3A_675 = tpu.vector_load %arg6[%swap3A_673, %swap3A_674] {strides = array<i32>} : memref<8x128xf32, #tpu.memory_space<vmem>>, vector<1x16xf32>,
          %swap3A_676 = vector.shape_cast %swap3A_675 : vector<1x16xf32> to vector<16xf32>
          %swap3A_677 = vector.shape_cast %broadcast_in_dim3A_1 : vector<16xf32> to vector<1x16xf32>
          tpu.vector_store %arg6[%swap3A_673, %swap3A_674], %swap3A_677 {strides = array<i32>} : memref<8x128xf32, #tpu.memory_space<vmem>>, vector<1x16xf32>,
        } else {
        }
        %eq3A_666 = arith.cmpi eq, %shift_right_arithmetic3A_421, %shift_right_arithmetic3A_417 : i32
        %convert_element_type3A_667 = arith.extui %eq3A_666 : i1 to i32
        %cond3A_668 = arith.constant 0 : i32
        %cond3A_669 = arith.cmpi ne, %convert_element_type3A_667, %cond3A_668 : i32
        scf.if %cond3A_669 {
          %and3A_670 = arith.constant -16 : i32
          %and3A_671 = arith.andi %and3A_452, %and3A_670 : i32
          %swap3A_672 = arith.constant 7 : i32
          %swap3A_673 = arith.index_cast %swap3A_672 : i32 to index
          %swap3A_674 = arith.index_cast %and3A_671 : i32 to index
          %swap3A_675 = tpu.vector_load %arg6[%swap3A_673, %swap3A_674] {strides = array<i32>} : memref<8x128xf32, #tpu.memory_space<vmem>>, vector<1x16xf32>,
          %swap3A_676 = vector.shape_cast %swap3A_675 : vector<1x16xf32> to vector<16xf32>
          %swap3A_677 = vector.shape_cast %broadcast_in_dim3A_1 : vector<16xf32> to vector<1x16xf32>
          tpu.vector_store %arg6[%swap3A_673, %swap3A_674], %swap3A_677 {strides = array<i32>} : memref<8x128xf32, #tpu.memory_space<vmem>>, vector<1x16xf32>,
        } else {
        }
      } else {
      }
      %ne3A_585 = arith.cmpi ne, %shift_right_arithmetic3A_393, %shift_right_arithmetic3A_421 : i32
      %and3A_586 = arith.constant true
      %and3A_587 = arith.andi %and3A_586, %ne3A_585 : i1
      %ne3A_588 = arith.cmpi ne, %shift_right_arithmetic3A_397, %shift_right_arithmetic3A_421 : i32
      %and3A_589 = arith.andi %and3A_587, %ne3A_588 : i1
      %ne3A_590 = arith.cmpi ne, %shift_right_arithmetic3A_401, %shift_right_arithmetic3A_421 : i32
      %and3A_591 = arith.andi %and3A_589, %ne3A_590 : i1
      %ne3A_592 = arith.cmpi ne, %shift_right_arithmetic3A_405, %shift_right_arithmetic3A_421 : i32
      %and3A_593 = arith.andi %and3A_591, %ne3A_592 : i1
      %ne3A_594 = arith.cmpi ne, %shift_right_arithmetic3A_409, %shift_right_arithmetic3A_421 : i32
      %and3A_595 = arith.andi %and3A_593, %ne3A_594 : i1
      %ne3A_596 = arith.cmpi ne, %shift_right_arithmetic3A_413, %shift_right_arithmetic3A_421 : i32
      %and3A_597 = arith.andi %and3A_595, %ne3A_596 : i1
      %ne3A_598 = arith.cmpi ne, %shift_right_arithmetic3A_417, %shift_right_arithmetic3A_421 : i32
      %and3A_599 = arith.andi %and3A_597, %ne3A_598 : i1
      %convert_element_type3A_600 = arith.extui %and3A_599 : i1 to i32
      %cond3A_601 = arith.constant 0 : i32
      %cond3A_602 = arith.cmpi ne, %convert_element_type3A_600, %cond3A_601 : i32
      scf.if %cond3A_602 {
        %eq3A_603 = arith.cmpi eq, %shift_right_arithmetic3A_393, %shift_right_arithmetic3A_421 : i32
        %convert_element_type3A_604 = arith.extui %eq3A_603 : i1 to i32
        %cond3A_605 = arith.constant 0 : i32
        %cond3A_606 = arith.cmpi ne, %convert_element_type3A_604, %cond3A_605 : i32
        scf.if %cond3A_606 {
          %and3A_670 = arith.constant -16 : i32
          %and3A_671 = arith.andi %and3A_424, %and3A_670 : i32
          %and3A_672 = arith.constant 15 : i32
          %and3A_673 = arith.andi %and3A_424, %and3A_672 : i32
          %broadcast_in_dim3A_674 = vector.broadcast %and3A_673 : i32 to vector<16xi32>
          %sub3A = arith.subi %iota3A, %broadcast_in_dim3A_674 : vector<16xi32>
          %abs3A = math.absi %sub3A : vector<16xi32>
          %sub3A_675 = arith.subi %broadcast_in_dim3A_390, %abs3A : vector<16xi32>
          %max3A = arith.constant 0 : i32
          %max3A_676 = vector.broadcast %max3A : i32 to vector<16xi32>
          %max3A_677 = arith.maxsi %sub3A_675, %max3A_676 : vector<16xi32>
          %convert_element_type3A_678 = arith.sitofp %max3A_677 : vector<16xi32> to vector<16xf32>
          %swap3A_679 = arith.constant 0 : i32
          %swap3A_680 = arith.index_cast %swap3A_679 : i32 to index
          %swap3A_681 = arith.index_cast %and3A_671 : i32 to index
          %swap3A_682 = tpu.vector_load %arg6[%swap3A_680, %swap3A_681] {strides = array<i32>} : memref<8x128xf32, #tpu.memory_space<vmem>>, vector<1x16xf32>,
          %swap3A_683 = vector.shape_cast %swap3A_682 : vector<1x16xf32> to vector<16xf32>
          %swap3A_684 = vector.shape_cast %convert_element_type3A_678 : vector<16xf32> to vector<1x16xf32>
          tpu.vector_store %arg6[%swap3A_680, %swap3A_681], %swap3A_684 {strides = array<i32>} : memref<8x128xf32, #tpu.memory_space<vmem>>, vector<1x16xf32>,
        } else {
        }
        %eq3A_607 = arith.cmpi eq, %shift_right_arithmetic3A_397, %shift_right_arithmetic3A_421 : i32
        %convert_element_type3A_608 = arith.extui %eq3A_607 : i1 to i32
        %cond3A_609 = arith.constant 0 : i32
        %cond3A_610 = arith.cmpi ne, %convert_element_type3A_608, %cond3A_609 : i32
        scf.if %cond3A_610 {
          %and3A_670 = arith.constant -16 : i32
          %and3A_671 = arith.andi %and3A_428, %and3A_670 : i32
          %and3A_672 = arith.constant 15 : i32
          %and3A_673 = arith.andi %and3A_428, %and3A_672 : i32
          %broadcast_in_dim3A_674 = vector.broadcast %and3A_673 : i32 to vector<16xi32>
          %sub3A = arith.subi %iota3A, %broadcast_in_dim3A_674 : vector<16xi32>
          %abs3A = math.absi %sub3A : vector<16xi32>
          %sub3A_675 = arith.subi %broadcast_in_dim3A_390, %abs3A : vector<16xi32>
          %max3A = arith.constant 0 : i32
          %max3A_676 = vector.broadcast %max3A : i32 to vector<16xi32>
          %max3A_677 = arith.maxsi %sub3A_675, %max3A_676 : vector<16xi32>
          %convert_element_type3A_678 = arith.sitofp %max3A_677 : vector<16xi32> to vector<16xf32>
          %swap3A_679 = arith.constant 1 : i32
          %swap3A_680 = arith.index_cast %swap3A_679 : i32 to index
          %swap3A_681 = arith.index_cast %and3A_671 : i32 to index
          %swap3A_682 = tpu.vector_load %arg6[%swap3A_680, %swap3A_681] {strides = array<i32>} : memref<8x128xf32, #tpu.memory_space<vmem>>, vector<1x16xf32>,
          %swap3A_683 = vector.shape_cast %swap3A_682 : vector<1x16xf32> to vector<16xf32>
          %swap3A_684 = vector.shape_cast %convert_element_type3A_678 : vector<16xf32> to vector<1x16xf32>
          tpu.vector_store %arg6[%swap3A_680, %swap3A_681], %swap3A_684 {strides = array<i32>} : memref<8x128xf32, #tpu.memory_space<vmem>>, vector<1x16xf32>,
        } else {
        }
        %eq3A_611 = arith.cmpi eq, %shift_right_arithmetic3A_401, %shift_right_arithmetic3A_421 : i32
        %convert_element_type3A_612 = arith.extui %eq3A_611 : i1 to i32
        %cond3A_613 = arith.constant 0 : i32
        %cond3A_614 = arith.cmpi ne, %convert_element_type3A_612, %cond3A_613 : i32
        scf.if %cond3A_614 {
          %and3A_670 = arith.constant -16 : i32
          %and3A_671 = arith.andi %and3A_432, %and3A_670 : i32
          %and3A_672 = arith.constant 15 : i32
          %and3A_673 = arith.andi %and3A_432, %and3A_672 : i32
          %broadcast_in_dim3A_674 = vector.broadcast %and3A_673 : i32 to vector<16xi32>
          %sub3A = arith.subi %iota3A, %broadcast_in_dim3A_674 : vector<16xi32>
          %abs3A = math.absi %sub3A : vector<16xi32>
          %sub3A_675 = arith.subi %broadcast_in_dim3A_390, %abs3A : vector<16xi32>
          %max3A = arith.constant 0 : i32
          %max3A_676 = vector.broadcast %max3A : i32 to vector<16xi32>
          %max3A_677 = arith.maxsi %sub3A_675, %max3A_676 : vector<16xi32>
          %convert_element_type3A_678 = arith.sitofp %max3A_677 : vector<16xi32> to vector<16xf32>
          %swap3A_679 = arith.constant 2 : i32
          %swap3A_680 = arith.index_cast %swap3A_679 : i32 to index
          %swap3A_681 = arith.index_cast %and3A_671 : i32 to index
          %swap3A_682 = tpu.vector_load %arg6[%swap3A_680, %swap3A_681] {strides = array<i32>} : memref<8x128xf32, #tpu.memory_space<vmem>>, vector<1x16xf32>,
          %swap3A_683 = vector.shape_cast %swap3A_682 : vector<1x16xf32> to vector<16xf32>
          %swap3A_684 = vector.shape_cast %convert_element_type3A_678 : vector<16xf32> to vector<1x16xf32>
          tpu.vector_store %arg6[%swap3A_680, %swap3A_681], %swap3A_684 {strides = array<i32>} : memref<8x128xf32, #tpu.memory_space<vmem>>, vector<1x16xf32>,
        } else {
        }
        %eq3A_615 = arith.cmpi eq, %shift_right_arithmetic3A_405, %shift_right_arithmetic3A_421 : i32
        %convert_element_type3A_616 = arith.extui %eq3A_615 : i1 to i32
        %cond3A_617 = arith.constant 0 : i32
        %cond3A_618 = arith.cmpi ne, %convert_element_type3A_616, %cond3A_617 : i32
        scf.if %cond3A_618 {
          %and3A_670 = arith.constant -16 : i32
          %and3A_671 = arith.andi %and3A_436, %and3A_670 : i32
          %and3A_672 = arith.constant 15 : i32
          %and3A_673 = arith.andi %and3A_436, %and3A_672 : i32
          %broadcast_in_dim3A_674 = vector.broadcast %and3A_673 : i32 to vector<16xi32>
          %sub3A = arith.subi %iota3A, %broadcast_in_dim3A_674 : vector<16xi32>
          %abs3A = math.absi %sub3A : vector<16xi32>
          %sub3A_675 = arith.subi %broadcast_in_dim3A_390, %abs3A : vector<16xi32>
          %max3A = arith.constant 0 : i32
          %max3A_676 = vector.broadcast %max3A : i32 to vector<16xi32>
          %max3A_677 = arith.maxsi %sub3A_675, %max3A_676 : vector<16xi32>
          %convert_element_type3A_678 = arith.sitofp %max3A_677 : vector<16xi32> to vector<16xf32>
          %swap3A_679 = arith.constant 3 : i32
          %swap3A_680 = arith.index_cast %swap3A_679 : i32 to index
          %swap3A_681 = arith.index_cast %and3A_671 : i32 to index
          %swap3A_682 = tpu.vector_load %arg6[%swap3A_680, %swap3A_681] {strides = array<i32>} : memref<8x128xf32, #tpu.memory_space<vmem>>, vector<1x16xf32>,
          %swap3A_683 = vector.shape_cast %swap3A_682 : vector<1x16xf32> to vector<16xf32>
          %swap3A_684 = vector.shape_cast %convert_element_type3A_678 : vector<16xf32> to vector<1x16xf32>
          tpu.vector_store %arg6[%swap3A_680, %swap3A_681], %swap3A_684 {strides = array<i32>} : memref<8x128xf32, #tpu.memory_space<vmem>>, vector<1x16xf32>,
        } else {
        }
        %eq3A_619 = arith.cmpi eq, %shift_right_arithmetic3A_409, %shift_right_arithmetic3A_421 : i32
        %convert_element_type3A_620 = arith.extui %eq3A_619 : i1 to i32
        %cond3A_621 = arith.constant 0 : i32
        %cond3A_622 = arith.cmpi ne, %convert_element_type3A_620, %cond3A_621 : i32
        scf.if %cond3A_622 {
          %and3A_670 = arith.constant -16 : i32
          %and3A_671 = arith.andi %and3A_440, %and3A_670 : i32
          %and3A_672 = arith.constant 15 : i32
          %and3A_673 = arith.andi %and3A_440, %and3A_672 : i32
          %broadcast_in_dim3A_674 = vector.broadcast %and3A_673 : i32 to vector<16xi32>
          %sub3A = arith.subi %iota3A, %broadcast_in_dim3A_674 : vector<16xi32>
          %abs3A = math.absi %sub3A : vector<16xi32>
          %sub3A_675 = arith.subi %broadcast_in_dim3A_390, %abs3A : vector<16xi32>
          %max3A = arith.constant 0 : i32
          %max3A_676 = vector.broadcast %max3A : i32 to vector<16xi32>
          %max3A_677 = arith.maxsi %sub3A_675, %max3A_676 : vector<16xi32>
          %convert_element_type3A_678 = arith.sitofp %max3A_677 : vector<16xi32> to vector<16xf32>
          %swap3A_679 = arith.constant 4 : i32
          %swap3A_680 = arith.index_cast %swap3A_679 : i32 to index
          %swap3A_681 = arith.index_cast %and3A_671 : i32 to index
          %swap3A_682 = tpu.vector_load %arg6[%swap3A_680, %swap3A_681] {strides = array<i32>} : memref<8x128xf32, #tpu.memory_space<vmem>>, vector<1x16xf32>,
          %swap3A_683 = vector.shape_cast %swap3A_682 : vector<1x16xf32> to vector<16xf32>
          %swap3A_684 = vector.shape_cast %convert_element_type3A_678 : vector<16xf32> to vector<1x16xf32>
          tpu.vector_store %arg6[%swap3A_680, %swap3A_681], %swap3A_684 {strides = array<i32>} : memref<8x128xf32, #tpu.memory_space<vmem>>, vector<1x16xf32>,
        } else {
        }
        %eq3A_623 = arith.cmpi eq, %shift_right_arithmetic3A_413, %shift_right_arithmetic3A_421 : i32
        %convert_element_type3A_624 = arith.extui %eq3A_623 : i1 to i32
        %cond3A_625 = arith.constant 0 : i32
        %cond3A_626 = arith.cmpi ne, %convert_element_type3A_624, %cond3A_625 : i32
        scf.if %cond3A_626 {
          %and3A_670 = arith.constant -16 : i32
          %and3A_671 = arith.andi %and3A_444, %and3A_670 : i32
          %and3A_672 = arith.constant 15 : i32
          %and3A_673 = arith.andi %and3A_444, %and3A_672 : i32
          %broadcast_in_dim3A_674 = vector.broadcast %and3A_673 : i32 to vector<16xi32>
          %sub3A = arith.subi %iota3A, %broadcast_in_dim3A_674 : vector<16xi32>
          %abs3A = math.absi %sub3A : vector<16xi32>
          %sub3A_675 = arith.subi %broadcast_in_dim3A_390, %abs3A : vector<16xi32>
          %max3A = arith.constant 0 : i32
          %max3A_676 = vector.broadcast %max3A : i32 to vector<16xi32>
          %max3A_677 = arith.maxsi %sub3A_675, %max3A_676 : vector<16xi32>
          %convert_element_type3A_678 = arith.sitofp %max3A_677 : vector<16xi32> to vector<16xf32>
          %swap3A_679 = arith.constant 5 : i32
          %swap3A_680 = arith.index_cast %swap3A_679 : i32 to index
          %swap3A_681 = arith.index_cast %and3A_671 : i32 to index
          %swap3A_682 = tpu.vector_load %arg6[%swap3A_680, %swap3A_681] {strides = array<i32>} : memref<8x128xf32, #tpu.memory_space<vmem>>, vector<1x16xf32>,
          %swap3A_683 = vector.shape_cast %swap3A_682 : vector<1x16xf32> to vector<16xf32>
          %swap3A_684 = vector.shape_cast %convert_element_type3A_678 : vector<16xf32> to vector<1x16xf32>
          tpu.vector_store %arg6[%swap3A_680, %swap3A_681], %swap3A_684 {strides = array<i32>} : memref<8x128xf32, #tpu.memory_space<vmem>>, vector<1x16xf32>,
        } else {
        }
        %eq3A_627 = arith.cmpi eq, %shift_right_arithmetic3A_417, %shift_right_arithmetic3A_421 : i32
        %convert_element_type3A_628 = arith.extui %eq3A_627 : i1 to i32
        %cond3A_629 = arith.constant 0 : i32
        %cond3A_630 = arith.cmpi ne, %convert_element_type3A_628, %cond3A_629 : i32
        scf.if %cond3A_630 {
          %and3A_670 = arith.constant -16 : i32
          %and3A_671 = arith.andi %and3A_448, %and3A_670 : i32
          %and3A_672 = arith.constant 15 : i32
          %and3A_673 = arith.andi %and3A_448, %and3A_672 : i32
          %broadcast_in_dim3A_674 = vector.broadcast %and3A_673 : i32 to vector<16xi32>
          %sub3A = arith.subi %iota3A, %broadcast_in_dim3A_674 : vector<16xi32>
          %abs3A = math.absi %sub3A : vector<16xi32>
          %sub3A_675 = arith.subi %broadcast_in_dim3A_390, %abs3A : vector<16xi32>
          %max3A = arith.constant 0 : i32
          %max3A_676 = vector.broadcast %max3A : i32 to vector<16xi32>
          %max3A_677 = arith.maxsi %sub3A_675, %max3A_676 : vector<16xi32>
          %convert_element_type3A_678 = arith.sitofp %max3A_677 : vector<16xi32> to vector<16xf32>
          %swap3A_679 = arith.constant 6 : i32
          %swap3A_680 = arith.index_cast %swap3A_679 : i32 to index
          %swap3A_681 = arith.index_cast %and3A_671 : i32 to index
          %swap3A_682 = tpu.vector_load %arg6[%swap3A_680, %swap3A_681] {strides = array<i32>} : memref<8x128xf32, #tpu.memory_space<vmem>>, vector<1x16xf32>,
          %swap3A_683 = vector.shape_cast %swap3A_682 : vector<1x16xf32> to vector<16xf32>
          %swap3A_684 = vector.shape_cast %convert_element_type3A_678 : vector<16xf32> to vector<1x16xf32>
          tpu.vector_store %arg6[%swap3A_680, %swap3A_681], %swap3A_684 {strides = array<i32>} : memref<8x128xf32, #tpu.memory_space<vmem>>, vector<1x16xf32>,
        } else {
        }
        %eq3A_631 = arith.cmpi eq, %shift_right_arithmetic3A_421, %shift_right_arithmetic3A_421 : i32
        %convert_element_type3A_632 = arith.extui %eq3A_631 : i1 to i32
        %cond3A_633 = arith.constant 0 : i32
        %cond3A_634 = arith.cmpi ne, %convert_element_type3A_632, %cond3A_633 : i32
        scf.if %cond3A_634 {
          %and3A_670 = arith.constant -16 : i32
          %and3A_671 = arith.andi %and3A_452, %and3A_670 : i32
          %and3A_672 = arith.constant 15 : i32
          %and3A_673 = arith.andi %and3A_452, %and3A_672 : i32
          %broadcast_in_dim3A_674 = vector.broadcast %and3A_673 : i32 to vector<16xi32>
          %sub3A = arith.subi %iota3A, %broadcast_in_dim3A_674 : vector<16xi32>
          %abs3A = math.absi %sub3A : vector<16xi32>
          %sub3A_675 = arith.subi %broadcast_in_dim3A_390, %abs3A : vector<16xi32>
          %max3A = arith.constant 0 : i32
          %max3A_676 = vector.broadcast %max3A : i32 to vector<16xi32>
          %max3A_677 = arith.maxsi %sub3A_675, %max3A_676 : vector<16xi32>
          %convert_element_type3A_678 = arith.sitofp %max3A_677 : vector<16xi32> to vector<16xf32>
          %swap3A_679 = arith.constant 7 : i32
          %swap3A_680 = arith.index_cast %swap3A_679 : i32 to index
          %swap3A_681 = arith.index_cast %and3A_671 : i32 to index
          %swap3A_682 = tpu.vector_load %arg6[%swap3A_680, %swap3A_681] {strides = array<i32>} : memref<8x128xf32, #tpu.memory_space<vmem>>, vector<1x16xf32>,
          %swap3A_683 = vector.shape_cast %swap3A_682 : vector<1x16xf32> to vector<16xf32>
          %swap3A_684 = vector.shape_cast %convert_element_type3A_678 : vector<16xf32> to vector<1x16xf32>
          tpu.vector_store %arg6[%swap3A_680, %swap3A_681], %swap3A_684 {strides = array<i32>} : memref<8x128xf32, #tpu.memory_space<vmem>>, vector<1x16xf32>,
        } else {
        }
        %mul3A_635 = arith.constant 128 : i32
        %mul3A_636 = arith.muli %shift_right_arithmetic3A_421, %mul3A_635 : i32
        %multiple_of3A_637 = tpu.assume_multiple %mul3A_636, 128 : i32
        "tpu.region"() ({
          %run_scoped3A = tpu.sem_alloc : memref<!tpu.dma_semaphore, #tpu.memory_space<semaphore_mem>>
          %dma_start3A = tpu.memref_slice %arg3[%multiple_of3A, %multiple_of3A_637] : memref<128x32768xf32, #tpu.memory_space<hbm>> -> memref<8x128xf32, #tpu.memory_space<hbm>>
          %dma_start3A_670 = tpu.memref_slice %arg3[%multiple_of3A, %multiple_of3A_637] : memref<128x32768xf32, #tpu.memory_space<hbm>> -> memref<8x128xf32, #tpu.memory_space<hbm>>
          tpu.enqueue_dma source(%arg6 : memref<8x128xf32, #tpu.memory_space<vmem>>) target(%dma_start3A_670 : memref<8x128xf32, #tpu.memory_space<hbm>>) target_semaphore(%run_scoped3A : memref<!tpu.dma_semaphore, #tpu.memory_space<semaphore_mem>>)
          %dma_wait3A = tpu.memref_slice %arg3[%multiple_of3A, %multiple_of3A_637] : memref<128x32768xf32, #tpu.memory_space<hbm>> -> memref<8x128xf32, #tpu.memory_space<hbm>>
          %dma_wait3A_671 = tpu.memref_slice %arg3[%multiple_of3A, %multiple_of3A_637] : memref<128x32768xf32, #tpu.memory_space<hbm>> -> memref<8x128xf32, #tpu.memory_space<hbm>>
          tpu.wait_dma2 semaphore(%run_scoped3A : memref<!tpu.dma_semaphore, #tpu.memory_space<semaphore_mem>>) src(%arg6 : memref<8x128xf32, #tpu.memory_space<vmem>>) dst(%dma_wait3A_671 : memref<8x128xf32, #tpu.memory_space<hbm>>)
          tpu.yield
        }) : () -> ()
        %eq3A_638 = arith.cmpi eq, %shift_right_arithmetic3A_393, %shift_right_arithmetic3A_421 : i32
        %convert_element_type3A_639 = arith.extui %eq3A_638 : i1 to i32
        %cond3A_640 = arith.constant 0 : i32
        %cond3A_641 = arith.cmpi ne, %convert_element_type3A_639, %cond3A_640 : i32
        scf.if %cond3A_641 {
          %and3A_670 = arith.constant -16 : i32
          %and3A_671 = arith.andi %and3A_424, %and3A_670 : i32
          %swap3A_672 = arith.constant 0 : i32
          %swap3A_673 = arith.index_cast %swap3A_672 : i32 to index
          %swap3A_674 = arith.index_cast %and3A_671 : i32 to index
          %swap3A_675 = tpu.vector_load %arg6[%swap3A_673, %swap3A_674] {strides = array<i32>} : memref<8x128xf32, #tpu.memory_space<vmem>>, vector<1x16xf32>,
          %swap3A_676 = vector.shape_cast %swap3A_675 : vector<1x16xf32> to vector<16xf32>
          %swap3A_677 = vector.shape_cast %broadcast_in_dim3A_1 : vector<16xf32> to vector<1x16xf32>
          tpu.vector_store %arg6[%swap3A_673, %swap3A_674], %swap3A_677 {strides = array<i32>} : memref<8x128xf32, #tpu.memory_space<vmem>>, vector<1x16xf32>,
        } else {
        }
        %eq3A_642 = arith.cmpi eq, %shift_right_arithmetic3A_397, %shift_right_arithmetic3A_421 : i32
        %convert_element_type3A_643 = arith.extui %eq3A_642 : i1 to i32
        %cond3A_644 = arith.constant 0 : i32
        %cond3A_645 = arith.cmpi ne, %convert_element_type3A_643, %cond3A_644 : i32
        scf.if %cond3A_645 {
          %and3A_670 = arith.constant -16 : i32
          %and3A_671 = arith.andi %and3A_428, %and3A_670 : i32
          %swap3A_672 = arith.constant 1 : i32
          %swap3A_673 = arith.index_cast %swap3A_672 : i32 to index
          %swap3A_674 = arith.index_cast %and3A_671 : i32 to index
          %swap3A_675 = tpu.vector_load %arg6[%swap3A_673, %swap3A_674] {strides = array<i32>} : memref<8x128xf32, #tpu.memory_space<vmem>>, vector<1x16xf32>,
          %swap3A_676 = vector.shape_cast %swap3A_675 : vector<1x16xf32> to vector<16xf32>
          %swap3A_677 = vector.shape_cast %broadcast_in_dim3A_1 : vector<16xf32> to vector<1x16xf32>
          tpu.vector_store %arg6[%swap3A_673, %swap3A_674], %swap3A_677 {strides = array<i32>} : memref<8x128xf32, #tpu.memory_space<vmem>>, vector<1x16xf32>,
        } else {
        }
        %eq3A_646 = arith.cmpi eq, %shift_right_arithmetic3A_401, %shift_right_arithmetic3A_421 : i32
        %convert_element_type3A_647 = arith.extui %eq3A_646 : i1 to i32
        %cond3A_648 = arith.constant 0 : i32
        %cond3A_649 = arith.cmpi ne, %convert_element_type3A_647, %cond3A_648 : i32
        scf.if %cond3A_649 {
          %and3A_670 = arith.constant -16 : i32
          %and3A_671 = arith.andi %and3A_432, %and3A_670 : i32
          %swap3A_672 = arith.constant 2 : i32
          %swap3A_673 = arith.index_cast %swap3A_672 : i32 to index
          %swap3A_674 = arith.index_cast %and3A_671 : i32 to index
          %swap3A_675 = tpu.vector_load %arg6[%swap3A_673, %swap3A_674] {strides = array<i32>} : memref<8x128xf32, #tpu.memory_space<vmem>>, vector<1x16xf32>,
          %swap3A_676 = vector.shape_cast %swap3A_675 : vector<1x16xf32> to vector<16xf32>
          %swap3A_677 = vector.shape_cast %broadcast_in_dim3A_1 : vector<16xf32> to vector<1x16xf32>
          tpu.vector_store %arg6[%swap3A_673, %swap3A_674], %swap3A_677 {strides = array<i32>} : memref<8x128xf32, #tpu.memory_space<vmem>>, vector<1x16xf32>,
        } else {
        }
        %eq3A_650 = arith.cmpi eq, %shift_right_arithmetic3A_405, %shift_right_arithmetic3A_421 : i32
        %convert_element_type3A_651 = arith.extui %eq3A_650 : i1 to i32
        %cond3A_652 = arith.constant 0 : i32
        %cond3A_653 = arith.cmpi ne, %convert_element_type3A_651, %cond3A_652 : i32
        scf.if %cond3A_653 {
          %and3A_670 = arith.constant -16 : i32
          %and3A_671 = arith.andi %and3A_436, %and3A_670 : i32
          %swap3A_672 = arith.constant 3 : i32
          %swap3A_673 = arith.index_cast %swap3A_672 : i32 to index
          %swap3A_674 = arith.index_cast %and3A_671 : i32 to index
          %swap3A_675 = tpu.vector_load %arg6[%swap3A_673, %swap3A_674] {strides = array<i32>} : memref<8x128xf32, #tpu.memory_space<vmem>>, vector<1x16xf32>,
          %swap3A_676 = vector.shape_cast %swap3A_675 : vector<1x16xf32> to vector<16xf32>
          %swap3A_677 = vector.shape_cast %broadcast_in_dim3A_1 : vector<16xf32> to vector<1x16xf32>
          tpu.vector_store %arg6[%swap3A_673, %swap3A_674], %swap3A_677 {strides = array<i32>} : memref<8x128xf32, #tpu.memory_space<vmem>>, vector<1x16xf32>,
        } else {
        }
        %eq3A_654 = arith.cmpi eq, %shift_right_arithmetic3A_409, %shift_right_arithmetic3A_421 : i32
        %convert_element_type3A_655 = arith.extui %eq3A_654 : i1 to i32
        %cond3A_656 = arith.constant 0 : i32
        %cond3A_657 = arith.cmpi ne, %convert_element_type3A_655, %cond3A_656 : i32
        scf.if %cond3A_657 {
          %and3A_670 = arith.constant -16 : i32
          %and3A_671 = arith.andi %and3A_440, %and3A_670 : i32
          %swap3A_672 = arith.constant 4 : i32
          %swap3A_673 = arith.index_cast %swap3A_672 : i32 to index
          %swap3A_674 = arith.index_cast %and3A_671 : i32 to index
          %swap3A_675 = tpu.vector_load %arg6[%swap3A_673, %swap3A_674] {strides = array<i32>} : memref<8x128xf32, #tpu.memory_space<vmem>>, vector<1x16xf32>,
          %swap3A_676 = vector.shape_cast %swap3A_675 : vector<1x16xf32> to vector<16xf32>
          %swap3A_677 = vector.shape_cast %broadcast_in_dim3A_1 : vector<16xf32> to vector<1x16xf32>
          tpu.vector_store %arg6[%swap3A_673, %swap3A_674], %swap3A_677 {strides = array<i32>} : memref<8x128xf32, #tpu.memory_space<vmem>>, vector<1x16xf32>,
        } else {
        }
        %eq3A_658 = arith.cmpi eq, %shift_right_arithmetic3A_413, %shift_right_arithmetic3A_421 : i32
        %convert_element_type3A_659 = arith.extui %eq3A_658 : i1 to i32
        %cond3A_660 = arith.constant 0 : i32
        %cond3A_661 = arith.cmpi ne, %convert_element_type3A_659, %cond3A_660 : i32
        scf.if %cond3A_661 {
          %and3A_670 = arith.constant -16 : i32
          %and3A_671 = arith.andi %and3A_444, %and3A_670 : i32
          %swap3A_672 = arith.constant 5 : i32
          %swap3A_673 = arith.index_cast %swap3A_672 : i32 to index
          %swap3A_674 = arith.index_cast %and3A_671 : i32 to index
          %swap3A_675 = tpu.vector_load %arg6[%swap3A_673, %swap3A_674] {strides = array<i32>} : memref<8x128xf32, #tpu.memory_space<vmem>>, vector<1x16xf32>,
          %swap3A_676 = vector.shape_cast %swap3A_675 : vector<1x16xf32> to vector<16xf32>
          %swap3A_677 = vector.shape_cast %broadcast_in_dim3A_1 : vector<16xf32> to vector<1x16xf32>
          tpu.vector_store %arg6[%swap3A_673, %swap3A_674], %swap3A_677 {strides = array<i32>} : memref<8x128xf32, #tpu.memory_space<vmem>>, vector<1x16xf32>,
        } else {
        }
        %eq3A_662 = arith.cmpi eq, %shift_right_arithmetic3A_417, %shift_right_arithmetic3A_421 : i32
        %convert_element_type3A_663 = arith.extui %eq3A_662 : i1 to i32
        %cond3A_664 = arith.constant 0 : i32
        %cond3A_665 = arith.cmpi ne, %convert_element_type3A_663, %cond3A_664 : i32
        scf.if %cond3A_665 {
          %and3A_670 = arith.constant -16 : i32
          %and3A_671 = arith.andi %and3A_448, %and3A_670 : i32
          %swap3A_672 = arith.constant 6 : i32
          %swap3A_673 = arith.index_cast %swap3A_672 : i32 to index
          %swap3A_674 = arith.index_cast %and3A_671 : i32 to index
          %swap3A_675 = tpu.vector_load %arg6[%swap3A_673, %swap3A_674] {strides = array<i32>} : memref<8x128xf32, #tpu.memory_space<vmem>>, vector<1x16xf32>,
          %swap3A_676 = vector.shape_cast %swap3A_675 : vector<1x16xf32> to vector<16xf32>
          %swap3A_677 = vector.shape_cast %broadcast_in_dim3A_1 : vector<16xf32> to vector<1x16xf32>
          tpu.vector_store %arg6[%swap3A_673, %swap3A_674], %swap3A_677 {strides = array<i32>} : memref<8x128xf32, #tpu.memory_space<vmem>>, vector<1x16xf32>,
        } else {
        }
        %eq3A_666 = arith.cmpi eq, %shift_right_arithmetic3A_421, %shift_right_arithmetic3A_421 : i32
        %convert_element_type3A_667 = arith.extui %eq3A_666 : i1 to i32
        %cond3A_668 = arith.constant 0 : i32
        %cond3A_669 = arith.cmpi ne, %convert_element_type3A_667, %cond3A_668 : i32
        scf.if %cond3A_669 {
          %and3A_670 = arith.constant -16 : i32
          %and3A_671 = arith.andi %and3A_452, %and3A_670 : i32
          %swap3A_672 = arith.constant 7 : i32
          %swap3A_673 = arith.index_cast %swap3A_672 : i32 to index
          %swap3A_674 = arith.index_cast %and3A_671 : i32 to index
          %swap3A_675 = tpu.vector_load %arg6[%swap3A_673, %swap3A_674] {strides = array<i32>} : memref<8x128xf32, #tpu.memory_space<vmem>>, vector<1x16xf32>,
          %swap3A_676 = vector.shape_cast %swap3A_675 : vector<1x16xf32> to vector<16xf32>
          %swap3A_677 = vector.shape_cast %broadcast_in_dim3A_1 : vector<16xf32> to vector<1x16xf32>
          tpu.vector_store %arg6[%swap3A_673, %swap3A_674], %swap3A_677 {strides = array<i32>} : memref<8x128xf32, #tpu.memory_space<vmem>>, vector<1x16xf32>,
        } else {
        }
      } else {
      }
    } else {
    }
    return
  }
}

module attributes {stable_mosaic.version = 14 : i64} {
  func.func @_argmax_body(%arg0: i32, %arg1: memref<8x32768xf32, #tpu.memory_space<vmem>>, %arg2: memref<8x1xi32, #tpu.memory_space<vmem>>) attributes {dimension_semantics = [#tpu.dimension_semantics<arbitrary>], iteration_bounds = array<i64: 16>, scalar_prefetch = 0 : i64, scratch_operands = 0 : i64, tpu.core_type = #tpu.core_type<tc>, window_params = [{transform_indices = @transform_0, window_bounds = array<i64: 8, 32768>}, {transform_indices = @transform_1, window_bounds = array<i64: 8, 1>}]} {
    %get3A = arith.constant 0 : index
    %get3A_0 = arith.constant 0 : index
    %get3A_1 = vector.load %arg1[%get3A, %get3A_0] : memref<8x32768xf32, #tpu.memory_space<vmem>>, vector<8x32768xf32>
    %reduce_max3A = arith.constant dense<0xFF800000> : vector<8xf32>
    %reduce_max3A_2 = vector.multi_reduction <maximumf>, %get3A_1, %reduce_max3A [1] : vector<8x32768xf32> to vector<8xf32>
    %broadcast_in_dim3A = vector.shape_cast %reduce_max3A_2 : vector<8xf32> to vector<8x1xf32>
    %iota3A = tpu.iota {dimensions = array<i32: 1>} : vector<8x32768xi32>
    %eq3A = vector.broadcast %broadcast_in_dim3A : vector<8x1xf32> to vector<8x32768xf32>
    %eq3A_3 = arith.cmpf oeq, %get3A_1, %eq3A : vector<8x32768xf32>
    %jit3A = arith.constant 1073741824 : i32
    %broadcast_in_dim3A_4 = vector.broadcast %jit3A : i32 to vector<8x32768xi32>
    %select_n3A = arith.select %eq3A_3, %iota3A, %broadcast_in_dim3A_4 : vector<8x32768xi1>, vector<8x32768xi32>
    %reduce_min3A = arith.constant dense<2147483647> : vector<8xi32>
    %reduce_min3A_5 = vector.multi_reduction <minsi>, %select_n3A, %reduce_min3A [1] : vector<8x32768xi32> to vector<8xi32>
    %broadcast_in_dim3A_6 = vector.shape_cast %reduce_min3A_5 : vector<8xi32> to vector<8x1xi32>
    %swap3A = arith.constant 0 : index
    %swap3A_7 = arith.constant 0 : index
    %swap3A_8 = vector.load %arg2[%swap3A, %swap3A_7] : memref<8x1xi32, #tpu.memory_space<vmem>>, vector<8x1xi32>
    tpu.vector_store %arg2[%swap3A, %swap3A_7], %broadcast_in_dim3A_6 {strides = array<i32>} : memref<8x1xi32, #tpu.memory_space<vmem>>, vector<8x1xi32>,
    return
  }
  func.func @transform_0(%arg0: i32) -> (i32, i32) {
    %c0_i32 = arith.constant 0 : i32
    %c0_i32_0 = arith.constant 0 : i32
    return %arg0, %c0_i32 : i32, i32
  }
  func.func @transform_1(%arg0: i32) -> (i32, i32) {
    %c0_i32 = arith.constant 0 : i32
    %c0_i32_0 = arith.constant 0 : i32
    return %arg0, %c0_i32 : i32, i32
  }
}

</mosaic_0001>

<sc_bundles>
// kernel: kernel.5.cloned.1.call-start
scs
__scs_entry_jumppad:
0x0: {  	(pc) =	sbr.rel $0x88, $3  }
0x1: {  	(tag) =	ssettag $0x0;
	lr =	simm.s32 $0x1  }
0x2: {  	[smem:$0x3FA0] =	sst lr;
	_ =	strace $0xD0000000  }
0x3: {  	_ = 	snop  }
0x4: {  	_ = 	snop  }
0x5: {  	_ = 	snop  }
0x6: {  	_ = 	snop  }
0x7: {  	_ = 	snop  }
__scs_overlays_trampoline_lowered:
0x8: {  	[smem:$0x3FAF] =	sst s0  }
0x9: {  	[smem:$0x3FB0] =	sst s1  }
0xa: {  	[smem:$0x3FB1] =	sst s2  }
0xb: {  	[smem:$0x3FB2] =	sst s3  }
0xc: {  	[smem:$0x3FB3] =	sst s4  }
0xd: {  	[smem:$0x3FB4] =	sst s5  }
0xe: {  	[smem:$0x3FB5] =	sst s6  }
0xf: {  	[smem:$0x3FB6] =	sst s7  }
0x10: {  	[smem:$0x3FB7] =	sst s8  }
0x11: {  	[smem:$0x3FB8] =	sst s9;
	s0 =	simm.s32 @!p0 $0x0  }
0x12: {  	s1 =	sld [smem:$0x3F9E];
	s0 =	simm.s32 @p0 $0x1  }
0x13: {  	[smem:$0x3FB9] =	sst s0;
	s0 =	simm.s32 @!p1 $0x0  }
0x14: {  	s2 =	sld [smem:$0x3F9D];
	s0 =	simm.s32 @p1 $0x1  }
0x15: {  	[smem:$0x3FBA] =	sst s0;
	s0 =	simm.s32 @!p2 $0x0  }
0x16: {  	s3 =	sld [smem:$0x3FDB];
	s0 =	simm.s32 @p2 $0x1  }
0x17: {  	s4 =	simm.s32 $0x1BF5;
	[smem:$0x3FBC] =	sst s0  }
0x18: {  	s0 =	sld [smem:$0x3F9F];
	_ =	swait.ge [sflag:s4], $0x0  }
0x19: {  	s7 =	sld [smem:$0x3FA0]  }
0x1a: {  	s8 =	sadd.s32 $0xFFFFE003, lr  }
0x1b: {  	s9 =	sadd.s32 $0xFFFFFEF7, lr;
	s5 =	simm.s32 $0xFFFFFFFF;
	p2 =	slt.u32 s8, $0xFFFFF086  }
0x1c: {  	p1 =	slt.u32 s9, $0xF7A;
	s5 =	simm.s32 @!p2 $0x0  }
0x1d: {  	s5 =	simm.s32 @p1 $0x1;
	p0 =	seq.s32 s7, s2  }
0x1e: {  	s7 =	smul.u32 @!p0 $0xF7A, s2;
	p2 =	seq.s32 @!p0 s5, $0x0  }
0x1f: {  	s9 =	smul.u32 $0xF7A, s1;
	s8 =	simm.s32 @!p0 $0x1BF5;
	p2 =	por !p2, p0  }
0x20: {  	[sflag:s8] =	ssyncset.s32 @!p0 $0xFFFFF086;
	s6 =	sadd.s32 @!p0 s3, s7;
	s7 =	simm.s32 @!p0 $0x108  }
0x21: {  	s3 =	sadd.s32 s3, s9;
	s6 =	sadd.s32 @!p0 $0x88, s6;
	s7 =	simm.s32 @p2 $0x1082  }
0x22: {  	[simem:s7], [sflag:s8] =	dma.local @!p0 [hbm:s6], $0xF7A  }
0x23: {  	s9 =	sor.u32 $0xD0000000, s2;
	s6 =	simm.s32 $0x108;
	_ =	swait.ge @!p0 [sflag:s8], $0x0  }
0x24: {  	s3 =	sadd.s32 $0x88, s3;
	s6 =	simm.s32 @!p1 $0x1082;
	[sflag:s4] =	ssyncset.s32 $0xFFFFF086  }
0x25: {  	[simem:s6], [sflag:s4] =	dma.local [hbm:s3], $0xF7A  }
0x26: {  	[smem:$0x3FA0] =	sst s1;
	(tag) =	ssettag s2;
	_ =	strace s9  }
0x27: {  	s1 =	sld [smem:$0x3FB0]  }
0x28: {  	s2 =	sld [smem:$0x3FB1]  }
0x29: {  	s4 =	sld [smem:$0x3FB3]  }
0x2a: {  	p0 =	seq.s32 s5, $0x0;
	s5 =	sld [smem:$0x3FB4]  }
0x2b: {  	s6 =	sld [smem:$0x3FB5]  }
0x2c: {  	s7 =	sld [smem:$0x3FB6]  }
0x2d: {  	s3 =	simm.s32 $0x108;
	s8 =	sld [smem:$0x3FB7]  }
0x2e: {  	s3 =	simm.s32 @!p0 $0x1082;
	s9 =	sld [smem:$0x3FB8]  }
0x2f: {  	lr =	sadd.s32 s0, s3;
	s0 =	sld [smem:$0x3FAF]  }
0x30: {  	s3 =	sld [smem:$0x3FB2]  }
0x31: {  	[smem:$0x3FBB] =	sst s10  }
0x32: {  	s10 =	sld [smem:$0x3FB9];
	_ =	sdelay $0x3  }
0x33: {  	p0 =	seq.s32 s10, $0x1;
	s10 =	sld [smem:$0x3FBB];
	_ =	sdelay $0x3  }
0x34: {  	[smem:$0x3FBB] =	sst s10  }
0x35: {  	s10 =	sld [smem:$0x3FBA];
	_ =	sdelay $0x3  }
0x36: {  	p1 =	seq.s32 s10, $0x1;
	s10 =	sld [smem:$0x3FBB];
	_ =	sdelay $0x3  }
0x37: {  	[smem:$0x3FBB] =	sst s10  }
0x38: {  	s10 =	sld [smem:$0x3FBC]  }
0x39: {  	_ = 	snop;
	(pc) =	sbr.ind lr, $3  }
0x3a: {  	_ = 	snop  }
0x3b: {  	_ = 	snop  }
0x3c: {  	p2 =	seq.s32 s10, $0x1;
	s10 =	sld [smem:$0x3FBB]  }
0x3d: {  	_ =	shalt  }
0x3e: {  	_ =	shalt  }
0x3f: {  	_ =	shalt  }
0x40: {  	_ =	shalt  }
0x41: {  	_ =	shalt  }
0x42: {  	_ =	shalt  }
0x43: {  	_ =	shalt  }
0x44: {  	_ =	shalt  }
0x45: {  	_ =	shalt  }
0x46: {  	_ =	shalt  }
0x47: {  	_ =	shalt  }
0x48: {  	_ =	shalt  }
0x49: {  	_ =	shalt  }
0x4a: {  	_ =	shalt  }
0x4b: {  	_ =	shalt  }
0x4c: {  	_ =	shalt  }
0x4d: {  	_ =	shalt  }
0x4e: {  	_ =	shalt  }
0x4f: {  	_ =	shalt  }
0x50: {  	_ =	shalt  }
0x51: {  	_ =	shalt  }
0x52: {  	_ =	shalt  }
0x53: {  	_ =	shalt  }
0x54: {  	_ =	shalt  }
0x55: {  	_ =	shalt  }
0x56: {  	_ =	shalt  }
0x57: {  	_ =	shalt  }
0x58: {  	_ =	shalt  }
0x59: {  	_ =	shalt  }
0x5a: {  	_ =	shalt  }
0x5b: {  	_ =	shalt  }
0x5c: {  	_ =	shalt  }
0x5d: {  	_ =	shalt  }
0x5e: {  	_ =	shalt  }
0x5f: {  	_ =	shalt  }
0x60: {  	_ =	shalt  }
0x61: {  	_ =	shalt  }
0x62: {  	_ =	shalt  }
0x63: {  	_ =	shalt  }
0x64: {  	_ =	shalt  }
0x65: {  	_ =	shalt  }
0x66: {  	_ =	shalt  }
0x67: {  	_ =	shalt  }
0x68: {  	_ =	shalt  }
0x69: {  	_ =	shalt  }
0x6a: {  	_ =	shalt  }
0x6b: {  	_ =	shalt  }
0x6c: {  	_ =	shalt  }
0x6d: {  	_ =	shalt  }
0x6e: {  	_ =	shalt  }
0x6f: {  	_ =	shalt  }
0x70: {  	_ =	shalt  }
0x71: {  	_ =	shalt  }
0x72: {  	_ =	shalt  }
0x73: {  	_ =	shalt  }
0x74: {  	_ =	shalt  }
0x75: {  	_ =	shalt  }
0x76: {  	_ =	shalt  }
0x77: {  	_ =	shalt  }
0x78: {  	_ =	shalt  }
0x79: {  	_ =	shalt  }
0x7a: {  	_ =	shalt  }
0x7b: {  	_ =	shalt  }
0x7c: {  	_ =	shalt  }
0x7d: {  	_ =	shalt  }
0x7e: {  	_ =	shalt  }
0x7f: {  	_ =	shalt  }
0x80: {  	_ =	shalt  }
0x81: {  	_ =	shalt  }
0x82: {  	_ =	shalt  }
0x83: {  	_ =	shalt  }
0x84: {  	_ =	shalt  }
0x85: {  	_ =	shalt  }
0x86: {  	_ =	shalt  }
0x87: {  	_ =	shalt  }
.Lfunc_end0:
.L_simem_size_0:
called_computation_lowered:
.L_overlay_start_0:
0x88: {  	s2 =	sld [smem:$0x3FD9]  }
0x89: {  	s3 =	sld [smem:$0x3FFE];
	_ =	sdelay $0x1  }
0x8a: {  	s1 =	srdreg.scid  }
0x8b: {  	s0 =	sand.u32 $0x1, s1  }
0x8c: {  	s18 =	sshll.u32 s0, $0xA;
	s2 =	sadd.s32 s3, s2  }
0x8d: {  	s2 =	sadd.s32 s2, s18  }
0x8e: {  	[smem:$0x3FC7] =	sst s2  }
0x8f: {  	_ = 	snop  }
0x90: {  	s2 =	sld [smem:$0x3FD0];
	(tm) =	ssettm $0x1  }
0x91: {  	s19 =	sld [smem:$0x3FFB];
	_ =	sdelay $0x3  }
0x92: {  	_ =	strace s19  }
0x93: {  	s3 =	sld [smem:$0x3FFC];
	_ =	sdelay $0x3  }
0x94: {  	_ =	strace s3  }
0x95: {  	s3 =	sld [smem:$0x3FFD];
	_ =	sdelay $0x3  }
0x96: {  	_ =	strace s3  }
0x97: {  	_ =	strace $0x8FFFFFFF  }
0x98: {  	s20 =	sld [smem:$0x3FDB];
	_ =	sdelay $0x1  }
0x99: {  	s4 =	simm.s32 $_scs_section_size  }
0x9a: {  	s5 =	simm.s32 $_size__tile_overlayer_lowered;
	s6 =	simm.s32 $_tile_overlayer_lowered  }
0x9b: {  	s23 =	simm.s32 $0x1BFF;
	s22 =	sshll.u32 s6, $0x1;
	s3 =	sadd.s32 s4, s20  }
0x9c: {  	s7 =	simm.s32 $0x0;
	s21 =	sshll.u32 s5, $0x1;
	s5 =	sadd.s32 s22, s3  }
0x9d: {  	[timem:s7], [sflag:s23] =	dma.local [hbm:s5], s21  }
0x9e: {  	_ =	swait.ge [sflag:s23], s21  }
0x9f: {  	s4 =	ssub.s32 $0x0, s21;
	[sflag:s23] =	ssyncset.done $0x0  }
0xa0: {  	[sflag:s23] =	ssyncadd.s32 s4;
	_ =	sdelay $0x1  }
0xa1: {  	s24 =	simm.s32 $0x1B8B  }
0xa2: {  	_ =	swait.ge [sflag:s24], $0x1  }
0xa3: {  	[sflag:s24] =	ssyncset.done $0x0  }
0xa4: {  	s25 =	simm.s32 $0x1B8E;
	[sflag:s24] =	ssyncadd.s32 $0xFFFFFFFF  }
0xa5: {  	s26 =	simm.s32 $execute0_lowered;
	[smem:$0x3FD2] =	sst s25  }
0xa6: {  	s4 =	sshll.u32 s26, $0x1;
	_ =	strace $0x80000046;
	[dreg:$0x1] =	wrdreg $0xFFFFFFFF  }
0xa7: {  	s28 =	simm.s32 $_size_execute0_lowered;
	s3 =	sadd.s32 s3, s4;
	[dreg:$0x0] =	wrdreg $0x0  }
0xa8: {  	s4 =	sshll.u32 s28, $0x1;
	[dreg:$0x2] =	wrdreg s3  }
0xa9: {  	[dreg:$0x3] =	wrdreg s4  }
0xaa: {  	[dreg:$0x4] =	wrdreg $0xC0  }
0xab: {  	_ =	task [dreg:s7], $0x5FFFF  }
0xac: {  	[dreg:$0x1] =	wrdreg $0xFFFFFFFF  }
0xad: {  	[dreg:$0x0] =	wrdreg $0x60  }
0xae: {  	[dreg:$0x2] =	wrdreg s2  }
0xaf: {  	[dreg:$0x3] =	wrdreg $0x9  }
0xb0: {  	_ =	task.clear_ibuf [dreg:s7], $0x4FFFF;
	_ =	strace $0x90000046  }
0xb1: {  	s29 =	simm.s32 $0x9;
	_ =	strace $0x80000048  }
0xb2: {  	_ =	swait.ge [sflag:s29], $0x1  }
0xb3: {  	[sflag:s29] =	ssyncadd.s32 $0xFFFFFFFF  }
0xb4: {  	_ =	strace $0x90000048  }
0xb5: {  	_ =	sfence  }
0xb6: {  	s30 =	sld [smem:$0x0];
	_ =	sdelay $0x2  }
0xb7: {  	s31 =	sshll.u32 s1, $0xD;
	s1 =	sshrl.u32 s1, $0x2  }
0xb8: {  	s3 =	sand.u32 $0x4000, s31;
	s1 =	sadd.s32 s1, s30  }
0xb9: {  	s0 =	sor.u32 s3, s0;
	s1 =	sshll.u32 s1, $0x11  }
0xba: {  	s0 =	sor.u32 s1, s0  }
0xbb: {  	s0 =	sadd.s32 $0x8F2B, s0  }
0xbc: {  	[sflag:s0] =	ssyncadd.remote.s32 $0x1  }
0xbd: {  	_ =	sfence.sel $0xFFFF  }
0xbe: {  	[dreg:$0x0] =	wrdreg $0xFFFFFFFF;
	(pc) =	sbr.abs _section_cstart, $3  }
0xbf: {  	[dreg:$0x1] =	wrdreg $0xFFFFFFFF  }
0xc0: {  	_ =	task.clear_ibuf [dreg:s7], $0x2FFFF;
	_ =	strace $0x9FFFFFFF  }
0xc1: {  	(tm) =	ssettm $0x7FFFFFFF  }
tec
execute0_lowered:
.L_overlay_start_1:
0x0: {  	(tag) =	ssettag $0x1  }
0x1: {  	s1 =	srdreg.scid  }
0x2: {  	s0 =	stileid.u32;
	s3 =	sand.u32 $0x1, s1  }
0x3: {  	s1 =	sor.u32 s3, s0  }
0x4: {  	p1 =	seq.s32 s3, $0x1;
	p0 =	seq.s32 s1, $0x0  }
0x5: {  	p0 =	por !p0, !p1  }
0x6: {  	s2 =	simm.s32 $0x1;
	p0 =	por !p0, !p0  }
0x7: {  	s2 =	simm.s32 @!p0 $0x0  }
0x8: {  	s4 =	rddreg [dreg:$0x0];
	s13 =	simm.s32 $0x0;
	s5 =	ssub.s32 s0, s2  }
0x9: {  	s6 =	sshll.u32 s3, $0x11;
	s3 =	ssub.s32 $0x2, s3;
	s5 =	sshll.u32 s5, $0x12  }
0xa: {  	s1 =	rddreg [dreg:$0x1];
	s2 =	simm.s32 $0x0;
	s5 =	sor.u32 s5, s6  }
0xb: {  	s31 =	sshrl.u32 s3, $0x1;
	[smem:$0x7FF] =	sst s2;
	s5 =	sshrl.u32 s5, $0x3  }
0xc: {  	_ =	strace $0x80000047;
	s6 =	ssub.s32 s3, s31;
	s4 =	sadd.s32 s4, s5  }
0xd: {  	s3 =	simm.s32 $0x1;
	s5 =	smax.u32 s6, $0x1;
	s6 =	sadd.s32 $0x800, s4  }
0xe: {  	s7 =	sadd.s32 $0x1000, s4;
	s8 =	sadd.s32 $0x1800, s4;
	s9 =	sadd.s32 $0x2000, s4  }
0xf: {  	v0 =	vimm.f32 $0.0e+00;
	s10 =	sadd.s32 $0x2800, s4;
	s11 =	sadd.s32 $0x3000, s4;
	s12 =	sadd.s32 $0x3800, s4  }
.LBB2_1:
0x10: {  	s14 =	simm.s32 $0x40  }
0x11: {  	[tilespmem:s14+$0xFFFFFFC0] =	vst v0  }
0x12: {  	[tilespmem:s14+$0x30] =	vst v0  }
0x13: {  	[tilespmem:s14+$0x20] =	vst v0  }
0x14: {  	[tilespmem:s14+$0x10] =	vst v0  }
0x15: {  	[tilespmem:s14+$0x0] =	vst v0  }
0x16: {  	[tilespmem:s14+$0xFFFFFFF0] =	vst v0  }
0x17: {  	s16 =	simm.s32 $0x0;
	[tilespmem:s14+$0xFFFFFFE0] =	vst v0  }
.LBB2_2:
0x18: {  	s16 =	sadd.s32 $0x8, s16;
	[tilespmem:s14+$0xFFFFFFD0] =	vst v0;
	s14 =	sadd.s32 $0x400, s14;
	s15 =	simm.s32 $0xF0  }
0x19: {  	[tilespmem:s14+$0xFFFFFFC0] =	vst v0;
	p0 =	slt.u32 s16, $0x78  }
0x1a: {  	[tilespmem:s14+$0x30] =	vst v0  }
.Ltmp0:
0x1b: {  	[tilespmem:s14+$0x20] =	vst v0;
	(pc) =	sbr.rel @p0 .LBB2_2-.Ltmp0, $4  }
0x1c: {  	[tilespmem:s14+$0x10] =	vst v0  }
0x1d: {  	[tilespmem:s14+$0x0] =	vst v0  }
0x1e: {  	[tilespmem:s14+$0xFFFFFFF0] =	vst v0  }
0x1f: {  	[tilespmem:s14+$0xFFFFFFE0] =	vst v0  }
0x20: {  	[tilespmem:s14+$0xFFFFFFD0] =	vst v0  }
0x21: {  	[tilespmem:s15+$0xFFFFFF90] =	vst v0  }
0x22: {  	[tilespmem:s15+$0x0] =	vst v0  }
0x23: {  	[tilespmem:s15+$0xFFFFFFF0] =	vst v0  }
0x24: {  	[tilespmem:s15+$0xFFFFFFE0] =	vst v0  }
0x25: {  	[tilespmem:s15+$0xFFFFFFD0] =	vst v0  }
0x26: {  	[tilespmem:s15+$0xFFFFFFC0] =	vst v0  }
0x27: {  	s16 =	simm.s32 $0x0;
	s14 =	simm.s32 $0x170;
	[tilespmem:s15+$0xFFFFFFB0] =	vst v0  }
.LBB2_4:
0x28: {  	s16 =	sadd.s32 $0x8, s16;
	[tilespmem:s15+$0xFFFFFFA0] =	vst v0;
	s15 =	sadd.s32 $0x400, s15  }
0x29: {  	[tilespmem:s15+$0xFFFFFF90] =	vst v0;
	p0 =	slt.u32 s16, $0x78  }
0x2a: {  	[tilespmem:s15+$0x0] =	vst v0  }
.Ltmp1:
0x2b: {  	[tilespmem:s15+$0xFFFFFFF0] =	vst v0;
	(pc) =	sbr.rel @p0 .LBB2_4-.Ltmp1, $4  }
0x2c: {  	[tilespmem:s15+$0xFFFFFFE0] =	vst v0  }
0x2d: {  	[tilespmem:s15+$0xFFFFFFD0] =	vst v0  }
0x2e: {  	[tilespmem:s15+$0xFFFFFFC0] =	vst v0  }
0x2f: {  	[tilespmem:s15+$0xFFFFFFB0] =	vst v0  }
0x30: {  	[tilespmem:s15+$0xFFFFFFA0] =	vst v0  }
0x31: {  	[tilespmem:s14+$0xFFFFFF90] =	vst v0  }
0x32: {  	[tilespmem:s14+$0x0] =	vst v0  }
0x33: {  	[tilespmem:s14+$0xFFFFFFF0] =	vst v0  }
0x34: {  	[tilespmem:s14+$0xFFFFFFE0] =	vst v0  }
0x35: {  	[tilespmem:s14+$0xFFFFFFD0] =	vst v0  }
0x36: {  	[tilespmem:s14+$0xFFFFFFC0] =	vst v0  }
0x37: {  	s16 =	simm.s32 $0x0;
	[tilespmem:s14+$0xFFFFFFB0] =	vst v0  }
.LBB2_6:
0x38: {  	s16 =	sadd.s32 $0x8, s16;
	[tilespmem:s14+$0xFFFFFFA0] =	vst v0;
	s14 =	sadd.s32 $0x400, s14;
	s15 =	simm.s32 $0x1F0  }
0x39: {  	[tilespmem:s14+$0xFFFFFF90] =	vst v0;
	p0 =	slt.u32 s16, $0x78  }
0x3a: {  	[tilespmem:s14+$0x0] =	vst v0  }
.Ltmp2:
0x3b: {  	[tilespmem:s14+$0xFFFFFFF0] =	vst v0;
	(pc) =	sbr.rel @p0 .LBB2_6-.Ltmp2, $4  }
0x3c: {  	[tilespmem:s14+$0xFFFFFFE0] =	vst v0  }
0x3d: {  	[tilespmem:s14+$0xFFFFFFD0] =	vst v0  }
0x3e: {  	[tilespmem:s14+$0xFFFFFFC0] =	vst v0  }
0x3f: {  	[tilespmem:s14+$0xFFFFFFB0] =	vst v0  }
0x40: {  	[tilespmem:s14+$0xFFFFFFA0] =	vst v0  }
0x41: {  	[tilespmem:s15+$0xFFFFFF90] =	vst v0  }
0x42: {  	[tilespmem:s15+$0x0] =	vst v0  }
0x43: {  	[tilespmem:s15+$0xFFFFFFF0] =	vst v0  }
0x44: {  	[tilespmem:s15+$0xFFFFFFE0] =	vst v0  }
0x45: {  	[tilespmem:s15+$0xFFFFFFD0] =	vst v0  }
0x46: {  	[tilespmem:s15+$0xFFFFFFC0] =	vst v0  }
0x47: {  	s16 =	simm.s32 $0x0;
	s14 =	simm.s32 $0x270;
	[tilespmem:s15+$0xFFFFFFB0] =	vst v0  }
.LBB2_8:
0x48: {  	s16 =	sadd.s32 $0x8, s16;
	[tilespmem:s15+$0xFFFFFFA0] =	vst v0;
	s15 =	sadd.s32 $0x400, s15  }
0x49: {  	[tilespmem:s15+$0xFFFFFF90] =	vst v0;
	p0 =	slt.u32 s16, $0x78  }
0x4a: {  	[tilespmem:s15+$0x0] =	vst v0  }
.Ltmp3:
0x4b: {  	[tilespmem:s15+$0xFFFFFFF0] =	vst v0;
	(pc) =	sbr.rel @p0 .LBB2_8-.Ltmp3, $4  }
0x4c: {  	[tilespmem:s15+$0xFFFFFFE0] =	vst v0  }
0x4d: {  	[tilespmem:s15+$0xFFFFFFD0] =	vst v0  }
0x4e: {  	[tilespmem:s15+$0xFFFFFFC0] =	vst v0  }
0x4f: {  	[tilespmem:s15+$0xFFFFFFB0] =	vst v0  }
0x50: {  	[tilespmem:s15+$0xFFFFFFA0] =	vst v0  }
0x51: {  	[tilespmem:s14+$0xFFFFFF90] =	vst v0  }
0x52: {  	[tilespmem:s14+$0x0] =	vst v0  }
0x53: {  	[tilespmem:s14+$0xFFFFFFF0] =	vst v0  }
0x54: {  	[tilespmem:s14+$0xFFFFFFE0] =	vst v0  }
0x55: {  	[tilespmem:s14+$0xFFFFFFD0] =	vst v0  }
0x56: {  	[tilespmem:s14+$0xFFFFFFC0] =	vst v0  }
0x57: {  	s16 =	simm.s32 $0x0;
	[tilespmem:s14+$0xFFFFFFB0] =	vst v0  }
.LBB2_10:
0x58: {  	s16 =	sadd.s32 $0x8, s16;
	[tilespmem:s14+$0xFFFFFFA0] =	vst v0;
	s14 =	sadd.s32 $0x400, s14;
	s15 =	simm.s32 $0x2F0  }
0x59: {  	[tilespmem:s14+$0xFFFFFF90] =	vst v0;
	p0 =	slt.u32 s16, $0x78  }
0x5a: {  	[tilespmem:s14+$0x0] =	vst v0  }
.Ltmp4:
0x5b: {  	[tilespmem:s14+$0xFFFFFFF0] =	vst v0;
	(pc) =	sbr.rel @p0 .LBB2_10-.Ltmp4, $4  }
0x5c: {  	[tilespmem:s14+$0xFFFFFFE0] =	vst v0  }
0x5d: {  	[tilespmem:s14+$0xFFFFFFD0] =	vst v0  }
0x5e: {  	[tilespmem:s14+$0xFFFFFFC0] =	vst v0  }
0x5f: {  	[tilespmem:s14+$0xFFFFFFB0] =	vst v0  }
0x60: {  	[tilespmem:s14+$0xFFFFFFA0] =	vst v0  }
0x61: {  	[tilespmem:s15+$0xFFFFFF90] =	vst v0  }
0x62: {  	[tilespmem:s15+$0x0] =	vst v0  }
0x63: {  	[tilespmem:s15+$0xFFFFFFF0] =	vst v0  }
0x64: {  	[tilespmem:s15+$0xFFFFFFE0] =	vst v0  }
0x65: {  	[tilespmem:s15+$0xFFFFFFD0] =	vst v0  }
0x66: {  	[tilespmem:s15+$0xFFFFFFC0] =	vst v0  }
0x67: {  	s16 =	simm.s32 $0x0;
	s14 =	simm.s32 $0x370;
	[tilespmem:s15+$0xFFFFFFB0] =	vst v0  }
.LBB2_12:
0x68: {  	s16 =	sadd.s32 $0x8, s16;
	[tilespmem:s15+$0xFFFFFFA0] =	vst v0;
	s15 =	sadd.s32 $0x400, s15  }
0x69: {  	[tilespmem:s15+$0xFFFFFF90] =	vst v0;
	p0 =	slt.u32 s16, $0x78  }
0x6a: {  	[tilespmem:s15+$0x0] =	vst v0  }
.Ltmp5:
0x6b: {  	[tilespmem:s15+$0xFFFFFFF0] =	vst v0;
	(pc) =	sbr.rel @p0 .LBB2_12-.Ltmp5, $4  }
0x6c: {  	[tilespmem:s15+$0xFFFFFFE0] =	vst v0  }
0x6d: {  	[tilespmem:s15+$0xFFFFFFD0] =	vst v0  }
0x6e: {  	[tilespmem:s15+$0xFFFFFFC0] =	vst v0  }
0x6f: {  	[tilespmem:s15+$0xFFFFFFB0] =	vst v0  }
0x70: {  	[tilespmem:s15+$0xFFFFFFA0] =	vst v0  }
0x71: {  	[tilespmem:s14+$0xFFFFFF90] =	vst v0  }
0x72: {  	[tilespmem:s14+$0x0] =	vst v0  }
0x73: {  	[tilespmem:s14+$0xFFFFFFF0] =	vst v0  }
0x74: {  	[tilespmem:s14+$0xFFFFFFE0] =	vst v0  }
0x75: {  	[tilespmem:s14+$0xFFFFFFD0] =	vst v0  }
0x76: {  	[tilespmem:s14+$0xFFFFFFC0] =	vst v0  }
0x77: {  	s16 =	simm.s32 $0x0;
	[tilespmem:s14+$0xFFFFFFB0] =	vst v0  }
.LBB2_14:
0x78: {  	s16 =	sadd.s32 $0x8, s16;
	[tilespmem:s14+$0xFFFFFFA0] =	vst v0;
	s14 =	sadd.s32 $0x400, s14;
	s15 =	simm.s32 $0x3F0  }
0x79: {  	[tilespmem:s14+$0xFFFFFF90] =	vst v0;
	p0 =	slt.u32 s16, $0x78  }
0x7a: {  	[tilespmem:s14+$0x0] =	vst v0  }
.Ltmp6:
0x7b: {  	[tilespmem:s14+$0xFFFFFFF0] =	vst v0;
	(pc) =	sbr.rel @p0 .LBB2_14-.Ltmp6, $4  }
0x7c: {  	[tilespmem:s14+$0xFFFFFFE0] =	vst v0  }
0x7d: {  	[tilespmem:s14+$0xFFFFFFD0] =	vst v0  }
0x7e: {  	[tilespmem:s14+$0xFFFFFFC0] =	vst v0  }
0x7f: {  	[tilespmem:s14+$0xFFFFFFB0] =	vst v0  }
0x80: {  	[tilespmem:s14+$0xFFFFFFA0] =	vst v0  }
0x81: {  	[tilespmem:s15+$0xFFFFFF90] =	vst v0  }
0x82: {  	[tilespmem:s15+$0x0] =	vst v0  }
0x83: {  	[tilespmem:s15+$0xFFFFFFF0] =	vst v0  }
0x84: {  	[tilespmem:s15+$0xFFFFFFE0] =	vst v0  }
0x85: {  	[tilespmem:s15+$0xFFFFFFD0] =	vst v0  }
0x86: {  	[tilespmem:s15+$0xFFFFFFC0] =	vst v0  }
0x87: {  	s14 =	simm.s32 $0x0;
	[tilespmem:s15+$0xFFFFFFB0] =	vst v0  }
.LBB2_16:
0x88: {  	s14 =	sadd.s32 $0x8, s14;
	[tilespmem:s15+$0xFFFFFFA0] =	vst v0;
	s15 =	sadd.s32 $0x400, s15  }
0x89: {  	[tilespmem:s15+$0xFFFFFF90] =	vst v0;
	p0 =	slt.u32 s14, $0x78  }
0x8a: {  	[tilespmem:s15+$0x0] =	vst v0  }
.Ltmp7:
0x8b: {  	[tilespmem:s15+$0xFFFFFFF0] =	vst v0;
	(pc) =	sbr.rel @p0 .LBB2_16-.Ltmp7, $4  }
0x8c: {  	[tilespmem:s15+$0xFFFFFFE0] =	vst v0  }
0x8d: {  	[tilespmem:s15+$0xFFFFFFD0] =	vst v0  }
0x8e: {  	[tilespmem:s15+$0xFFFFFFC0] =	vst v0  }
0x8f: {  	[tilespmem:s15+$0xFFFFFFB0] =	vst v0  }
0x90: {  	[tilespmem:s15+$0xFFFFFFA0] =	vst v0  }
0x91: {  	[hbm4b:s4+s2] =	stream.linear.scatter [tilespmem:s2], [sflag:$0x1], $0x4000, $0x38;
	[tilespmem:$0x4000] =	vst v63  }
0x92: {  	_ =	swait.ge [sflag:s3], $0x4000  }
0x93: {  	[sflag:s3] =	ssyncset.done $0x0  }
0x94: {  	[sflag:s3] =	ssyncadd.s32 $0xFFFFC000  }
0x95: {  	[hbm4b:s6+s2] =	stream.linear.scatter [tilespmem:s2], [sflag:$0x1], $0x4000, $0x38;
	[tilespmem:$0x4000] =	vst v63  }
0x96: {  	_ =	swait.ge [sflag:s3], $0x4000  }
0x97: {  	[sflag:s3] =	ssyncset.done $0x0  }
0x98: {  	[sflag:s3] =	ssyncadd.s32 $0xFFFFC000  }
0x99: {  	[hbm4b:s7+s2] =	stream.linear.scatter [tilespmem:s2], [sflag:$0x1], $0x4000, $0x38;
	[tilespmem:$0x4000] =	vst v63  }
0x9a: {  	_ =	swait.ge [sflag:s3], $0x4000  }
0x9b: {  	[sflag:s3] =	ssyncset.done $0x0  }
0x9c: {  	[sflag:s3] =	ssyncadd.s32 $0xFFFFC000  }
0x9d: {  	[hbm4b:s8+s2] =	stream.linear.scatter [tilespmem:s2], [sflag:$0x1], $0x4000, $0x38;
	[tilespmem:$0x4000] =	vst v63  }
0x9e: {  	_ =	swait.ge [sflag:s3], $0x4000  }
0x9f: {  	[sflag:s3] =	ssyncset.done $0x0  }
0xa0: {  	[sflag:s3] =	ssyncadd.s32 $0xFFFFC000  }
0xa1: {  	[hbm4b:s9+s2] =	stream.linear.scatter [tilespmem:s2], [sflag:$0x1], $0x4000, $0x38;
	[tilespmem:$0x4000] =	vst v63  }
0xa2: {  	_ =	swait.ge [sflag:s3], $0x4000  }
0xa3: {  	[sflag:s3] =	ssyncset.done $0x0  }
0xa4: {  	[sflag:s3] =	ssyncadd.s32 $0xFFFFC000  }
0xa5: {  	[hbm4b:s10+s2] =	stream.linear.scatter [tilespmem:s2], [sflag:$0x1], $0x4000, $0x38;
	[tilespmem:$0x4000] =	vst v63  }
0xa6: {  	_ =	swait.ge [sflag:s3], $0x4000  }
0xa7: {  	[sflag:s3] =	ssyncset.done $0x0  }
0xa8: {  	[sflag:s3] =	ssyncadd.s32 $0xFFFFC000  }
0xa9: {  	[hbm4b:s11+s2] =	stream.linear.scatter [tilespmem:s2], [sflag:$0x1], $0x4000, $0x38;
	[tilespmem:$0x4000] =	vst v63  }
0xaa: {  	s13 =	sadd.s32 $0x1, s13;
	_ =	swait.ge [sflag:s3], $0x4000  }
0xab: {  	p0 =	sne.s32 s13, s5;
	[sflag:s3] =	ssyncset.done $0x0  }
.Ltmp8:
0xac: {  	[sflag:s3] =	ssyncadd.s32 $0xFFFFC000;
	(pc) =	sbr.rel @p0 .LBB2_1-.Ltmp8, $4  }
0xad: {  	[hbm4b:s12+s2] =	stream.linear.scatter [tilespmem:s2], [sflag:$0x1], $0x4000, $0x38;
	[tilespmem:$0x4000] =	vst v63  }
0xae: {  	_ =	swait.ge [sflag:s3], $0x4000  }
0xaf: {  	[sflag:s3] =	ssyncset.done $0x0  }
0xb0: {  	[sflag:s3] =	ssyncadd.s32 $0xFFFFC000  }
0xb1: {  	_ =	sfence.sel $0x180000  }
0xb2: {  	[bflag:$0x0] =	sbarrier.arrive $0xFFFF  }
0xb3: {  	p0 =	sne.s32 s0, $0x0;
	_ =	strace $0x90000047  }
0xb4: {  	s0 =	sadd.s32 @!p0 $0x100000, s1;
	[bflag:$0x2] =	sbarrier.arrive $0xFFFF  }
0xb5: {  	[sflag:s0] =	ssyncadd.tile.s32 @!p0 $0x1;
	_ =	shalt  }
.Lfunc_end2:
_tile_overlayer_lowered:
.L_overlay_start_2:
0xb6: {  	(tag) =	ssettag $0x2  }
0xb7: {  	s0 =	rddreg [dreg:$0x0];
	s2 =	stileid.u32  }
0xb8: {  	s1 =	rddreg [dreg:$0x1];
	p0 =	sne.s32 s2, $0x0  }
0xb9: {  	s3 =	rddreg [dreg:$0x2];
	[bflag:$0x3] =	sbarrier.arrive $0xFFFF;
	s2 =	simm.s32 @!p0 $0x1C01  }
0xba: {  	[timem:s3], [sflag:s2] =	dma.local @!p0 [hbm:s0], s1  }
0xbb: {  	s0 =	simm.s32 @!p0 $0x1  }
0xbc: {  	_ =	swait.ge @!p0 [sflag:s0], s1  }
0xbd: {  	s1 =	ssub.s32 @!p0 $0x0, s1;
	[sflag:s0] =	ssyncset.done @!p0 $0x0  }
0xbe: {  	[sflag:s0] =	ssyncadd.s32 @!p0 s1  }
0xbf: {  	[bflag:$0x3] =	sbarrier.arrive $0xFFFF  }
0xc0: {  	_ =	shalt  }

// kernel: kernel.8.cloned.1.call-start
scs
__scs_entry_jumppad:
0x0: {  	(pc) =	sbr.rel $0x88, $3  }
0x1: {  	(tag) =	ssettag $0x0;
	lr =	simm.s32 $0x1  }
0x2: {  	[smem:$0x3FA0] =	sst lr;
	_ =	strace $0xD0000000  }
0x3: {  	_ = 	snop  }
0x4: {  	_ = 	snop  }
0x5: {  	_ = 	snop  }
0x6: {  	_ = 	snop  }
0x7: {  	_ = 	snop  }
__scs_overlays_trampoline_lowered:
0x8: {  	[smem:$0x3FAF] =	sst s0  }
0x9: {  	[smem:$0x3FB0] =	sst s1  }
0xa: {  	[smem:$0x3FB1] =	sst s2  }
0xb: {  	[smem:$0x3FB2] =	sst s3  }
0xc: {  	[smem:$0x3FB3] =	sst s4  }
0xd: {  	[smem:$0x3FB4] =	sst s5  }
0xe: {  	[smem:$0x3FB5] =	sst s6  }
0xf: {  	[smem:$0x3FB6] =	sst s7  }
0x10: {  	[smem:$0x3FB7] =	sst s8  }
0x11: {  	[smem:$0x3FB8] =	sst s9;
	s0 =	simm.s32 @!p0 $0x0  }
0x12: {  	s1 =	sld [smem:$0x3F9E];
	s0 =	simm.s32 @p0 $0x1  }
0x13: {  	[smem:$0x3FB9] =	sst s0;
	s0 =	simm.s32 @!p1 $0x0  }
0x14: {  	s2 =	sld [smem:$0x3F9D];
	s0 =	simm.s32 @p1 $0x1  }
0x15: {  	[smem:$0x3FBA] =	sst s0;
	s0 =	simm.s32 @!p2 $0x0  }
0x16: {  	s3 =	sld [smem:$0x3FDB];
	s0 =	simm.s32 @p2 $0x1  }
0x17: {  	s4 =	simm.s32 $0x1BF5;
	[smem:$0x3FBC] =	sst s0  }
0x18: {  	s0 =	sld [smem:$0x3F9F];
	_ =	swait.ge [sflag:s4], $0x0  }
0x19: {  	s7 =	sld [smem:$0x3FA0]  }
0x1a: {  	s8 =	sadd.s32 $0xFFFFE003, lr  }
0x1b: {  	s9 =	sadd.s32 $0xFFFFFEF7, lr;
	s5 =	simm.s32 $0xFFFFFFFF;
	p2 =	slt.u32 s8, $0xFFFFF086  }
0x1c: {  	p1 =	slt.u32 s9, $0xF7A;
	s5 =	simm.s32 @!p2 $0x0  }
0x1d: {  	s5 =	simm.s32 @p1 $0x1;
	p0 =	seq.s32 s7, s2  }
0x1e: {  	s7 =	smul.u32 @!p0 $0xF7A, s2;
	p2 =	seq.s32 @!p0 s5, $0x0  }
0x1f: {  	s9 =	smul.u32 $0xF7A, s1;
	s8 =	simm.s32 @!p0 $0x1BF5;
	p2 =	por !p2, p0  }
0x20: {  	[sflag:s8] =	ssyncset.s32 @!p0 $0xFFFFF086;
	s6 =	sadd.s32 @!p0 s3, s7;
	s7 =	simm.s32 @!p0 $0x108  }
0x21: {  	s3 =	sadd.s32 s3, s9;
	s6 =	sadd.s32 @!p0 $0x88, s6;
	s7 =	simm.s32 @p2 $0x1082  }
0x22: {  	[simem:s7], [sflag:s8] =	dma.local @!p0 [hbm:s6], $0xF7A  }
0x23: {  	s9 =	sor.u32 $0xD0000000, s2;
	s6 =	simm.s32 $0x108;
	_ =	swait.ge @!p0 [sflag:s8], $0x0  }
0x24: {  	s3 =	sadd.s32 $0x88, s3;
	s6 =	simm.s32 @!p1 $0x1082;
	[sflag:s4] =	ssyncset.s32 $0xFFFFF086  }
0x25: {  	[simem:s6], [sflag:s4] =	dma.local [hbm:s3], $0xF7A  }
0x26: {  	[smem:$0x3FA0] =	sst s1;
	(tag) =	ssettag s2;
	_ =	strace s9  }
0x27: {  	s1 =	sld [smem:$0x3FB0]  }
0x28: {  	s2 =	sld [smem:$0x3FB1]  }
0x29: {  	s4 =	sld [smem:$0x3FB3]  }
0x2a: {  	p0 =	seq.s32 s5, $0x0;
	s5 =	sld [smem:$0x3FB4]  }
0x2b: {  	s6 =	sld [smem:$0x3FB5]  }
0x2c: {  	s7 =	sld [smem:$0x3FB6]  }
0x2d: {  	s3 =	simm.s32 $0x108;
	s8 =	sld [smem:$0x3FB7]  }
0x2e: {  	s3 =	simm.s32 @!p0 $0x1082;
	s9 =	sld [smem:$0x3FB8]  }
0x2f: {  	lr =	sadd.s32 s0, s3;
	s0 =	sld [smem:$0x3FAF]  }
0x30: {  	s3 =	sld [smem:$0x3FB2]  }
0x31: {  	[smem:$0x3FBB] =	sst s10  }
0x32: {  	s10 =	sld [smem:$0x3FB9];
	_ =	sdelay $0x3  }
0x33: {  	p0 =	seq.s32 s10, $0x1;
	s10 =	sld [smem:$0x3FBB];
	_ =	sdelay $0x3  }
0x34: {  	[smem:$0x3FBB] =	sst s10  }
0x35: {  	s10 =	sld [smem:$0x3FBA];
	_ =	sdelay $0x3  }
0x36: {  	p1 =	seq.s32 s10, $0x1;
	s10 =	sld [smem:$0x3FBB];
	_ =	sdelay $0x3  }
0x37: {  	[smem:$0x3FBB] =	sst s10  }
0x38: {  	s10 =	sld [smem:$0x3FBC]  }
0x39: {  	_ = 	snop;
	(pc) =	sbr.ind lr, $3  }
0x3a: {  	_ = 	snop  }
0x3b: {  	_ = 	snop  }
0x3c: {  	p2 =	seq.s32 s10, $0x1;
	s10 =	sld [smem:$0x3FBB]  }
0x3d: {  	_ =	shalt  }
0x3e: {  	_ =	shalt  }
0x3f: {  	_ =	shalt  }
0x40: {  	_ =	shalt  }
0x41: {  	_ =	shalt  }
0x42: {  	_ =	shalt  }
0x43: {  	_ =	shalt  }
0x44: {  	_ =	shalt  }
0x45: {  	_ =	shalt  }
0x46: {  	_ =	shalt  }
0x47: {  	_ =	shalt  }
0x48: {  	_ =	shalt  }
0x49: {  	_ =	shalt  }
0x4a: {  	_ =	shalt  }
0x4b: {  	_ =	shalt  }
0x4c: {  	_ =	shalt  }
0x4d: {  	_ =	shalt  }
0x4e: {  	_ =	shalt  }
0x4f: {  	_ =	shalt  }
0x50: {  	_ =	shalt  }
0x51: {  	_ =	shalt  }
0x52: {  	_ =	shalt  }
0x53: {  	_ =	shalt  }
0x54: {  	_ =	shalt  }
0x55: {  	_ =	shalt  }
0x56: {  	_ =	shalt  }
0x57: {  	_ =	shalt  }
0x58: {  	_ =	shalt  }
0x59: {  	_ =	shalt  }
0x5a: {  	_ =	shalt  }
0x5b: {  	_ =	shalt  }
0x5c: {  	_ =	shalt  }
0x5d: {  	_ =	shalt  }
0x5e: {  	_ =	shalt  }
0x5f: {  	_ =	shalt  }
0x60: {  	_ =	shalt  }
0x61: {  	_ =	shalt  }
0x62: {  	_ =	shalt  }
0x63: {  	_ =	shalt  }
0x64: {  	_ =	shalt  }
0x65: {  	_ =	shalt  }
0x66: {  	_ =	shalt  }
0x67: {  	_ =	shalt  }
0x68: {  	_ =	shalt  }
0x69: {  	_ =	shalt  }
0x6a: {  	_ =	shalt  }
0x6b: {  	_ =	shalt  }
0x6c: {  	_ =	shalt  }
0x6d: {  	_ =	shalt  }
0x6e: {  	_ =	shalt  }
0x6f: {  	_ =	shalt  }
0x70: {  	_ =	shalt  }
0x71: {  	_ =	shalt  }
0x72: {  	_ =	shalt  }
0x73: {  	_ =	shalt  }
0x74: {  	_ =	shalt  }
0x75: {  	_ =	shalt  }
0x76: {  	_ =	shalt  }
0x77: {  	_ =	shalt  }
0x78: {  	_ =	shalt  }
0x79: {  	_ =	shalt  }
0x7a: {  	_ =	shalt  }
0x7b: {  	_ =	shalt  }
0x7c: {  	_ =	shalt  }
0x7d: {  	_ =	shalt  }
0x7e: {  	_ =	shalt  }
0x7f: {  	_ =	shalt  }
0x80: {  	_ =	shalt  }
0x81: {  	_ =	shalt  }
0x82: {  	_ =	shalt  }
0x83: {  	_ =	shalt  }
0x84: {  	_ =	shalt  }
0x85: {  	_ =	shalt  }
0x86: {  	_ =	shalt  }
0x87: {  	_ =	shalt  }
.Lfunc_end0:
.L_simem_size_0:
called_computation.1_lowered:
.L_overlay_start_0:
0x88: {  	s2 =	sld [smem:$0x3FD9]  }
0x89: {  	s3 =	sld [smem:$0x3FFE];
	_ =	sdelay $0x1  }
0x8a: {  	s1 =	srdreg.scid  }
0x8b: {  	s0 =	sand.u32 $0x1, s1  }
0x8c: {  	s17 =	sshll.u32 s0, $0xA;
	s2 =	sadd.s32 s3, s2  }
0x8d: {  	s2 =	sadd.s32 s2, s17  }
0x8e: {  	[smem:$0x3FC7] =	sst s2  }
0x8f: {  	_ = 	snop  }
0x90: {  	s2 =	sld [smem:$0x3FD0];
	(tm) =	ssettm $0x1  }
0x91: {  	s18 =	sld [smem:$0x3FFB];
	_ =	sdelay $0x3  }
0x92: {  	_ =	strace s18  }
0x93: {  	s3 =	sld [smem:$0x3FFC];
	_ =	sdelay $0x3  }
0x94: {  	_ =	strace s3  }
0x95: {  	s3 =	sld [smem:$0x3FFD];
	_ =	sdelay $0x3  }
0x96: {  	_ =	strace s3  }
0x97: {  	_ =	strace $0x8FFFFFFF  }
0x98: {  	s19 =	sld [smem:$0x3FDB];
	_ =	sdelay $0x1  }
0x99: {  	s4 =	simm.s32 $_scs_section_size  }
0x9a: {  	s5 =	simm.s32 $_size__tile_overlayer_lowered;
	s6 =	simm.s32 $_tile_overlayer_lowered  }
0x9b: {  	s22 =	simm.s32 $0x1BFF;
	s21 =	sshll.u32 s6, $0x1;
	s3 =	sadd.s32 s4, s19  }
0x9c: {  	s7 =	simm.s32 $0x0;
	s20 =	sshll.u32 s5, $0x1;
	s5 =	sadd.s32 s21, s3  }
0x9d: {  	[timem:s7], [sflag:s22] =	dma.local [hbm:s5], s20  }
0x9e: {  	_ =	swait.ge [sflag:s22], s20  }
0x9f: {  	s4 =	ssub.s32 $0x0, s20;
	[sflag:s22] =	ssyncset.done $0x0  }
0xa0: {  	[sflag:s22] =	ssyncadd.s32 s4;
	_ =	sdelay $0x1  }
0xa1: {  	s23 =	simm.s32 $0x1B8B  }
0xa2: {  	_ =	swait.ge [sflag:s23], $0x1  }
0xa3: {  	[sflag:s23] =	ssyncset.done $0x0  }
0xa4: {  	s25 =	simm.s32 $0x1B8E;
	s24 =	sld [smem:$0x3FFE];
	[sflag:s23] =	ssyncadd.s32 $0xFFFFFFFF  }
0xa5: {  	s26 =	simm.s32 $execute0_lowered;
	[smem:$0x3FD2] =	sst s25  }
0xa6: {  	s5 =	sshll.u32 s26, $0x1;
	_ =	strace $0x80000049;
	[dreg:$0x1] =	wrdreg $0xFFFFFFFF  }
0xa7: {  	s28 =	simm.s32 $_size_execute0_lowered;
	s3 =	sadd.s32 s3, s5;
	[dreg:$0x0] =	wrdreg $0x0  }
0xa8: {  	s5 =	sshll.u32 s28, $0x1;
	[dreg:$0x2] =	wrdreg s3  }
0xa9: {  	[dreg:$0x3] =	wrdreg s5  }
0xaa: {  	[dreg:$0x4] =	wrdreg $0xC0  }
0xab: {  	_ =	task [dreg:s7], $0x5FFFF  }
0xac: {  	[dreg:$0x1] =	wrdreg $0xFFFFFFFF  }
0xad: {  	[dreg:$0x0] =	wrdreg $0x60  }
0xae: {  	[dreg:$0x2] =	wrdreg s24  }
0xaf: {  	[dreg:$0x3] =	wrdreg s2  }
0xb0: {  	[dreg:$0x4] =	wrdreg $0x9  }
0xb1: {  	_ =	task.clear_ibuf [dreg:s7], $0x5FFFF;
	_ =	strace $0x90000049  }
0xb2: {  	s29 =	simm.s32 $0x9;
	_ =	strace $0x8000004B  }
0xb3: {  	_ =	swait.ge [sflag:s29], $0x1  }
0xb4: {  	[sflag:s29] =	ssyncadd.s32 $0xFFFFFFFF  }
0xb5: {  	_ =	strace $0x9000004B  }
0xb6: {  	_ =	sfence  }
0xb7: {  	s30 =	sld [smem:$0x0];
	_ =	sdelay $0x2  }
0xb8: {  	s31 =	sshll.u32 s1, $0xD;
	s1 =	sshrl.u32 s1, $0x2  }
0xb9: {  	s3 =	sand.u32 $0x4000, s31;
	s1 =	sadd.s32 s1, s30  }
0xba: {  	s0 =	sor.u32 s3, s0;
	s1 =	sshll.u32 s1, $0x11  }
0xbb: {  	s0 =	sor.u32 s1, s0  }
0xbc: {  	s0 =	sadd.s32 $0x8F2B, s0  }
0xbd: {  	[sflag:s0] =	ssyncadd.remote.s32 $0x1  }
0xbe: {  	_ =	sfence.sel $0xFFFF  }
0xbf: {  	[dreg:$0x0] =	wrdreg $0xFFFFFFFF;
	(pc) =	sbr.abs _section_cstart, $3  }
0xc0: {  	[dreg:$0x1] =	wrdreg $0xFFFFFFFF  }
0xc1: {  	_ =	task.clear_ibuf [dreg:s7], $0x2FFFF;
	_ =	strace $0x9FFFFFFF  }
0xc2: {  	(tm) =	ssettm $0x7FFFFFFF  }
0xc3: {  	_ =	shalt  }
tec
execute0_lowered:
.L_overlay_start_1:
0x0: {  	(tag) =	ssettag $0x1  }
0x1: {  	s4 =	rddreg [dreg:$0x0]  }
0x2: {  	s2 =	rddreg [dreg:$0x1]  }
0x3: {  	s5 =	srdreg.scid;
	s3 =	simm.s32 $0x0;
	s0 =	stileid.u32  }
0x4: {  	s9 =	simm.s32 $0x100;
	s5 =	sand.u32 $0x1, s5;
	[smem:$0x7FF] =	sst s3  }
0x5: {  	s7 =	sshll.u32 s0, $0x1;
	s4 =	sadd.s32 $0x600, s4;
	p4 =	sgt.u32 s0, $0x7  }
.Ltmp0:
0x6: {  	s6 =	ssub.s32 $0x2, s5;
	_ =	strace $0x8000004A;
	(pc) =	sbr.rel .LBB2_1-.Ltmp0, $4  }
0x7: {  	s5 =	sor.u32 s5, s7;
	s7 =	simm.s32 $0x1;
	s0 =	simm.s32 @!p4 $0x0  }
0x8: {  	s8 =	sshrl.u32 s6, $0x1;
	s30 =	sshll.u32 s5, $0x5;
	s0 =	simm.s32 @p4 $0x1  }
0x9: {  	s6 =	ssub.s32 s6, s8;
	s31 =	sshrl.u32 s30, $0x2;
	[smem:$0x7FD] =	sst s0  }
0xa: {  	v0 =	vimm.f32 $0.0e+00;
	v1 =	vlaneseq.u32;
	s5 =	sshll.u32 s5, $0x12;
	s6 =	smax.u32 s6, $0x1;
	[dreg:$0x3] =	wrdreg s31  }
.LBB2_16:
0xb: {  	s6 =	sadd.s32 $0xFFFFFFFF, s6  }
0xc: {  	p0 =	sne.s32 s6, $0x0  }
.Ltmp1:
0xd: {  	_ = 	snop;
	(pc) =	sbr.rel @!p0 .LBB2_17-.Ltmp1, $1  }
0xe: {  	_ =	sdelay $0x3  }
.LBB2_1:
0xf: {  	[tilespmem:s3], [sflag:$0x1] =	stream.linear.gather [hbm4b:s4+s3], $0x80, $0x38;
	[tilespmem:$0x500] =	vst v63  }
0x10: {  	_ =	swait.ge [sflag:s7], $0x80  }
0x11: {  	[sflag:s7] =	ssyncset.done $0x0  }
0x12: {  	[sflag:s7] =	ssyncadd.s32 $0xFFFFFF80  }
0x13: {  	[tilespmem:$0x100] =	vst v0  }
0x14: {  	[tilespmem:$0x110] =	vst v0  }
0x15: {  	[tilespmem:$0x120] =	vst v0  }
0x16: {  	[tilespmem:$0x130] =	vst v0  }
0x17: {  	[tilespmem:$0x140] =	vst v0  }
0x18: {  	[tilespmem:$0x150] =	vst v0  }
0x19: {  	[tilespmem:$0x160] =	vst v0  }
0x1a: {  	[tilespmem:$0x170] =	vst v0  }
0x1b: {  	[tilespmem:$0x180] =	vst v0  }
0x1c: {  	[tilespmem:$0x190] =	vst v0  }
0x1d: {  	[tilespmem:$0x1A0] =	vst v0  }
0x1e: {  	[tilespmem:$0x1B0] =	vst v0  }
0x1f: {  	[tilespmem:$0x1C0] =	vst v0  }
0x20: {  	[tilespmem:$0x1D0] =	vst v0  }
0x21: {  	[tilespmem:$0x1E0] =	vst v0  }
0x22: {  	[tilespmem:$0x1F0] =	vst v0  }
0x23: {  	[tilespmem:$0x200] =	vst v0  }
0x24: {  	[tilespmem:$0x210] =	vst v0  }
0x25: {  	[tilespmem:$0x220] =	vst v0  }
0x26: {  	[tilespmem:$0x230] =	vst v0  }
0x27: {  	[tilespmem:$0x240] =	vst v0  }
0x28: {  	[tilespmem:$0x250] =	vst v0  }
0x29: {  	[tilespmem:$0x260] =	vst v0  }
0x2a: {  	[tilespmem:$0x270] =	vst v0  }
0x2b: {  	[tilespmem:$0x280] =	vst v0  }
0x2c: {  	[tilespmem:$0x290] =	vst v0  }
0x2d: {  	[tilespmem:$0x2A0] =	vst v0  }
0x2e: {  	[tilespmem:$0x2B0] =	vst v0  }
0x2f: {  	[tilespmem:$0x2C0] =	vst v0  }
0x30: {  	[tilespmem:$0x2D0] =	vst v0  }
0x31: {  	[tilespmem:$0x2E0] =	vst v0  }
0x32: {  	[tilespmem:$0x2F0] =	vst v0  }
0x33: {  	[tilespmem:$0x300] =	vst v0  }
0x34: {  	[tilespmem:$0x310] =	vst v0  }
0x35: {  	[tilespmem:$0x320] =	vst v0  }
0x36: {  	[tilespmem:$0x330] =	vst v0  }
0x37: {  	[tilespmem:$0x340] =	vst v0  }
0x38: {  	[tilespmem:$0x350] =	vst v0  }
0x39: {  	[tilespmem:$0x360] =	vst v0  }
0x3a: {  	[tilespmem:$0x370] =	vst v0  }
0x3b: {  	[tilespmem:$0x380] =	vst v0  }
0x3c: {  	[tilespmem:$0x390] =	vst v0  }
0x3d: {  	[tilespmem:$0x3A0] =	vst v0  }
0x3e: {  	[tilespmem:$0x3B0] =	vst v0  }
0x3f: {  	[tilespmem:$0x3C0] =	vst v0  }
0x40: {  	[tilespmem:$0x3D0] =	vst v0  }
0x41: {  	[tilespmem:$0x3E0] =	vst v0  }
0x42: {  	[tilespmem:$0x3F0] =	vst v0  }
0x43: {  	[tilespmem:$0x400] =	vst v0  }
0x44: {  	[tilespmem:$0x410] =	vst v0  }
0x45: {  	[tilespmem:$0x420] =	vst v0  }
0x46: {  	[tilespmem:$0x430] =	vst v0  }
0x47: {  	[tilespmem:$0x440] =	vst v0  }
0x48: {  	[tilespmem:$0x450] =	vst v0  }
0x49: {  	[tilespmem:$0x460] =	vst v0  }
0x4a: {  	[tilespmem:$0x470] =	vst v0  }
0x4b: {  	[tilespmem:$0x480] =	vst v0  }
0x4c: {  	[tilespmem:$0x490] =	vst v0  }
0x4d: {  	[tilespmem:$0x4A0] =	vst v0  }
.Ltmp2:
0x4e: {  	[tilespmem:$0x4B0] =	vst v0;
	(pc) =	sbr.rel @p4 .LBB2_16-.Ltmp2, $4  }
0x4f: {  	[tilespmem:$0x4C0] =	vst v0  }
0x50: {  	[tilespmem:$0x4D0] =	vst v0  }
0x51: {  	[tilespmem:$0x4E0] =	vst v0  }
0x52: {  	[tilespmem:$0x4F0] =	vst v0  }
0x53: {  	s0 =	rddreg [dreg:$0x3]  }
0x54: {  	v2 =	vld [tilespmem:s0+$0x0];
	_ =	sdelay $0x4  }
0x55: {  	(v2sf) =	vpush v2, $0x0  }
0x56: {  	(v2sf) =	vpush v2, $0x1;
	_ =	sdelay $0x1  }
0x57: {  	(v2sf) =	vpush v2, $0x2  }
0x58: {  	(v2sf) =	vpush v2, $0x3  }
0x59: {  	(v2sf) =	vpush v2, $0x4;
	_ =	sdelay $0x1  }
0x5a: {  	(v2sf) =	vpush v2, $0x5;
	_ =	sdelay $0x6  }
0x5b: {  	(v2sf) =	vpush v2, $0x6  }
0x5c: {  	s25 =	spop (v2sf)  }
0x5d: {  	(v2sf) =	vpush v2, $0x7;
	s24 =	spop (v2sf);
	s12 =	sand.u32 $0xF, s25  }
0x5e: {  	s11 =	sshra.s32 s25, $0x7;
	s10 =	sshra.s32 s24, $0x7;
	v2 =	vmov s12  }
0x5f: {  	s23 =	spop (v2sf);
	v2 =	vsub.s32 v1, v2;
	p1 =	sne.s32 s10, s11  }
0x60: {  	s12 =	sshra.s32 s23, $0x7;
	s22 =	spop (v2sf);
	v3 =	vsub.s32 $0x0, v2;
	s13 =	sand.u32 @!p1 $0xF, s24  }
0x61: {  	v4 =	vlaneseq.u32 @!p1;
	p2 =	sne.s32 s12, s11;
	s21 =	spop (v2sf);
	v2 =	vmin.u32 v2, v3;
	v3 =	vmov @!p1 s13  }
0x62: {  	s14 =	sand.u32 @!p2 $0xF, s23;
	v6 =	vlaneseq.u32 @!p2;
	s15 =	sshra.s32 s21, $0x7;
	v3 =	vsub.s32 @!p1 v4, v3  }
0x63: {  	s13 =	sshra.s32 s22, $0x7;
	s20 =	spop (v2sf);
	v2 =	vsub.s32 $0x1, v2;
	v5 =	vmov @!p2 s14;
	p4 =	sne.s32 s15, s11;
	v4 =	vsub.s32 @!p1 $0x0, v3  }
0x64: {  	p3 =	sne.s32 s13, s11;
	s16 =	sshra.s32 s20, $0x7;
	vm0 =	vgt.s32 v2, $0x0;
	v7 =	vlaneseq.u32 @!p4;
	v3 =	vmin.u32 @!p1 v3, v4  }
0x65: {  	p5 =	sne.s32 s16, s11;
	v4 =	vsub.s32 @!p2 v6, v5;
	v2 =	vnsel vm0, $0x0, v2;
	v6 =	vlaneseq.u32 @!p3  }
0x66: {  	s14 =	sand.u32 @!p3 $0xF, s22;
	v8 =	vlaneseq.u32 @!p5;
	v3 =	vsub.s32 @!p1 $0x1, v3;
	v5 =	vsub.s32 @!p2 $0x0, v4  }
0x67: {  	v2 =	vcvt.s32.f32 v2;
	v4 =	vmin.u32 @!p2 v4, v5;
	v5 =	vmov @!p3 s14  }
0x68: {  	vm0 =	vgt.s32 @!p1 v3, $0x0;
	v4 =	vsub.s32 @!p2 $0x1, v4;
	v5 =	vsub.s32 @!p3 v6, v5  }
0x69: {  	s14 =	sand.u32 @!p4 $0xF, s21;
	v3 =	vnsel @!p1 vm0, $0x0, v3;
	vm0 =	vgt.s32 @!p2 v4, $0x0;
	v6 =	vsub.s32 @!p3 $0x0, v5  }
0x6a: {  	s19 =	spop (v2sf);
	s17 =	sand.u32 @!p5 $0xF, s20;
	v3 =	vcvt.s32.f32 @!p1 v3;
	v5 =	vmin.u32 @!p3 v5, v6;
	v6 =	vmov @!p4 s14  }
0x6b: {  	s18 =	sshra.s32 s19, $0x7;
	v4 =	vnsel @!p2 vm0, $0x0, v4;
	v6 =	vsub.s32 @!p4 v7, v6;
	v7 =	vmov @!p5 s17  }
0x6c: {  	p6 =	sne.s32 s18, s11;
	v5 =	vsub.s32 @!p3 $0x1, v5;
	s14 =	spop (v2sf);
	v9 =	vsub.s32 @!p4 $0x0, v6;
	v7 =	vsub.s32 @!p5 v8, v7  }
0x6d: {  	s26 =	sand.u32 @!p6 $0xF, s19;
	vm0 =	vgt.s32 @!p3 v5, $0x0;
	s17 =	sshra.s32 s14, $0x7;
	v6 =	vmin.u32 @!p4 v6, v9;
	v8 =	vsub.s32 @!p5 $0x0, v7  }
0x6e: {  	v9 =	vlaneseq.u32 @!p6;
	p0 =	sne.s32 s17, s11;
	v7 =	vmin.u32 @!p5 v7, v8;
	v8 =	vmov @!p6 s26  }
0x6f: {  	v5 =	vnsel @!p3 vm0, $0x0, v5;
	v6 =	vsub.s32 @!p4 $0x1, v6;
	s26 =	sand.u32 @!p0 $0xF, s14;
	v8 =	vsub.s32 @!p6 v9, v8  }
0x70: {  	v10 =	vlaneseq.u32 @!p0;
	vm0 =	vgt.s32 @!p4 v6, $0x0;
	v9 =	vmov @!p0 s26  }
0x71: {  	v6 =	vnsel @!p4 vm0, $0x0, v6;
	s26 =	sand.u32 $0x70, s25;
	v9 =	vsub.s32 @!p0 v10, v9;
	v10 =	vsub.s32 @!p6 $0x0, v8  }
0x72: {  	s28 =	sand.u32 @!p1 $0x70, s24;
	[tilespmem:s26+$0x100] =	vst v2;
	v2 =	vcvt.s32.f32 @!p2 v4;
	v4 =	vcvt.s32.f32 @!p3 v5;
	v5 =	vsub.s32 @!p5 $0x1, v7  }
0x73: {  	v8 =	vmin.u32 @!p6 v8, v10;
	v10 =	vsub.s32 @!p0 $0x0, v9;
	[tilespmem:s28+$0x180] =	vst @!p1 v3;
	v3 =	vcvt.s32.f32 @!p4 v6  }
0x74: {  	s29 =	sand.u32 @!p2 $0x70, s23;
	vm0 =	vgt.s32 @!p5 v5, $0x0;
	v9 =	vmin.u32 @!p0 v9, v10;
	v6 =	vsub.s32 @!p6 $0x1, v8  }
0x75: {  	s30 =	sand.u32 @!p3 $0x70, s22;
	[tilespmem:s29+$0x200] =	vst @!p2 v2;
	v2 =	vnsel @!p5 vm0, $0x0, v5;
	vm0 =	vgt.s32 @!p6 v6, $0x0;
	v5 =	vsub.s32 @!p0 $0x1, v9  }
0x76: {  	s31 =	sand.u32 @!p4 $0x70, s21;
	s25 =	sshll.u32 s25, $0x3;
	[tilespmem:s30+$0x280] =	vst @!p3 v4;
	v2 =	vcvt.s32.f32 @!p5 v2;
	v4 =	vnsel @!p6 vm0, $0x0, v6;
	vm0 =	vgt.s32 @!p0 v5, $0x0  }
0x77: {  	s0 =	sand.u32 @!p5 $0x70, s20;
	s25 =	sand.u32 $0x7FFFFC00, s25;
	[tilespmem:s31+$0x300] =	vst @!p4 v3;
	v3 =	vnsel @!p0 vm0, $0x0, v5;
	v4 =	vcvt.s32.f32 @!p6 v4  }
0x78: {  	s1 =	sand.u32 @!p6 $0x70, s19;
	s25 =	sadd.s32 s5, s25;
	[tilespmem:s0+$0x380] =	vst @!p5 v2;
	v2 =	vcvt.s32.f32 @!p0 v3  }
0x79: {  	s8 =	sand.u32 @!p0 $0x70, s14;
	s25 =	sshrl.u32 s25, $0x3;
	[tilespmem:s1+$0x400] =	vst @!p6 v4  }
0x7a: {  	s25 =	sadd.s32 s2, s25;
	[tilespmem:s8+$0x480] =	vst @!p0 v2  }
0x7b: {  	[hbm4b:s25+s3] =	stream.linear.scatter [tilespmem:s9], [sflag:$0x1], $0x400, $0x38;
	[tilespmem:$0x500] =	vst v63  }
0x7c: {  	_ =	swait.ge [sflag:s7], $0x400  }
0x7d: {  	[sflag:s7] =	ssyncset.done $0x0  }
0x7e: {  	[sflag:s7] =	ssyncadd.s32 $0xFFFFFC00  }
0x7f: {  	v2 =	vimm.f32 @!p1 $0.0e+00;
	[tilespmem:s26+$0x100] =	vst v0  }
0x80: {  	[tilespmem:s28+$0x180] =	vst @!p1 v2;
	v2 =	vimm.f32 @!p2 $0.0e+00  }
0x81: {  	p1 =	seq.s32 s10, s11;
	[tilespmem:s29+$0x200] =	vst @!p2 v2;
	v2 =	vimm.f32 @!p3 $0.0e+00  }
.Ltmp3:
0x82: {  	[tilespmem:s30+$0x280] =	vst @!p3 v2;
	v2 =	vimm.f32 @!p4 $0.0e+00;
	(pc) =	sbr.rel @p1 .LBB2_4-.Ltmp3, $4  }
0x83: {  	[tilespmem:s31+$0x300] =	vst @!p4 v2;
	v2 =	vimm.f32 @!p5 $0.0e+00  }
0x84: {  	[tilespmem:s0+$0x380] =	vst @!p5 v2;
	v2 =	vimm.f32 @!p6 $0.0e+00  }
0x85: {  	[tilespmem:s1+$0x400] =	vst @!p6 v2;
	v2 =	vimm.f32 @!p0 $0.0e+00  }
0x86: {  	[tilespmem:s8+$0x480] =	vst @!p0 v2  }
0x87: {  	s0 =	sand.u32 $0xF, s24;
	p1 =	sne.s32 s12, s10  }
0x88: {  	p3 =	sne.s32 s15, s10;
	v2 =	vmov s0;
	s0 =	sand.u32 @!p1 $0xF, s23;
	v4 =	vlaneseq.u32 @!p1  }
0x89: {  	p4 =	sne.s32 s16, s10;
	v6 =	vlaneseq.u32 @!p3;
	v2 =	vsub.s32 v1, v2;
	v3 =	vmov @!p1 s0  }
0x8a: {  	p2 =	sne.s32 s13, s10;
	p5 =	sne.s32 s17, s10;
	v7 =	vlaneseq.u32 @!p4;
	v5 =	vsub.s32 $0x0, v2;
	v3 =	vsub.s32 @!p1 v4, v3  }
0x8b: {  	v9 =	vlaneseq.u32 @!p5;
	s0 =	sand.u32 @!p2 $0xF, s22;
	v2 =	vmin.u32 v2, v5;
	v4 =	vsub.s32 @!p1 $0x0, v3  }
0x8c: {  	v5 =	vlaneseq.u32 @!p2;
	v3 =	vmin.u32 @!p1 v3, v4;
	v4 =	vmov @!p2 s0  }
0x8d: {  	v2 =	vsub.s32 $0x1, v2;
	v3 =	vsub.s32 @!p1 $0x1, v3;
	v4 =	vsub.s32 @!p2 v5, v4  }
0x8e: {  	vm0 =	vgt.s32 v2, $0x0;
	vm1 =	vgt.s32 @!p1 v3, $0x0;
	v5 =	vsub.s32 @!p2 $0x0, v4  }
0x8f: {  	s0 =	sand.u32 @!p3 $0xF, s21;
	v2 =	vnsel vm0, $0x0, v2;
	v3 =	vnsel @!p1 vm1, $0x0, v3;
	v4 =	vmin.u32 @!p2 v4, v5  }
0x90: {  	v5 =	vmov @!p3 s0;
	s0 =	sand.u32 @!p4 $0xF, s20;
	v2 =	vcvt.s32.f32 v2;
	v4 =	vsub.s32 @!p2 $0x1, v4  }
0x91: {  	v5 =	vsub.s32 @!p3 v6, v5;
	v6 =	vmov @!p4 s0;
	v3 =	vcvt.s32.f32 @!p1 v3  }
0x92: {  	p0 =	sne.s32 s18, s10;
	vm0 =	vgt.s32 @!p2 v4, $0x0;
	v8 =	vsub.s32 @!p3 $0x0, v5;
	v6 =	vsub.s32 @!p4 v7, v6  }
0x93: {  	s0 =	sand.u32 @!p0 $0xF, s19;
	v4 =	vnsel @!p2 vm0, $0x0, v4;
	v5 =	vmin.u32 @!p3 v5, v8;
	v7 =	vsub.s32 @!p4 $0x0, v6  }
0x94: {  	v8 =	vlaneseq.u32 @!p0;
	v6 =	vmin.u32 @!p4 v6, v7;
	v7 =	vmov @!p0 s0  }
0x95: {  	s0 =	sand.u32 @!p5 $0xF, s14;
	v5 =	vsub.s32 @!p3 $0x1, v5;
	v4 =	vcvt.s32.f32 @!p2 v4;
	v7 =	vsub.s32 @!p0 v8, v7  }
0x96: {  	v8 =	vmov @!p5 s0;
	vm0 =	vgt.s32 @!p3 v5, $0x0;
	v6 =	vsub.s32 @!p4 $0x1, v6  }
0x97: {  	v8 =	vsub.s32 @!p5 v9, v8;
	v9 =	vsub.s32 @!p0 $0x0, v7;
	v5 =	vnsel @!p3 vm0, $0x0, v5  }
0x98: {  	s30 =	sand.u32 $0x70, s24;
	vm0 =	vgt.s32 @!p4 v6, $0x0;
	v7 =	vmin.u32 @!p0 v7, v9;
	v9 =	vsub.s32 @!p5 $0x0, v8  }
0x99: {  	s1 =	sand.u32 @!p1 $0x70, s23;
	[tilespmem:s30+$0x180] =	vst v2;
	v2 =	vcvt.s32.f32 @!p3 v5;
	v8 =	vmin.u32 @!p5 v8, v9;
	v5 =	vsub.s32 @!p0 $0x1, v7  }
0x9a: {  	s8 =	sand.u32 @!p2 $0x70, s22;
	[tilespmem:s1+$0x200] =	vst @!p1 v3;
	v3 =	vnsel @!p4 vm0, $0x0, v6;
	vm0 =	vgt.s32 @!p0 v5, $0x0;
	v6 =	vsub.s32 @!p5 $0x1, v8  }
0x9b: {  	s31 =	sshll.u32 s24, $0x3;
	s25 =	sand.u32 @!p3 $0x70, s21;
	[tilespmem:s8+$0x280] =	vst @!p2 v4;
	v3 =	vcvt.s32.f32 @!p4 v3;
	v4 =	vnsel @!p0 vm0, $0x0, v5;
	vm0 =	vgt.s32 @!p5 v6, $0x0  }
0x9c: {  	s26 =	sand.u32 @!p4 $0x70, s20;
	s24 =	sand.u32 $0x7FFFFC00, s31;
	[tilespmem:s25+$0x300] =	vst @!p3 v2;
	v2 =	vnsel @!p5 vm0, $0x0, v6;
	v4 =	vcvt.s32.f32 @!p0 v4  }
0x9d: {  	s28 =	sand.u32 @!p0 $0x70, s19;
	s24 =	sadd.s32 s5, s24;
	[tilespmem:s26+$0x380] =	vst @!p4 v3;
	v2 =	vcvt.s32.f32 @!p5 v2  }
0x9e: {  	s29 =	sand.u32 @!p5 $0x70, s14;
	s24 =	sshrl.u32 s24, $0x3;
	[tilespmem:s28+$0x400] =	vst @!p0 v4  }
0x9f: {  	s24 =	sadd.s32 s2, s24;
	[tilespmem:s29+$0x480] =	vst @!p5 v2  }
0xa0: {  	[hbm4b:s24+s3] =	stream.linear.scatter [tilespmem:s9], [sflag:$0x1], $0x400, $0x38;
	[tilespmem:$0x500] =	vst v63  }
0xa1: {  	_ =	swait.ge [sflag:s7], $0x400  }
0xa2: {  	[sflag:s7] =	ssyncset.done $0x0  }
0xa3: {  	[sflag:s7] =	ssyncadd.s32 $0xFFFFFC00  }
0xa4: {  	v2 =	vimm.f32 @!p1 $0.0e+00;
	[tilespmem:s30+$0x180] =	vst v0  }
0xa5: {  	[tilespmem:s1+$0x200] =	vst @!p1 v2;
	v2 =	vimm.f32 @!p2 $0.0e+00  }
0xa6: {  	[tilespmem:s8+$0x280] =	vst @!p2 v2;
	v2 =	vimm.f32 @!p3 $0.0e+00  }
0xa7: {  	[tilespmem:s25+$0x300] =	vst @!p3 v2;
	v2 =	vimm.f32 @!p4 $0.0e+00  }
0xa8: {  	[tilespmem:s26+$0x380] =	vst @!p4 v2;
	v2 =	vimm.f32 @!p0 $0.0e+00  }
0xa9: {  	[tilespmem:s28+$0x400] =	vst @!p0 v2;
	v2 =	vimm.f32 @!p5 $0.0e+00  }
0xaa: {  	[tilespmem:s29+$0x480] =	vst @!p5 v2  }
.LBB2_4:
0xab: {  	p0 =	seq.s32 s11, s12  }
0xac: {  	p1 =	seq.s32 @!p0 s10, s12  }
0xad: {  	p0 =	por p0, p1  }
.Ltmp4:
0xae: {  	_ = 	snop;
	(pc) =	sbr.rel @p0 .LBB2_6-.Ltmp4, $1  }
0xaf: {  	_ =	sdelay $0x3  }
0xb0: {  	s0 =	sand.u32 $0xF, s23;
	p1 =	sne.s32 s13, s12  }
0xb1: {  	p2 =	sne.s32 s15, s12;
	p3 =	sne.s32 s16, s12;
	v2 =	vmov s0;
	v5 =	vlaneseq.u32 @!p1  }
0xb2: {  	p4 =	sne.s32 s17, s12;
	s0 =	sand.u32 @!p1 $0xF, s22;
	v6 =	vlaneseq.u32 @!p2;
	v8 =	vlaneseq.u32 @!p3;
	v2 =	vsub.s32 v1, v2  }
0xb3: {  	v9 =	vlaneseq.u32 @!p4;
	v4 =	vmov @!p1 s0;
	s0 =	sand.u32 @!p2 $0xF, s21;
	v3 =	vsub.s32 $0x0, v2  }
0xb4: {  	v4 =	vsub.s32 @!p1 v5, v4;
	v5 =	vmov @!p2 s0;
	s0 =	sand.u32 @!p3 $0xF, s20;
	v2 =	vmin.u32 v2, v3  }
0xb5: {  	p0 =	sne.s32 s18, s12;
	v3 =	vsub.s32 @!p1 $0x0, v4;
	v5 =	vsub.s32 @!p2 v6, v5;
	v7 =	vmov @!p3 s0  }
0xb6: {  	s0 =	sand.u32 @!p0 $0xF, s19;
	v6 =	vsub.s32 @!p2 $0x0, v5;
	v3 =	vmin.u32 @!p1 v4, v3;
	v2 =	vsub.s32 $0x1, v2  }
0xb7: {  	v4 =	vmin.u32 @!p2 v5, v6;
	v5 =	vsub.s32 @!p3 v8, v7;
	v7 =	vmov @!p0 s0  }
0xb8: {  	v8 =	vlaneseq.u32 @!p0;
	s0 =	sand.u32 @!p4 $0xF, s14;
	vm0 =	vgt.s32 v2, $0x0;
	v3 =	vsub.s32 @!p1 $0x1, v3  }
0xb9: {  	v6 =	vsub.s32 @!p3 $0x0, v5;
	v7 =	vsub.s32 @!p0 v8, v7;
	v8 =	vmov @!p4 s0  }
0xba: {  	v2 =	vnsel vm0, $0x0, v2;
	vm0 =	vgt.s32 @!p1 v3, $0x0;
	v4 =	vsub.s32 @!p2 $0x1, v4  }
0xbb: {  	v5 =	vmin.u32 @!p3 v5, v6;
	v6 =	vsub.s32 @!p4 v9, v8;
	v8 =	vsub.s32 @!p0 $0x0, v7  }
0xbc: {  	v2 =	vcvt.s32.f32 v2;
	v3 =	vnsel @!p1 vm0, $0x0, v3;
	vm0 =	vgt.s32 @!p2 v4, $0x0  }
0xbd: {  	v7 =	vmin.u32 @!p0 v7, v8;
	v8 =	vsub.s32 @!p4 $0x0, v6;
	v3 =	vcvt.s32.f32 @!p1 v3  }
0xbe: {  	v4 =	vnsel @!p2 vm0, $0x0, v4;
	v5 =	vsub.s32 @!p3 $0x1, v5;
	v6 =	vmin.u32 @!p4 v6, v8  }
0xbf: {  	s30 =	sand.u32 $0x70, s23;
	v4 =	vcvt.s32.f32 @!p2 v4;
	vm0 =	vgt.s32 @!p3 v5, $0x0;
	v7 =	vsub.s32 @!p0 $0x1, v7  }
0xc0: {  	s1 =	sand.u32 @!p1 $0x70, s22;
	[tilespmem:s30+$0x200] =	vst v2;
	v2 =	vnsel @!p3 vm0, $0x0, v5;
	vm0 =	vgt.s32 @!p0 v7, $0x0;
	v5 =	vsub.s32 @!p4 $0x1, v6  }
0xc1: {  	s31 =	sshll.u32 s23, $0x3;
	s8 =	sand.u32 @!p2 $0x70, s21;
	[tilespmem:s1+$0x280] =	vst @!p1 v3;
	v2 =	vcvt.s32.f32 @!p3 v2;
	v3 =	vnsel @!p0 vm0, $0x0, v7;
	vm0 =	vgt.s32 @!p4 v5, $0x0  }
0xc2: {  	s24 =	sand.u32 @!p3 $0x70, s20;
	s23 =	sand.u32 $0x7FFFFC00, s31;
	[tilespmem:s8+$0x300] =	vst @!p2 v4;
	v4 =	vnsel @!p4 vm0, $0x0, v5;
	v3 =	vcvt.s32.f32 @!p0 v3  }
0xc3: {  	s25 =	sand.u32 @!p0 $0x70, s19;
	s23 =	sadd.s32 s5, s23;
	[tilespmem:s24+$0x380] =	vst @!p3 v2;
	v2 =	vcvt.s32.f32 @!p4 v4  }
0xc4: {  	s26 =	sand.u32 @!p4 $0x70, s14;
	s23 =	sshrl.u32 s23, $0x3;
	[tilespmem:s25+$0x400] =	vst @!p0 v3  }
0xc5: {  	s23 =	sadd.s32 s2, s23;
	[tilespmem:s26+$0x480] =	vst @!p4 v2  }
0xc6: {  	[hbm4b:s23+s3] =	stream.linear.scatter [tilespmem:s9], [sflag:$0x1], $0x400, $0x38;
	[tilespmem:$0x500] =	vst v63  }
0xc7: {  	_ =	swait.ge [sflag:s7], $0x400  }
0xc8: {  	[sflag:s7] =	ssyncset.done $0x0  }
0xc9: {  	[sflag:s7] =	ssyncadd.s32 $0xFFFFFC00  }
0xca: {  	v2 =	vimm.f32 @!p1 $0.0e+00;
	[tilespmem:s30+$0x200] =	vst v0  }
0xcb: {  	[tilespmem:s1+$0x280] =	vst @!p1 v2;
	v2 =	vimm.f32 @!p2 $0.0e+00  }
0xcc: {  	[tilespmem:s8+$0x300] =	vst @!p2 v2;
	v2 =	vimm.f32 @!p3 $0.0e+00  }
0xcd: {  	[tilespmem:s24+$0x380] =	vst @!p3 v2;
	v2 =	vimm.f32 @!p0 $0.0e+00  }
0xce: {  	[tilespmem:s25+$0x400] =	vst @!p0 v2;
	v2 =	vimm.f32 @!p4 $0.0e+00  }
0xcf: {  	[tilespmem:s26+$0x480] =	vst @!p4 v2  }
.LBB2_6:
0xd0: {  	p0 =	seq.s32 s12, s13  }
0xd1: {  	p1 =	seq.s32 @!p0 s11, s13  }
0xd2: {  	p0 =	por p0, p1  }
0xd3: {  	p1 =	seq.s32 @!p0 s10, s13  }
0xd4: {  	p0 =	por p0, p1  }
.Ltmp5:
0xd5: {  	_ = 	snop;
	(pc) =	sbr.rel @p0 .LBB2_8-.Ltmp5, $1  }
0xd6: {  	_ =	sdelay $0x3  }
0xd7: {  	s0 =	sand.u32 $0xF, s22;
	p0 =	sne.s32 s15, s13  }
0xd8: {  	p1 =	sne.s32 s16, s13;
	v2 =	vmov s0;
	s0 =	sand.u32 @!p0 $0xF, s21;
	v5 =	vlaneseq.u32 @!p0  }
0xd9: {  	v6 =	vlaneseq.u32 @!p1;
	v2 =	vsub.s32 v1, v2;
	v4 =	vmov @!p0 s0;
	s0 =	sand.u32 @!p1 $0xF, s20  }
0xda: {  	v3 =	vsub.s32 $0x0, v2;
	v4 =	vsub.s32 @!p0 v5, v4;
	v5 =	vmov @!p1 s0  }
0xdb: {  	p3 =	sne.s32 s17, s13;
	v2 =	vmin.u32 v2, v3;
	v3 =	vsub.s32 @!p0 $0x0, v4;
	v5 =	vsub.s32 @!p1 v6, v5  }
0xdc: {  	p2 =	sne.s32 s18, s13;
	v7 =	vlaneseq.u32 @!p3;
	v3 =	vmin.u32 @!p0 v4, v3;
	v4 =	vsub.s32 @!p1 $0x0, v5  }
0xdd: {  	s0 =	sand.u32 @!p2 $0xF, s19;
	v6 =	vlaneseq.u32 @!p2;
	v2 =	vsub.s32 $0x1, v2;
	v4 =	vmin.u32 @!p1 v5, v4  }
0xde: {  	v5 =	vmov @!p2 s0;
	s0 =	sand.u32 @!p3 $0xF, s14;
	vm0 =	vgt.s32 v2, $0x0;
	v3 =	vsub.s32 @!p0 $0x1, v3  }
0xdf: {  	v5 =	vsub.s32 @!p2 v6, v5;
	v6 =	vmov @!p3 s0;
	v2 =	vnsel vm0, $0x0, v2  }
0xe0: {  	vm0 =	vgt.s32 @!p0 v3, $0x0;
	v4 =	vsub.s32 @!p1 $0x1, v4;
	v6 =	vsub.s32 @!p3 v7, v6  }
0xe1: {  	v7 =	vsub.s32 @!p2 $0x0, v5;
	v2 =	vcvt.s32.f32 v2;
	v3 =	vnsel @!p0 vm0, $0x0, v3  }
0xe2: {  	vm0 =	vgt.s32 @!p1 v4, $0x0;
	v5 =	vmin.u32 @!p2 v5, v7;
	v7 =	vsub.s32 @!p3 $0x0, v6  }
0xe3: {  	v3 =	vcvt.s32.f32 @!p0 v3;
	v6 =	vmin.u32 @!p3 v6, v7;
	v5 =	vsub.s32 @!p2 $0x1, v5  }
0xe4: {  	s31 =	sand.u32 $0x70, s22;
	v4 =	vnsel @!p1 vm0, $0x0, v4;
	vm0 =	vgt.s32 @!p2 v5, $0x0;
	v6 =	vsub.s32 @!p3 $0x1, v6  }
0xe5: {  	s8 =	sshll.u32 s22, $0x3;
	s1 =	sand.u32 @!p0 $0x70, s21;
	[tilespmem:s31+$0x280] =	vst v2;
	v2 =	vcvt.s32.f32 @!p1 v4;
	v4 =	vnsel @!p2 vm0, $0x0, v5;
	vm0 =	vgt.s32 @!p3 v6, $0x0  }
0xe6: {  	s22 =	sand.u32 @!p1 $0x70, s20;
	s8 =	sand.u32 $0x7FFFFC00, s8;
	[tilespmem:s1+$0x300] =	vst @!p0 v3;
	v3 =	vnsel @!p3 vm0, $0x0, v6;
	v4 =	vcvt.s32.f32 @!p2 v4  }
0xe7: {  	s23 =	sand.u32 @!p2 $0x70, s19;
	s8 =	sadd.s32 s5, s8;
	[tilespmem:s22+$0x380] =	vst @!p1 v2;
	v2 =	vcvt.s32.f32 @!p3 v3  }
0xe8: {  	s24 =	sand.u32 @!p3 $0x70, s14;
	s8 =	sshrl.u32 s8, $0x3;
	[tilespmem:s23+$0x400] =	vst @!p2 v4  }
0xe9: {  	s8 =	sadd.s32 s2, s8;
	[tilespmem:s24+$0x480] =	vst @!p3 v2  }
0xea: {  	[hbm4b:s8+s3] =	stream.linear.scatter [tilespmem:s9], [sflag:$0x1], $0x400, $0x38;
	[tilespmem:$0x500] =	vst v63  }
0xeb: {  	_ =	swait.ge [sflag:s7], $0x400  }
0xec: {  	[sflag:s7] =	ssyncset.done $0x0  }
0xed: {  	[sflag:s7] =	ssyncadd.s32 $0xFFFFFC00  }
0xee: {  	v2 =	vimm.f32 @!p0 $0.0e+00;
	[tilespmem:s31+$0x280] =	vst v0  }
0xef: {  	[tilespmem:s1+$0x300] =	vst @!p0 v2;
	v2 =	vimm.f32 @!p1 $0.0e+00  }
0xf0: {  	[tilespmem:s22+$0x380] =	vst @!p1 v2;
	v2 =	vimm.f32 @!p2 $0.0e+00  }
0xf1: {  	[tilespmem:s23+$0x400] =	vst @!p2 v2;
	v2 =	vimm.f32 @!p3 $0.0e+00  }
0xf2: {  	[tilespmem:s24+$0x480] =	vst @!p3 v2  }
.LBB2_8:
0xf3: {  	p0 =	seq.s32 s13, s15  }
0xf4: {  	p1 =	seq.s32 @!p0 s12, s15  }
0xf5: {  	p0 =	por p0, p1  }
0xf6: {  	p1 =	seq.s32 @!p0 s11, s15  }
0xf7: {  	p0 =	por p0, p1  }
0xf8: {  	p1 =	seq.s32 @!p0 s10, s15  }
0xf9: {  	p0 =	por p0, p1  }
.Ltmp6:
0xfa: {  	_ = 	snop;
	(pc) =	sbr.rel @p0 .LBB2_10-.Ltmp6, $2  }
0xfb: {  	s0 =	sld [smem:$0x7FD];
	_ =	sdelay $0x2  }
0xfc: {  	p4 =	seq.s32 s0, $0x1  }
0xfd: {  	s0 =	sand.u32 $0xF, s21;
	p0 =	sne.s32 s16, s15  }
0xfe: {  	v2 =	vmov s0;
	s0 =	sand.u32 @!p0 $0xF, s20  }
0xff: {  	v4 =	vlaneseq.u32 @!p0;
	v2 =	vsub.s32 v1, v2;
	v3 =	vmov @!p0 s0  }
0x100: {  	p1 =	sne.s32 s18, s15;
	v5 =	vsub.s32 $0x0, v2;
	v3 =	vsub.s32 @!p0 v4, v3  }
0x101: {  	s0 =	sand.u32 @!p1 $0xF, s19;
	v2 =	vmin.u32 v2, v5;
	v4 =	vsub.s32 @!p0 $0x0, v3  }
0x102: {  	p2 =	sne.s32 s17, s15;
	v5 =	vlaneseq.u32 @!p1;
	v3 =	vmin.u32 @!p0 v3, v4;
	v4 =	vmov @!p1 s0  }
0x103: {  	v6 =	vlaneseq.u32 @!p2;
	s0 =	sand.u32 @!p2 $0xF, s14;
	v2 =	vsub.s32 $0x1, v2;
	v4 =	vsub.s32 @!p1 v5, v4  }
0x104: {  	v5 =	vmov @!p2 s0;
	vm0 =	vgt.s32 v2, $0x0;
	v3 =	vsub.s32 @!p0 $0x1, v3  }
0x105: {  	v5 =	vsub.s32 @!p2 v6, v5;
	v6 =	vsub.s32 @!p1 $0x0, v4;
	v2 =	vnsel vm0, $0x0, v2  }
0x106: {  	vm0 =	vgt.s32 @!p0 v3, $0x0;
	v4 =	vmin.u32 @!p1 v4, v6;
	v6 =	vsub.s32 @!p2 $0x0, v5  }
0x107: {  	v2 =	vcvt.s32.f32 v2;
	v5 =	vmin.u32 @!p2 v5, v6;
	v4 =	vsub.s32 @!p1 $0x1, v4  }
0x108: {  	v3 =	vnsel @!p0 vm0, $0x0, v3;
	vm0 =	vgt.s32 @!p1 v4, $0x0;
	v5 =	vsub.s32 @!p2 $0x1, v5  }
0x109: {  	s31 =	sand.u32 $0x70, s21;
	s1 =	sshll.u32 s21, $0x3;
	v3 =	vcvt.s32.f32 @!p0 v3;
	v4 =	vnsel @!p1 vm0, $0x0, v4;
	vm0 =	vgt.s32 @!p2 v5, $0x0  }
0x10a: {  	s8 =	sand.u32 @!p0 $0x70, s20;
	s1 =	sand.u32 $0x7FFFFC00, s1;
	[tilespmem:s31+$0x300] =	vst v2;
	v2 =	vnsel @!p2 vm0, $0x0, v5;
	v4 =	vcvt.s32.f32 @!p1 v4  }
0x10b: {  	s21 =	sand.u32 @!p1 $0x70, s19;
	s1 =	sadd.s32 s5, s1;
	[tilespmem:s8+$0x380] =	vst @!p0 v3;
	v2 =	vcvt.s32.f32 @!p2 v2  }
0x10c: {  	s22 =	sand.u32 @!p2 $0x70, s14;
	s1 =	sshrl.u32 s1, $0x3;
	[tilespmem:s21+$0x400] =	vst @!p1 v4  }
0x10d: {  	s1 =	sadd.s32 s2, s1;
	[tilespmem:s22+$0x480] =	vst @!p2 v2  }
0x10e: {  	[hbm4b:s1+s3] =	stream.linear.scatter [tilespmem:s9], [sflag:$0x1], $0x400, $0x38;
	[tilespmem:$0x500] =	vst v63  }
0x10f: {  	_ =	swait.ge [sflag:s7], $0x400  }
0x110: {  	[sflag:s7] =	ssyncset.done $0x0  }
0x111: {  	[sflag:s7] =	ssyncadd.s32 $0xFFFFFC00  }
0x112: {  	v2 =	vimm.f32 @!p0 $0.0e+00;
	[tilespmem:s31+$0x300] =	vst v0  }
0x113: {  	[tilespmem:s8+$0x380] =	vst @!p0 v2;
	v2 =	vimm.f32 @!p1 $0.0e+00  }
0x114: {  	[tilespmem:s21+$0x400] =	vst @!p1 v2;
	v2 =	vimm.f32 @!p2 $0.0e+00  }
0x115: {  	[tilespmem:s22+$0x480] =	vst @!p2 v2  }
.LBB2_10:
0x116: {  	p0 =	seq.s32 s15, s16  }
0x117: {  	p1 =	seq.s32 @!p0 s13, s16  }
0x118: {  	p0 =	por p0, p1  }
0x119: {  	p1 =	seq.s32 @!p0 s12, s16  }
0x11a: {  	p0 =	por p0, p1  }
0x11b: {  	p1 =	seq.s32 @!p0 s11, s16  }
0x11c: {  	p0 =	por p0, p1  }
.Ltmp7:
0x11d: {  	_ = 	snop;
	(pc) =	sbr.rel @p0 .LBB2_12-.Ltmp7, $1  }
0x11e: {  	_ =	sdelay $0x3  }
0x11f: {  	p0 =	seq.s32 s10, s16  }
0x120: {  	s0 =	sand.u32 @!p0 $0xF, s20;
	p1 =	sne.s32 @!p0 s18, s16  }
0x121: {  	v3 =	vlaneseq.u32 @!p0;
	p2 =	sne.s32 @!p0 s17, s16;
	v2 =	vmov @!p0 s0;
	p1 =	por p1, p0  }
0x122: {  	p2 =	por p2, p0;
	v2 =	vsub.s32 @!p0 v3, v2;
	s0 =	sand.u32 @!p1 $0xF, s19  }
0x123: {  	v5 =	vlaneseq.u32 @!p1;
	v6 =	vlaneseq.u32 @!p2;
	v4 =	vmov @!p1 s0;
	s0 =	sand.u32 @!p2 $0xF, s14  }
0x124: {  	v3 =	vsub.s32 @!p0 $0x0, v2;
	v4 =	vsub.s32 @!p1 v5, v4;
	v5 =	vmov @!p2 s0  }
0x125: {  	v2 =	vmin.u32 @!p0 v2, v3;
	v3 =	vsub.s32 @!p2 v6, v5;
	v5 =	vsub.s32 @!p1 $0x0, v4  }
0x126: {  	v2 =	vsub.s32 @!p0 $0x1, v2;
	v4 =	vmin.u32 @!p1 v4, v5;
	v5 =	vsub.s32 @!p2 $0x0, v3  }
0x127: {  	vm0 =	vgt.s32 @!p0 v2, $0x0;
	v3 =	vmin.u32 @!p2 v3, v5;
	v4 =	vsub.s32 @!p1 $0x1, v4  }
0x128: {  	v2 =	vnsel @!p0 vm0, $0x0, v2;
	vm0 =	vgt.s32 @!p1 v4, $0x0;
	v3 =	vsub.s32 @!p2 $0x1, v3  }
0x129: {  	s0 =	sshll.u32 @!p0 s20, $0x3;
	v2 =	vcvt.s32.f32 @!p0 v2;
	v4 =	vnsel @!p1 vm0, $0x0, v4;
	vm0 =	vgt.s32 @!p2 v3, $0x0  }
0x12a: {  	s1 =	sand.u32 @!p0 $0x70, s20;
	s0 =	sand.u32 @!p0 $0x7FFFFC00, s0;
	v3 =	vnsel @!p2 vm0, $0x0, v3;
	v4 =	vcvt.s32.f32 @!p1 v4  }
0x12b: {  	s8 =	sand.u32 @!p1 $0x70, s19;
	s0 =	sadd.s32 @!p0 s5, s0;
	[tilespmem:s1+$0x380] =	vst @!p0 v2;
	v2 =	vcvt.s32.f32 @!p2 v3  }
0x12c: {  	s20 =	sand.u32 @!p2 $0x70, s14;
	s0 =	sshrl.u32 @!p0 s0, $0x3;
	[tilespmem:s8+$0x400] =	vst @!p1 v4  }
0x12d: {  	s21 =	simm.s32 @!p0 $0x0;
	s22 =	simm.s32 @!p0 $0x100;
	s0 =	sadd.s32 @!p0 s2, s0;
	[tilespmem:s20+$0x480] =	vst @!p2 v2  }
0x12e: {  	[hbm4b:s0+s21] =	stream.linear.scatter @!p0 [tilespmem:s22], [sflag:$0x1], $0x400, $0x38;
	[tilespmem:$0x500] =	vst v63  }
0x12f: {  	s0 =	simm.s32 @!p0 $0x1  }
0x130: {  	_ =	swait.ge @!p0 [sflag:s0], $0x400  }
0x131: {  	[sflag:s0] =	ssyncset.done @!p0 $0x0  }
0x132: {  	v2 =	vimm.f32 @!p0 $0.0e+00;
	[sflag:s0] =	ssyncadd.s32 @!p0 $0xFFFFFC00  }
0x133: {  	[tilespmem:s1+$0x380] =	vst @!p0 v2;
	v2 =	vimm.f32 @!p1 $0.0e+00  }
0x134: {  	[tilespmem:s8+$0x400] =	vst @!p1 v2;
	v2 =	vimm.f32 @!p2 $0.0e+00  }
0x135: {  	[tilespmem:s20+$0x480] =	vst @!p2 v2  }
.LBB2_12:
0x136: {  	p0 =	seq.s32 s16, s18  }
0x137: {  	p1 =	seq.s32 @!p0 s15, s18  }
0x138: {  	p0 =	por p0, p1  }
0x139: {  	p1 =	seq.s32 @!p0 s13, s18  }
0x13a: {  	p0 =	por p0, p1  }
0x13b: {  	p1 =	seq.s32 @!p0 s12, s18  }
0x13c: {  	p0 =	por p0, p1  }
.Ltmp8:
0x13d: {  	_ = 	snop;
	(pc) =	sbr.rel @p0 .LBB2_14-.Ltmp8, $1  }
0x13e: {  	_ =	sdelay $0x3  }
0x13f: {  	p1 =	seq.s32 s11, s18  }
0x140: {  	p2 =	seq.s32 @!p1 s10, s18  }
0x141: {  	p0 =	por p2, p1  }
0x142: {  	p3 =	sne.s32 @!p0 s17, s18  }
0x143: {  	p2 =	por @!p1 p3, p2  }
0x144: {  	s0 =	sand.u32 @!p0 $0xF, s19;
	p1 =	por p2, p1  }
0x145: {  	v3 =	vlaneseq.u32 @!p0;
	v2 =	vmov @!p0 s0;
	s0 =	sand.u32 @!p1 $0xF, s14  }
0x146: {  	v2 =	vsub.s32 @!p0 v3, v2;
	v4 =	vlaneseq.u32 @!p1;
	v3 =	vmov @!p1 s0  }
0x147: {  	v3 =	vsub.s32 @!p1 v4, v3;
	v4 =	vsub.s32 @!p0 $0x0, v2  }
0x148: {  	v2 =	vmin.u32 @!p0 v2, v4;
	v4 =	vsub.s32 @!p1 $0x0, v3  }
0x149: {  	v3 =	vmin.u32 @!p1 v3, v4;
	v2 =	vsub.s32 @!p0 $0x1, v2  }
0x14a: {  	vm0 =	vgt.s32 @!p0 v2, $0x0;
	v3 =	vsub.s32 @!p1 $0x1, v3  }
0x14b: {  	s0 =	sshll.u32 @!p0 s19, $0x3;
	v2 =	vnsel @!p0 vm0, $0x0, v2;
	vm0 =	vgt.s32 @!p1 v3, $0x0  }
0x14c: {  	s0 =	sand.u32 @!p0 $0x7FFFFC00, s0;
	v3 =	vnsel @!p1 vm0, $0x0, v3;
	v2 =	vcvt.s32.f32 @!p0 v2  }
0x14d: {  	s1 =	sand.u32 @!p0 $0x70, s19;
	s0 =	sadd.s32 @!p0 s5, s0;
	v3 =	vcvt.s32.f32 @!p1 v3  }
0x14e: {  	s8 =	sand.u32 @!p1 $0x70, s14;
	s0 =	sshrl.u32 @!p0 s0, $0x3;
	[tilespmem:s1+$0x400] =	vst @!p0 v2  }
0x14f: {  	s20 =	simm.s32 @!p0 $0x100;
	s19 =	simm.s32 @!p0 $0x0;
	s0 =	sadd.s32 @!p0 s2, s0;
	[tilespmem:s8+$0x480] =	vst @!p1 v3  }
0x150: {  	[hbm4b:s0+s19] =	stream.linear.scatter @!p0 [tilespmem:s20], [sflag:$0x1], $0x400, $0x38;
	[tilespmem:$0x500] =	vst v63  }
0x151: {  	s0 =	simm.s32 @!p0 $0x1  }
0x152: {  	_ =	swait.ge @!p0 [sflag:s0], $0x400  }
0x153: {  	[sflag:s0] =	ssyncset.done @!p0 $0x0  }
0x154: {  	v2 =	vimm.f32 @!p0 $0.0e+00;
	[sflag:s0] =	ssyncadd.s32 @!p0 $0xFFFFFC00  }
0x155: {  	[tilespmem:s1+$0x400] =	vst @!p0 v2;
	v2 =	vimm.f32 @!p1 $0.0e+00  }
0x156: {  	[tilespmem:s8+$0x480] =	vst @!p1 v2  }
.LBB2_14:
0x157: {  	p0 =	seq.s32 s18, s17  }
0x158: {  	p1 =	seq.s32 @!p0 s16, s17  }
0x159: {  	p0 =	por p0, p1  }
0x15a: {  	p1 =	seq.s32 @!p0 s15, s17  }
0x15b: {  	p0 =	por p0, p1  }
0x15c: {  	p1 =	seq.s32 @!p0 s13, s17  }
0x15d: {  	p0 =	por p0, p1  }
.Ltmp9:
0x15e: {  	_ = 	snop;
	(pc) =	sbr.rel @p0 .LBB2_16-.Ltmp9, $1  }
0x15f: {  	_ =	sdelay $0x3  }
0x160: {  	p0 =	seq.s32 s12, s17  }
0x161: {  	p1 =	seq.s32 @!p0 s11, s17  }
0x162: {  	p2 =	por p1, p0  }
0x163: {  	p2 =	seq.s32 @!p2 s10, s17  }
0x164: {  	p1 =	por @!p0 p2, p1  }
0x165: {  	p0 =	por p1, p0  }
0x166: {  	s0 =	sand.u32 @!p0 $0xF, s14  }
0x167: {  	v3 =	vlaneseq.u32 @!p0;
	v2 =	vmov @!p0 s0  }
0x168: {  	v2 =	vsub.s32 @!p0 v3, v2  }
0x169: {  	v3 =	vsub.s32 @!p0 $0x0, v2  }
0x16a: {  	v2 =	vmin.u32 @!p0 v2, v3  }
0x16b: {  	v2 =	vsub.s32 @!p0 $0x1, v2  }
0x16c: {  	s0 =	sshll.u32 @!p0 s14, $0x3;
	vm0 =	vgt.s32 @!p0 v2, $0x0  }
0x16d: {  	s0 =	sand.u32 @!p0 $0x7FFFFC00, s0;
	v2 =	vnsel @!p0 vm0, $0x0, v2  }
0x16e: {  	s0 =	sadd.s32 @!p0 s5, s0;
	v2 =	vcvt.s32.f32 @!p0 v2  }
0x16f: {  	s1 =	sand.u32 @!p0 $0x70, s14;
	s0 =	sshrl.u32 @!p0 s0, $0x3  }
0x170: {  	s8 =	simm.s32 @!p0 $0x0;
	s10 =	simm.s32 @!p0 $0x100;
	s0 =	sadd.s32 @!p0 s2, s0;
	[tilespmem:s1+$0x480] =	vst @!p0 v2  }
0x171: {  	[hbm4b:s0+s8] =	stream.linear.scatter @!p0 [tilespmem:s10], [sflag:$0x1], $0x400, $0x38;
	[tilespmem:$0x500] =	vst v63  }
.Ltmp10:
0x172: {  	s0 =	simm.s32 @!p0 $0x1;
	(pc) =	sbr.rel .LBB2_16-.Ltmp10, $4  }
0x173: {  	_ =	swait.ge @!p0 [sflag:s0], $0x400  }
0x174: {  	[sflag:s0] =	ssyncset.done @!p0 $0x0  }
0x175: {  	v2 =	vimm.f32 @!p0 $0.0e+00;
	[sflag:s0] =	ssyncadd.s32 @!p0 $0xFFFFFC00  }
0x176: {  	[tilespmem:s1+$0x480] =	vst @!p0 v2  }
.LBB2_17:
0x177: {  	_ =	sfence.sel $0x180000  }
0x178: {  	[bflag:$0x0] =	sbarrier.arrive $0xFFFF  }
0x179: {  	_ =	strace $0x9000004A  }
0x17a: {  	s0 =	stileid.u32;
	[bflag:$0x2] =	sbarrier.arrive $0xFFFF  }
0x17b: {  	p0 =	sne.s32 s0, $0x0;
	s0 =	rddreg [dreg:$0x2]  }
0x17c: {  	s0 =	sadd.s32 @!p0 $0x100000, s0  }
0x17d: {  	[sflag:s0] =	ssyncadd.tile.s32 @!p0 $0x1;
	_ =	shalt  }
.Lfunc_end2:
_tile_overlayer_lowered:
.L_overlay_start_2:
0x17e: {  	(tag) =	ssettag $0x2  }
0x17f: {  	s0 =	rddreg [dreg:$0x0];
	s2 =	stileid.u32  }
0x180: {  	s1 =	rddreg [dreg:$0x1];
	p0 =	sne.s32 s2, $0x0  }
0x181: {  	s3 =	rddreg [dreg:$0x2];
	[bflag:$0x3] =	sbarrier.arrive $0xFFFF;
	s2 =	simm.s32 @!p0 $0x1C01  }
0x182: {  	[timem:s3], [sflag:s2] =	dma.local @!p0 [hbm:s0], s1  }
0x183: {  	s0 =	simm.s32 @!p0 $0x1  }
0x184: {  	_ =	swait.ge @!p0 [sflag:s0], s1  }
0x185: {  	s1 =	ssub.s32 @!p0 $0x0, s1;
	[sflag:s0] =	ssyncset.done @!p0 $0x0  }
0x186: {  	[sflag:s0] =	ssyncadd.s32 @!p0 s1  }
0x187: {  	[bflag:$0x3] =	sbarrier.arrive $0xFFFF  }
0x188: {  	_ =	shalt  }

</sc_bundles>
